<compile_context>
chip_gen: v7x
topology: tpu7x:2x2x1
jax: 0.10.2.dev20260603
libtpu: 0.0.44.dev20260713+nightly
codegen_flags: <defaults>
</compile_context>

<pallas_src>
import numpy as np
import jax
import jax.numpy as jnp
from jax import lax
from jax.experimental import pallas as pl
from jax.experimental.pallas import tpu as pltpu
from jax.experimental.pallas import tpu_sc as plsc

_N = 10000
_E = 320000
_F = 128
_K = 64
_CUTOFF = 10.0
_WIDTH = float((0.5 / ((1.0 - np.exp(-_CUTOFF)) / _K)) ** 2)

_NC = 2
_NS = 16
_NW = _NC * _NS
_EW = _E // _NW
_BC = 80
_NIT = _EW // _BC
_FP = _F + 16
_RN = _N // _NS

_HIGH = lax.Precision.HIGHEST


def _dot(a, b):
    return jax.lax.dot_general(a, b, (((1,), (0,)), ((), ())),
                               precision=_HIGH,
                               preferred_element_type=jnp.float32)


def _sc_d2_body(src_hbm, dst_hbm, px_hbm, py_hbm, pz_hbm, d2_hbm,
                px_v, py_v, pz_v, src_v, dst_v, d2_v):
    cid = lax.axis_index("c")
    sid = lax.axis_index("s")
    wid = sid * _NC + cid
    base = wid * _EW
    pltpu.sync_copy(px_hbm, px_v)
    pltpu.sync_copy(py_hbm, py_v)
    pltpu.sync_copy(pz_hbm, pz_v)
    pltpu.sync_copy(src_hbm.at[pl.ds(base, _EW)], src_v)
    pltpu.sync_copy(dst_hbm.at[pl.ds(base, _EW)], dst_v)

    @pl.loop(0, _EW // 16)
    def _edge16(i):
        o = i * 16
        s16 = src_v[pl.ds(o, 16)]
        d16 = dst_v[pl.ds(o, 16)]
        dx = plsc.load_gather(px_v, [s16]) - plsc.load_gather(px_v, [d16])
        dy = plsc.load_gather(py_v, [s16]) - plsc.load_gather(py_v, [d16])
        dz = plsc.load_gather(pz_v, [s16]) - plsc.load_gather(pz_v, [d16])
        d2_v[pl.ds(o, 16)] = dx * dx + dy * dy + dz * dz

    pltpu.sync_copy(d2_v, d2_hbm.at[pl.ds(base, _EW)])


def _sc_d2(src, dst, px, py, pz):
    mesh = plsc.VectorSubcoreMesh(core_axis_name="c", subcore_axis_name="s")
    return pl.kernel(
        _sc_d2_body,
        out_type=jax.ShapeDtypeStruct((_E,), jnp.float32),
        mesh=mesh,
        scratch_types=[
            pltpu.VMEM((_N,), jnp.float32),
            pltpu.VMEM((_N,), jnp.float32),
            pltpu.VMEM((_N,), jnp.float32),
            pltpu.VMEM((_EW,), jnp.int32),
            pltpu.VMEM((_EW,), jnp.int32),
            pltpu.VMEM((_EW,), jnp.float32),
        ],
        compiler_params=pltpu.CompilerParams(needs_layout_passes=False),
    )(src, dst, px, py, pz)


def _tc_hj_body(a_ref, w_ref, b_ref, o_ref):
    o_ref[...] = _dot(a_ref[...], w_ref[...]) + b_ref[...]


def _tc_hj(atom_embs, Wj, bj):
    bn = 2000
    return pl.pallas_call(
        _tc_hj_body,
        grid=(_N // bn,),
        in_specs=[
            pl.BlockSpec((bn, _F), lambda i: (i, 0)),
            pl.BlockSpec((_F, _F), lambda i: (0, 0)),
            pl.BlockSpec((1, _F), lambda i: (0, 0)),
        ],
        out_specs=pl.BlockSpec((bn, _F), lambda i: (i, 0)),
        out_shape=jax.ShapeDtypeStruct((_N, _F), jnp.float32),
    )(atom_embs, Wj, bj)


_RB = 20


def _tc_g_body(d2_ref, w_ref, g_ref):
    dt = d2_ref[0]
    eye = (lax.broadcasted_iota(jnp.int32, (128, 128), 0)
           == lax.broadcasted_iota(jnp.int32, (128, 128), 1)
           ).astype(jnp.float32)
    tp = jax.lax.dot_general(eye, dt, (((1,), (1,)), ((), ())),
                             precision=_HIGH,
                             preferred_element_type=jnp.float32)
    w = w_ref[...]
    ks = lax.broadcasted_iota(jnp.int32, (1, _K), 1).astype(jnp.float32)
    centers = 1.0 + ks * ((np.exp(-_CUTOFF) - 1.0) / (_K - 1))
    for s in range(_RB):
        d2c = tp[:, s:s + 1]
        dist = jnp.sqrt(d2c + 1e-12)
        x = dist * (1.0 / _CUTOFF)
        x3 = x * x * x
        x4 = x3 * x
        x5 = x4 * x
        cut = jnp.where(x < 1.0, 1.0 - 6.0 * x5 + 15.0 * x4 - 10.0 * x3, 0.0)
        ed = jnp.exp(-dist)
        t = ed - centers
        rbf = cut * jnp.exp(-_WIDTH * (t * t))
        g_ref[0, pl.ds(s * 128, 128), :] = jax.lax.dot_general(
            rbf, w, (((1,), (0,)), ((), ())),
            preferred_element_type=jnp.float32)


def _tc_g(d2_mat, Wk2f):
    nb = _E // (128 * _RB)
    out = pl.pallas_call(
        _tc_g_body,
        grid=(nb,),
        in_specs=[
            pl.BlockSpec((1, _RB, 128), lambda i: (i, 0, 0)),
            pl.BlockSpec((_K, _F), lambda i: (0, 0)),
        ],
        out_specs=pl.BlockSpec((1, 128 * _RB, _F), lambda i: (i, 0, 0)),
        out_shape=jax.ShapeDtypeStruct((nb, 128 * _RB, _F), jnp.float32),
    )(d2_mat, Wk2f)
    return out.reshape(_E, _F)


def _sc_scatter_body(src_hbm, dst_hbm, g_hbm, hj_hbm, sval_hbm, scnt_hbm,
                     src_v, dst_v, g_v, hj_v, prod_v, zero_v, s_sh,
                     sem, sem2, sem3, sem4):
    cid = lax.axis_index("c")
    sid = lax.axis_index("s")
    wid = sid * _NC + cid

    unit = (lax.iota(jnp.int32, 16) == 0).astype(jnp.float32)
    zeros = jnp.zeros((16,), jnp.float32)
    for r in range(_BC):
        prod_v[r, pl.ds(_F, 16)] = unit
    for r in range(25):
        for c in range(_FP // 16):
            zero_v[r, pl.ds(c * 16, 16)] = zeros

    @pl.loop(0, _RN // 25)
    def _zero(k):
        pltpu.sync_copy(zero_v, s_sh.at[pl.ds(sid * _RN + k * 25, 25), :])

    plsc.subcore_barrier()

    @pl.loop(0, _NIT)
    def _chunk(it):
        base = wid * _EW + it * _BC
        d_s = pltpu.async_copy(src_hbm.at[pl.ds(base, _BC)], src_v, sem)
        d_d = pltpu.async_copy(dst_hbm.at[pl.ds(base, _BC)], dst_v, sem2)
        d_g = pltpu.async_copy(g_hbm.at[pl.ds(base, _BC), :], g_v, sem3)
        d_s.wait()
        d_h = pltpu.async_copy(hj_hbm.at[src_v], hj_v, sem4)
        d_d.wait()
        d_g.wait()
        d_h.wait()

        @pl.loop(0, _BC, unroll=2)
        def _row(r):
            for c in range(_F // 16):
                sl = pl.ds(c * 16, 16)
                prod_v[r, sl] = g_v[r, sl] * hj_v[r, sl]

        pltpu.sync_copy(prod_v, s_sh.at[dst_v], add=True)

    plsc.subcore_barrier()
    rows = pl.ds(sid * _RN, _RN)
    pltpu.sync_copy(s_sh.at[rows, pl.ds(0, _F)], sval_hbm.at[cid, rows, :])
    pltpu.sync_copy(s_sh.at[rows, pl.ds(_F, 16)], scnt_hbm.at[cid, rows, :])


def _sc_scatter(src, dst, g, hj):
    mesh = plsc.VectorSubcoreMesh(core_axis_name="c", subcore_axis_name="s")
    return pl.kernel(
        _sc_scatter_body,
        out_type=[
            jax.ShapeDtypeStruct((_NC, _N, _F), jnp.float32),
            jax.ShapeDtypeStruct((_NC, _N, 16), jnp.float32),
        ],
        mesh=mesh,
        scratch_types=[
            pltpu.VMEM((_BC,), jnp.int32),
            pltpu.VMEM((_BC,), jnp.int32),
            pltpu.VMEM((_BC, _F), jnp.float32),
            pltpu.VMEM((_BC, _F), jnp.float32),
            pltpu.VMEM((_BC, _FP), jnp.float32),
            pltpu.VMEM((25, _FP), jnp.float32),
            pltpu.VMEM_SHARED((_N, _FP), jnp.float32),
            pltpu.SemaphoreType.DMA,
            pltpu.SemaphoreType.DMA,
            pltpu.SemaphoreType.DMA,
            pltpu.SemaphoreType.DMA,
        ],
        compiler_params=pltpu.CompilerParams(needs_layout_passes=False,
                                             use_tc_tiling_on_sc=False),
    )(src, dst, g, hj)


def _tc_fin_body(a_ref, s_ref, c_ref, wi_ref, bi_ref, u_ref,
                 w1_ref, w2_ref, wd_ref, dv_ref, o_ref):
    w1 = w1_ref[...]
    w2 = w2_ref[...]
    wd = wd_ref[...]
    eye = (lax.broadcasted_iota(jnp.int32, (_F, _F), 0)
           == lax.broadcasted_iota(jnp.int32, (_F, _F), 1)
           ).astype(jnp.float32)
    m = eye + _dot(w1, w2)
    p = _dot(_dot(m, wd), m)
    a = a_ref[...]
    ri = _dot(a, wi_ref[...]) + bi_ref[...]
    s = s_ref[0] + s_ref[1]
    cnt = jnp.sum(c_ref[0] + c_ref[1], axis=1, keepdims=True)
    base = _dot(u_ref[...] * ri, m) + _dot(ri, p) + dv_ref[...]
    o_ref[...] = cnt * base + _dot(s, p)


def _tc_fin(atom_embs, sval, scnt, Wi, bi, u, rW1, rW2, Wd, dvec):
    bn = 2000
    full = lambda i: (0, 0)
    return pl.pallas_call(
        _tc_fin_body,
        grid=(_N // bn,),
        in_specs=[
            pl.BlockSpec((bn, _F), lambda i: (i, 0)),
            pl.BlockSpec((_NC, bn, _F), lambda i: (0, i, 0)),
            pl.BlockSpec((_NC, bn, 16), lambda i: (0, i, 0)),
            pl.BlockSpec((_F, _F), full),
            pl.BlockSpec((1, _F), full),
            pl.BlockSpec((1, _F), full),
            pl.BlockSpec((_F, _F), full),
            pl.BlockSpec((_F, _F), full),
            pl.BlockSpec((_F, _F), full),
            pl.BlockSpec((1, _F), full),
        ],
        out_specs=pl.BlockSpec((bn, _F), lambda i: (i, 0)),
        out_shape=jax.ShapeDtypeStruct((_N, _F), jnp.float32),
    )(atom_embs, sval, scnt, Wi, bi, u, rW1, rW2, Wd, dvec)


def kernel(atom_embs, edge_indices, pos, Wi, bi, Wj, bj, Wk2f, Wd, bd, u,
           rW1, rb1, rW2, rb2):
    src = edge_indices[0]
    dst = edge_indices[1]
    d2 = _sc_d2(src, dst, pos[:, 0], pos[:, 1], pos[:, 2])
    hj = _tc_hj(atom_embs, Wj, bj.reshape(1, _F))
    g = _tc_g(d2.reshape(_E // (128 * _RB), _RB, 128), Wk2f)
    sval, scnt = _sc_scatter(src, dst, g, hj)
    mmat = jnp.eye(_F, dtype=jnp.float32) + rW1[0] @ rW2[0]
    cvec = rb1[0] @ rW2[0] + rb2[0]
    dvec = ((cvec @ Wd + bd) @ mmat + cvec).reshape(1, _F)
    out = _tc_fin(atom_embs, sval, scnt, Wi, bi.reshape(1, _F),
                  u.reshape(1, _F), rW1[0], rW2[0], Wd, dvec)
    return out

# --- scband reference (transcript-rebuilt; emitter-appended) ---
"""Pipeline reference for scband-phys-net-pretrain-4810363372626 (READ-ONLY COPY).

The authoritative reference and input builder live on the scoring server;
editing this copy changes nothing except your own understanding.
"""

import jax, jax.numpy as jnp
import numpy as np

N = 10000
E = 320000
F = 128
K = 64
L = 1
CUTOFF = 10.0


def setup_inputs(seed: int = 0):
    key = jax.random.key(seed)
    ks = jax.random.split(key, 16)
    s = 1.0 / np.sqrt(F)
    inp = {}
    inp['atom_embs'] = jax.random.normal(ks[0], (N, F), dtype=jnp.float32)
    inp['edge_indices'] = jax.random.randint(ks[1], (2, E), 0, N, dtype=jnp.int32)
    inp['pos'] = jax.random.normal(ks[2], (N, 3), dtype=jnp.float32)
    inp['Wi'] = jax.random.normal(ks[3], (F, F), dtype=jnp.float32) * s
    inp['bi'] = jnp.zeros((F,), jnp.float32)
    inp['Wj'] = jax.random.normal(ks[4], (F, F), dtype=jnp.float32) * s
    inp['bj'] = jnp.zeros((F,), jnp.float32)
    inp['Wk2f'] = jax.random.normal(ks[5], (K, F), dtype=jnp.float32) * (1.0 / np.sqrt(K))
    inp['Wd'] = jax.random.normal(ks[6], (F, F), dtype=jnp.float32) * s
    inp['bd'] = jnp.zeros((F,), jnp.float32)
    inp['u'] = jax.random.uniform(ks[7], (F,), dtype=jnp.float32)
    inp['rW1'] = jax.random.normal(ks[8], (L, F, F), dtype=jnp.float32) * s
    inp['rb1'] = jnp.zeros((L, F), jnp.float32)
    inp['rW2'] = jax.random.normal(ks[9], (L, F, F), dtype=jnp.float32) * s
    inp['rb2'] = jnp.zeros((L, F), jnp.float32)
    return inp


def reference(atom_embs, edge_indices, pos, Wi, bi, Wj, bj, Wk2f, Wd, bd, u, rW1, rb1, rW2, rb2):
    src = edge_indices[0]
    dst = edge_indices[1]
    # gather endpoint features (PyG convention: edge_index[0]=source j, edge_index[1]=target i)
    emb_i = jnp.take(atom_embs, dst, axis=0)
    emb_j = jnp.take(atom_embs, src, axis=0)
    pos_i = jnp.take(pos, dst, axis=0)
    pos_j = jnp.take(pos, src, axis=0)
    # dense_i / dense_j
    repr_i = emb_i @ Wi + bi
    diff = pos_j - pos_i
    dist = jnp.sqrt(jnp.sum(diff * diff, axis=-1) + 1e-12)
    D = dist[:, None]
    # ExponentialRBF: softplus(softplus_inverse(x)) == x, so centers/widths simplify exactly
    centers = jnp.asarray(np.linspace(1.0, np.exp(-CUTOFF), K), dtype=jnp.float32)
    width = jnp.float32((0.5 / ((1.0 - np.exp(-CUTOFF)) / K)) ** 2)
    x = D / CUTOFF
    x3 = x ** 3
    x4 = x3 * x
    x5 = x4 * x
    cut = jnp.where(x < 1.0, 1.0 - 6.0 * x5 + 15.0 * x4 - 10.0 * x3, jnp.zeros_like(x))
    rbf = cut * jnp.exp(-width * (jnp.exp(-D) - centers) ** 2)
    g = rbf @ Wk2f
    repr_j = g * (emb_j @ Wj + bj)
    m = repr_i + repr_j

    def res_stack(h):
        for l in range(L):
            y = h @ rW1[l] + rb1[l]
            h = h + (y @ rW2[l] + rb2[l])
        return h

    m = res_stack(m)
    new_i = u * repr_i + (m @ Wd + bd)
    new_i = res_stack(new_i)
    out = jax.ops.segment_sum(new_i, dst, num_segments=N)
    return out

if __name__ == "__main__":
    import jax
    _d = setup_inputs()
    print(jax.jit(kernel)(*tuple(_d.values())))

</pallas_src>

<mosaic_0001>
#map = affine_map<(d0, d1) -> (0)>
module attributes {stable_mosaic.version = 14 : i64} {
  func.func @_sc_d2_body(%arg0: i32, %arg1: i32, %arg2: memref<320000xi32, #tpu.memory_space<hbm>>, %arg3: memref<320000xi32, #tpu.memory_space<hbm>>, %arg4: memref<10000xf32, #tpu.memory_space<hbm>>, %arg5: memref<10000xf32, #tpu.memory_space<hbm>>, %arg6: memref<10000xf32, #tpu.memory_space<hbm>>, %arg7: memref<320000xf32, #tpu.memory_space<hbm>>, %arg8: memref<10000xf32, #tpu.memory_space<vmem>>, %arg9: memref<10000xf32, #tpu.memory_space<vmem>>, %arg10: memref<10000xf32, #tpu.memory_space<vmem>>, %arg11: memref<10000xi32, #tpu.memory_space<vmem>>, %arg12: memref<10000xi32, #tpu.memory_space<vmem>>, %arg13: memref<10000xf32, #tpu.memory_space<vmem>>) attributes {dimension_semantics = [#tpu.dimension_semantics<core_parallel>, #tpu.dimension_semantics<subcore_parallel>], iteration_bounds = array<i64: 2, 16>, scalar_prefetch = 0 : i64, scratch_operands = 6 : i64, tpu.core_type = #tpu.core_type<sc_vector_subcore>, window_params = [{transform_indices = #map}, {transform_indices = #map}, {transform_indices = #map}, {transform_indices = #map}, {transform_indices = #map}, {transform_indices = #map}]} {
    %mul3A = arith.constant 2 : i32
    %mul3A_0 = arith.muli %arg1, %mul3A : i32
    %add3A = arith.addi %mul3A_0, %arg0 : i32
    %mul3A_1 = arith.constant 10000 : i32
    %mul3A_2 = arith.muli %add3A, %mul3A_1 : i32
    "tpu.region"() ({
      %run_scoped3A = tpu.sem_alloc : memref<!tpu.dma_semaphore, #tpu.memory_space<semaphore_mem>>
      tpu.enqueue_dma source(%arg4 : memref<10000xf32, #tpu.memory_space<hbm>>) target(%arg8 : memref<10000xf32, #tpu.memory_space<vmem>>) target_semaphore(%run_scoped3A : memref<!tpu.dma_semaphore, #tpu.memory_space<semaphore_mem>>)
      tpu.wait_dma2 semaphore(%run_scoped3A : memref<!tpu.dma_semaphore, #tpu.memory_space<semaphore_mem>>) src(%arg4 : memref<10000xf32, #tpu.memory_space<hbm>>) dst(%arg8 : memref<10000xf32, #tpu.memory_space<vmem>>)
      tpu.yield
    }) : () -> ()
    "tpu.region"() ({
      %run_scoped3A = tpu.sem_alloc : memref<!tpu.dma_semaphore, #tpu.memory_space<semaphore_mem>>
      tpu.enqueue_dma source(%arg5 : memref<10000xf32, #tpu.memory_space<hbm>>) target(%arg9 : memref<10000xf32, #tpu.memory_space<vmem>>) target_semaphore(%run_scoped3A : memref<!tpu.dma_semaphore, #tpu.memory_space<semaphore_mem>>)
      tpu.wait_dma2 semaphore(%run_scoped3A : memref<!tpu.dma_semaphore, #tpu.memory_space<semaphore_mem>>) src(%arg5 : memref<10000xf32, #tpu.memory_space<hbm>>) dst(%arg9 : memref<10000xf32, #tpu.memory_space<vmem>>)
      tpu.yield
    }) : () -> ()
    "tpu.region"() ({
      %run_scoped3A = tpu.sem_alloc : memref<!tpu.dma_semaphore, #tpu.memory_space<semaphore_mem>>
      tpu.enqueue_dma source(%arg6 : memref<10000xf32, #tpu.memory_space<hbm>>) target(%arg10 : memref<10000xf32, #tpu.memory_space<vmem>>) target_semaphore(%run_scoped3A : memref<!tpu.dma_semaphore, #tpu.memory_space<semaphore_mem>>)
      tpu.wait_dma2 semaphore(%run_scoped3A : memref<!tpu.dma_semaphore, #tpu.memory_space<semaphore_mem>>) src(%arg6 : memref<10000xf32, #tpu.memory_space<hbm>>) dst(%arg10 : memref<10000xf32, #tpu.memory_space<vmem>>)
      tpu.yield
    }) : () -> ()
    "tpu.region"() ({
      %run_scoped3A = tpu.sem_alloc : memref<!tpu.dma_semaphore, #tpu.memory_space<semaphore_mem>>
      %dma_start3A = tpu.memref_slice %arg2[%mul3A_2] : memref<320000xi32, #tpu.memory_space<hbm>> -> memref<10000xi32, #tpu.memory_space<hbm>>
      %dma_start3A_7 = tpu.memref_slice %arg2[%mul3A_2] : memref<320000xi32, #tpu.memory_space<hbm>> -> memref<10000xi32, #tpu.memory_space<hbm>>
      tpu.enqueue_dma source(%dma_start3A_7 : memref<10000xi32, #tpu.memory_space<hbm>>) target(%arg11 : memref<10000xi32, #tpu.memory_space<vmem>>) target_semaphore(%run_scoped3A : memref<!tpu.dma_semaphore, #tpu.memory_space<semaphore_mem>>)
      %dma_wait3A = tpu.memref_slice %arg2[%mul3A_2] : memref<320000xi32, #tpu.memory_space<hbm>> -> memref<10000xi32, #tpu.memory_space<hbm>>
      %dma_wait3A_8 = tpu.memref_slice %arg2[%mul3A_2] : memref<320000xi32, #tpu.memory_space<hbm>> -> memref<10000xi32, #tpu.memory_space<hbm>>
      tpu.wait_dma2 semaphore(%run_scoped3A : memref<!tpu.dma_semaphore, #tpu.memory_space<semaphore_mem>>) src(%dma_wait3A_8 : memref<10000xi32, #tpu.memory_space<hbm>>) dst(%arg11 : memref<10000xi32, #tpu.memory_space<vmem>>)
      tpu.yield
    }) : () -> ()
    "tpu.region"() ({
      %run_scoped3A = tpu.sem_alloc : memref<!tpu.dma_semaphore, #tpu.memory_space<semaphore_mem>>
      %dma_start3A = tpu.memref_slice %arg3[%mul3A_2] : memref<320000xi32, #tpu.memory_space<hbm>> -> memref<10000xi32, #tpu.memory_space<hbm>>
      %dma_start3A_7 = tpu.memref_slice %arg3[%mul3A_2] : memref<320000xi32, #tpu.memory_space<hbm>> -> memref<10000xi32, #tpu.memory_space<hbm>>
      tpu.enqueue_dma source(%dma_start3A_7 : memref<10000xi32, #tpu.memory_space<hbm>>) target(%arg12 : memref<10000xi32, #tpu.memory_space<vmem>>) target_semaphore(%run_scoped3A : memref<!tpu.dma_semaphore, #tpu.memory_space<semaphore_mem>>)
      %dma_wait3A = tpu.memref_slice %arg3[%mul3A_2] : memref<320000xi32, #tpu.memory_space<hbm>> -> memref<10000xi32, #tpu.memory_space<hbm>>
      %dma_wait3A_8 = tpu.memref_slice %arg3[%mul3A_2] : memref<320000xi32, #tpu.memory_space<hbm>> -> memref<10000xi32, #tpu.memory_space<hbm>>
      tpu.wait_dma2 semaphore(%run_scoped3A : memref<!tpu.dma_semaphore, #tpu.memory_space<semaphore_mem>>) src(%dma_wait3A_8 : memref<10000xi32, #tpu.memory_space<hbm>>) dst(%arg12 : memref<10000xi32, #tpu.memory_space<vmem>>)
      tpu.yield
    }) : () -> ()
    %scan3A = arith.constant 0 : i32
    %scan3A_3 = arith.constant 625 : i32
    %scan3A_4 = arith.addi %scan3A, %scan3A_3 : i32
    %scan3A_5 = arith.constant 1 : i32
    scf.for %scan3A_7 = %scan3A to %scan3A_4 step %scan3A_5  : i32 {
      %mul3A_8 = arith.constant 1 : i32
      %mul3A_9 = arith.muli %scan3A_7, %mul3A_8 : i32
      %add3A_10 = arith.constant 0 : i32
      %add3A_11 = arith.addi %add3A_10, %mul3A_9 : i32
      %mul3A_12 = arith.constant 16 : i32
      %mul3A_13 = arith.muli %add3A_11, %mul3A_12 : i32
      %get3A = arith.index_cast %mul3A_13 : i32 to index
      %get3A_14 = tpu.vector_load %arg11[%get3A] {strides = array<i32>} : memref<10000xi32, #tpu.memory_space<vmem>>, vector<16xi32>,
      %get3A_15 = arith.index_cast %mul3A_13 : i32 to index
      %get3A_16 = tpu.vector_load %arg12[%get3A_15] {strides = array<i32>} : memref<10000xi32, #tpu.memory_space<vmem>>, vector<16xi32>,
      %gather3A = tpu.vector_load_idx %arg8[%get3A_14] : memref<10000xf32, #tpu.memory_space<vmem>>[vector<16xi32>], vector<16xf32>,
      %gather3A_17 = tpu.vector_load_idx %arg8[%get3A_16] : memref<10000xf32, #tpu.memory_space<vmem>>[vector<16xi32>], vector<16xf32>,
      %sub3A = arith.subf %gather3A, %gather3A_17 : vector<16xf32>
      %gather3A_18 = tpu.vector_load_idx %arg9[%get3A_14] : memref<10000xf32, #tpu.memory_space<vmem>>[vector<16xi32>], vector<16xf32>,
      %gather3A_19 = tpu.vector_load_idx %arg9[%get3A_16] : memref<10000xf32, #tpu.memory_space<vmem>>[vector<16xi32>], vector<16xf32>,
      %sub3A_20 = arith.subf %gather3A_18, %gather3A_19 : vector<16xf32>
      %gather3A_21 = tpu.vector_load_idx %arg10[%get3A_14] : memref<10000xf32, #tpu.memory_space<vmem>>[vector<16xi32>], vector<16xf32>,
      %gather3A_22 = tpu.vector_load_idx %arg10[%get3A_16] : memref<10000xf32, #tpu.memory_space<vmem>>[vector<16xi32>], vector<16xf32>,
      %sub3A_23 = arith.subf %gather3A_21, %gather3A_22 : vector<16xf32>
      %mul3A_24 = arith.mulf %sub3A, %sub3A : vector<16xf32>
      %mul3A_25 = arith.mulf %sub3A_20, %sub3A_20 : vector<16xf32>
      %add3A_26 = arith.addf %mul3A_24, %mul3A_25 : vector<16xf32>
      %mul3A_27 = arith.mulf %sub3A_23, %sub3A_23 : vector<16xf32>
      %add3A_28 = arith.addf %add3A_26, %mul3A_27 : vector<16xf32>
      %swap3A = arith.index_cast %mul3A_13 : i32 to index
      %swap3A_29 = tpu.vector_load %arg13[%swap3A] {strides = array<i32>} : memref<10000xf32, #tpu.memory_space<vmem>>, vector<16xf32>,
      tpu.vector_store %arg13[%swap3A], %add3A_28 {strides = array<i32>} : memref<10000xf32, #tpu.memory_space<vmem>>, vector<16xf32>,
    }
    %scan3A_6 = arith.constant 625 : i32
    "tpu.region"() ({
      %run_scoped3A = tpu.sem_alloc : memref<!tpu.dma_semaphore, #tpu.memory_space<semaphore_mem>>
      %dma_start3A = tpu.memref_slice %arg7[%mul3A_2] : memref<320000xf32, #tpu.memory_space<hbm>> -> memref<10000xf32, #tpu.memory_space<hbm>>
      %dma_start3A_7 = tpu.memref_slice %arg7[%mul3A_2] : memref<320000xf32, #tpu.memory_space<hbm>> -> memref<10000xf32, #tpu.memory_space<hbm>>
      tpu.enqueue_dma source(%arg13 : memref<10000xf32, #tpu.memory_space<vmem>>) target(%dma_start3A_7 : memref<10000xf32, #tpu.memory_space<hbm>>) target_semaphore(%run_scoped3A : memref<!tpu.dma_semaphore, #tpu.memory_space<semaphore_mem>>)
      %dma_wait3A = tpu.memref_slice %arg7[%mul3A_2] : memref<320000xf32, #tpu.memory_space<hbm>> -> memref<10000xf32, #tpu.memory_space<hbm>>
      %dma_wait3A_8 = tpu.memref_slice %arg7[%mul3A_2] : memref<320000xf32, #tpu.memory_space<hbm>> -> memref<10000xf32, #tpu.memory_space<hbm>>
      tpu.wait_dma2 semaphore(%run_scoped3A : memref<!tpu.dma_semaphore, #tpu.memory_space<semaphore_mem>>) src(%arg13 : memref<10000xf32, #tpu.memory_space<vmem>>) dst(%dma_wait3A_8 : memref<10000xf32, #tpu.memory_space<hbm>>)
      tpu.yield
    }) : () -> ()
    return
  }
}

#map = affine_map<(d0, d1) -> (0)>
#map1 = affine_map<(d0, d1) -> (0, 0)>
#map2 = affine_map<(d0, d1) -> (0, 0, 0)>
module attributes {stable_mosaic.version = 14 : i64} {
  func.func @_sc_scatter_body(%arg0: i32, %arg1: i32, %arg2: memref<320000xi32, #tpu.memory_space<hbm>>, %arg3: memref<320000xi32, #tpu.memory_space<hbm>>, %arg4: memref<320000x128xf32, #tpu.memory_space<hbm>>, %arg5: memref<10000x128xf32, #tpu.memory_space<hbm>>, %arg6: memref<2x10000x128xf32, #tpu.memory_space<hbm>>, %arg7: memref<2x10000x16xf32, #tpu.memory_space<hbm>>, %arg8: memref<80xi32, #tpu.memory_space<vmem>>, %arg9: memref<80xi32, #tpu.memory_space<vmem>>, %arg10: memref<80x128xf32, #tpu.memory_space<vmem>>, %arg11: memref<80x128xf32, #tpu.memory_space<vmem>>, %arg12: memref<80x144xf32, #tpu.memory_space<vmem>>, %arg13: memref<25x144xf32, #tpu.memory_space<vmem>>, %arg14: memref<10000x144xf32, #tpu.memory_space<vmem_shared>>, %arg15: memref<!tpu.dma_semaphore, #tpu.memory_space<semaphore_mem>>, %arg16: memref<!tpu.dma_semaphore, #tpu.memory_space<semaphore_mem>>, %arg17: memref<!tpu.dma_semaphore, #tpu.memory_space<semaphore_mem>>, %arg18: memref<!tpu.dma_semaphore, #tpu.memory_space<semaphore_mem>>) attributes {dimension_semantics = [#tpu.dimension_semantics<core_parallel>, #tpu.dimension_semantics<subcore_parallel>], iteration_bounds = array<i64: 2, 16>, scalar_prefetch = 0 : i64, scratch_operands = 11 : i64, tpu.core_type = #tpu.core_type<sc_vector_subcore>, window_params = [{transform_indices = #map}, {transform_indices = #map}, {transform_indices = #map1}, {transform_indices = #map1}, {transform_indices = #map2}, {transform_indices = #map2}]} {
    %mul3A = arith.constant 2 : i32
    %mul3A_0 = arith.muli %arg1, %mul3A : i32
    %add3A = arith.addi %mul3A_0, %arg0 : i32
    %iota3A = tpu.iota {dimensions = array<i32: 0>} : vector<16xi32>
    %eq3A = arith.constant 0 : i32
    %eq3A_1 = vector.broadcast %eq3A : i32 to vector<16xi32>
    %eq3A_2 = arith.cmpi eq, %iota3A, %eq3A_1 : vector<16xi32>
    %convert_element_type3A = arith.extui %eq3A_2 : vector<16xi1> to vector<16xi32>
    %convert_element_type3A_3 = arith.sitofp %convert_element_type3A : vector<16xi32> to vector<16xf32>
    %broadcast_in_dim3A = arith.constant 0.000000e+00 : f32
    %broadcast_in_dim3A_4 = vector.broadcast %broadcast_in_dim3A : f32 to vector<16xf32>
    %swap3A = arith.constant 0 : i32
    %swap3A_5 = arith.index_cast %swap3A : i32 to index
    %swap3A_6 = arith.constant 128 : index
    %swap3A_7 = tpu.vector_load %arg12[%swap3A_5, %swap3A_6] {strides = array<i32>} : memref<80x144xf32, #tpu.memory_space<vmem>>, vector<16xf32>,
    tpu.vector_store %arg12[%swap3A_5, %swap3A_6], %convert_element_type3A_3 {strides = array<i32>} : memref<80x144xf32, #tpu.memory_space<vmem>>, vector<16xf32>,
    %swap3A_8 = arith.constant 1 : i32
    %swap3A_9 = arith.index_cast %swap3A_8 : i32 to index
    %swap3A_10 = arith.constant 128 : index
    %swap3A_11 = tpu.vector_load %arg12[%swap3A_9, %swap3A_10] {strides = array<i32>} : memref<80x144xf32, #tpu.memory_space<vmem>>, vector<16xf32>,
    tpu.vector_store %arg12[%swap3A_9, %swap3A_10], %convert_element_type3A_3 {strides = array<i32>} : memref<80x144xf32, #tpu.memory_space<vmem>>, vector<16xf32>,
    %swap3A_12 = arith.constant 2 : i32
    %swap3A_13 = arith.index_cast %swap3A_12 : i32 to index
    %swap3A_14 = arith.constant 128 : index
    %swap3A_15 = tpu.vector_load %arg12[%swap3A_13, %swap3A_14] {strides = array<i32>} : memref<80x144xf32, #tpu.memory_space<vmem>>, vector<16xf32>,
    tpu.vector_store %arg12[%swap3A_13, %swap3A_14], %convert_element_type3A_3 {strides = array<i32>} : memref<80x144xf32, #tpu.memory_space<vmem>>, vector<16xf32>,
    %swap3A_16 = arith.constant 3 : i32
    %swap3A_17 = arith.index_cast %swap3A_16 : i32 to index
    %swap3A_18 = arith.constant 128 : index
    %swap3A_19 = tpu.vector_load %arg12[%swap3A_17, %swap3A_18] {strides = array<i32>} : memref<80x144xf32, #tpu.memory_space<vmem>>, vector<16xf32>,
    tpu.vector_store %arg12[%swap3A_17, %swap3A_18], %convert_element_type3A_3 {strides = array<i32>} : memref<80x144xf32, #tpu.memory_space<vmem>>, vector<16xf32>,
    %swap3A_20 = arith.constant 4 : i32
    %swap3A_21 = arith.index_cast %swap3A_20 : i32 to index
    %swap3A_22 = arith.constant 128 : index
    %swap3A_23 = tpu.vector_load %arg12[%swap3A_21, %swap3A_22] {strides = array<i32>} : memref<80x144xf32, #tpu.memory_space<vmem>>, vector<16xf32>,
    tpu.vector_store %arg12[%swap3A_21, %swap3A_22], %convert_element_type3A_3 {strides = array<i32>} : memref<80x144xf32, #tpu.memory_space<vmem>>, vector<16xf32>,
    %swap3A_24 = arith.constant 5 : i32
    %swap3A_25 = arith.index_cast %swap3A_24 : i32 to index
    %swap3A_26 = arith.constant 128 : index
    %swap3A_27 = tpu.vector_load %arg12[%swap3A_25, %swap3A_26] {strides = array<i32>} : memref<80x144xf32, #tpu.memory_space<vmem>>, vector<16xf32>,
    tpu.vector_store %arg12[%swap3A_25, %swap3A_26], %convert_element_type3A_3 {strides = array<i32>} : memref<80x144xf32, #tpu.memory_space<vmem>>, vector<16xf32>,
    %swap3A_28 = arith.constant 6 : i32
    %swap3A_29 = arith.index_cast %swap3A_28 : i32 to index
    %swap3A_30 = arith.constant 128 : index
    %swap3A_31 = tpu.vector_load %arg12[%swap3A_29, %swap3A_30] {strides = array<i32>} : memref<80x144xf32, #tpu.memory_space<vmem>>, vector<16xf32>,
    tpu.vector_store %arg12[%swap3A_29, %swap3A_30], %convert_element_type3A_3 {strides = array<i32>} : memref<80x144xf32, #tpu.memory_space<vmem>>, vector<16xf32>,
    %swap3A_32 = arith.constant 7 : i32
    %swap3A_33 = arith.index_cast %swap3A_32 : i32 to index
    %swap3A_34 = arith.constant 128 : index
    %swap3A_35 = tpu.vector_load %arg12[%swap3A_33, %swap3A_34] {strides = array<i32>} : memref<80x144xf32, #tpu.memory_space<vmem>>, vector<16xf32>,
    tpu.vector_store %arg12[%swap3A_33, %swap3A_34], %convert_element_type3A_3 {strides = array<i32>} : memref<80x144xf32, #tpu.memory_space<vmem>>, vector<16xf32>,
    %swap3A_36 = arith.constant 8 : i32
    %swap3A_37 = arith.index_cast %swap3A_36 : i32 to index
    %swap3A_38 = arith.constant 128 : index
    %swap3A_39 = tpu.vector_load %arg12[%swap3A_37, %swap3A_38] {strides = array<i32>} : memref<80x144xf32, #tpu.memory_space<vmem>>, vector<16xf32>,
    tpu.vector_store %arg12[%swap3A_37, %swap3A_38], %convert_element_type3A_3 {strides = array<i32>} : memref<80x144xf32, #tpu.memory_space<vmem>>, vector<16xf32>,
    %swap3A_40 = arith.constant 9 : i32
    %swap3A_41 = arith.index_cast %swap3A_40 : i32 to index
    %swap3A_42 = arith.constant 128 : index
    %swap3A_43 = tpu.vector_load %arg12[%swap3A_41, %swap3A_42] {strides = array<i32>} : memref<80x144xf32, #tpu.memory_space<vmem>>, vector<16xf32>,
    tpu.vector_store %arg12[%swap3A_41, %swap3A_42], %convert_element_type3A_3 {strides = array<i32>} : memref<80x144xf32, #tpu.memory_space<vmem>>, vector<16xf32>,
    %swap3A_44 = arith.constant 10 : i32
    %swap3A_45 = arith.index_cast %swap3A_44 : i32 to index
    %swap3A_46 = arith.constant 128 : index
    %swap3A_47 = tpu.vector_load %arg12[%swap3A_45, %swap3A_46] {strides = array<i32>} : memref<80x144xf32, #tpu.memory_space<vmem>>, vector<16xf32>,
    tpu.vector_store %arg12[%swap3A_45, %swap3A_46], %convert_element_type3A_3 {strides = array<i32>} : memref<80x144xf32, #tpu.memory_space<vmem>>, vector<16xf32>,
    %swap3A_48 = arith.constant 11 : i32
    %swap3A_49 = arith.index_cast %swap3A_48 : i32 to index
    %swap3A_50 = arith.constant 128 : index
    %swap3A_51 = tpu.vector_load %arg12[%swap3A_49, %swap3A_50] {strides = array<i32>} : memref<80x144xf32, #tpu.memory_space<vmem>>, vector<16xf32>,
    tpu.vector_store %arg12[%swap3A_49, %swap3A_50], %convert_element_type3A_3 {strides = array<i32>} : memref<80x144xf32, #tpu.memory_space<vmem>>, vector<16xf32>,
    %swap3A_52 = arith.constant 12 : i32
    %swap3A_53 = arith.index_cast %swap3A_52 : i32 to index
    %swap3A_54 = arith.constant 128 : index
    %swap3A_55 = tpu.vector_load %arg12[%swap3A_53, %swap3A_54] {strides = array<i32>} : memref<80x144xf32, #tpu.memory_space<vmem>>, vector<16xf32>,
    tpu.vector_store %arg12[%swap3A_53, %swap3A_54], %convert_element_type3A_3 {strides = array<i32>} : memref<80x144xf32, #tpu.memory_space<vmem>>, vector<16xf32>,
    %swap3A_56 = arith.constant 13 : i32
    %swap3A_57 = arith.index_cast %swap3A_56 : i32 to index
    %swap3A_58 = arith.constant 128 : index
    %swap3A_59 = tpu.vector_load %arg12[%swap3A_57, %swap3A_58] {strides = array<i32>} : memref<80x144xf32, #tpu.memory_space<vmem>>, vector<16xf32>,
    tpu.vector_store %arg12[%swap3A_57, %swap3A_58], %convert_element_type3A_3 {strides = array<i32>} : memref<80x144xf32, #tpu.memory_space<vmem>>, vector<16xf32>,
    %swap3A_60 = arith.constant 14 : i32
    %swap3A_61 = arith.index_cast %swap3A_60 : i32 to index
    %swap3A_62 = arith.constant 128 : index
    %swap3A_63 = tpu.vector_load %arg12[%swap3A_61, %swap3A_62] {strides = array<i32>} : memref<80x144xf32, #tpu.memory_space<vmem>>, vector<16xf32>,
    tpu.vector_store %arg12[%swap3A_61, %swap3A_62], %convert_element_type3A_3 {strides = array<i32>} : memref<80x144xf32, #tpu.memory_space<vmem>>, vector<16xf32>,
    %swap3A_64 = arith.constant 15 : i32
    %swap3A_65 = arith.index_cast %swap3A_64 : i32 to index
    %swap3A_66 = arith.constant 128 : index
    %swap3A_67 = tpu.vector_load %arg12[%swap3A_65, %swap3A_66] {strides = array<i32>} : memref<80x144xf32, #tpu.memory_space<vmem>>, vector<16xf32>,
    tpu.vector_store %arg12[%swap3A_65, %swap3A_66], %convert_element_type3A_3 {strides = array<i32>} : memref<80x144xf32, #tpu.memory_space<vmem>>, vector<16xf32>,
    %swap3A_68 = arith.constant 16 : i32
    %swap3A_69 = arith.index_cast %swap3A_68 : i32 to index
    %swap3A_70 = arith.constant 128 : index
    %swap3A_71 = tpu.vector_load %arg12[%swap3A_69, %swap3A_70] {strides = array<i32>} : memref<80x144xf32, #tpu.memory_space<vmem>>, vector<16xf32>,
    tpu.vector_store %arg12[%swap3A_69, %swap3A_70], %convert_element_type3A_3 {strides = array<i32>} : memref<80x144xf32, #tpu.memory_space<vmem>>, vector<16xf32>,
    %swap3A_72 = arith.constant 17 : i32
    %swap3A_73 = arith.index_cast %swap3A_72 : i32 to index
    %swap3A_74 = arith.constant 128 : index
    %swap3A_75 = tpu.vector_load %arg12[%swap3A_73, %swap3A_74] {strides = array<i32>} : memref<80x144xf32, #tpu.memory_space<vmem>>, vector<16xf32>,
    tpu.vector_store %arg12[%swap3A_73, %swap3A_74], %convert_element_type3A_3 {strides = array<i32>} : memref<80x144xf32, #tpu.memory_space<vmem>>, vector<16xf32>,
    %swap3A_76 = arith.constant 18 : i32
    %swap3A_77 = arith.index_cast %swap3A_76 : i32 to index
    %swap3A_78 = arith.constant 128 : index
    %swap3A_79 = tpu.vector_load %arg12[%swap3A_77, %swap3A_78] {strides = array<i32>} : memref<80x144xf32, #tpu.memory_space<vmem>>, vector<16xf32>,
    tpu.vector_store %arg12[%swap3A_77, %swap3A_78], %convert_element_type3A_3 {strides = array<i32>} : memref<80x144xf32, #tpu.memory_space<vmem>>, vector<16xf32>,
    %swap3A_80 = arith.constant 19 : i32
    %swap3A_81 = arith.index_cast %swap3A_80 : i32 to index
    %swap3A_82 = arith.constant 128 : index
    %swap3A_83 = tpu.vector_load %arg12[%swap3A_81, %swap3A_82] {strides = array<i32>} : memref<80x144xf32, #tpu.memory_space<vmem>>, vector<16xf32>,
    tpu.vector_store %arg12[%swap3A_81, %swap3A_82], %convert_element_type3A_3 {strides = array<i32>} : memref<80x144xf32, #tpu.memory_space<vmem>>, vector<16xf32>,
    %swap3A_84 = arith.constant 20 : i32
    %swap3A_85 = arith.index_cast %swap3A_84 : i32 to index
    %swap3A_86 = arith.constant 128 : index
    %swap3A_87 = tpu.vector_load %arg12[%swap3A_85, %swap3A_86] {strides = array<i32>} : memref<80x144xf32, #tpu.memory_space<vmem>>, vector<16xf32>,
    tpu.vector_store %arg12[%swap3A_85, %swap3A_86], %convert_element_type3A_3 {strides = array<i32>} : memref<80x144xf32, #tpu.memory_space<vmem>>, vector<16xf32>,
    %swap3A_88 = arith.constant 21 : i32
    %swap3A_89 = arith.index_cast %swap3A_88 : i32 to index
    %swap3A_90 = arith.constant 128 : index
    %swap3A_91 = tpu.vector_load %arg12[%swap3A_89, %swap3A_90] {strides = array<i32>} : memref<80x144xf32, #tpu.memory_space<vmem>>, vector<16xf32>,
    tpu.vector_store %arg12[%swap3A_89, %swap3A_90], %convert_element_type3A_3 {strides = array<i32>} : memref<80x144xf32, #tpu.memory_space<vmem>>, vector<16xf32>,
    %swap3A_92 = arith.constant 22 : i32
    %swap3A_93 = arith.index_cast %swap3A_92 : i32 to index
    %swap3A_94 = arith.constant 128 : index
    %swap3A_95 = tpu.vector_load %arg12[%swap3A_93, %swap3A_94] {strides = array<i32>} : memref<80x144xf32, #tpu.memory_space<vmem>>, vector<16xf32>,
    tpu.vector_store %arg12[%swap3A_93, %swap3A_94], %convert_element_type3A_3 {strides = array<i32>} : memref<80x144xf32, #tpu.memory_space<vmem>>, vector<16xf32>,
    %swap3A_96 = arith.constant 23 : i32
    %swap3A_97 = arith.index_cast %swap3A_96 : i32 to index
    %swap3A_98 = arith.constant 128 : index
    %swap3A_99 = tpu.vector_load %arg12[%swap3A_97, %swap3A_98] {strides = array<i32>} : memref<80x144xf32, #tpu.memory_space<vmem>>, vector<16xf32>,
    tpu.vector_store %arg12[%swap3A_97, %swap3A_98], %convert_element_type3A_3 {strides = array<i32>} : memref<80x144xf32, #tpu.memory_space<vmem>>, vector<16xf32>,
    %swap3A_100 = arith.constant 24 : i32
    %swap3A_101 = arith.index_cast %swap3A_100 : i32 to index
    %swap3A_102 = arith.constant 128 : index
    %swap3A_103 = tpu.vector_load %arg12[%swap3A_101, %swap3A_102] {strides = array<i32>} : memref<80x144xf32, #tpu.memory_space<vmem>>, vector<16xf32>,
    tpu.vector_store %arg12[%swap3A_101, %swap3A_102], %convert_element_type3A_3 {strides = array<i32>} : memref<80x144xf32, #tpu.memory_space<vmem>>, vector<16xf32>,
    %swap3A_104 = arith.constant 25 : i32
    %swap3A_105 = arith.index_cast %swap3A_104 : i32 to index
    %swap3A_106 = arith.constant 128 : index
    %swap3A_107 = tpu.vector_load %arg12[%swap3A_105, %swap3A_106] {strides = array<i32>} : memref<80x144xf32, #tpu.memory_space<vmem>>, vector<16xf32>,
    tpu.vector_store %arg12[%swap3A_105, %swap3A_106], %convert_element_type3A_3 {strides = array<i32>} : memref<80x144xf32, #tpu.memory_space<vmem>>, vector<16xf32>,
    %swap3A_108 = arith.constant 26 : i32
    %swap3A_109 = arith.index_cast %swap3A_108 : i32 to index
    %swap3A_110 = arith.constant 128 : index
    %swap3A_111 = tpu.vector_load %arg12[%swap3A_109, %swap3A_110] {strides = array<i32>} : memref<80x144xf32, #tpu.memory_space<vmem>>, vector<16xf32>,
    tpu.vector_store %arg12[%swap3A_109, %swap3A_110], %convert_element_type3A_3 {strides = array<i32>} : memref<80x144xf32, #tpu.memory_space<vmem>>, vector<16xf32>,
    %swap3A_112 = arith.constant 27 : i32
    %swap3A_113 = arith.index_cast %swap3A_112 : i32 to index
    %swap3A_114 = arith.constant 128 : index
    %swap3A_115 = tpu.vector_load %arg12[%swap3A_113, %swap3A_114] {strides = array<i32>} : memref<80x144xf32, #tpu.memory_space<vmem>>, vector<16xf32>,
    tpu.vector_store %arg12[%swap3A_113, %swap3A_114], %convert_element_type3A_3 {strides = array<i32>} : memref<80x144xf32, #tpu.memory_space<vmem>>, vector<16xf32>,
    %swap3A_116 = arith.constant 28 : i32
    %swap3A_117 = arith.index_cast %swap3A_116 : i32 to index
    %swap3A_118 = arith.constant 128 : index
    %swap3A_119 = tpu.vector_load %arg12[%swap3A_117, %swap3A_118] {strides = array<i32>} : memref<80x144xf32, #tpu.memory_space<vmem>>, vector<16xf32>,
    tpu.vector_store %arg12[%swap3A_117, %swap3A_118], %convert_element_type3A_3 {strides = array<i32>} : memref<80x144xf32, #tpu.memory_space<vmem>>, vector<16xf32>,
    %swap3A_120 = arith.constant 29 : i32
    %swap3A_121 = arith.index_cast %swap3A_120 : i32 to index
    %swap3A_122 = arith.constant 128 : index
    %swap3A_123 = tpu.vector_load %arg12[%swap3A_121, %swap3A_122] {strides = array<i32>} : memref<80x144xf32, #tpu.memory_space<vmem>>, vector<16xf32>,
    tpu.vector_store %arg12[%swap3A_121, %swap3A_122], %convert_element_type3A_3 {strides = array<i32>} : memref<80x144xf32, #tpu.memory_space<vmem>>, vector<16xf32>,
    %swap3A_124 = arith.constant 30 : i32
    %swap3A_125 = arith.index_cast %swap3A_124 : i32 to index
    %swap3A_126 = arith.constant 128 : index
    %swap3A_127 = tpu.vector_load %arg12[%swap3A_125, %swap3A_126] {strides = array<i32>} : memref<80x144xf32, #tpu.memory_space<vmem>>, vector<16xf32>,
    tpu.vector_store %arg12[%swap3A_125, %swap3A_126], %convert_element_type3A_3 {strides = array<i32>} : memref<80x144xf32, #tpu.memory_space<vmem>>, vector<16xf32>,
    %swap3A_128 = arith.constant 31 : i32
    %swap3A_129 = arith.index_cast %swap3A_128 : i32 to index
    %swap3A_130 = arith.constant 128 : index
    %swap3A_131 = tpu.vector_load %arg12[%swap3A_129, %swap3A_130] {strides = array<i32>} : memref<80x144xf32, #tpu.memory_space<vmem>>, vector<16xf32>,
    tpu.vector_store %arg12[%swap3A_129, %swap3A_130], %convert_element_type3A_3 {strides = array<i32>} : memref<80x144xf32, #tpu.memory_space<vmem>>, vector<16xf32>,
    %swap3A_132 = arith.constant 32 : i32
    %swap3A_133 = arith.index_cast %swap3A_132 : i32 to index
    %swap3A_134 = arith.constant 128 : index
    %swap3A_135 = tpu.vector_load %arg12[%swap3A_133, %swap3A_134] {strides = array<i32>} : memref<80x144xf32, #tpu.memory_space<vmem>>, vector<16xf32>,
    tpu.vector_store %arg12[%swap3A_133, %swap3A_134], %convert_element_type3A_3 {strides = array<i32>} : memref<80x144xf32, #tpu.memory_space<vmem>>, vector<16xf32>,
    %swap3A_136 = arith.constant 33 : i32
    %swap3A_137 = arith.index_cast %swap3A_136 : i32 to index
    %swap3A_138 = arith.constant 128 : index
    %swap3A_139 = tpu.vector_load %arg12[%swap3A_137, %swap3A_138] {strides = array<i32>} : memref<80x144xf32, #tpu.memory_space<vmem>>, vector<16xf32>,
    tpu.vector_store %arg12[%swap3A_137, %swap3A_138], %convert_element_type3A_3 {strides = array<i32>} : memref<80x144xf32, #tpu.memory_space<vmem>>, vector<16xf32>,
    %swap3A_140 = arith.constant 34 : i32
    %swap3A_141 = arith.index_cast %swap3A_140 : i32 to index
    %swap3A_142 = arith.constant 128 : index
    %swap3A_143 = tpu.vector_load %arg12[%swap3A_141, %swap3A_142] {strides = array<i32>} : memref<80x144xf32, #tpu.memory_space<vmem>>, vector<16xf32>,
    tpu.vector_store %arg12[%swap3A_141, %swap3A_142], %convert_element_type3A_3 {strides = array<i32>} : memref<80x144xf32, #tpu.memory_space<vmem>>, vector<16xf32>,
    %swap3A_144 = arith.constant 35 : i32
    %swap3A_145 = arith.index_cast %swap3A_144 : i32 to index
    %swap3A_146 = arith.constant 128 : index
    %swap3A_147 = tpu.vector_load %arg12[%swap3A_145, %swap3A_146] {strides = array<i32>} : memref<80x144xf32, #tpu.memory_space<vmem>>, vector<16xf32>,
    tpu.vector_store %arg12[%swap3A_145, %swap3A_146], %convert_element_type3A_3 {strides = array<i32>} : memref<80x144xf32, #tpu.memory_space<vmem>>, vector<16xf32>,
    %swap3A_148 = arith.constant 36 : i32
    %swap3A_149 = arith.index_cast %swap3A_148 : i32 to index
    %swap3A_150 = arith.constant 128 : index
    %swap3A_151 = tpu.vector_load %arg12[%swap3A_149, %swap3A_150] {strides = array<i32>} : memref<80x144xf32, #tpu.memory_space<vmem>>, vector<16xf32>,
    tpu.vector_store %arg12[%swap3A_149, %swap3A_150], %convert_element_type3A_3 {strides = array<i32>} : memref<80x144xf32, #tpu.memory_space<vmem>>, vector<16xf32>,
    %swap3A_152 = arith.constant 37 : i32
    %swap3A_153 = arith.index_cast %swap3A_152 : i32 to index
    %swap3A_154 = arith.constant 128 : index
    %swap3A_155 = tpu.vector_load %arg12[%swap3A_153, %swap3A_154] {strides = array<i32>} : memref<80x144xf32, #tpu.memory_space<vmem>>, vector<16xf32>,
    tpu.vector_store %arg12[%swap3A_153, %swap3A_154], %convert_element_type3A_3 {strides = array<i32>} : memref<80x144xf32, #tpu.memory_space<vmem>>, vector<16xf32>,
    %swap3A_156 = arith.constant 38 : i32
    %swap3A_157 = arith.index_cast %swap3A_156 : i32 to index
    %swap3A_158 = arith.constant 128 : index
    %swap3A_159 = tpu.vector_load %arg12[%swap3A_157, %swap3A_158] {strides = array<i32>} : memref<80x144xf32, #tpu.memory_space<vmem>>, vector<16xf32>,
    tpu.vector_store %arg12[%swap3A_157, %swap3A_158], %convert_element_type3A_3 {strides = array<i32>} : memref<80x144xf32, #tpu.memory_space<vmem>>, vector<16xf32>,
    %swap3A_160 = arith.constant 39 : i32
    %swap3A_161 = arith.index_cast %swap3A_160 : i32 to index
    %swap3A_162 = arith.constant 128 : index
    %swap3A_163 = tpu.vector_load %arg12[%swap3A_161, %swap3A_162] {strides = array<i32>} : memref<80x144xf32, #tpu.memory_space<vmem>>, vector<16xf32>,
    tpu.vector_store %arg12[%swap3A_161, %swap3A_162], %convert_element_type3A_3 {strides = array<i32>} : memref<80x144xf32, #tpu.memory_space<vmem>>, vector<16xf32>,
    %swap3A_164 = arith.constant 40 : i32
    %swap3A_165 = arith.index_cast %swap3A_164 : i32 to index
    %swap3A_166 = arith.constant 128 : index
    %swap3A_167 = tpu.vector_load %arg12[%swap3A_165, %swap3A_166] {strides = array<i32>} : memref<80x144xf32, #tpu.memory_space<vmem>>, vector<16xf32>,
    tpu.vector_store %arg12[%swap3A_165, %swap3A_166], %convert_element_type3A_3 {strides = array<i32>} : memref<80x144xf32, #tpu.memory_space<vmem>>, vector<16xf32>,
    %swap3A_168 = arith.constant 41 : i32
    %swap3A_169 = arith.index_cast %swap3A_168 : i32 to index
    %swap3A_170 = arith.constant 128 : index
    %swap3A_171 = tpu.vector_load %arg12[%swap3A_169, %swap3A_170] {strides = array<i32>} : memref<80x144xf32, #tpu.memory_space<vmem>>, vector<16xf32>,
    tpu.vector_store %arg12[%swap3A_169, %swap3A_170], %convert_element_type3A_3 {strides = array<i32>} : memref<80x144xf32, #tpu.memory_space<vmem>>, vector<16xf32>,
    %swap3A_172 = arith.constant 42 : i32
    %swap3A_173 = arith.index_cast %swap3A_172 : i32 to index
    %swap3A_174 = arith.constant 128 : index
    %swap3A_175 = tpu.vector_load %arg12[%swap3A_173, %swap3A_174] {strides = array<i32>} : memref<80x144xf32, #tpu.memory_space<vmem>>, vector<16xf32>,
    tpu.vector_store %arg12[%swap3A_173, %swap3A_174], %convert_element_type3A_3 {strides = array<i32>} : memref<80x144xf32, #tpu.memory_space<vmem>>, vector<16xf32>,
    %swap3A_176 = arith.constant 43 : i32
    %swap3A_177 = arith.index_cast %swap3A_176 : i32 to index
    %swap3A_178 = arith.constant 128 : index
    %swap3A_179 = tpu.vector_load %arg12[%swap3A_177, %swap3A_178] {strides = array<i32>} : memref<80x144xf32, #tpu.memory_space<vmem>>, vector<16xf32>,
    tpu.vector_store %arg12[%swap3A_177, %swap3A_178], %convert_element_type3A_3 {strides = array<i32>} : memref<80x144xf32, #tpu.memory_space<vmem>>, vector<16xf32>,
    %swap3A_180 = arith.constant 44 : i32
    %swap3A_181 = arith.index_cast %swap3A_180 : i32 to index
    %swap3A_182 = arith.constant 128 : index
    %swap3A_183 = tpu.vector_load %arg12[%swap3A_181, %swap3A_182] {strides = array<i32>} : memref<80x144xf32, #tpu.memory_space<vmem>>, vector<16xf32>,
    tpu.vector_store %arg12[%swap3A_181, %swap3A_182], %convert_element_type3A_3 {strides = array<i32>} : memref<80x144xf32, #tpu.memory_space<vmem>>, vector<16xf32>,
    %swap3A_184 = arith.constant 45 : i32
    %swap3A_185 = arith.index_cast %swap3A_184 : i32 to index
    %swap3A_186 = arith.constant 128 : index
    %swap3A_187 = tpu.vector_load %arg12[%swap3A_185, %swap3A_186] {strides = array<i32>} : memref<80x144xf32, #tpu.memory_space<vmem>>, vector<16xf32>,
    tpu.vector_store %arg12[%swap3A_185, %swap3A_186], %convert_element_type3A_3 {strides = array<i32>} : memref<80x144xf32, #tpu.memory_space<vmem>>, vector<16xf32>,
    %swap3A_188 = arith.constant 46 : i32
    %swap3A_189 = arith.index_cast %swap3A_188 : i32 to index
    %swap3A_190 = arith.constant 128 : index
    %swap3A_191 = tpu.vector_load %arg12[%swap3A_189, %swap3A_190] {strides = array<i32>} : memref<80x144xf32, #tpu.memory_space<vmem>>, vector<16xf32>,
    tpu.vector_store %arg12[%swap3A_189, %swap3A_190], %convert_element_type3A_3 {strides = array<i32>} : memref<80x144xf32, #tpu.memory_space<vmem>>, vector<16xf32>,
    %swap3A_192 = arith.constant 47 : i32
    %swap3A_193 = arith.index_cast %swap3A_192 : i32 to index
    %swap3A_194 = arith.constant 128 : index
    %swap3A_195 = tpu.vector_load %arg12[%swap3A_193, %swap3A_194] {strides = array<i32>} : memref<80x144xf32, #tpu.memory_space<vmem>>, vector<16xf32>,
    tpu.vector_store %arg12[%swap3A_193, %swap3A_194], %convert_element_type3A_3 {strides = array<i32>} : memref<80x144xf32, #tpu.memory_space<vmem>>, vector<16xf32>,
    %swap3A_196 = arith.constant 48 : i32
    %swap3A_197 = arith.index_cast %swap3A_196 : i32 to index
    %swap3A_198 = arith.constant 128 : index
    %swap3A_199 = tpu.vector_load %arg12[%swap3A_197, %swap3A_198] {strides = array<i32>} : memref<80x144xf32, #tpu.memory_space<vmem>>, vector<16xf32>,
    tpu.vector_store %arg12[%swap3A_197, %swap3A_198], %convert_element_type3A_3 {strides = array<i32>} : memref<80x144xf32, #tpu.memory_space<vmem>>, vector<16xf32>,
    %swap3A_200 = arith.constant 49 : i32
    %swap3A_201 = arith.index_cast %swap3A_200 : i32 to index
    %swap3A_202 = arith.constant 128 : index
    %swap3A_203 = tpu.vector_load %arg12[%swap3A_201, %swap3A_202] {strides = array<i32>} : memref<80x144xf32, #tpu.memory_space<vmem>>, vector<16xf32>,
    tpu.vector_store %arg12[%swap3A_201, %swap3A_202], %convert_element_type3A_3 {strides = array<i32>} : memref<80x144xf32, #tpu.memory_space<vmem>>, vector<16xf32>,
    %swap3A_204 = arith.constant 50 : i32
    %swap3A_205 = arith.index_cast %swap3A_204 : i32 to index
    %swap3A_206 = arith.constant 128 : index
    %swap3A_207 = tpu.vector_load %arg12[%swap3A_205, %swap3A_206] {strides = array<i32>} : memref<80x144xf32, #tpu.memory_space<vmem>>, vector<16xf32>,
    tpu.vector_store %arg12[%swap3A_205, %swap3A_206], %convert_element_type3A_3 {strides = array<i32>} : memref<80x144xf32, #tpu.memory_space<vmem>>, vector<16xf32>,
    %swap3A_208 = arith.constant 51 : i32
    %swap3A_209 = arith.index_cast %swap3A_208 : i32 to index
    %swap3A_210 = arith.constant 128 : index
    %swap3A_211 = tpu.vector_load %arg12[%swap3A_209, %swap3A_210] {strides = array<i32>} : memref<80x144xf32, #tpu.memory_space<vmem>>, vector<16xf32>,
    tpu.vector_store %arg12[%swap3A_209, %swap3A_210], %convert_element_type3A_3 {strides = array<i32>} : memref<80x144xf32, #tpu.memory_space<vmem>>, vector<16xf32>,
    %swap3A_212 = arith.constant 52 : i32
    %swap3A_213 = arith.index_cast %swap3A_212 : i32 to index
    %swap3A_214 = arith.constant 128 : index
    %swap3A_215 = tpu.vector_load %arg12[%swap3A_213, %swap3A_214] {strides = array<i32>} : memref<80x144xf32, #tpu.memory_space<vmem>>, vector<16xf32>,
    tpu.vector_store %arg12[%swap3A_213, %swap3A_214], %convert_element_type3A_3 {strides = array<i32>} : memref<80x144xf32, #tpu.memory_space<vmem>>, vector<16xf32>,
    %swap3A_216 = arith.constant 53 : i32
    %swap3A_217 = arith.index_cast %swap3A_216 : i32 to index
    %swap3A_218 = arith.constant 128 : index
    %swap3A_219 = tpu.vector_load %arg12[%swap3A_217, %swap3A_218] {strides = array<i32>} : memref<80x144xf32, #tpu.memory_space<vmem>>, vector<16xf32>,
    tpu.vector_store %arg12[%swap3A_217, %swap3A_218], %convert_element_type3A_3 {strides = array<i32>} : memref<80x144xf32, #tpu.memory_space<vmem>>, vector<16xf32>,
    %swap3A_220 = arith.constant 54 : i32
    %swap3A_221 = arith.index_cast %swap3A_220 : i32 to index
    %swap3A_222 = arith.constant 128 : index
    %swap3A_223 = tpu.vector_load %arg12[%swap3A_221, %swap3A_222] {strides = array<i32>} : memref<80x144xf32, #tpu.memory_space<vmem>>, vector<16xf32>,
    tpu.vector_store %arg12[%swap3A_221, %swap3A_222], %convert_element_type3A_3 {strides = array<i32>} : memref<80x144xf32, #tpu.memory_space<vmem>>, vector<16xf32>,
    %swap3A_224 = arith.constant 55 : i32
    %swap3A_225 = arith.index_cast %swap3A_224 : i32 to index
    %swap3A_226 = arith.constant 128 : index
    %swap3A_227 = tpu.vector_load %arg12[%swap3A_225, %swap3A_226] {strides = array<i32>} : memref<80x144xf32, #tpu.memory_space<vmem>>, vector<16xf32>,
    tpu.vector_store %arg12[%swap3A_225, %swap3A_226], %convert_element_type3A_3 {strides = array<i32>} : memref<80x144xf32, #tpu.memory_space<vmem>>, vector<16xf32>,
    %swap3A_228 = arith.constant 56 : i32
    %swap3A_229 = arith.index_cast %swap3A_228 : i32 to index
    %swap3A_230 = arith.constant 128 : index
    %swap3A_231 = tpu.vector_load %arg12[%swap3A_229, %swap3A_230] {strides = array<i32>} : memref<80x144xf32, #tpu.memory_space<vmem>>, vector<16xf32>,
    tpu.vector_store %arg12[%swap3A_229, %swap3A_230], %convert_element_type3A_3 {strides = array<i32>} : memref<80x144xf32, #tpu.memory_space<vmem>>, vector<16xf32>,
    %swap3A_232 = arith.constant 57 : i32
    %swap3A_233 = arith.index_cast %swap3A_232 : i32 to index
    %swap3A_234 = arith.constant 128 : index
    %swap3A_235 = tpu.vector_load %arg12[%swap3A_233, %swap3A_234] {strides = array<i32>} : memref<80x144xf32, #tpu.memory_space<vmem>>, vector<16xf32>,
    tpu.vector_store %arg12[%swap3A_233, %swap3A_234], %convert_element_type3A_3 {strides = array<i32>} : memref<80x144xf32, #tpu.memory_space<vmem>>, vector<16xf32>,
    %swap3A_236 = arith.constant 58 : i32
    %swap3A_237 = arith.index_cast %swap3A_236 : i32 to index
    %swap3A_238 = arith.constant 128 : index
    %swap3A_239 = tpu.vector_load %arg12[%swap3A_237, %swap3A_238] {strides = array<i32>} : memref<80x144xf32, #tpu.memory_space<vmem>>, vector<16xf32>,
    tpu.vector_store %arg12[%swap3A_237, %swap3A_238], %convert_element_type3A_3 {strides = array<i32>} : memref<80x144xf32, #tpu.memory_space<vmem>>, vector<16xf32>,
    %swap3A_240 = arith.constant 59 : i32
    %swap3A_241 = arith.index_cast %swap3A_240 : i32 to index
    %swap3A_242 = arith.constant 128 : index
    %swap3A_243 = tpu.vector_load %arg12[%swap3A_241, %swap3A_242] {strides = array<i32>} : memref<80x144xf32, #tpu.memory_space<vmem>>, vector<16xf32>,
    tpu.vector_store %arg12[%swap3A_241, %swap3A_242], %convert_element_type3A_3 {strides = array<i32>} : memref<80x144xf32, #tpu.memory_space<vmem>>, vector<16xf32>,
    %swap3A_244 = arith.constant 60 : i32
    %swap3A_245 = arith.index_cast %swap3A_244 : i32 to index
    %swap3A_246 = arith.constant 128 : index
    %swap3A_247 = tpu.vector_load %arg12[%swap3A_245, %swap3A_246] {strides = array<i32>} : memref<80x144xf32, #tpu.memory_space<vmem>>, vector<16xf32>,
    tpu.vector_store %arg12[%swap3A_245, %swap3A_246], %convert_element_type3A_3 {strides = array<i32>} : memref<80x144xf32, #tpu.memory_space<vmem>>, vector<16xf32>,
    %swap3A_248 = arith.constant 61 : i32
    %swap3A_249 = arith.index_cast %swap3A_248 : i32 to index
    %swap3A_250 = arith.constant 128 : index
    %swap3A_251 = tpu.vector_load %arg12[%swap3A_249, %swap3A_250] {strides = array<i32>} : memref<80x144xf32, #tpu.memory_space<vmem>>, vector<16xf32>,
    tpu.vector_store %arg12[%swap3A_249, %swap3A_250], %convert_element_type3A_3 {strides = array<i32>} : memref<80x144xf32, #tpu.memory_space<vmem>>, vector<16xf32>,
    %swap3A_252 = arith.constant 62 : i32
    %swap3A_253 = arith.index_cast %swap3A_252 : i32 to index
    %swap3A_254 = arith.constant 128 : index
    %swap3A_255 = tpu.vector_load %arg12[%swap3A_253, %swap3A_254] {strides = array<i32>} : memref<80x144xf32, #tpu.memory_space<vmem>>, vector<16xf32>,
    tpu.vector_store %arg12[%swap3A_253, %swap3A_254], %convert_element_type3A_3 {strides = array<i32>} : memref<80x144xf32, #tpu.memory_space<vmem>>, vector<16xf32>,
    %swap3A_256 = arith.constant 63 : i32
    %swap3A_257 = arith.index_cast %swap3A_256 : i32 to index
    %swap3A_258 = arith.constant 128 : index
    %swap3A_259 = tpu.vector_load %arg12[%swap3A_257, %swap3A_258] {strides = array<i32>} : memref<80x144xf32, #tpu.memory_space<vmem>>, vector<16xf32>,
    tpu.vector_store %arg12[%swap3A_257, %swap3A_258], %convert_element_type3A_3 {strides = array<i32>} : memref<80x144xf32, #tpu.memory_space<vmem>>, vector<16xf32>,
    %swap3A_260 = arith.constant 64 : i32
    %swap3A_261 = arith.index_cast %swap3A_260 : i32 to index
    %swap3A_262 = arith.constant 128 : index
    %swap3A_263 = tpu.vector_load %arg12[%swap3A_261, %swap3A_262] {strides = array<i32>} : memref<80x144xf32, #tpu.memory_space<vmem>>, vector<16xf32>,
    tpu.vector_store %arg12[%swap3A_261, %swap3A_262], %convert_element_type3A_3 {strides = array<i32>} : memref<80x144xf32, #tpu.memory_space<vmem>>, vector<16xf32>,
    %swap3A_264 = arith.constant 65 : i32
    %swap3A_265 = arith.index_cast %swap3A_264 : i32 to index
    %swap3A_266 = arith.constant 128 : index
    %swap3A_267 = tpu.vector_load %arg12[%swap3A_265, %swap3A_266] {strides = array<i32>} : memref<80x144xf32, #tpu.memory_space<vmem>>, vector<16xf32>,
    tpu.vector_store %arg12[%swap3A_265, %swap3A_266], %convert_element_type3A_3 {strides = array<i32>} : memref<80x144xf32, #tpu.memory_space<vmem>>, vector<16xf32>,
    %swap3A_268 = arith.constant 66 : i32
    %swap3A_269 = arith.index_cast %swap3A_268 : i32 to index
    %swap3A_270 = arith.constant 128 : index
    %swap3A_271 = tpu.vector_load %arg12[%swap3A_269, %swap3A_270] {strides = array<i32>} : memref<80x144xf32, #tpu.memory_space<vmem>>, vector<16xf32>,
    tpu.vector_store %arg12[%swap3A_269, %swap3A_270], %convert_element_type3A_3 {strides = array<i32>} : memref<80x144xf32, #tpu.memory_space<vmem>>, vector<16xf32>,
    %swap3A_272 = arith.constant 67 : i32
    %swap3A_273 = arith.index_cast %swap3A_272 : i32 to index
    %swap3A_274 = arith.constant 128 : index
    %swap3A_275 = tpu.vector_load %arg12[%swap3A_273, %swap3A_274] {strides = array<i32>} : memref<80x144xf32, #tpu.memory_space<vmem>>, vector<16xf32>,
    tpu.vector_store %arg12[%swap3A_273, %swap3A_274], %convert_element_type3A_3 {strides = array<i32>} : memref<80x144xf32, #tpu.memory_space<vmem>>, vector<16xf32>,
    %swap3A_276 = arith.constant 68 : i32
    %swap3A_277 = arith.index_cast %swap3A_276 : i32 to index
    %swap3A_278 = arith.constant 128 : index
    %swap3A_279 = tpu.vector_load %arg12[%swap3A_277, %swap3A_278] {strides = array<i32>} : memref<80x144xf32, #tpu.memory_space<vmem>>, vector<16xf32>,
    tpu.vector_store %arg12[%swap3A_277, %swap3A_278], %convert_element_type3A_3 {strides = array<i32>} : memref<80x144xf32, #tpu.memory_space<vmem>>, vector<16xf32>,
    %swap3A_280 = arith.constant 69 : i32
    %swap3A_281 = arith.index_cast %swap3A_280 : i32 to index
    %swap3A_282 = arith.constant 128 : index
    %swap3A_283 = tpu.vector_load %arg12[%swap3A_281, %swap3A_282] {strides = array<i32>} : memref<80x144xf32, #tpu.memory_space<vmem>>, vector<16xf32>,
    tpu.vector_store %arg12[%swap3A_281, %swap3A_282], %convert_element_type3A_3 {strides = array<i32>} : memref<80x144xf32, #tpu.memory_space<vmem>>, vector<16xf32>,
    %swap3A_284 = arith.constant 70 : i32
    %swap3A_285 = arith.index_cast %swap3A_284 : i32 to index
    %swap3A_286 = arith.constant 128 : index
    %swap3A_287 = tpu.vector_load %arg12[%swap3A_285, %swap3A_286] {strides = array<i32>} : memref<80x144xf32, #tpu.memory_space<vmem>>, vector<16xf32>,
    tpu.vector_store %arg12[%swap3A_285, %swap3A_286], %convert_element_type3A_3 {strides = array<i32>} : memref<80x144xf32, #tpu.memory_space<vmem>>, vector<16xf32>,
    %swap3A_288 = arith.constant 71 : i32
    %swap3A_289 = arith.index_cast %swap3A_288 : i32 to index
    %swap3A_290 = arith.constant 128 : index
    %swap3A_291 = tpu.vector_load %arg12[%swap3A_289, %swap3A_290] {strides = array<i32>} : memref<80x144xf32, #tpu.memory_space<vmem>>, vector<16xf32>,
    tpu.vector_store %arg12[%swap3A_289, %swap3A_290], %convert_element_type3A_3 {strides = array<i32>} : memref<80x144xf32, #tpu.memory_space<vmem>>, vector<16xf32>,
    %swap3A_292 = arith.constant 72 : i32
    %swap3A_293 = arith.index_cast %swap3A_292 : i32 to index
    %swap3A_294 = arith.constant 128 : index
    %swap3A_295 = tpu.vector_load %arg12[%swap3A_293, %swap3A_294] {strides = array<i32>} : memref<80x144xf32, #tpu.memory_space<vmem>>, vector<16xf32>,
    tpu.vector_store %arg12[%swap3A_293, %swap3A_294], %convert_element_type3A_3 {strides = array<i32>} : memref<80x144xf32, #tpu.memory_space<vmem>>, vector<16xf32>,
    %swap3A_296 = arith.constant 73 : i32
    %swap3A_297 = arith.index_cast %swap3A_296 : i32 to index
    %swap3A_298 = arith.constant 128 : index
    %swap3A_299 = tpu.vector_load %arg12[%swap3A_297, %swap3A_298] {strides = array<i32>} : memref<80x144xf32, #tpu.memory_space<vmem>>, vector<16xf32>,
    tpu.vector_store %arg12[%swap3A_297, %swap3A_298], %convert_element_type3A_3 {strides = array<i32>} : memref<80x144xf32, #tpu.memory_space<vmem>>, vector<16xf32>,
    %swap3A_300 = arith.constant 74 : i32
    %swap3A_301 = arith.index_cast %swap3A_300 : i32 to index
    %swap3A_302 = arith.constant 128 : index
    %swap3A_303 = tpu.vector_load %arg12[%swap3A_301, %swap3A_302] {strides = array<i32>} : memref<80x144xf32, #tpu.memory_space<vmem>>, vector<16xf32>,
    tpu.vector_store %arg12[%swap3A_301, %swap3A_302], %convert_element_type3A_3 {strides = array<i32>} : memref<80x144xf32, #tpu.memory_space<vmem>>, vector<16xf32>,
    %swap3A_304 = arith.constant 75 : i32
    %swap3A_305 = arith.index_cast %swap3A_304 : i32 to index
    %swap3A_306 = arith.constant 128 : index
    %swap3A_307 = tpu.vector_load %arg12[%swap3A_305, %swap3A_306] {strides = array<i32>} : memref<80x144xf32, #tpu.memory_space<vmem>>, vector<16xf32>,
    tpu.vector_store %arg12[%swap3A_305, %swap3A_306], %convert_element_type3A_3 {strides = array<i32>} : memref<80x144xf32, #tpu.memory_space<vmem>>, vector<16xf32>,
    %swap3A_308 = arith.constant 76 : i32
    %swap3A_309 = arith.index_cast %swap3A_308 : i32 to index
    %swap3A_310 = arith.constant 128 : index
    %swap3A_311 = tpu.vector_load %arg12[%swap3A_309, %swap3A_310] {strides = array<i32>} : memref<80x144xf32, #tpu.memory_space<vmem>>, vector<16xf32>,
    tpu.vector_store %arg12[%swap3A_309, %swap3A_310], %convert_element_type3A_3 {strides = array<i32>} : memref<80x144xf32, #tpu.memory_space<vmem>>, vector<16xf32>,
    %swap3A_312 = arith.constant 77 : i32
    %swap3A_313 = arith.index_cast %swap3A_312 : i32 to index
    %swap3A_314 = arith.constant 128 : index
    %swap3A_315 = tpu.vector_load %arg12[%swap3A_313, %swap3A_314] {strides = array<i32>} : memref<80x144xf32, #tpu.memory_space<vmem>>, vector<16xf32>,
    tpu.vector_store %arg12[%swap3A_313, %swap3A_314], %convert_element_type3A_3 {strides = array<i32>} : memref<80x144xf32, #tpu.memory_space<vmem>>, vector<16xf32>,
    %swap3A_316 = arith.constant 78 : i32
    %swap3A_317 = arith.index_cast %swap3A_316 : i32 to index
    %swap3A_318 = arith.constant 128 : index
    %swap3A_319 = tpu.vector_load %arg12[%swap3A_317, %swap3A_318] {strides = array<i32>} : memref<80x144xf32, #tpu.memory_space<vmem>>, vector<16xf32>,
    tpu.vector_store %arg12[%swap3A_317, %swap3A_318], %convert_element_type3A_3 {strides = array<i32>} : memref<80x144xf32, #tpu.memory_space<vmem>>, vector<16xf32>,
    %swap3A_320 = arith.constant 79 : i32
    %swap3A_321 = arith.index_cast %swap3A_320 : i32 to index
    %swap3A_322 = arith.constant 128 : index
    %swap3A_323 = tpu.vector_load %arg12[%swap3A_321, %swap3A_322] {strides = array<i32>} : memref<80x144xf32, #tpu.memory_space<vmem>>, vector<16xf32>,
    tpu.vector_store %arg12[%swap3A_321, %swap3A_322], %convert_element_type3A_3 {strides = array<i32>} : memref<80x144xf32, #tpu.memory_space<vmem>>, vector<16xf32>,
    %swap3A_324 = arith.constant 0 : i32
    %swap3A_325 = arith.index_cast %swap3A_324 : i32 to index
    %swap3A_326 = arith.constant 0 : index
    %swap3A_327 = tpu.vector_load %arg13[%swap3A_325, %swap3A_326] {strides = array<i32>} : memref<25x144xf32, #tpu.memory_space<vmem>>, vector<16xf32>,
    tpu.vector_store %arg13[%swap3A_325, %swap3A_326], %broadcast_in_dim3A_4 {strides = array<i32>} : memref<25x144xf32, #tpu.memory_space<vmem>>, vector<16xf32>,
    %swap3A_328 = arith.constant 0 : i32
    %swap3A_329 = arith.index_cast %swap3A_328 : i32 to index
    %swap3A_330 = arith.constant 16 : index
    %swap3A_331 = tpu.vector_load %arg13[%swap3A_329, %swap3A_330] {strides = array<i32>} : memref<25x144xf32, #tpu.memory_space<vmem>>, vector<16xf32>,
    tpu.vector_store %arg13[%swap3A_329, %swap3A_330], %broadcast_in_dim3A_4 {strides = array<i32>} : memref<25x144xf32, #tpu.memory_space<vmem>>, vector<16xf32>,
    %swap3A_332 = arith.constant 0 : i32
    %swap3A_333 = arith.index_cast %swap3A_332 : i32 to index
    %swap3A_334 = arith.constant 32 : index
    %swap3A_335 = tpu.vector_load %arg13[%swap3A_333, %swap3A_334] {strides = array<i32>} : memref<25x144xf32, #tpu.memory_space<vmem>>, vector<16xf32>,
    tpu.vector_store %arg13[%swap3A_333, %swap3A_334], %broadcast_in_dim3A_4 {strides = array<i32>} : memref<25x144xf32, #tpu.memory_space<vmem>>, vector<16xf32>,
    %swap3A_336 = arith.constant 0 : i32
    %swap3A_337 = arith.index_cast %swap3A_336 : i32 to index
    %swap3A_338 = arith.constant 48 : index
    %swap3A_339 = tpu.vector_load %arg13[%swap3A_337, %swap3A_338] {strides = array<i32>} : memref<25x144xf32, #tpu.memory_space<vmem>>, vector<16xf32>,
    tpu.vector_store %arg13[%swap3A_337, %swap3A_338], %broadcast_in_dim3A_4 {strides = array<i32>} : memref<25x144xf32, #tpu.memory_space<vmem>>, vector<16xf32>,
    %swap3A_340 = arith.constant 0 : i32
    %swap3A_341 = arith.index_cast %swap3A_340 : i32 to index
    %swap3A_342 = arith.constant 64 : index
    %swap3A_343 = tpu.vector_load %arg13[%swap3A_341, %swap3A_342] {strides = array<i32>} : memref<25x144xf32, #tpu.memory_space<vmem>>, vector<16xf32>,
    tpu.vector_store %arg13[%swap3A_341, %swap3A_342], %broadcast_in_dim3A_4 {strides = array<i32>} : memref<25x144xf32, #tpu.memory_space<vmem>>, vector<16xf32>,
    %swap3A_344 = arith.constant 0 : i32
    %swap3A_345 = arith.index_cast %swap3A_344 : i32 to index
    %swap3A_346 = arith.constant 80 : index
    %swap3A_347 = tpu.vector_load %arg13[%swap3A_345, %swap3A_346] {strides = array<i32>} : memref<25x144xf32, #tpu.memory_space<vmem>>, vector<16xf32>,
    tpu.vector_store %arg13[%swap3A_345, %swap3A_346], %broadcast_in_dim3A_4 {strides = array<i32>} : memref<25x144xf32, #tpu.memory_space<vmem>>, vector<16xf32>,
    %swap3A_348 = arith.constant 0 : i32
    %swap3A_349 = arith.index_cast %swap3A_348 : i32 to index
    %swap3A_350 = arith.constant 96 : index
    %swap3A_351 = tpu.vector_load %arg13[%swap3A_349, %swap3A_350] {strides = array<i32>} : memref<25x144xf32, #tpu.memory_space<vmem>>, vector<16xf32>,
    tpu.vector_store %arg13[%swap3A_349, %swap3A_350], %broadcast_in_dim3A_4 {strides = array<i32>} : memref<25x144xf32, #tpu.memory_space<vmem>>, vector<16xf32>,
    %swap3A_352 = arith.constant 0 : i32
    %swap3A_353 = arith.index_cast %swap3A_352 : i32 to index
    %swap3A_354 = arith.constant 112 : index
    %swap3A_355 = tpu.vector_load %arg13[%swap3A_353, %swap3A_354] {strides = array<i32>} : memref<25x144xf32, #tpu.memory_space<vmem>>, vector<16xf32>,
    tpu.vector_store %arg13[%swap3A_353, %swap3A_354], %broadcast_in_dim3A_4 {strides = array<i32>} : memref<25x144xf32, #tpu.memory_space<vmem>>, vector<16xf32>,
    %swap3A_356 = arith.constant 0 : i32
    %swap3A_357 = arith.index_cast %swap3A_356 : i32 to index
    %swap3A_358 = arith.constant 128 : index
    %swap3A_359 = tpu.vector_load %arg13[%swap3A_357, %swap3A_358] {strides = array<i32>} : memref<25x144xf32, #tpu.memory_space<vmem>>, vector<16xf32>,
    tpu.vector_store %arg13[%swap3A_357, %swap3A_358], %broadcast_in_dim3A_4 {strides = array<i32>} : memref<25x144xf32, #tpu.memory_space<vmem>>, vector<16xf32>,
    %swap3A_360 = arith.constant 1 : i32
    %swap3A_361 = arith.index_cast %swap3A_360 : i32 to index
    %swap3A_362 = arith.constant 0 : index
    %swap3A_363 = tpu.vector_load %arg13[%swap3A_361, %swap3A_362] {strides = array<i32>} : memref<25x144xf32, #tpu.memory_space<vmem>>, vector<16xf32>,
    tpu.vector_store %arg13[%swap3A_361, %swap3A_362], %broadcast_in_dim3A_4 {strides = array<i32>} : memref<25x144xf32, #tpu.memory_space<vmem>>, vector<16xf32>,
    %swap3A_364 = arith.constant 1 : i32
    %swap3A_365 = arith.index_cast %swap3A_364 : i32 to index
    %swap3A_366 = arith.constant 16 : index
    %swap3A_367 = tpu.vector_load %arg13[%swap3A_365, %swap3A_366] {strides = array<i32>} : memref<25x144xf32, #tpu.memory_space<vmem>>, vector<16xf32>,
    tpu.vector_store %arg13[%swap3A_365, %swap3A_366], %broadcast_in_dim3A_4 {strides = array<i32>} : memref<25x144xf32, #tpu.memory_space<vmem>>, vector<16xf32>,
    %swap3A_368 = arith.constant 1 : i32
    %swap3A_369 = arith.index_cast %swap3A_368 : i32 to index
    %swap3A_370 = arith.constant 32 : index
    %swap3A_371 = tpu.vector_load %arg13[%swap3A_369, %swap3A_370] {strides = array<i32>} : memref<25x144xf32, #tpu.memory_space<vmem>>, vector<16xf32>,
    tpu.vector_store %arg13[%swap3A_369, %swap3A_370], %broadcast_in_dim3A_4 {strides = array<i32>} : memref<25x144xf32, #tpu.memory_space<vmem>>, vector<16xf32>,
    %swap3A_372 = arith.constant 1 : i32
    %swap3A_373 = arith.index_cast %swap3A_372 : i32 to index
    %swap3A_374 = arith.constant 48 : index
    %swap3A_375 = tpu.vector_load %arg13[%swap3A_373, %swap3A_374] {strides = array<i32>} : memref<25x144xf32, #tpu.memory_space<vmem>>, vector<16xf32>,
    tpu.vector_store %arg13[%swap3A_373, %swap3A_374], %broadcast_in_dim3A_4 {strides = array<i32>} : memref<25x144xf32, #tpu.memory_space<vmem>>, vector<16xf32>,
    %swap3A_376 = arith.constant 1 : i32
    %swap3A_377 = arith.index_cast %swap3A_376 : i32 to index
    %swap3A_378 = arith.constant 64 : index
    %swap3A_379 = tpu.vector_load %arg13[%swap3A_377, %swap3A_378] {strides = array<i32>} : memref<25x144xf32, #tpu.memory_space<vmem>>, vector<16xf32>,
    tpu.vector_store %arg13[%swap3A_377, %swap3A_378], %broadcast_in_dim3A_4 {strides = array<i32>} : memref<25x144xf32, #tpu.memory_space<vmem>>, vector<16xf32>,
    %swap3A_380 = arith.constant 1 : i32
    %swap3A_381 = arith.index_cast %swap3A_380 : i32 to index
    %swap3A_382 = arith.constant 80 : index
    %swap3A_383 = tpu.vector_load %arg13[%swap3A_381, %swap3A_382] {strides = array<i32>} : memref<25x144xf32, #tpu.memory_space<vmem>>, vector<16xf32>,
    tpu.vector_store %arg13[%swap3A_381, %swap3A_382], %broadcast_in_dim3A_4 {strides = array<i32>} : memref<25x144xf32, #tpu.memory_space<vmem>>, vector<16xf32>,
    %swap3A_384 = arith.constant 1 : i32
    %swap3A_385 = arith.index_cast %swap3A_384 : i32 to index
    %swap3A_386 = arith.constant 96 : index
    %swap3A_387 = tpu.vector_load %arg13[%swap3A_385, %swap3A_386] {strides = array<i32>} : memref<25x144xf32, #tpu.memory_space<vmem>>, vector<16xf32>,
    tpu.vector_store %arg13[%swap3A_385, %swap3A_386], %broadcast_in_dim3A_4 {strides = array<i32>} : memref<25x144xf32, #tpu.memory_space<vmem>>, vector<16xf32>,
    %swap3A_388 = arith.constant 1 : i32
    %swap3A_389 = arith.index_cast %swap3A_388 : i32 to index
    %swap3A_390 = arith.constant 112 : index
    %swap3A_391 = tpu.vector_load %arg13[%swap3A_389, %swap3A_390] {strides = array<i32>} : memref<25x144xf32, #tpu.memory_space<vmem>>, vector<16xf32>,
    tpu.vector_store %arg13[%swap3A_389, %swap3A_390], %broadcast_in_dim3A_4 {strides = array<i32>} : memref<25x144xf32, #tpu.memory_space<vmem>>, vector<16xf32>,
    %swap3A_392 = arith.constant 1 : i32
    %swap3A_393 = arith.index_cast %swap3A_392 : i32 to index
    %swap3A_394 = arith.constant 128 : index
    %swap3A_395 = tpu.vector_load %arg13[%swap3A_393, %swap3A_394] {strides = array<i32>} : memref<25x144xf32, #tpu.memory_space<vmem>>, vector<16xf32>,
    tpu.vector_store %arg13[%swap3A_393, %swap3A_394], %broadcast_in_dim3A_4 {strides = array<i32>} : memref<25x144xf32, #tpu.memory_space<vmem>>, vector<16xf32>,
    %swap3A_396 = arith.constant 2 : i32
    %swap3A_397 = arith.index_cast %swap3A_396 : i32 to index
    %swap3A_398 = arith.constant 0 : index
    %swap3A_399 = tpu.vector_load %arg13[%swap3A_397, %swap3A_398] {strides = array<i32>} : memref<25x144xf32, #tpu.memory_space<vmem>>, vector<16xf32>,
    tpu.vector_store %arg13[%swap3A_397, %swap3A_398], %broadcast_in_dim3A_4 {strides = array<i32>} : memref<25x144xf32, #tpu.memory_space<vmem>>, vector<16xf32>,
    %swap3A_400 = arith.constant 2 : i32
    %swap3A_401 = arith.index_cast %swap3A_400 : i32 to index
    %swap3A_402 = arith.constant 16 : index
    %swap3A_403 = tpu.vector_load %arg13[%swap3A_401, %swap3A_402] {strides = array<i32>} : memref<25x144xf32, #tpu.memory_space<vmem>>, vector<16xf32>,
    tpu.vector_store %arg13[%swap3A_401, %swap3A_402], %broadcast_in_dim3A_4 {strides = array<i32>} : memref<25x144xf32, #tpu.memory_space<vmem>>, vector<16xf32>,
    %swap3A_404 = arith.constant 2 : i32
    %swap3A_405 = arith.index_cast %swap3A_404 : i32 to index
    %swap3A_406 = arith.constant 32 : index
    %swap3A_407 = tpu.vector_load %arg13[%swap3A_405, %swap3A_406] {strides = array<i32>} : memref<25x144xf32, #tpu.memory_space<vmem>>, vector<16xf32>,
    tpu.vector_store %arg13[%swap3A_405, %swap3A_406], %broadcast_in_dim3A_4 {strides = array<i32>} : memref<25x144xf32, #tpu.memory_space<vmem>>, vector<16xf32>,
    %swap3A_408 = arith.constant 2 : i32
    %swap3A_409 = arith.index_cast %swap3A_408 : i32 to index
    %swap3A_410 = arith.constant 48 : index
    %swap3A_411 = tpu.vector_load %arg13[%swap3A_409, %swap3A_410] {strides = array<i32>} : memref<25x144xf32, #tpu.memory_space<vmem>>, vector<16xf32>,
    tpu.vector_store %arg13[%swap3A_409, %swap3A_410], %broadcast_in_dim3A_4 {strides = array<i32>} : memref<25x144xf32, #tpu.memory_space<vmem>>, vector<16xf32>,
    %swap3A_412 = arith.constant 2 : i32
    %swap3A_413 = arith.index_cast %swap3A_412 : i32 to index
    %swap3A_414 = arith.constant 64 : index
    %swap3A_415 = tpu.vector_load %arg13[%swap3A_413, %swap3A_414] {strides = array<i32>} : memref<25x144xf32, #tpu.memory_space<vmem>>, vector<16xf32>,
    tpu.vector_store %arg13[%swap3A_413, %swap3A_414], %broadcast_in_dim3A_4 {strides = array<i32>} : memref<25x144xf32, #tpu.memory_space<vmem>>, vector<16xf32>,
    %swap3A_416 = arith.constant 2 : i32
    %swap3A_417 = arith.index_cast %swap3A_416 : i32 to index
    %swap3A_418 = arith.constant 80 : index
    %swap3A_419 = tpu.vector_load %arg13[%swap3A_417, %swap3A_418] {strides = array<i32>} : memref<25x144xf32, #tpu.memory_space<vmem>>, vector<16xf32>,
    tpu.vector_store %arg13[%swap3A_417, %swap3A_418], %broadcast_in_dim3A_4 {strides = array<i32>} : memref<25x144xf32, #tpu.memory_space<vmem>>, vector<16xf32>,
    %swap3A_420 = arith.constant 2 : i32
    %swap3A_421 = arith.index_cast %swap3A_420 : i32 to index
    %swap3A_422 = arith.constant 96 : index
    %swap3A_423 = tpu.vector_load %arg13[%swap3A_421, %swap3A_422] {strides = array<i32>} : memref<25x144xf32, #tpu.memory_space<vmem>>, vector<16xf32>,
    tpu.vector_store %arg13[%swap3A_421, %swap3A_422], %broadcast_in_dim3A_4 {strides = array<i32>} : memref<25x144xf32, #tpu.memory_space<vmem>>, vector<16xf32>,
    %swap3A_424 = arith.constant 2 : i32
    %swap3A_425 = arith.index_cast %swap3A_424 : i32 to index
    %swap3A_426 = arith.constant 112 : index
    %swap3A_427 = tpu.vector_load %arg13[%swap3A_425, %swap3A_426] {strides = array<i32>} : memref<25x144xf32, #tpu.memory_space<vmem>>, vector<16xf32>,
    tpu.vector_store %arg13[%swap3A_425, %swap3A_426], %broadcast_in_dim3A_4 {strides = array<i32>} : memref<25x144xf32, #tpu.memory_space<vmem>>, vector<16xf32>,
    %swap3A_428 = arith.constant 2 : i32
    %swap3A_429 = arith.index_cast %swap3A_428 : i32 to index
    %swap3A_430 = arith.constant 128 : index
    %swap3A_431 = tpu.vector_load %arg13[%swap3A_429, %swap3A_430] {strides = array<i32>} : memref<25x144xf32, #tpu.memory_space<vmem>>, vector<16xf32>,
    tpu.vector_store %arg13[%swap3A_429, %swap3A_430], %broadcast_in_dim3A_4 {strides = array<i32>} : memref<25x144xf32, #tpu.memory_space<vmem>>, vector<16xf32>,
    %swap3A_432 = arith.constant 3 : i32
    %swap3A_433 = arith.index_cast %swap3A_432 : i32 to index
    %swap3A_434 = arith.constant 0 : index
    %swap3A_435 = tpu.vector_load %arg13[%swap3A_433, %swap3A_434] {strides = array<i32>} : memref<25x144xf32, #tpu.memory_space<vmem>>, vector<16xf32>,
    tpu.vector_store %arg13[%swap3A_433, %swap3A_434], %broadcast_in_dim3A_4 {strides = array<i32>} : memref<25x144xf32, #tpu.memory_space<vmem>>, vector<16xf32>,
    %swap3A_436 = arith.constant 3 : i32
    %swap3A_437 = arith.index_cast %swap3A_436 : i32 to index
    %swap3A_438 = arith.constant 16 : index
    %swap3A_439 = tpu.vector_load %arg13[%swap3A_437, %swap3A_438] {strides = array<i32>} : memref<25x144xf32, #tpu.memory_space<vmem>>, vector<16xf32>,
    tpu.vector_store %arg13[%swap3A_437, %swap3A_438], %broadcast_in_dim3A_4 {strides = array<i32>} : memref<25x144xf32, #tpu.memory_space<vmem>>, vector<16xf32>,
    %swap3A_440 = arith.constant 3 : i32
    %swap3A_441 = arith.index_cast %swap3A_440 : i32 to index
    %swap3A_442 = arith.constant 32 : index
    %swap3A_443 = tpu.vector_load %arg13[%swap3A_441, %swap3A_442] {strides = array<i32>} : memref<25x144xf32, #tpu.memory_space<vmem>>, vector<16xf32>,
    tpu.vector_store %arg13[%swap3A_441, %swap3A_442], %broadcast_in_dim3A_4 {strides = array<i32>} : memref<25x144xf32, #tpu.memory_space<vmem>>, vector<16xf32>,
    %swap3A_444 = arith.constant 3 : i32
    %swap3A_445 = arith.index_cast %swap3A_444 : i32 to index
    %swap3A_446 = arith.constant 48 : index
    %swap3A_447 = tpu.vector_load %arg13[%swap3A_445, %swap3A_446] {strides = array<i32>} : memref<25x144xf32, #tpu.memory_space<vmem>>, vector<16xf32>,
    tpu.vector_store %arg13[%swap3A_445, %swap3A_446], %broadcast_in_dim3A_4 {strides = array<i32>} : memref<25x144xf32, #tpu.memory_space<vmem>>, vector<16xf32>,
    %swap3A_448 = arith.constant 3 : i32
    %swap3A_449 = arith.index_cast %swap3A_448 : i32 to index
    %swap3A_450 = arith.constant 64 : index
    %swap3A_451 = tpu.vector_load %arg13[%swap3A_449, %swap3A_450] {strides = array<i32>} : memref<25x144xf32, #tpu.memory_space<vmem>>, vector<16xf32>,
    tpu.vector_store %arg13[%swap3A_449, %swap3A_450], %broadcast_in_dim3A_4 {strides = array<i32>} : memref<25x144xf32, #tpu.memory_space<vmem>>, vector<16xf32>,
    %swap3A_452 = arith.constant 3 : i32
    %swap3A_453 = arith.index_cast %swap3A_452 : i32 to index
    %swap3A_454 = arith.constant 80 : index
    %swap3A_455 = tpu.vector_load %arg13[%swap3A_453, %swap3A_454] {strides = array<i32>} : memref<25x144xf32, #tpu.memory_space<vmem>>, vector<16xf32>,
    tpu.vector_store %arg13[%swap3A_453, %swap3A_454], %broadcast_in_dim3A_4 {strides = array<i32>} : memref<25x144xf32, #tpu.memory_space<vmem>>, vector<16xf32>,
    %swap3A_456 = arith.constant 3 : i32
    %swap3A_457 = arith.index_cast %swap3A_456 : i32 to index
    %swap3A_458 = arith.constant 96 : index
    %swap3A_459 = tpu.vector_load %arg13[%swap3A_457, %swap3A_458] {strides = array<i32>} : memref<25x144xf32, #tpu.memory_space<vmem>>, vector<16xf32>,
    tpu.vector_store %arg13[%swap3A_457, %swap3A_458], %broadcast_in_dim3A_4 {strides = array<i32>} : memref<25x144xf32, #tpu.memory_space<vmem>>, vector<16xf32>,
    %swap3A_460 = arith.constant 3 : i32
    %swap3A_461 = arith.index_cast %swap3A_460 : i32 to index
    %swap3A_462 = arith.constant 112 : index
    %swap3A_463 = tpu.vector_load %arg13[%swap3A_461, %swap3A_462] {strides = array<i32>} : memref<25x144xf32, #tpu.memory_space<vmem>>, vector<16xf32>,
    tpu.vector_store %arg13[%swap3A_461, %swap3A_462], %broadcast_in_dim3A_4 {strides = array<i32>} : memref<25x144xf32, #tpu.memory_space<vmem>>, vector<16xf32>,
    %swap3A_464 = arith.constant 3 : i32
    %swap3A_465 = arith.index_cast %swap3A_464 : i32 to index
    %swap3A_466 = arith.constant 128 : index
    %swap3A_467 = tpu.vector_load %arg13[%swap3A_465, %swap3A_466] {strides = array<i32>} : memref<25x144xf32, #tpu.memory_space<vmem>>, vector<16xf32>,
    tpu.vector_store %arg13[%swap3A_465, %swap3A_466], %broadcast_in_dim3A_4 {strides = array<i32>} : memref<25x144xf32, #tpu.memory_space<vmem>>, vector<16xf32>,
    %swap3A_468 = arith.constant 4 : i32
    %swap3A_469 = arith.index_cast %swap3A_468 : i32 to index
    %swap3A_470 = arith.constant 0 : index
    %swap3A_471 = tpu.vector_load %arg13[%swap3A_469, %swap3A_470] {strides = array<i32>} : memref<25x144xf32, #tpu.memory_space<vmem>>, vector<16xf32>,
    tpu.vector_store %arg13[%swap3A_469, %swap3A_470], %broadcast_in_dim3A_4 {strides = array<i32>} : memref<25x144xf32, #tpu.memory_space<vmem>>, vector<16xf32>,
    %swap3A_472 = arith.constant 4 : i32
    %swap3A_473 = arith.index_cast %swap3A_472 : i32 to index
    %swap3A_474 = arith.constant 16 : index
    %swap3A_475 = tpu.vector_load %arg13[%swap3A_473, %swap3A_474] {strides = array<i32>} : memref<25x144xf32, #tpu.memory_space<vmem>>, vector<16xf32>,
    tpu.vector_store %arg13[%swap3A_473, %swap3A_474], %broadcast_in_dim3A_4 {strides = array<i32>} : memref<25x144xf32, #tpu.memory_space<vmem>>, vector<16xf32>,
    %swap3A_476 = arith.constant 4 : i32
    %swap3A_477 = arith.index_cast %swap3A_476 : i32 to index
    %swap3A_478 = arith.constant 32 : index
    %swap3A_479 = tpu.vector_load %arg13[%swap3A_477, %swap3A_478] {strides = array<i32>} : memref<25x144xf32, #tpu.memory_space<vmem>>, vector<16xf32>,
    tpu.vector_store %arg13[%swap3A_477, %swap3A_478], %broadcast_in_dim3A_4 {strides = array<i32>} : memref<25x144xf32, #tpu.memory_space<vmem>>, vector<16xf32>,
    %swap3A_480 = arith.constant 4 : i32
    %swap3A_481 = arith.index_cast %swap3A_480 : i32 to index
    %swap3A_482 = arith.constant 48 : index
    %swap3A_483 = tpu.vector_load %arg13[%swap3A_481, %swap3A_482] {strides = array<i32>} : memref<25x144xf32, #tpu.memory_space<vmem>>, vector<16xf32>,
    tpu.vector_store %arg13[%swap3A_481, %swap3A_482], %broadcast_in_dim3A_4 {strides = array<i32>} : memref<25x144xf32, #tpu.memory_space<vmem>>, vector<16xf32>,
    %swap3A_484 = arith.constant 4 : i32
    %swap3A_485 = arith.index_cast %swap3A_484 : i32 to index
    %swap3A_486 = arith.constant 64 : index
    %swap3A_487 = tpu.vector_load %arg13[%swap3A_485, %swap3A_486] {strides = array<i32>} : memref<25x144xf32, #tpu.memory_space<vmem>>, vector<16xf32>,
    tpu.vector_store %arg13[%swap3A_485, %swap3A_486], %broadcast_in_dim3A_4 {strides = array<i32>} : memref<25x144xf32, #tpu.memory_space<vmem>>, vector<16xf32>,
    %swap3A_488 = arith.constant 4 : i32
    %swap3A_489 = arith.index_cast %swap3A_488 : i32 to index
    %swap3A_490 = arith.constant 80 : index
    %swap3A_491 = tpu.vector_load %arg13[%swap3A_489, %swap3A_490] {strides = array<i32>} : memref<25x144xf32, #tpu.memory_space<vmem>>, vector<16xf32>,
    tpu.vector_store %arg13[%swap3A_489, %swap3A_490], %broadcast_in_dim3A_4 {strides = array<i32>} : memref<25x144xf32, #tpu.memory_space<vmem>>, vector<16xf32>,
    %swap3A_492 = arith.constant 4 : i32
    %swap3A_493 = arith.index_cast %swap3A_492 : i32 to index
    %swap3A_494 = arith.constant 96 : index
    %swap3A_495 = tpu.vector_load %arg13[%swap3A_493, %swap3A_494] {strides = array<i32>} : memref<25x144xf32, #tpu.memory_space<vmem>>, vector<16xf32>,
    tpu.vector_store %arg13[%swap3A_493, %swap3A_494], %broadcast_in_dim3A_4 {strides = array<i32>} : memref<25x144xf32, #tpu.memory_space<vmem>>, vector<16xf32>,
    %swap3A_496 = arith.constant 4 : i32
    %swap3A_497 = arith.index_cast %swap3A_496 : i32 to index
    %swap3A_498 = arith.constant 112 : index
    %swap3A_499 = tpu.vector_load %arg13[%swap3A_497, %swap3A_498] {strides = array<i32>} : memref<25x144xf32, #tpu.memory_space<vmem>>, vector<16xf32>,
    tpu.vector_store %arg13[%swap3A_497, %swap3A_498], %broadcast_in_dim3A_4 {strides = array<i32>} : memref<25x144xf32, #tpu.memory_space<vmem>>, vector<16xf32>,
    %swap3A_500 = arith.constant 4 : i32
    %swap3A_501 = arith.index_cast %swap3A_500 : i32 to index
    %swap3A_502 = arith.constant 128 : index
    %swap3A_503 = tpu.vector_load %arg13[%swap3A_501, %swap3A_502] {strides = array<i32>} : memref<25x144xf32, #tpu.memory_space<vmem>>, vector<16xf32>,
    tpu.vector_store %arg13[%swap3A_501, %swap3A_502], %broadcast_in_dim3A_4 {strides = array<i32>} : memref<25x144xf32, #tpu.memory_space<vmem>>, vector<16xf32>,
    %swap3A_504 = arith.constant 5 : i32
    %swap3A_505 = arith.index_cast %swap3A_504 : i32 to index
    %swap3A_506 = arith.constant 0 : index
    %swap3A_507 = tpu.vector_load %arg13[%swap3A_505, %swap3A_506] {strides = array<i32>} : memref<25x144xf32, #tpu.memory_space<vmem>>, vector<16xf32>,
    tpu.vector_store %arg13[%swap3A_505, %swap3A_506], %broadcast_in_dim3A_4 {strides = array<i32>} : memref<25x144xf32, #tpu.memory_space<vmem>>, vector<16xf32>,
    %swap3A_508 = arith.constant 5 : i32
    %swap3A_509 = arith.index_cast %swap3A_508 : i32 to index
    %swap3A_510 = arith.constant 16 : index
    %swap3A_511 = tpu.vector_load %arg13[%swap3A_509, %swap3A_510] {strides = array<i32>} : memref<25x144xf32, #tpu.memory_space<vmem>>, vector<16xf32>,
    tpu.vector_store %arg13[%swap3A_509, %swap3A_510], %broadcast_in_dim3A_4 {strides = array<i32>} : memref<25x144xf32, #tpu.memory_space<vmem>>, vector<16xf32>,
    %swap3A_512 = arith.constant 5 : i32
    %swap3A_513 = arith.index_cast %swap3A_512 : i32 to index
    %swap3A_514 = arith.constant 32 : index
    %swap3A_515 = tpu.vector_load %arg13[%swap3A_513, %swap3A_514] {strides = array<i32>} : memref<25x144xf32, #tpu.memory_space<vmem>>, vector<16xf32>,
    tpu.vector_store %arg13[%swap3A_513, %swap3A_514], %broadcast_in_dim3A_4 {strides = array<i32>} : memref<25x144xf32, #tpu.memory_space<vmem>>, vector<16xf32>,
    %swap3A_516 = arith.constant 5 : i32
    %swap3A_517 = arith.index_cast %swap3A_516 : i32 to index
    %swap3A_518 = arith.constant 48 : index
    %swap3A_519 = tpu.vector_load %arg13[%swap3A_517, %swap3A_518] {strides = array<i32>} : memref<25x144xf32, #tpu.memory_space<vmem>>, vector<16xf32>,
    tpu.vector_store %arg13[%swap3A_517, %swap3A_518], %broadcast_in_dim3A_4 {strides = array<i32>} : memref<25x144xf32, #tpu.memory_space<vmem>>, vector<16xf32>,
    %swap3A_520 = arith.constant 5 : i32
    %swap3A_521 = arith.index_cast %swap3A_520 : i32 to index
    %swap3A_522 = arith.constant 64 : index
    %swap3A_523 = tpu.vector_load %arg13[%swap3A_521, %swap3A_522] {strides = array<i32>} : memref<25x144xf32, #tpu.memory_space<vmem>>, vector<16xf32>,
    tpu.vector_store %arg13[%swap3A_521, %swap3A_522], %broadcast_in_dim3A_4 {strides = array<i32>} : memref<25x144xf32, #tpu.memory_space<vmem>>, vector<16xf32>,
    %swap3A_524 = arith.constant 5 : i32
    %swap3A_525 = arith.index_cast %swap3A_524 : i32 to index
    %swap3A_526 = arith.constant 80 : index
    %swap3A_527 = tpu.vector_load %arg13[%swap3A_525, %swap3A_526] {strides = array<i32>} : memref<25x144xf32, #tpu.memory_space<vmem>>, vector<16xf32>,
    tpu.vector_store %arg13[%swap3A_525, %swap3A_526], %broadcast_in_dim3A_4 {strides = array<i32>} : memref<25x144xf32, #tpu.memory_space<vmem>>, vector<16xf32>,
    %swap3A_528 = arith.constant 5 : i32
    %swap3A_529 = arith.index_cast %swap3A_528 : i32 to index
    %swap3A_530 = arith.constant 96 : index
    %swap3A_531 = tpu.vector_load %arg13[%swap3A_529, %swap3A_530] {strides = array<i32>} : memref<25x144xf32, #tpu.memory_space<vmem>>, vector<16xf32>,
    tpu.vector_store %arg13[%swap3A_529, %swap3A_530], %broadcast_in_dim3A_4 {strides = array<i32>} : memref<25x144xf32, #tpu.memory_space<vmem>>, vector<16xf32>,
    %swap3A_532 = arith.constant 5 : i32
    %swap3A_533 = arith.index_cast %swap3A_532 : i32 to index
    %swap3A_534 = arith.constant 112 : index
    %swap3A_535 = tpu.vector_load %arg13[%swap3A_533, %swap3A_534] {strides = array<i32>} : memref<25x144xf32, #tpu.memory_space<vmem>>, vector<16xf32>,
    tpu.vector_store %arg13[%swap3A_533, %swap3A_534], %broadcast_in_dim3A_4 {strides = array<i32>} : memref<25x144xf32, #tpu.memory_space<vmem>>, vector<16xf32>,
    %swap3A_536 = arith.constant 5 : i32
    %swap3A_537 = arith.index_cast %swap3A_536 : i32 to index
    %swap3A_538 = arith.constant 128 : index
    %swap3A_539 = tpu.vector_load %arg13[%swap3A_537, %swap3A_538] {strides = array<i32>} : memref<25x144xf32, #tpu.memory_space<vmem>>, vector<16xf32>,
    tpu.vector_store %arg13[%swap3A_537, %swap3A_538], %broadcast_in_dim3A_4 {strides = array<i32>} : memref<25x144xf32, #tpu.memory_space<vmem>>, vector<16xf32>,
    %swap3A_540 = arith.constant 6 : i32
    %swap3A_541 = arith.index_cast %swap3A_540 : i32 to index
    %swap3A_542 = arith.constant 0 : index
    %swap3A_543 = tpu.vector_load %arg13[%swap3A_541, %swap3A_542] {strides = array<i32>} : memref<25x144xf32, #tpu.memory_space<vmem>>, vector<16xf32>,
    tpu.vector_store %arg13[%swap3A_541, %swap3A_542], %broadcast_in_dim3A_4 {strides = array<i32>} : memref<25x144xf32, #tpu.memory_space<vmem>>, vector<16xf32>,
    %swap3A_544 = arith.constant 6 : i32
    %swap3A_545 = arith.index_cast %swap3A_544 : i32 to index
    %swap3A_546 = arith.constant 16 : index
    %swap3A_547 = tpu.vector_load %arg13[%swap3A_545, %swap3A_546] {strides = array<i32>} : memref<25x144xf32, #tpu.memory_space<vmem>>, vector<16xf32>,
    tpu.vector_store %arg13[%swap3A_545, %swap3A_546], %broadcast_in_dim3A_4 {strides = array<i32>} : memref<25x144xf32, #tpu.memory_space<vmem>>, vector<16xf32>,
    %swap3A_548 = arith.constant 6 : i32
    %swap3A_549 = arith.index_cast %swap3A_548 : i32 to index
    %swap3A_550 = arith.constant 32 : index
    %swap3A_551 = tpu.vector_load %arg13[%swap3A_549, %swap3A_550] {strides = array<i32>} : memref<25x144xf32, #tpu.memory_space<vmem>>, vector<16xf32>,
    tpu.vector_store %arg13[%swap3A_549, %swap3A_550], %broadcast_in_dim3A_4 {strides = array<i32>} : memref<25x144xf32, #tpu.memory_space<vmem>>, vector<16xf32>,
    %swap3A_552 = arith.constant 6 : i32
    %swap3A_553 = arith.index_cast %swap3A_552 : i32 to index
    %swap3A_554 = arith.constant 48 : index
    %swap3A_555 = tpu.vector_load %arg13[%swap3A_553, %swap3A_554] {strides = array<i32>} : memref<25x144xf32, #tpu.memory_space<vmem>>, vector<16xf32>,
    tpu.vector_store %arg13[%swap3A_553, %swap3A_554], %broadcast_in_dim3A_4 {strides = array<i32>} : memref<25x144xf32, #tpu.memory_space<vmem>>, vector<16xf32>,
    %swap3A_556 = arith.constant 6 : i32
    %swap3A_557 = arith.index_cast %swap3A_556 : i32 to index
    %swap3A_558 = arith.constant 64 : index
    %swap3A_559 = tpu.vector_load %arg13[%swap3A_557, %swap3A_558] {strides = array<i32>} : memref<25x144xf32, #tpu.memory_space<vmem>>, vector<16xf32>,
    tpu.vector_store %arg13[%swap3A_557, %swap3A_558], %broadcast_in_dim3A_4 {strides = array<i32>} : memref<25x144xf32, #tpu.memory_space<vmem>>, vector<16xf32>,
    %swap3A_560 = arith.constant 6 : i32
    %swap3A_561 = arith.index_cast %swap3A_560 : i32 to index
    %swap3A_562 = arith.constant 80 : index
    %swap3A_563 = tpu.vector_load %arg13[%swap3A_561, %swap3A_562] {strides = array<i32>} : memref<25x144xf32, #tpu.memory_space<vmem>>, vector<16xf32>,
    tpu.vector_store %arg13[%swap3A_561, %swap3A_562], %broadcast_in_dim3A_4 {strides = array<i32>} : memref<25x144xf32, #tpu.memory_space<vmem>>, vector<16xf32>,
    %swap3A_564 = arith.constant 6 : i32
    %swap3A_565 = arith.index_cast %swap3A_564 : i32 to index
    %swap3A_566 = arith.constant 96 : index
    %swap3A_567 = tpu.vector_load %arg13[%swap3A_565, %swap3A_566] {strides = array<i32>} : memref<25x144xf32, #tpu.memory_space<vmem>>, vector<16xf32>,
    tpu.vector_store %arg13[%swap3A_565, %swap3A_566], %broadcast_in_dim3A_4 {strides = array<i32>} : memref<25x144xf32, #tpu.memory_space<vmem>>, vector<16xf32>,
    %swap3A_568 = arith.constant 6 : i32
    %swap3A_569 = arith.index_cast %swap3A_568 : i32 to index
    %swap3A_570 = arith.constant 112 : index
    %swap3A_571 = tpu.vector_load %arg13[%swap3A_569, %swap3A_570] {strides = array<i32>} : memref<25x144xf32, #tpu.memory_space<vmem>>, vector<16xf32>,
    tpu.vector_store %arg13[%swap3A_569, %swap3A_570], %broadcast_in_dim3A_4 {strides = array<i32>} : memref<25x144xf32, #tpu.memory_space<vmem>>, vector<16xf32>,
    %swap3A_572 = arith.constant 6 : i32
    %swap3A_573 = arith.index_cast %swap3A_572 : i32 to index
    %swap3A_574 = arith.constant 128 : index
    %swap3A_575 = tpu.vector_load %arg13[%swap3A_573, %swap3A_574] {strides = array<i32>} : memref<25x144xf32, #tpu.memory_space<vmem>>, vector<16xf32>,
    tpu.vector_store %arg13[%swap3A_573, %swap3A_574], %broadcast_in_dim3A_4 {strides = array<i32>} : memref<25x144xf32, #tpu.memory_space<vmem>>, vector<16xf32>,
    %swap3A_576 = arith.constant 7 : i32
    %swap3A_577 = arith.index_cast %swap3A_576 : i32 to index
    %swap3A_578 = arith.constant 0 : index
    %swap3A_579 = tpu.vector_load %arg13[%swap3A_577, %swap3A_578] {strides = array<i32>} : memref<25x144xf32, #tpu.memory_space<vmem>>, vector<16xf32>,
    tpu.vector_store %arg13[%swap3A_577, %swap3A_578], %broadcast_in_dim3A_4 {strides = array<i32>} : memref<25x144xf32, #tpu.memory_space<vmem>>, vector<16xf32>,
    %swap3A_580 = arith.constant 7 : i32
    %swap3A_581 = arith.index_cast %swap3A_580 : i32 to index
    %swap3A_582 = arith.constant 16 : index
    %swap3A_583 = tpu.vector_load %arg13[%swap3A_581, %swap3A_582] {strides = array<i32>} : memref<25x144xf32, #tpu.memory_space<vmem>>, vector<16xf32>,
    tpu.vector_store %arg13[%swap3A_581, %swap3A_582], %broadcast_in_dim3A_4 {strides = array<i32>} : memref<25x144xf32, #tpu.memory_space<vmem>>, vector<16xf32>,
    %swap3A_584 = arith.constant 7 : i32
    %swap3A_585 = arith.index_cast %swap3A_584 : i32 to index
    %swap3A_586 = arith.constant 32 : index
    %swap3A_587 = tpu.vector_load %arg13[%swap3A_585, %swap3A_586] {strides = array<i32>} : memref<25x144xf32, #tpu.memory_space<vmem>>, vector<16xf32>,
    tpu.vector_store %arg13[%swap3A_585, %swap3A_586], %broadcast_in_dim3A_4 {strides = array<i32>} : memref<25x144xf32, #tpu.memory_space<vmem>>, vector<16xf32>,
    %swap3A_588 = arith.constant 7 : i32
    %swap3A_589 = arith.index_cast %swap3A_588 : i32 to index
    %swap3A_590 = arith.constant 48 : index
    %swap3A_591 = tpu.vector_load %arg13[%swap3A_589, %swap3A_590] {strides = array<i32>} : memref<25x144xf32, #tpu.memory_space<vmem>>, vector<16xf32>,
    tpu.vector_store %arg13[%swap3A_589, %swap3A_590], %broadcast_in_dim3A_4 {strides = array<i32>} : memref<25x144xf32, #tpu.memory_space<vmem>>, vector<16xf32>,
    %swap3A_592 = arith.constant 7 : i32
    %swap3A_593 = arith.index_cast %swap3A_592 : i32 to index
    %swap3A_594 = arith.constant 64 : index
    %swap3A_595 = tpu.vector_load %arg13[%swap3A_593, %swap3A_594] {strides = array<i32>} : memref<25x144xf32, #tpu.memory_space<vmem>>, vector<16xf32>,
    tpu.vector_store %arg13[%swap3A_593, %swap3A_594], %broadcast_in_dim3A_4 {strides = array<i32>} : memref<25x144xf32, #tpu.memory_space<vmem>>, vector<16xf32>,
    %swap3A_596 = arith.constant 7 : i32
    %swap3A_597 = arith.index_cast %swap3A_596 : i32 to index
    %swap3A_598 = arith.constant 80 : index
    %swap3A_599 = tpu.vector_load %arg13[%swap3A_597, %swap3A_598] {strides = array<i32>} : memref<25x144xf32, #tpu.memory_space<vmem>>, vector<16xf32>,
    tpu.vector_store %arg13[%swap3A_597, %swap3A_598], %broadcast_in_dim3A_4 {strides = array<i32>} : memref<25x144xf32, #tpu.memory_space<vmem>>, vector<16xf32>,
    %swap3A_600 = arith.constant 7 : i32
    %swap3A_601 = arith.index_cast %swap3A_600 : i32 to index
    %swap3A_602 = arith.constant 96 : index
    %swap3A_603 = tpu.vector_load %arg13[%swap3A_601, %swap3A_602] {strides = array<i32>} : memref<25x144xf32, #tpu.memory_space<vmem>>, vector<16xf32>,
    tpu.vector_store %arg13[%swap3A_601, %swap3A_602], %broadcast_in_dim3A_4 {strides = array<i32>} : memref<25x144xf32, #tpu.memory_space<vmem>>, vector<16xf32>,
    %swap3A_604 = arith.constant 7 : i32
    %swap3A_605 = arith.index_cast %swap3A_604 : i32 to index
    %swap3A_606 = arith.constant 112 : index
    %swap3A_607 = tpu.vector_load %arg13[%swap3A_605, %swap3A_606] {strides = array<i32>} : memref<25x144xf32, #tpu.memory_space<vmem>>, vector<16xf32>,
    tpu.vector_store %arg13[%swap3A_605, %swap3A_606], %broadcast_in_dim3A_4 {strides = array<i32>} : memref<25x144xf32, #tpu.memory_space<vmem>>, vector<16xf32>,
    %swap3A_608 = arith.constant 7 : i32
    %swap3A_609 = arith.index_cast %swap3A_608 : i32 to index
    %swap3A_610 = arith.constant 128 : index
    %swap3A_611 = tpu.vector_load %arg13[%swap3A_609, %swap3A_610] {strides = array<i32>} : memref<25x144xf32, #tpu.memory_space<vmem>>, vector<16xf32>,
    tpu.vector_store %arg13[%swap3A_609, %swap3A_610], %broadcast_in_dim3A_4 {strides = array<i32>} : memref<25x144xf32, #tpu.memory_space<vmem>>, vector<16xf32>,
    %swap3A_612 = arith.constant 8 : i32
    %swap3A_613 = arith.index_cast %swap3A_612 : i32 to index
    %swap3A_614 = arith.constant 0 : index
    %swap3A_615 = tpu.vector_load %arg13[%swap3A_613, %swap3A_614] {strides = array<i32>} : memref<25x144xf32, #tpu.memory_space<vmem>>, vector<16xf32>,
    tpu.vector_store %arg13[%swap3A_613, %swap3A_614], %broadcast_in_dim3A_4 {strides = array<i32>} : memref<25x144xf32, #tpu.memory_space<vmem>>, vector<16xf32>,
    %swap3A_616 = arith.constant 8 : i32
    %swap3A_617 = arith.index_cast %swap3A_616 : i32 to index
    %swap3A_618 = arith.constant 16 : index
    %swap3A_619 = tpu.vector_load %arg13[%swap3A_617, %swap3A_618] {strides = array<i32>} : memref<25x144xf32, #tpu.memory_space<vmem>>, vector<16xf32>,
    tpu.vector_store %arg13[%swap3A_617, %swap3A_618], %broadcast_in_dim3A_4 {strides = array<i32>} : memref<25x144xf32, #tpu.memory_space<vmem>>, vector<16xf32>,
    %swap3A_620 = arith.constant 8 : i32
    %swap3A_621 = arith.index_cast %swap3A_620 : i32 to index
    %swap3A_622 = arith.constant 32 : index
    %swap3A_623 = tpu.vector_load %arg13[%swap3A_621, %swap3A_622] {strides = array<i32>} : memref<25x144xf32, #tpu.memory_space<vmem>>, vector<16xf32>,
    tpu.vector_store %arg13[%swap3A_621, %swap3A_622], %broadcast_in_dim3A_4 {strides = array<i32>} : memref<25x144xf32, #tpu.memory_space<vmem>>, vector<16xf32>,
    %swap3A_624 = arith.constant 8 : i32
    %swap3A_625 = arith.index_cast %swap3A_624 : i32 to index
    %swap3A_626 = arith.constant 48 : index
    %swap3A_627 = tpu.vector_load %arg13[%swap3A_625, %swap3A_626] {strides = array<i32>} : memref<25x144xf32, #tpu.memory_space<vmem>>, vector<16xf32>,
    tpu.vector_store %arg13[%swap3A_625, %swap3A_626], %broadcast_in_dim3A_4 {strides = array<i32>} : memref<25x144xf32, #tpu.memory_space<vmem>>, vector<16xf32>,
    %swap3A_628 = arith.constant 8 : i32
    %swap3A_629 = arith.index_cast %swap3A_628 : i32 to index
    %swap3A_630 = arith.constant 64 : index
    %swap3A_631 = tpu.vector_load %arg13[%swap3A_629, %swap3A_630] {strides = array<i32>} : memref<25x144xf32, #tpu.memory_space<vmem>>, vector<16xf32>,
    tpu.vector_store %arg13[%swap3A_629, %swap3A_630], %broadcast_in_dim3A_4 {strides = array<i32>} : memref<25x144xf32, #tpu.memory_space<vmem>>, vector<16xf32>,
    %swap3A_632 = arith.constant 8 : i32
    %swap3A_633 = arith.index_cast %swap3A_632 : i32 to index
    %swap3A_634 = arith.constant 80 : index
    %swap3A_635 = tpu.vector_load %arg13[%swap3A_633, %swap3A_634] {strides = array<i32>} : memref<25x144xf32, #tpu.memory_space<vmem>>, vector<16xf32>,
    tpu.vector_store %arg13[%swap3A_633, %swap3A_634], %broadcast_in_dim3A_4 {strides = array<i32>} : memref<25x144xf32, #tpu.memory_space<vmem>>, vector<16xf32>,
    %swap3A_636 = arith.constant 8 : i32
    %swap3A_637 = arith.index_cast %swap3A_636 : i32 to index
    %swap3A_638 = arith.constant 96 : index
    %swap3A_639 = tpu.vector_load %arg13[%swap3A_637, %swap3A_638] {strides = array<i32>} : memref<25x144xf32, #tpu.memory_space<vmem>>, vector<16xf32>,
    tpu.vector_store %arg13[%swap3A_637, %swap3A_638], %broadcast_in_dim3A_4 {strides = array<i32>} : memref<25x144xf32, #tpu.memory_space<vmem>>, vector<16xf32>,
    %swap3A_640 = arith.constant 8 : i32
    %swap3A_641 = arith.index_cast %swap3A_640 : i32 to index
    %swap3A_642 = arith.constant 112 : index
    %swap3A_643 = tpu.vector_load %arg13[%swap3A_641, %swap3A_642] {strides = array<i32>} : memref<25x144xf32, #tpu.memory_space<vmem>>, vector<16xf32>,
    tpu.vector_store %arg13[%swap3A_641, %swap3A_642], %broadcast_in_dim3A_4 {strides = array<i32>} : memref<25x144xf32, #tpu.memory_space<vmem>>, vector<16xf32>,
    %swap3A_644 = arith.constant 8 : i32
    %swap3A_645 = arith.index_cast %swap3A_644 : i32 to index
    %swap3A_646 = arith.constant 128 : index
    %swap3A_647 = tpu.vector_load %arg13[%swap3A_645, %swap3A_646] {strides = array<i32>} : memref<25x144xf32, #tpu.memory_space<vmem>>, vector<16xf32>,
    tpu.vector_store %arg13[%swap3A_645, %swap3A_646], %broadcast_in_dim3A_4 {strides = array<i32>} : memref<25x144xf32, #tpu.memory_space<vmem>>, vector<16xf32>,
    %swap3A_648 = arith.constant 9 : i32
    %swap3A_649 = arith.index_cast %swap3A_648 : i32 to index
    %swap3A_650 = arith.constant 0 : index
    %swap3A_651 = tpu.vector_load %arg13[%swap3A_649, %swap3A_650] {strides = array<i32>} : memref<25x144xf32, #tpu.memory_space<vmem>>, vector<16xf32>,
    tpu.vector_store %arg13[%swap3A_649, %swap3A_650], %broadcast_in_dim3A_4 {strides = array<i32>} : memref<25x144xf32, #tpu.memory_space<vmem>>, vector<16xf32>,
    %swap3A_652 = arith.constant 9 : i32
    %swap3A_653 = arith.index_cast %swap3A_652 : i32 to index
    %swap3A_654 = arith.constant 16 : index
    %swap3A_655 = tpu.vector_load %arg13[%swap3A_653, %swap3A_654] {strides = array<i32>} : memref<25x144xf32, #tpu.memory_space<vmem>>, vector<16xf32>,
    tpu.vector_store %arg13[%swap3A_653, %swap3A_654], %broadcast_in_dim3A_4 {strides = array<i32>} : memref<25x144xf32, #tpu.memory_space<vmem>>, vector<16xf32>,
    %swap3A_656 = arith.constant 9 : i32
    %swap3A_657 = arith.index_cast %swap3A_656 : i32 to index
    %swap3A_658 = arith.constant 32 : index
    %swap3A_659 = tpu.vector_load %arg13[%swap3A_657, %swap3A_658] {strides = array<i32>} : memref<25x144xf32, #tpu.memory_space<vmem>>, vector<16xf32>,
    tpu.vector_store %arg13[%swap3A_657, %swap3A_658], %broadcast_in_dim3A_4 {strides = array<i32>} : memref<25x144xf32, #tpu.memory_space<vmem>>, vector<16xf32>,
    %swap3A_660 = arith.constant 9 : i32
    %swap3A_661 = arith.index_cast %swap3A_660 : i32 to index
    %swap3A_662 = arith.constant 48 : index
    %swap3A_663 = tpu.vector_load %arg13[%swap3A_661, %swap3A_662] {strides = array<i32>} : memref<25x144xf32, #tpu.memory_space<vmem>>, vector<16xf32>,
    tpu.vector_store %arg13[%swap3A_661, %swap3A_662], %broadcast_in_dim3A_4 {strides = array<i32>} : memref<25x144xf32, #tpu.memory_space<vmem>>, vector<16xf32>,
    %swap3A_664 = arith.constant 9 : i32
    %swap3A_665 = arith.index_cast %swap3A_664 : i32 to index
    %swap3A_666 = arith.constant 64 : index
    %swap3A_667 = tpu.vector_load %arg13[%swap3A_665, %swap3A_666] {strides = array<i32>} : memref<25x144xf32, #tpu.memory_space<vmem>>, vector<16xf32>,
    tpu.vector_store %arg13[%swap3A_665, %swap3A_666], %broadcast_in_dim3A_4 {strides = array<i32>} : memref<25x144xf32, #tpu.memory_space<vmem>>, vector<16xf32>,
    %swap3A_668 = arith.constant 9 : i32
    %swap3A_669 = arith.index_cast %swap3A_668 : i32 to index
    %swap3A_670 = arith.constant 80 : index
    %swap3A_671 = tpu.vector_load %arg13[%swap3A_669, %swap3A_670] {strides = array<i32>} : memref<25x144xf32, #tpu.memory_space<vmem>>, vector<16xf32>,
    tpu.vector_store %arg13[%swap3A_669, %swap3A_670], %broadcast_in_dim3A_4 {strides = array<i32>} : memref<25x144xf32, #tpu.memory_space<vmem>>, vector<16xf32>,
    %swap3A_672 = arith.constant 9 : i32
    %swap3A_673 = arith.index_cast %swap3A_672 : i32 to index
    %swap3A_674 = arith.constant 96 : index
    %swap3A_675 = tpu.vector_load %arg13[%swap3A_673, %swap3A_674] {strides = array<i32>} : memref<25x144xf32, #tpu.memory_space<vmem>>, vector<16xf32>,
    tpu.vector_store %arg13[%swap3A_673, %swap3A_674], %broadcast_in_dim3A_4 {strides = array<i32>} : memref<25x144xf32, #tpu.memory_space<vmem>>, vector<16xf32>,
    %swap3A_676 = arith.constant 9 : i32
    %swap3A_677 = arith.index_cast %swap3A_676 : i32 to index
    %swap3A_678 = arith.constant 112 : index
    %swap3A_679 = tpu.vector_load %arg13[%swap3A_677, %swap3A_678] {strides = array<i32>} : memref<25x144xf32, #tpu.memory_space<vmem>>, vector<16xf32>,
    tpu.vector_store %arg13[%swap3A_677, %swap3A_678], %broadcast_in_dim3A_4 {strides = array<i32>} : memref<25x144xf32, #tpu.memory_space<vmem>>, vector<16xf32>,
    %swap3A_680 = arith.constant 9 : i32
    %swap3A_681 = arith.index_cast %swap3A_680 : i32 to index
    %swap3A_682 = arith.constant 128 : index
    %swap3A_683 = tpu.vector_load %arg13[%swap3A_681, %swap3A_682] {strides = array<i32>} : memref<25x144xf32, #tpu.memory_space<vmem>>, vector<16xf32>,
    tpu.vector_store %arg13[%swap3A_681, %swap3A_682], %broadcast_in_dim3A_4 {strides = array<i32>} : memref<25x144xf32, #tpu.memory_space<vmem>>, vector<16xf32>,
    %swap3A_684 = arith.constant 10 : i32
    %swap3A_685 = arith.index_cast %swap3A_684 : i32 to index
    %swap3A_686 = arith.constant 0 : index
    %swap3A_687 = tpu.vector_load %arg13[%swap3A_685, %swap3A_686] {strides = array<i32>} : memref<25x144xf32, #tpu.memory_space<vmem>>, vector<16xf32>,
    tpu.vector_store %arg13[%swap3A_685, %swap3A_686], %broadcast_in_dim3A_4 {strides = array<i32>} : memref<25x144xf32, #tpu.memory_space<vmem>>, vector<16xf32>,
    %swap3A_688 = arith.constant 10 : i32
    %swap3A_689 = arith.index_cast %swap3A_688 : i32 to index
    %swap3A_690 = arith.constant 16 : index
    %swap3A_691 = tpu.vector_load %arg13[%swap3A_689, %swap3A_690] {strides = array<i32>} : memref<25x144xf32, #tpu.memory_space<vmem>>, vector<16xf32>,
    tpu.vector_store %arg13[%swap3A_689, %swap3A_690], %broadcast_in_dim3A_4 {strides = array<i32>} : memref<25x144xf32, #tpu.memory_space<vmem>>, vector<16xf32>,
    %swap3A_692 = arith.constant 10 : i32
    %swap3A_693 = arith.index_cast %swap3A_692 : i32 to index
    %swap3A_694 = arith.constant 32 : index
    %swap3A_695 = tpu.vector_load %arg13[%swap3A_693, %swap3A_694] {strides = array<i32>} : memref<25x144xf32, #tpu.memory_space<vmem>>, vector<16xf32>,
    tpu.vector_store %arg13[%swap3A_693, %swap3A_694], %broadcast_in_dim3A_4 {strides = array<i32>} : memref<25x144xf32, #tpu.memory_space<vmem>>, vector<16xf32>,
    %swap3A_696 = arith.constant 10 : i32
    %swap3A_697 = arith.index_cast %swap3A_696 : i32 to index
    %swap3A_698 = arith.constant 48 : index
    %swap3A_699 = tpu.vector_load %arg13[%swap3A_697, %swap3A_698] {strides = array<i32>} : memref<25x144xf32, #tpu.memory_space<vmem>>, vector<16xf32>,
    tpu.vector_store %arg13[%swap3A_697, %swap3A_698], %broadcast_in_dim3A_4 {strides = array<i32>} : memref<25x144xf32, #tpu.memory_space<vmem>>, vector<16xf32>,
    %swap3A_700 = arith.constant 10 : i32
    %swap3A_701 = arith.index_cast %swap3A_700 : i32 to index
    %swap3A_702 = arith.constant 64 : index
    %swap3A_703 = tpu.vector_load %arg13[%swap3A_701, %swap3A_702] {strides = array<i32>} : memref<25x144xf32, #tpu.memory_space<vmem>>, vector<16xf32>,
    tpu.vector_store %arg13[%swap3A_701, %swap3A_702], %broadcast_in_dim3A_4 {strides = array<i32>} : memref<25x144xf32, #tpu.memory_space<vmem>>, vector<16xf32>,
    %swap3A_704 = arith.constant 10 : i32
    %swap3A_705 = arith.index_cast %swap3A_704 : i32 to index
    %swap3A_706 = arith.constant 80 : index
    %swap3A_707 = tpu.vector_load %arg13[%swap3A_705, %swap3A_706] {strides = array<i32>} : memref<25x144xf32, #tpu.memory_space<vmem>>, vector<16xf32>,
    tpu.vector_store %arg13[%swap3A_705, %swap3A_706], %broadcast_in_dim3A_4 {strides = array<i32>} : memref<25x144xf32, #tpu.memory_space<vmem>>, vector<16xf32>,
    %swap3A_708 = arith.constant 10 : i32
    %swap3A_709 = arith.index_cast %swap3A_708 : i32 to index
    %swap3A_710 = arith.constant 96 : index
    %swap3A_711 = tpu.vector_load %arg13[%swap3A_709, %swap3A_710] {strides = array<i32>} : memref<25x144xf32, #tpu.memory_space<vmem>>, vector<16xf32>,
    tpu.vector_store %arg13[%swap3A_709, %swap3A_710], %broadcast_in_dim3A_4 {strides = array<i32>} : memref<25x144xf32, #tpu.memory_space<vmem>>, vector<16xf32>,
    %swap3A_712 = arith.constant 10 : i32
    %swap3A_713 = arith.index_cast %swap3A_712 : i32 to index
    %swap3A_714 = arith.constant 112 : index
    %swap3A_715 = tpu.vector_load %arg13[%swap3A_713, %swap3A_714] {strides = array<i32>} : memref<25x144xf32, #tpu.memory_space<vmem>>, vector<16xf32>,
    tpu.vector_store %arg13[%swap3A_713, %swap3A_714], %broadcast_in_dim3A_4 {strides = array<i32>} : memref<25x144xf32, #tpu.memory_space<vmem>>, vector<16xf32>,
    %swap3A_716 = arith.constant 10 : i32
    %swap3A_717 = arith.index_cast %swap3A_716 : i32 to index
    %swap3A_718 = arith.constant 128 : index
    %swap3A_719 = tpu.vector_load %arg13[%swap3A_717, %swap3A_718] {strides = array<i32>} : memref<25x144xf32, #tpu.memory_space<vmem>>, vector<16xf32>,
    tpu.vector_store %arg13[%swap3A_717, %swap3A_718], %broadcast_in_dim3A_4 {strides = array<i32>} : memref<25x144xf32, #tpu.memory_space<vmem>>, vector<16xf32>,
    %swap3A_720 = arith.constant 11 : i32
    %swap3A_721 = arith.index_cast %swap3A_720 : i32 to index
    %swap3A_722 = arith.constant 0 : index
    %swap3A_723 = tpu.vector_load %arg13[%swap3A_721, %swap3A_722] {strides = array<i32>} : memref<25x144xf32, #tpu.memory_space<vmem>>, vector<16xf32>,
    tpu.vector_store %arg13[%swap3A_721, %swap3A_722], %broadcast_in_dim3A_4 {strides = array<i32>} : memref<25x144xf32, #tpu.memory_space<vmem>>, vector<16xf32>,
    %swap3A_724 = arith.constant 11 : i32
    %swap3A_725 = arith.index_cast %swap3A_724 : i32 to index
    %swap3A_726 = arith.constant 16 : index
    %swap3A_727 = tpu.vector_load %arg13[%swap3A_725, %swap3A_726] {strides = array<i32>} : memref<25x144xf32, #tpu.memory_space<vmem>>, vector<16xf32>,
    tpu.vector_store %arg13[%swap3A_725, %swap3A_726], %broadcast_in_dim3A_4 {strides = array<i32>} : memref<25x144xf32, #tpu.memory_space<vmem>>, vector<16xf32>,
    %swap3A_728 = arith.constant 11 : i32
    %swap3A_729 = arith.index_cast %swap3A_728 : i32 to index
    %swap3A_730 = arith.constant 32 : index
    %swap3A_731 = tpu.vector_load %arg13[%swap3A_729, %swap3A_730] {strides = array<i32>} : memref<25x144xf32, #tpu.memory_space<vmem>>, vector<16xf32>,
    tpu.vector_store %arg13[%swap3A_729, %swap3A_730], %broadcast_in_dim3A_4 {strides = array<i32>} : memref<25x144xf32, #tpu.memory_space<vmem>>, vector<16xf32>,
    %swap3A_732 = arith.constant 11 : i32
    %swap3A_733 = arith.index_cast %swap3A_732 : i32 to index
    %swap3A_734 = arith.constant 48 : index
    %swap3A_735 = tpu.vector_load %arg13[%swap3A_733, %swap3A_734] {strides = array<i32>} : memref<25x144xf32, #tpu.memory_space<vmem>>, vector<16xf32>,
    tpu.vector_store %arg13[%swap3A_733, %swap3A_734], %broadcast_in_dim3A_4 {strides = array<i32>} : memref<25x144xf32, #tpu.memory_space<vmem>>, vector<16xf32>,
    %swap3A_736 = arith.constant 11 : i32
    %swap3A_737 = arith.index_cast %swap3A_736 : i32 to index
    %swap3A_738 = arith.constant 64 : index
    %swap3A_739 = tpu.vector_load %arg13[%swap3A_737, %swap3A_738] {strides = array<i32>} : memref<25x144xf32, #tpu.memory_space<vmem>>, vector<16xf32>,
    tpu.vector_store %arg13[%swap3A_737, %swap3A_738], %broadcast_in_dim3A_4 {strides = array<i32>} : memref<25x144xf32, #tpu.memory_space<vmem>>, vector<16xf32>,
    %swap3A_740 = arith.constant 11 : i32
    %swap3A_741 = arith.index_cast %swap3A_740 : i32 to index
    %swap3A_742 = arith.constant 80 : index
    %swap3A_743 = tpu.vector_load %arg13[%swap3A_741, %swap3A_742] {strides = array<i32>} : memref<25x144xf32, #tpu.memory_space<vmem>>, vector<16xf32>,
    tpu.vector_store %arg13[%swap3A_741, %swap3A_742], %broadcast_in_dim3A_4 {strides = array<i32>} : memref<25x144xf32, #tpu.memory_space<vmem>>, vector<16xf32>,
    %swap3A_744 = arith.constant 11 : i32
    %swap3A_745 = arith.index_cast %swap3A_744 : i32 to index
    %swap3A_746 = arith.constant 96 : index
    %swap3A_747 = tpu.vector_load %arg13[%swap3A_745, %swap3A_746] {strides = array<i32>} : memref<25x144xf32, #tpu.memory_space<vmem>>, vector<16xf32>,
    tpu.vector_store %arg13[%swap3A_745, %swap3A_746], %broadcast_in_dim3A_4 {strides = array<i32>} : memref<25x144xf32, #tpu.memory_space<vmem>>, vector<16xf32>,
    %swap3A_748 = arith.constant 11 : i32
    %swap3A_749 = arith.index_cast %swap3A_748 : i32 to index
    %swap3A_750 = arith.constant 112 : index
    %swap3A_751 = tpu.vector_load %arg13[%swap3A_749, %swap3A_750] {strides = array<i32>} : memref<25x144xf32, #tpu.memory_space<vmem>>, vector<16xf32>,
    tpu.vector_store %arg13[%swap3A_749, %swap3A_750], %broadcast_in_dim3A_4 {strides = array<i32>} : memref<25x144xf32, #tpu.memory_space<vmem>>, vector<16xf32>,
    %swap3A_752 = arith.constant 11 : i32
    %swap3A_753 = arith.index_cast %swap3A_752 : i32 to index
    %swap3A_754 = arith.constant 128 : index
    %swap3A_755 = tpu.vector_load %arg13[%swap3A_753, %swap3A_754] {strides = array<i32>} : memref<25x144xf32, #tpu.memory_space<vmem>>, vector<16xf32>,
    tpu.vector_store %arg13[%swap3A_753, %swap3A_754], %broadcast_in_dim3A_4 {strides = array<i32>} : memref<25x144xf32, #tpu.memory_space<vmem>>, vector<16xf32>,
    %swap3A_756 = arith.constant 12 : i32
    %swap3A_757 = arith.index_cast %swap3A_756 : i32 to index
    %swap3A_758 = arith.constant 0 : index
    %swap3A_759 = tpu.vector_load %arg13[%swap3A_757, %swap3A_758] {strides = array<i32>} : memref<25x144xf32, #tpu.memory_space<vmem>>, vector<16xf32>,
    tpu.vector_store %arg13[%swap3A_757, %swap3A_758], %broadcast_in_dim3A_4 {strides = array<i32>} : memref<25x144xf32, #tpu.memory_space<vmem>>, vector<16xf32>,
    %swap3A_760 = arith.constant 12 : i32
    %swap3A_761 = arith.index_cast %swap3A_760 : i32 to index
    %swap3A_762 = arith.constant 16 : index
    %swap3A_763 = tpu.vector_load %arg13[%swap3A_761, %swap3A_762] {strides = array<i32>} : memref<25x144xf32, #tpu.memory_space<vmem>>, vector<16xf32>,
    tpu.vector_store %arg13[%swap3A_761, %swap3A_762], %broadcast_in_dim3A_4 {strides = array<i32>} : memref<25x144xf32, #tpu.memory_space<vmem>>, vector<16xf32>,
    %swap3A_764 = arith.constant 12 : i32
    %swap3A_765 = arith.index_cast %swap3A_764 : i32 to index
    %swap3A_766 = arith.constant 32 : index
    %swap3A_767 = tpu.vector_load %arg13[%swap3A_765, %swap3A_766] {strides = array<i32>} : memref<25x144xf32, #tpu.memory_space<vmem>>, vector<16xf32>,
    tpu.vector_store %arg13[%swap3A_765, %swap3A_766], %broadcast_in_dim3A_4 {strides = array<i32>} : memref<25x144xf32, #tpu.memory_space<vmem>>, vector<16xf32>,
    %swap3A_768 = arith.constant 12 : i32
    %swap3A_769 = arith.index_cast %swap3A_768 : i32 to index
    %swap3A_770 = arith.constant 48 : index
    %swap3A_771 = tpu.vector_load %arg13[%swap3A_769, %swap3A_770] {strides = array<i32>} : memref<25x144xf32, #tpu.memory_space<vmem>>, vector<16xf32>,
    tpu.vector_store %arg13[%swap3A_769, %swap3A_770], %broadcast_in_dim3A_4 {strides = array<i32>} : memref<25x144xf32, #tpu.memory_space<vmem>>, vector<16xf32>,
    %swap3A_772 = arith.constant 12 : i32
    %swap3A_773 = arith.index_cast %swap3A_772 : i32 to index
    %swap3A_774 = arith.constant 64 : index
    %swap3A_775 = tpu.vector_load %arg13[%swap3A_773, %swap3A_774] {strides = array<i32>} : memref<25x144xf32, #tpu.memory_space<vmem>>, vector<16xf32>,
    tpu.vector_store %arg13[%swap3A_773, %swap3A_774], %broadcast_in_dim3A_4 {strides = array<i32>} : memref<25x144xf32, #tpu.memory_space<vmem>>, vector<16xf32>,
    %swap3A_776 = arith.constant 12 : i32
    %swap3A_777 = arith.index_cast %swap3A_776 : i32 to index
    %swap3A_778 = arith.constant 80 : index
    %swap3A_779 = tpu.vector_load %arg13[%swap3A_777, %swap3A_778] {strides = array<i32>} : memref<25x144xf32, #tpu.memory_space<vmem>>, vector<16xf32>,
    tpu.vector_store %arg13[%swap3A_777, %swap3A_778], %broadcast_in_dim3A_4 {strides = array<i32>} : memref<25x144xf32, #tpu.memory_space<vmem>>, vector<16xf32>,
    %swap3A_780 = arith.constant 12 : i32
    %swap3A_781 = arith.index_cast %swap3A_780 : i32 to index
    %swap3A_782 = arith.constant 96 : index
    %swap3A_783 = tpu.vector_load %arg13[%swap3A_781, %swap3A_782] {strides = array<i32>} : memref<25x144xf32, #tpu.memory_space<vmem>>, vector<16xf32>,
    tpu.vector_store %arg13[%swap3A_781, %swap3A_782], %broadcast_in_dim3A_4 {strides = array<i32>} : memref<25x144xf32, #tpu.memory_space<vmem>>, vector<16xf32>,
    %swap3A_784 = arith.constant 12 : i32
    %swap3A_785 = arith.index_cast %swap3A_784 : i32 to index
    %swap3A_786 = arith.constant 112 : index
    %swap3A_787 = tpu.vector_load %arg13[%swap3A_785, %swap3A_786] {strides = array<i32>} : memref<25x144xf32, #tpu.memory_space<vmem>>, vector<16xf32>,
    tpu.vector_store %arg13[%swap3A_785, %swap3A_786], %broadcast_in_dim3A_4 {strides = array<i32>} : memref<25x144xf32, #tpu.memory_space<vmem>>, vector<16xf32>,
    %swap3A_788 = arith.constant 12 : i32
    %swap3A_789 = arith.index_cast %swap3A_788 : i32 to index
    %swap3A_790 = arith.constant 128 : index
    %swap3A_791 = tpu.vector_load %arg13[%swap3A_789, %swap3A_790] {strides = array<i32>} : memref<25x144xf32, #tpu.memory_space<vmem>>, vector<16xf32>,
    tpu.vector_store %arg13[%swap3A_789, %swap3A_790], %broadcast_in_dim3A_4 {strides = array<i32>} : memref<25x144xf32, #tpu.memory_space<vmem>>, vector<16xf32>,
    %swap3A_792 = arith.constant 13 : i32
    %swap3A_793 = arith.index_cast %swap3A_792 : i32 to index
    %swap3A_794 = arith.constant 0 : index
    %swap3A_795 = tpu.vector_load %arg13[%swap3A_793, %swap3A_794] {strides = array<i32>} : memref<25x144xf32, #tpu.memory_space<vmem>>, vector<16xf32>,
    tpu.vector_store %arg13[%swap3A_793, %swap3A_794], %broadcast_in_dim3A_4 {strides = array<i32>} : memref<25x144xf32, #tpu.memory_space<vmem>>, vector<16xf32>,
    %swap3A_796 = arith.constant 13 : i32
    %swap3A_797 = arith.index_cast %swap3A_796 : i32 to index
    %swap3A_798 = arith.constant 16 : index
    %swap3A_799 = tpu.vector_load %arg13[%swap3A_797, %swap3A_798] {strides = array<i32>} : memref<25x144xf32, #tpu.memory_space<vmem>>, vector<16xf32>,
    tpu.vector_store %arg13[%swap3A_797, %swap3A_798], %broadcast_in_dim3A_4 {strides = array<i32>} : memref<25x144xf32, #tpu.memory_space<vmem>>, vector<16xf32>,
    %swap3A_800 = arith.constant 13 : i32
    %swap3A_801 = arith.index_cast %swap3A_800 : i32 to index
    %swap3A_802 = arith.constant 32 : index
    %swap3A_803 = tpu.vector_load %arg13[%swap3A_801, %swap3A_802] {strides = array<i32>} : memref<25x144xf32, #tpu.memory_space<vmem>>, vector<16xf32>,
    tpu.vector_store %arg13[%swap3A_801, %swap3A_802], %broadcast_in_dim3A_4 {strides = array<i32>} : memref<25x144xf32, #tpu.memory_space<vmem>>, vector<16xf32>,
    %swap3A_804 = arith.constant 13 : i32
    %swap3A_805 = arith.index_cast %swap3A_804 : i32 to index
    %swap3A_806 = arith.constant 48 : index
    %swap3A_807 = tpu.vector_load %arg13[%swap3A_805, %swap3A_806] {strides = array<i32>} : memref<25x144xf32, #tpu.memory_space<vmem>>, vector<16xf32>,
    tpu.vector_store %arg13[%swap3A_805, %swap3A_806], %broadcast_in_dim3A_4 {strides = array<i32>} : memref<25x144xf32, #tpu.memory_space<vmem>>, vector<16xf32>,
    %swap3A_808 = arith.constant 13 : i32
    %swap3A_809 = arith.index_cast %swap3A_808 : i32 to index
    %swap3A_810 = arith.constant 64 : index
    %swap3A_811 = tpu.vector_load %arg13[%swap3A_809, %swap3A_810] {strides = array<i32>} : memref<25x144xf32, #tpu.memory_space<vmem>>, vector<16xf32>,
    tpu.vector_store %arg13[%swap3A_809, %swap3A_810], %broadcast_in_dim3A_4 {strides = array<i32>} : memref<25x144xf32, #tpu.memory_space<vmem>>, vector<16xf32>,
    %swap3A_812 = arith.constant 13 : i32
    %swap3A_813 = arith.index_cast %swap3A_812 : i32 to index
    %swap3A_814 = arith.constant 80 : index
    %swap3A_815 = tpu.vector_load %arg13[%swap3A_813, %swap3A_814] {strides = array<i32>} : memref<25x144xf32, #tpu.memory_space<vmem>>, vector<16xf32>,
    tpu.vector_store %arg13[%swap3A_813, %swap3A_814], %broadcast_in_dim3A_4 {strides = array<i32>} : memref<25x144xf32, #tpu.memory_space<vmem>>, vector<16xf32>,
    %swap3A_816 = arith.constant 13 : i32
    %swap3A_817 = arith.index_cast %swap3A_816 : i32 to index
    %swap3A_818 = arith.constant 96 : index
    %swap3A_819 = tpu.vector_load %arg13[%swap3A_817, %swap3A_818] {strides = array<i32>} : memref<25x144xf32, #tpu.memory_space<vmem>>, vector<16xf32>,
    tpu.vector_store %arg13[%swap3A_817, %swap3A_818], %broadcast_in_dim3A_4 {strides = array<i32>} : memref<25x144xf32, #tpu.memory_space<vmem>>, vector<16xf32>,
    %swap3A_820 = arith.constant 13 : i32
    %swap3A_821 = arith.index_cast %swap3A_820 : i32 to index
    %swap3A_822 = arith.constant 112 : index
    %swap3A_823 = tpu.vector_load %arg13[%swap3A_821, %swap3A_822] {strides = array<i32>} : memref<25x144xf32, #tpu.memory_space<vmem>>, vector<16xf32>,
    tpu.vector_store %arg13[%swap3A_821, %swap3A_822], %broadcast_in_dim3A_4 {strides = array<i32>} : memref<25x144xf32, #tpu.memory_space<vmem>>, vector<16xf32>,
    %swap3A_824 = arith.constant 13 : i32
    %swap3A_825 = arith.index_cast %swap3A_824 : i32 to index
    %swap3A_826 = arith.constant 128 : index
    %swap3A_827 = tpu.vector_load %arg13[%swap3A_825, %swap3A_826] {strides = array<i32>} : memref<25x144xf32, #tpu.memory_space<vmem>>, vector<16xf32>,
    tpu.vector_store %arg13[%swap3A_825, %swap3A_826], %broadcast_in_dim3A_4 {strides = array<i32>} : memref<25x144xf32, #tpu.memory_space<vmem>>, vector<16xf32>,
    %swap3A_828 = arith.constant 14 : i32
    %swap3A_829 = arith.index_cast %swap3A_828 : i32 to index
    %swap3A_830 = arith.constant 0 : index
    %swap3A_831 = tpu.vector_load %arg13[%swap3A_829, %swap3A_830] {strides = array<i32>} : memref<25x144xf32, #tpu.memory_space<vmem>>, vector<16xf32>,
    tpu.vector_store %arg13[%swap3A_829, %swap3A_830], %broadcast_in_dim3A_4 {strides = array<i32>} : memref<25x144xf32, #tpu.memory_space<vmem>>, vector<16xf32>,
    %swap3A_832 = arith.constant 14 : i32
    %swap3A_833 = arith.index_cast %swap3A_832 : i32 to index
    %swap3A_834 = arith.constant 16 : index
    %swap3A_835 = tpu.vector_load %arg13[%swap3A_833, %swap3A_834] {strides = array<i32>} : memref<25x144xf32, #tpu.memory_space<vmem>>, vector<16xf32>,
    tpu.vector_store %arg13[%swap3A_833, %swap3A_834], %broadcast_in_dim3A_4 {strides = array<i32>} : memref<25x144xf32, #tpu.memory_space<vmem>>, vector<16xf32>,
    %swap3A_836 = arith.constant 14 : i32
    %swap3A_837 = arith.index_cast %swap3A_836 : i32 to index
    %swap3A_838 = arith.constant 32 : index
    %swap3A_839 = tpu.vector_load %arg13[%swap3A_837, %swap3A_838] {strides = array<i32>} : memref<25x144xf32, #tpu.memory_space<vmem>>, vector<16xf32>,
    tpu.vector_store %arg13[%swap3A_837, %swap3A_838], %broadcast_in_dim3A_4 {strides = array<i32>} : memref<25x144xf32, #tpu.memory_space<vmem>>, vector<16xf32>,
    %swap3A_840 = arith.constant 14 : i32
    %swap3A_841 = arith.index_cast %swap3A_840 : i32 to index
    %swap3A_842 = arith.constant 48 : index
    %swap3A_843 = tpu.vector_load %arg13[%swap3A_841, %swap3A_842] {strides = array<i32>} : memref<25x144xf32, #tpu.memory_space<vmem>>, vector<16xf32>,
    tpu.vector_store %arg13[%swap3A_841, %swap3A_842], %broadcast_in_dim3A_4 {strides = array<i32>} : memref<25x144xf32, #tpu.memory_space<vmem>>, vector<16xf32>,
    %swap3A_844 = arith.constant 14 : i32
    %swap3A_845 = arith.index_cast %swap3A_844 : i32 to index
    %swap3A_846 = arith.constant 64 : index
    %swap3A_847 = tpu.vector_load %arg13[%swap3A_845, %swap3A_846] {strides = array<i32>} : memref<25x144xf32, #tpu.memory_space<vmem>>, vector<16xf32>,
    tpu.vector_store %arg13[%swap3A_845, %swap3A_846], %broadcast_in_dim3A_4 {strides = array<i32>} : memref<25x144xf32, #tpu.memory_space<vmem>>, vector<16xf32>,
    %swap3A_848 = arith.constant 14 : i32
    %swap3A_849 = arith.index_cast %swap3A_848 : i32 to index
    %swap3A_850 = arith.constant 80 : index
    %swap3A_851 = tpu.vector_load %arg13[%swap3A_849, %swap3A_850] {strides = array<i32>} : memref<25x144xf32, #tpu.memory_space<vmem>>, vector<16xf32>,
    tpu.vector_store %arg13[%swap3A_849, %swap3A_850], %broadcast_in_dim3A_4 {strides = array<i32>} : memref<25x144xf32, #tpu.memory_space<vmem>>, vector<16xf32>,
    %swap3A_852 = arith.constant 14 : i32
    %swap3A_853 = arith.index_cast %swap3A_852 : i32 to index
    %swap3A_854 = arith.constant 96 : index
    %swap3A_855 = tpu.vector_load %arg13[%swap3A_853, %swap3A_854] {strides = array<i32>} : memref<25x144xf32, #tpu.memory_space<vmem>>, vector<16xf32>,
    tpu.vector_store %arg13[%swap3A_853, %swap3A_854], %broadcast_in_dim3A_4 {strides = array<i32>} : memref<25x144xf32, #tpu.memory_space<vmem>>, vector<16xf32>,
    %swap3A_856 = arith.constant 14 : i32
    %swap3A_857 = arith.index_cast %swap3A_856 : i32 to index
    %swap3A_858 = arith.constant 112 : index
    %swap3A_859 = tpu.vector_load %arg13[%swap3A_857, %swap3A_858] {strides = array<i32>} : memref<25x144xf32, #tpu.memory_space<vmem>>, vector<16xf32>,
    tpu.vector_store %arg13[%swap3A_857, %swap3A_858], %broadcast_in_dim3A_4 {strides = array<i32>} : memref<25x144xf32, #tpu.memory_space<vmem>>, vector<16xf32>,
    %swap3A_860 = arith.constant 14 : i32
    %swap3A_861 = arith.index_cast %swap3A_860 : i32 to index
    %swap3A_862 = arith.constant 128 : index
    %swap3A_863 = tpu.vector_load %arg13[%swap3A_861, %swap3A_862] {strides = array<i32>} : memref<25x144xf32, #tpu.memory_space<vmem>>, vector<16xf32>,
    tpu.vector_store %arg13[%swap3A_861, %swap3A_862], %broadcast_in_dim3A_4 {strides = array<i32>} : memref<25x144xf32, #tpu.memory_space<vmem>>, vector<16xf32>,
    %swap3A_864 = arith.constant 15 : i32
    %swap3A_865 = arith.index_cast %swap3A_864 : i32 to index
    %swap3A_866 = arith.constant 0 : index
    %swap3A_867 = tpu.vector_load %arg13[%swap3A_865, %swap3A_866] {strides = array<i32>} : memref<25x144xf32, #tpu.memory_space<vmem>>, vector<16xf32>,
    tpu.vector_store %arg13[%swap3A_865, %swap3A_866], %broadcast_in_dim3A_4 {strides = array<i32>} : memref<25x144xf32, #tpu.memory_space<vmem>>, vector<16xf32>,
    %swap3A_868 = arith.constant 15 : i32
    %swap3A_869 = arith.index_cast %swap3A_868 : i32 to index
    %swap3A_870 = arith.constant 16 : index
    %swap3A_871 = tpu.vector_load %arg13[%swap3A_869, %swap3A_870] {strides = array<i32>} : memref<25x144xf32, #tpu.memory_space<vmem>>, vector<16xf32>,
    tpu.vector_store %arg13[%swap3A_869, %swap3A_870], %broadcast_in_dim3A_4 {strides = array<i32>} : memref<25x144xf32, #tpu.memory_space<vmem>>, vector<16xf32>,
    %swap3A_872 = arith.constant 15 : i32
    %swap3A_873 = arith.index_cast %swap3A_872 : i32 to index
    %swap3A_874 = arith.constant 32 : index
    %swap3A_875 = tpu.vector_load %arg13[%swap3A_873, %swap3A_874] {strides = array<i32>} : memref<25x144xf32, #tpu.memory_space<vmem>>, vector<16xf32>,
    tpu.vector_store %arg13[%swap3A_873, %swap3A_874], %broadcast_in_dim3A_4 {strides = array<i32>} : memref<25x144xf32, #tpu.memory_space<vmem>>, vector<16xf32>,
    %swap3A_876 = arith.constant 15 : i32
    %swap3A_877 = arith.index_cast %swap3A_876 : i32 to index
    %swap3A_878 = arith.constant 48 : index
    %swap3A_879 = tpu.vector_load %arg13[%swap3A_877, %swap3A_878] {strides = array<i32>} : memref<25x144xf32, #tpu.memory_space<vmem>>, vector<16xf32>,
    tpu.vector_store %arg13[%swap3A_877, %swap3A_878], %broadcast_in_dim3A_4 {strides = array<i32>} : memref<25x144xf32, #tpu.memory_space<vmem>>, vector<16xf32>,
    %swap3A_880 = arith.constant 15 : i32
    %swap3A_881 = arith.index_cast %swap3A_880 : i32 to index
    %swap3A_882 = arith.constant 64 : index
    %swap3A_883 = tpu.vector_load %arg13[%swap3A_881, %swap3A_882] {strides = array<i32>} : memref<25x144xf32, #tpu.memory_space<vmem>>, vector<16xf32>,
    tpu.vector_store %arg13[%swap3A_881, %swap3A_882], %broadcast_in_dim3A_4 {strides = array<i32>} : memref<25x144xf32, #tpu.memory_space<vmem>>, vector<16xf32>,
    %swap3A_884 = arith.constant 15 : i32
    %swap3A_885 = arith.index_cast %swap3A_884 : i32 to index
    %swap3A_886 = arith.constant 80 : index
    %swap3A_887 = tpu.vector_load %arg13[%swap3A_885, %swap3A_886] {strides = array<i32>} : memref<25x144xf32, #tpu.memory_space<vmem>>, vector<16xf32>,
    tpu.vector_store %arg13[%swap3A_885, %swap3A_886], %broadcast_in_dim3A_4 {strides = array<i32>} : memref<25x144xf32, #tpu.memory_space<vmem>>, vector<16xf32>,
    %swap3A_888 = arith.constant 15 : i32
    %swap3A_889 = arith.index_cast %swap3A_888 : i32 to index
    %swap3A_890 = arith.constant 96 : index
    %swap3A_891 = tpu.vector_load %arg13[%swap3A_889, %swap3A_890] {strides = array<i32>} : memref<25x144xf32, #tpu.memory_space<vmem>>, vector<16xf32>,
    tpu.vector_store %arg13[%swap3A_889, %swap3A_890], %broadcast_in_dim3A_4 {strides = array<i32>} : memref<25x144xf32, #tpu.memory_space<vmem>>, vector<16xf32>,
    %swap3A_892 = arith.constant 15 : i32
    %swap3A_893 = arith.index_cast %swap3A_892 : i32 to index
    %swap3A_894 = arith.constant 112 : index
    %swap3A_895 = tpu.vector_load %arg13[%swap3A_893, %swap3A_894] {strides = array<i32>} : memref<25x144xf32, #tpu.memory_space<vmem>>, vector<16xf32>,
    tpu.vector_store %arg13[%swap3A_893, %swap3A_894], %broadcast_in_dim3A_4 {strides = array<i32>} : memref<25x144xf32, #tpu.memory_space<vmem>>, vector<16xf32>,
    %swap3A_896 = arith.constant 15 : i32
    %swap3A_897 = arith.index_cast %swap3A_896 : i32 to index
    %swap3A_898 = arith.constant 128 : index
    %swap3A_899 = tpu.vector_load %arg13[%swap3A_897, %swap3A_898] {strides = array<i32>} : memref<25x144xf32, #tpu.memory_space<vmem>>, vector<16xf32>,
    tpu.vector_store %arg13[%swap3A_897, %swap3A_898], %broadcast_in_dim3A_4 {strides = array<i32>} : memref<25x144xf32, #tpu.memory_space<vmem>>, vector<16xf32>,
    %swap3A_900 = arith.constant 16 : i32
    %swap3A_901 = arith.index_cast %swap3A_900 : i32 to index
    %swap3A_902 = arith.constant 0 : index
    %swap3A_903 = tpu.vector_load %arg13[%swap3A_901, %swap3A_902] {strides = array<i32>} : memref<25x144xf32, #tpu.memory_space<vmem>>, vector<16xf32>,
    tpu.vector_store %arg13[%swap3A_901, %swap3A_902], %broadcast_in_dim3A_4 {strides = array<i32>} : memref<25x144xf32, #tpu.memory_space<vmem>>, vector<16xf32>,
    %swap3A_904 = arith.constant 16 : i32
    %swap3A_905 = arith.index_cast %swap3A_904 : i32 to index
    %swap3A_906 = arith.constant 16 : index
    %swap3A_907 = tpu.vector_load %arg13[%swap3A_905, %swap3A_906] {strides = array<i32>} : memref<25x144xf32, #tpu.memory_space<vmem>>, vector<16xf32>,
    tpu.vector_store %arg13[%swap3A_905, %swap3A_906], %broadcast_in_dim3A_4 {strides = array<i32>} : memref<25x144xf32, #tpu.memory_space<vmem>>, vector<16xf32>,
    %swap3A_908 = arith.constant 16 : i32
    %swap3A_909 = arith.index_cast %swap3A_908 : i32 to index
    %swap3A_910 = arith.constant 32 : index
    %swap3A_911 = tpu.vector_load %arg13[%swap3A_909, %swap3A_910] {strides = array<i32>} : memref<25x144xf32, #tpu.memory_space<vmem>>, vector<16xf32>,
    tpu.vector_store %arg13[%swap3A_909, %swap3A_910], %broadcast_in_dim3A_4 {strides = array<i32>} : memref<25x144xf32, #tpu.memory_space<vmem>>, vector<16xf32>,
    %swap3A_912 = arith.constant 16 : i32
    %swap3A_913 = arith.index_cast %swap3A_912 : i32 to index
    %swap3A_914 = arith.constant 48 : index
    %swap3A_915 = tpu.vector_load %arg13[%swap3A_913, %swap3A_914] {strides = array<i32>} : memref<25x144xf32, #tpu.memory_space<vmem>>, vector<16xf32>,
    tpu.vector_store %arg13[%swap3A_913, %swap3A_914], %broadcast_in_dim3A_4 {strides = array<i32>} : memref<25x144xf32, #tpu.memory_space<vmem>>, vector<16xf32>,
    %swap3A_916 = arith.constant 16 : i32
    %swap3A_917 = arith.index_cast %swap3A_916 : i32 to index
    %swap3A_918 = arith.constant 64 : index
    %swap3A_919 = tpu.vector_load %arg13[%swap3A_917, %swap3A_918] {strides = array<i32>} : memref<25x144xf32, #tpu.memory_space<vmem>>, vector<16xf32>,
    tpu.vector_store %arg13[%swap3A_917, %swap3A_918], %broadcast_in_dim3A_4 {strides = array<i32>} : memref<25x144xf32, #tpu.memory_space<vmem>>, vector<16xf32>,
    %swap3A_920 = arith.constant 16 : i32
    %swap3A_921 = arith.index_cast %swap3A_920 : i32 to index
    %swap3A_922 = arith.constant 80 : index
    %swap3A_923 = tpu.vector_load %arg13[%swap3A_921, %swap3A_922] {strides = array<i32>} : memref<25x144xf32, #tpu.memory_space<vmem>>, vector<16xf32>,
    tpu.vector_store %arg13[%swap3A_921, %swap3A_922], %broadcast_in_dim3A_4 {strides = array<i32>} : memref<25x144xf32, #tpu.memory_space<vmem>>, vector<16xf32>,
    %swap3A_924 = arith.constant 16 : i32
    %swap3A_925 = arith.index_cast %swap3A_924 : i32 to index
    %swap3A_926 = arith.constant 96 : index
    %swap3A_927 = tpu.vector_load %arg13[%swap3A_925, %swap3A_926] {strides = array<i32>} : memref<25x144xf32, #tpu.memory_space<vmem>>, vector<16xf32>,
    tpu.vector_store %arg13[%swap3A_925, %swap3A_926], %broadcast_in_dim3A_4 {strides = array<i32>} : memref<25x144xf32, #tpu.memory_space<vmem>>, vector<16xf32>,
    %swap3A_928 = arith.constant 16 : i32
    %swap3A_929 = arith.index_cast %swap3A_928 : i32 to index
    %swap3A_930 = arith.constant 112 : index
    %swap3A_931 = tpu.vector_load %arg13[%swap3A_929, %swap3A_930] {strides = array<i32>} : memref<25x144xf32, #tpu.memory_space<vmem>>, vector<16xf32>,
    tpu.vector_store %arg13[%swap3A_929, %swap3A_930], %broadcast_in_dim3A_4 {strides = array<i32>} : memref<25x144xf32, #tpu.memory_space<vmem>>, vector<16xf32>,
    %swap3A_932 = arith.constant 16 : i32
    %swap3A_933 = arith.index_cast %swap3A_932 : i32 to index
    %swap3A_934 = arith.constant 128 : index
    %swap3A_935 = tpu.vector_load %arg13[%swap3A_933, %swap3A_934] {strides = array<i32>} : memref<25x144xf32, #tpu.memory_space<vmem>>, vector<16xf32>,
    tpu.vector_store %arg13[%swap3A_933, %swap3A_934], %broadcast_in_dim3A_4 {strides = array<i32>} : memref<25x144xf32, #tpu.memory_space<vmem>>, vector<16xf32>,
    %swap3A_936 = arith.constant 17 : i32
    %swap3A_937 = arith.index_cast %swap3A_936 : i32 to index
    %swap3A_938 = arith.constant 0 : index
    %swap3A_939 = tpu.vector_load %arg13[%swap3A_937, %swap3A_938] {strides = array<i32>} : memref<25x144xf32, #tpu.memory_space<vmem>>, vector<16xf32>,
    tpu.vector_store %arg13[%swap3A_937, %swap3A_938], %broadcast_in_dim3A_4 {strides = array<i32>} : memref<25x144xf32, #tpu.memory_space<vmem>>, vector<16xf32>,
    %swap3A_940 = arith.constant 17 : i32
    %swap3A_941 = arith.index_cast %swap3A_940 : i32 to index
    %swap3A_942 = arith.constant 16 : index
    %swap3A_943 = tpu.vector_load %arg13[%swap3A_941, %swap3A_942] {strides = array<i32>} : memref<25x144xf32, #tpu.memory_space<vmem>>, vector<16xf32>,
    tpu.vector_store %arg13[%swap3A_941, %swap3A_942], %broadcast_in_dim3A_4 {strides = array<i32>} : memref<25x144xf32, #tpu.memory_space<vmem>>, vector<16xf32>,
    %swap3A_944 = arith.constant 17 : i32
    %swap3A_945 = arith.index_cast %swap3A_944 : i32 to index
    %swap3A_946 = arith.constant 32 : index
    %swap3A_947 = tpu.vector_load %arg13[%swap3A_945, %swap3A_946] {strides = array<i32>} : memref<25x144xf32, #tpu.memory_space<vmem>>, vector<16xf32>,
    tpu.vector_store %arg13[%swap3A_945, %swap3A_946], %broadcast_in_dim3A_4 {strides = array<i32>} : memref<25x144xf32, #tpu.memory_space<vmem>>, vector<16xf32>,
    %swap3A_948 = arith.constant 17 : i32
    %swap3A_949 = arith.index_cast %swap3A_948 : i32 to index
    %swap3A_950 = arith.constant 48 : index
    %swap3A_951 = tpu.vector_load %arg13[%swap3A_949, %swap3A_950] {strides = array<i32>} : memref<25x144xf32, #tpu.memory_space<vmem>>, vector<16xf32>,
    tpu.vector_store %arg13[%swap3A_949, %swap3A_950], %broadcast_in_dim3A_4 {strides = array<i32>} : memref<25x144xf32, #tpu.memory_space<vmem>>, vector<16xf32>,
    %swap3A_952 = arith.constant 17 : i32
    %swap3A_953 = arith.index_cast %swap3A_952 : i32 to index
    %swap3A_954 = arith.constant 64 : index
    %swap3A_955 = tpu.vector_load %arg13[%swap3A_953, %swap3A_954] {strides = array<i32>} : memref<25x144xf32, #tpu.memory_space<vmem>>, vector<16xf32>,
    tpu.vector_store %arg13[%swap3A_953, %swap3A_954], %broadcast_in_dim3A_4 {strides = array<i32>} : memref<25x144xf32, #tpu.memory_space<vmem>>, vector<16xf32>,
    %swap3A_956 = arith.constant 17 : i32
    %swap3A_957 = arith.index_cast %swap3A_956 : i32 to index
    %swap3A_958 = arith.constant 80 : index
    %swap3A_959 = tpu.vector_load %arg13[%swap3A_957, %swap3A_958] {strides = array<i32>} : memref<25x144xf32, #tpu.memory_space<vmem>>, vector<16xf32>,
    tpu.vector_store %arg13[%swap3A_957, %swap3A_958], %broadcast_in_dim3A_4 {strides = array<i32>} : memref<25x144xf32, #tpu.memory_space<vmem>>, vector<16xf32>,
    %swap3A_960 = arith.constant 17 : i32
    %swap3A_961 = arith.index_cast %swap3A_960 : i32 to index
    %swap3A_962 = arith.constant 96 : index
    %swap3A_963 = tpu.vector_load %arg13[%swap3A_961, %swap3A_962] {strides = array<i32>} : memref<25x144xf32, #tpu.memory_space<vmem>>, vector<16xf32>,
    tpu.vector_store %arg13[%swap3A_961, %swap3A_962], %broadcast_in_dim3A_4 {strides = array<i32>} : memref<25x144xf32, #tpu.memory_space<vmem>>, vector<16xf32>,
    %swap3A_964 = arith.constant 17 : i32
    %swap3A_965 = arith.index_cast %swap3A_964 : i32 to index
    %swap3A_966 = arith.constant 112 : index
    %swap3A_967 = tpu.vector_load %arg13[%swap3A_965, %swap3A_966] {strides = array<i32>} : memref<25x144xf32, #tpu.memory_space<vmem>>, vector<16xf32>,
    tpu.vector_store %arg13[%swap3A_965, %swap3A_966], %broadcast_in_dim3A_4 {strides = array<i32>} : memref<25x144xf32, #tpu.memory_space<vmem>>, vector<16xf32>,
    %swap3A_968 = arith.constant 17 : i32
    %swap3A_969 = arith.index_cast %swap3A_968 : i32 to index
    %swap3A_970 = arith.constant 128 : index
    %swap3A_971 = tpu.vector_load %arg13[%swap3A_969, %swap3A_970] {strides = array<i32>} : memref<25x144xf32, #tpu.memory_space<vmem>>, vector<16xf32>,
    tpu.vector_store %arg13[%swap3A_969, %swap3A_970], %broadcast_in_dim3A_4 {strides = array<i32>} : memref<25x144xf32, #tpu.memory_space<vmem>>, vector<16xf32>,
    %swap3A_972 = arith.constant 18 : i32
    %swap3A_973 = arith.index_cast %swap3A_972 : i32 to index
    %swap3A_974 = arith.constant 0 : index
    %swap3A_975 = tpu.vector_load %arg13[%swap3A_973, %swap3A_974] {strides = array<i32>} : memref<25x144xf32, #tpu.memory_space<vmem>>, vector<16xf32>,
    tpu.vector_store %arg13[%swap3A_973, %swap3A_974], %broadcast_in_dim3A_4 {strides = array<i32>} : memref<25x144xf32, #tpu.memory_space<vmem>>, vector<16xf32>,
    %swap3A_976 = arith.constant 18 : i32
    %swap3A_977 = arith.index_cast %swap3A_976 : i32 to index
    %swap3A_978 = arith.constant 16 : index
    %swap3A_979 = tpu.vector_load %arg13[%swap3A_977, %swap3A_978] {strides = array<i32>} : memref<25x144xf32, #tpu.memory_space<vmem>>, vector<16xf32>,
    tpu.vector_store %arg13[%swap3A_977, %swap3A_978], %broadcast_in_dim3A_4 {strides = array<i32>} : memref<25x144xf32, #tpu.memory_space<vmem>>, vector<16xf32>,
    %swap3A_980 = arith.constant 18 : i32
    %swap3A_981 = arith.index_cast %swap3A_980 : i32 to index
    %swap3A_982 = arith.constant 32 : index
    %swap3A_983 = tpu.vector_load %arg13[%swap3A_981, %swap3A_982] {strides = array<i32>} : memref<25x144xf32, #tpu.memory_space<vmem>>, vector<16xf32>,
    tpu.vector_store %arg13[%swap3A_981, %swap3A_982], %broadcast_in_dim3A_4 {strides = array<i32>} : memref<25x144xf32, #tpu.memory_space<vmem>>, vector<16xf32>,
    %swap3A_984 = arith.constant 18 : i32
    %swap3A_985 = arith.index_cast %swap3A_984 : i32 to index
    %swap3A_986 = arith.constant 48 : index
    %swap3A_987 = tpu.vector_load %arg13[%swap3A_985, %swap3A_986] {strides = array<i32>} : memref<25x144xf32, #tpu.memory_space<vmem>>, vector<16xf32>,
    tpu.vector_store %arg13[%swap3A_985, %swap3A_986], %broadcast_in_dim3A_4 {strides = array<i32>} : memref<25x144xf32, #tpu.memory_space<vmem>>, vector<16xf32>,
    %swap3A_988 = arith.constant 18 : i32
    %swap3A_989 = arith.index_cast %swap3A_988 : i32 to index
    %swap3A_990 = arith.constant 64 : index
    %swap3A_991 = tpu.vector_load %arg13[%swap3A_989, %swap3A_990] {strides = array<i32>} : memref<25x144xf32, #tpu.memory_space<vmem>>, vector<16xf32>,
    tpu.vector_store %arg13[%swap3A_989, %swap3A_990], %broadcast_in_dim3A_4 {strides = array<i32>} : memref<25x144xf32, #tpu.memory_space<vmem>>, vector<16xf32>,
    %swap3A_992 = arith.constant 18 : i32
    %swap3A_993 = arith.index_cast %swap3A_992 : i32 to index
    %swap3A_994 = arith.constant 80 : index
    %swap3A_995 = tpu.vector_load %arg13[%swap3A_993, %swap3A_994] {strides = array<i32>} : memref<25x144xf32, #tpu.memory_space<vmem>>, vector<16xf32>,
    tpu.vector_store %arg13[%swap3A_993, %swap3A_994], %broadcast_in_dim3A_4 {strides = array<i32>} : memref<25x144xf32, #tpu.memory_space<vmem>>, vector<16xf32>,
    %swap3A_996 = arith.constant 18 : i32
    %swap3A_997 = arith.index_cast %swap3A_996 : i32 to index
    %swap3A_998 = arith.constant 96 : index
    %swap3A_999 = tpu.vector_load %arg13[%swap3A_997, %swap3A_998] {strides = array<i32>} : memref<25x144xf32, #tpu.memory_space<vmem>>, vector<16xf32>,
    tpu.vector_store %arg13[%swap3A_997, %swap3A_998], %broadcast_in_dim3A_4 {strides = array<i32>} : memref<25x144xf32, #tpu.memory_space<vmem>>, vector<16xf32>,
    %swap3A_1000 = arith.constant 18 : i32
    %swap3A_1001 = arith.index_cast %swap3A_1000 : i32 to index
    %swap3A_1002 = arith.constant 112 : index
    %swap3A_1003 = tpu.vector_load %arg13[%swap3A_1001, %swap3A_1002] {strides = array<i32>} : memref<25x144xf32, #tpu.memory_space<vmem>>, vector<16xf32>,
    tpu.vector_store %arg13[%swap3A_1001, %swap3A_1002], %broadcast_in_dim3A_4 {strides = array<i32>} : memref<25x144xf32, #tpu.memory_space<vmem>>, vector<16xf32>,
    %swap3A_1004 = arith.constant 18 : i32
    %swap3A_1005 = arith.index_cast %swap3A_1004 : i32 to index
    %swap3A_1006 = arith.constant 128 : index
    %swap3A_1007 = tpu.vector_load %arg13[%swap3A_1005, %swap3A_1006] {strides = array<i32>} : memref<25x144xf32, #tpu.memory_space<vmem>>, vector<16xf32>,
    tpu.vector_store %arg13[%swap3A_1005, %swap3A_1006], %broadcast_in_dim3A_4 {strides = array<i32>} : memref<25x144xf32, #tpu.memory_space<vmem>>, vector<16xf32>,
    %swap3A_1008 = arith.constant 19 : i32
    %swap3A_1009 = arith.index_cast %swap3A_1008 : i32 to index
    %swap3A_1010 = arith.constant 0 : index
    %swap3A_1011 = tpu.vector_load %arg13[%swap3A_1009, %swap3A_1010] {strides = array<i32>} : memref<25x144xf32, #tpu.memory_space<vmem>>, vector<16xf32>,
    tpu.vector_store %arg13[%swap3A_1009, %swap3A_1010], %broadcast_in_dim3A_4 {strides = array<i32>} : memref<25x144xf32, #tpu.memory_space<vmem>>, vector<16xf32>,
    %swap3A_1012 = arith.constant 19 : i32
    %swap3A_1013 = arith.index_cast %swap3A_1012 : i32 to index
    %swap3A_1014 = arith.constant 16 : index
    %swap3A_1015 = tpu.vector_load %arg13[%swap3A_1013, %swap3A_1014] {strides = array<i32>} : memref<25x144xf32, #tpu.memory_space<vmem>>, vector<16xf32>,
    tpu.vector_store %arg13[%swap3A_1013, %swap3A_1014], %broadcast_in_dim3A_4 {strides = array<i32>} : memref<25x144xf32, #tpu.memory_space<vmem>>, vector<16xf32>,
    %swap3A_1016 = arith.constant 19 : i32
    %swap3A_1017 = arith.index_cast %swap3A_1016 : i32 to index
    %swap3A_1018 = arith.constant 32 : index
    %swap3A_1019 = tpu.vector_load %arg13[%swap3A_1017, %swap3A_1018] {strides = array<i32>} : memref<25x144xf32, #tpu.memory_space<vmem>>, vector<16xf32>,
    tpu.vector_store %arg13[%swap3A_1017, %swap3A_1018], %broadcast_in_dim3A_4 {strides = array<i32>} : memref<25x144xf32, #tpu.memory_space<vmem>>, vector<16xf32>,
    %swap3A_1020 = arith.constant 19 : i32
    %swap3A_1021 = arith.index_cast %swap3A_1020 : i32 to index
    %swap3A_1022 = arith.constant 48 : index
    %swap3A_1023 = tpu.vector_load %arg13[%swap3A_1021, %swap3A_1022] {strides = array<i32>} : memref<25x144xf32, #tpu.memory_space<vmem>>, vector<16xf32>,
    tpu.vector_store %arg13[%swap3A_1021, %swap3A_1022], %broadcast_in_dim3A_4 {strides = array<i32>} : memref<25x144xf32, #tpu.memory_space<vmem>>, vector<16xf32>,
    %swap3A_1024 = arith.constant 19 : i32
    %swap3A_1025 = arith.index_cast %swap3A_1024 : i32 to index
    %swap3A_1026 = arith.constant 64 : index
    %swap3A_1027 = tpu.vector_load %arg13[%swap3A_1025, %swap3A_1026] {strides = array<i32>} : memref<25x144xf32, #tpu.memory_space<vmem>>, vector<16xf32>,
    tpu.vector_store %arg13[%swap3A_1025, %swap3A_1026], %broadcast_in_dim3A_4 {strides = array<i32>} : memref<25x144xf32, #tpu.memory_space<vmem>>, vector<16xf32>,
    %swap3A_1028 = arith.constant 19 : i32
    %swap3A_1029 = arith.index_cast %swap3A_1028 : i32 to index
    %swap3A_1030 = arith.constant 80 : index
    %swap3A_1031 = tpu.vector_load %arg13[%swap3A_1029, %swap3A_1030] {strides = array<i32>} : memref<25x144xf32, #tpu.memory_space<vmem>>, vector<16xf32>,
    tpu.vector_store %arg13[%swap3A_1029, %swap3A_1030], %broadcast_in_dim3A_4 {strides = array<i32>} : memref<25x144xf32, #tpu.memory_space<vmem>>, vector<16xf32>,
    %swap3A_1032 = arith.constant 19 : i32
    %swap3A_1033 = arith.index_cast %swap3A_1032 : i32 to index
    %swap3A_1034 = arith.constant 96 : index
    %swap3A_1035 = tpu.vector_load %arg13[%swap3A_1033, %swap3A_1034] {strides = array<i32>} : memref<25x144xf32, #tpu.memory_space<vmem>>, vector<16xf32>,
    tpu.vector_store %arg13[%swap3A_1033, %swap3A_1034], %broadcast_in_dim3A_4 {strides = array<i32>} : memref<25x144xf32, #tpu.memory_space<vmem>>, vector<16xf32>,
    %swap3A_1036 = arith.constant 19 : i32
    %swap3A_1037 = arith.index_cast %swap3A_1036 : i32 to index
    %swap3A_1038 = arith.constant 112 : index
    %swap3A_1039 = tpu.vector_load %arg13[%swap3A_1037, %swap3A_1038] {strides = array<i32>} : memref<25x144xf32, #tpu.memory_space<vmem>>, vector<16xf32>,
    tpu.vector_store %arg13[%swap3A_1037, %swap3A_1038], %broadcast_in_dim3A_4 {strides = array<i32>} : memref<25x144xf32, #tpu.memory_space<vmem>>, vector<16xf32>,
    %swap3A_1040 = arith.constant 19 : i32
    %swap3A_1041 = arith.index_cast %swap3A_1040 : i32 to index
    %swap3A_1042 = arith.constant 128 : index
    %swap3A_1043 = tpu.vector_load %arg13[%swap3A_1041, %swap3A_1042] {strides = array<i32>} : memref<25x144xf32, #tpu.memory_space<vmem>>, vector<16xf32>,
    tpu.vector_store %arg13[%swap3A_1041, %swap3A_1042], %broadcast_in_dim3A_4 {strides = array<i32>} : memref<25x144xf32, #tpu.memory_space<vmem>>, vector<16xf32>,
    %swap3A_1044 = arith.constant 20 : i32
    %swap3A_1045 = arith.index_cast %swap3A_1044 : i32 to index
    %swap3A_1046 = arith.constant 0 : index
    %swap3A_1047 = tpu.vector_load %arg13[%swap3A_1045, %swap3A_1046] {strides = array<i32>} : memref<25x144xf32, #tpu.memory_space<vmem>>, vector<16xf32>,
    tpu.vector_store %arg13[%swap3A_1045, %swap3A_1046], %broadcast_in_dim3A_4 {strides = array<i32>} : memref<25x144xf32, #tpu.memory_space<vmem>>, vector<16xf32>,
    %swap3A_1048 = arith.constant 20 : i32
    %swap3A_1049 = arith.index_cast %swap3A_1048 : i32 to index
    %swap3A_1050 = arith.constant 16 : index
    %swap3A_1051 = tpu.vector_load %arg13[%swap3A_1049, %swap3A_1050] {strides = array<i32>} : memref<25x144xf32, #tpu.memory_space<vmem>>, vector<16xf32>,
    tpu.vector_store %arg13[%swap3A_1049, %swap3A_1050], %broadcast_in_dim3A_4 {strides = array<i32>} : memref<25x144xf32, #tpu.memory_space<vmem>>, vector<16xf32>,
    %swap3A_1052 = arith.constant 20 : i32
    %swap3A_1053 = arith.index_cast %swap3A_1052 : i32 to index
    %swap3A_1054 = arith.constant 32 : index
    %swap3A_1055 = tpu.vector_load %arg13[%swap3A_1053, %swap3A_1054] {strides = array<i32>} : memref<25x144xf32, #tpu.memory_space<vmem>>, vector<16xf32>,
    tpu.vector_store %arg13[%swap3A_1053, %swap3A_1054], %broadcast_in_dim3A_4 {strides = array<i32>} : memref<25x144xf32, #tpu.memory_space<vmem>>, vector<16xf32>,
    %swap3A_1056 = arith.constant 20 : i32
    %swap3A_1057 = arith.index_cast %swap3A_1056 : i32 to index
    %swap3A_1058 = arith.constant 48 : index
    %swap3A_1059 = tpu.vector_load %arg13[%swap3A_1057, %swap3A_1058] {strides = array<i32>} : memref<25x144xf32, #tpu.memory_space<vmem>>, vector<16xf32>,
    tpu.vector_store %arg13[%swap3A_1057, %swap3A_1058], %broadcast_in_dim3A_4 {strides = array<i32>} : memref<25x144xf32, #tpu.memory_space<vmem>>, vector<16xf32>,
    %swap3A_1060 = arith.constant 20 : i32
    %swap3A_1061 = arith.index_cast %swap3A_1060 : i32 to index
    %swap3A_1062 = arith.constant 64 : index
    %swap3A_1063 = tpu.vector_load %arg13[%swap3A_1061, %swap3A_1062] {strides = array<i32>} : memref<25x144xf32, #tpu.memory_space<vmem>>, vector<16xf32>,
    tpu.vector_store %arg13[%swap3A_1061, %swap3A_1062], %broadcast_in_dim3A_4 {strides = array<i32>} : memref<25x144xf32, #tpu.memory_space<vmem>>, vector<16xf32>,
    %swap3A_1064 = arith.constant 20 : i32
    %swap3A_1065 = arith.index_cast %swap3A_1064 : i32 to index
    %swap3A_1066 = arith.constant 80 : index
    %swap3A_1067 = tpu.vector_load %arg13[%swap3A_1065, %swap3A_1066] {strides = array<i32>} : memref<25x144xf32, #tpu.memory_space<vmem>>, vector<16xf32>,
    tpu.vector_store %arg13[%swap3A_1065, %swap3A_1066], %broadcast_in_dim3A_4 {strides = array<i32>} : memref<25x144xf32, #tpu.memory_space<vmem>>, vector<16xf32>,
    %swap3A_1068 = arith.constant 20 : i32
    %swap3A_1069 = arith.index_cast %swap3A_1068 : i32 to index
    %swap3A_1070 = arith.constant 96 : index
    %swap3A_1071 = tpu.vector_load %arg13[%swap3A_1069, %swap3A_1070] {strides = array<i32>} : memref<25x144xf32, #tpu.memory_space<vmem>>, vector<16xf32>,
    tpu.vector_store %arg13[%swap3A_1069, %swap3A_1070], %broadcast_in_dim3A_4 {strides = array<i32>} : memref<25x144xf32, #tpu.memory_space<vmem>>, vector<16xf32>,
    %swap3A_1072 = arith.constant 20 : i32
    %swap3A_1073 = arith.index_cast %swap3A_1072 : i32 to index
    %swap3A_1074 = arith.constant 112 : index
    %swap3A_1075 = tpu.vector_load %arg13[%swap3A_1073, %swap3A_1074] {strides = array<i32>} : memref<25x144xf32, #tpu.memory_space<vmem>>, vector<16xf32>,
    tpu.vector_store %arg13[%swap3A_1073, %swap3A_1074], %broadcast_in_dim3A_4 {strides = array<i32>} : memref<25x144xf32, #tpu.memory_space<vmem>>, vector<16xf32>,
    %swap3A_1076 = arith.constant 20 : i32
    %swap3A_1077 = arith.index_cast %swap3A_1076 : i32 to index
    %swap3A_1078 = arith.constant 128 : index
    %swap3A_1079 = tpu.vector_load %arg13[%swap3A_1077, %swap3A_1078] {strides = array<i32>} : memref<25x144xf32, #tpu.memory_space<vmem>>, vector<16xf32>,
    tpu.vector_store %arg13[%swap3A_1077, %swap3A_1078], %broadcast_in_dim3A_4 {strides = array<i32>} : memref<25x144xf32, #tpu.memory_space<vmem>>, vector<16xf32>,
    %swap3A_1080 = arith.constant 21 : i32
    %swap3A_1081 = arith.index_cast %swap3A_1080 : i32 to index
    %swap3A_1082 = arith.constant 0 : index
    %swap3A_1083 = tpu.vector_load %arg13[%swap3A_1081, %swap3A_1082] {strides = array<i32>} : memref<25x144xf32, #tpu.memory_space<vmem>>, vector<16xf32>,
    tpu.vector_store %arg13[%swap3A_1081, %swap3A_1082], %broadcast_in_dim3A_4 {strides = array<i32>} : memref<25x144xf32, #tpu.memory_space<vmem>>, vector<16xf32>,
    %swap3A_1084 = arith.constant 21 : i32
    %swap3A_1085 = arith.index_cast %swap3A_1084 : i32 to index
    %swap3A_1086 = arith.constant 16 : index
    %swap3A_1087 = tpu.vector_load %arg13[%swap3A_1085, %swap3A_1086] {strides = array<i32>} : memref<25x144xf32, #tpu.memory_space<vmem>>, vector<16xf32>,
    tpu.vector_store %arg13[%swap3A_1085, %swap3A_1086], %broadcast_in_dim3A_4 {strides = array<i32>} : memref<25x144xf32, #tpu.memory_space<vmem>>, vector<16xf32>,
    %swap3A_1088 = arith.constant 21 : i32
    %swap3A_1089 = arith.index_cast %swap3A_1088 : i32 to index
    %swap3A_1090 = arith.constant 32 : index
    %swap3A_1091 = tpu.vector_load %arg13[%swap3A_1089, %swap3A_1090] {strides = array<i32>} : memref<25x144xf32, #tpu.memory_space<vmem>>, vector<16xf32>,
    tpu.vector_store %arg13[%swap3A_1089, %swap3A_1090], %broadcast_in_dim3A_4 {strides = array<i32>} : memref<25x144xf32, #tpu.memory_space<vmem>>, vector<16xf32>,
    %swap3A_1092 = arith.constant 21 : i32
    %swap3A_1093 = arith.index_cast %swap3A_1092 : i32 to index
    %swap3A_1094 = arith.constant 48 : index
    %swap3A_1095 = tpu.vector_load %arg13[%swap3A_1093, %swap3A_1094] {strides = array<i32>} : memref<25x144xf32, #tpu.memory_space<vmem>>, vector<16xf32>,
    tpu.vector_store %arg13[%swap3A_1093, %swap3A_1094], %broadcast_in_dim3A_4 {strides = array<i32>} : memref<25x144xf32, #tpu.memory_space<vmem>>, vector<16xf32>,
    %swap3A_1096 = arith.constant 21 : i32
    %swap3A_1097 = arith.index_cast %swap3A_1096 : i32 to index
    %swap3A_1098 = arith.constant 64 : index
    %swap3A_1099 = tpu.vector_load %arg13[%swap3A_1097, %swap3A_1098] {strides = array<i32>} : memref<25x144xf32, #tpu.memory_space<vmem>>, vector<16xf32>,
    tpu.vector_store %arg13[%swap3A_1097, %swap3A_1098], %broadcast_in_dim3A_4 {strides = array<i32>} : memref<25x144xf32, #tpu.memory_space<vmem>>, vector<16xf32>,
    %swap3A_1100 = arith.constant 21 : i32
    %swap3A_1101 = arith.index_cast %swap3A_1100 : i32 to index
    %swap3A_1102 = arith.constant 80 : index
    %swap3A_1103 = tpu.vector_load %arg13[%swap3A_1101, %swap3A_1102] {strides = array<i32>} : memref<25x144xf32, #tpu.memory_space<vmem>>, vector<16xf32>,
    tpu.vector_store %arg13[%swap3A_1101, %swap3A_1102], %broadcast_in_dim3A_4 {strides = array<i32>} : memref<25x144xf32, #tpu.memory_space<vmem>>, vector<16xf32>,
    %swap3A_1104 = arith.constant 21 : i32
    %swap3A_1105 = arith.index_cast %swap3A_1104 : i32 to index
    %swap3A_1106 = arith.constant 96 : index
    %swap3A_1107 = tpu.vector_load %arg13[%swap3A_1105, %swap3A_1106] {strides = array<i32>} : memref<25x144xf32, #tpu.memory_space<vmem>>, vector<16xf32>,
    tpu.vector_store %arg13[%swap3A_1105, %swap3A_1106], %broadcast_in_dim3A_4 {strides = array<i32>} : memref<25x144xf32, #tpu.memory_space<vmem>>, vector<16xf32>,
    %swap3A_1108 = arith.constant 21 : i32
    %swap3A_1109 = arith.index_cast %swap3A_1108 : i32 to index
    %swap3A_1110 = arith.constant 112 : index
    %swap3A_1111 = tpu.vector_load %arg13[%swap3A_1109, %swap3A_1110] {strides = array<i32>} : memref<25x144xf32, #tpu.memory_space<vmem>>, vector<16xf32>,
    tpu.vector_store %arg13[%swap3A_1109, %swap3A_1110], %broadcast_in_dim3A_4 {strides = array<i32>} : memref<25x144xf32, #tpu.memory_space<vmem>>, vector<16xf32>,
    %swap3A_1112 = arith.constant 21 : i32
    %swap3A_1113 = arith.index_cast %swap3A_1112 : i32 to index
    %swap3A_1114 = arith.constant 128 : index
    %swap3A_1115 = tpu.vector_load %arg13[%swap3A_1113, %swap3A_1114] {strides = array<i32>} : memref<25x144xf32, #tpu.memory_space<vmem>>, vector<16xf32>,
    tpu.vector_store %arg13[%swap3A_1113, %swap3A_1114], %broadcast_in_dim3A_4 {strides = array<i32>} : memref<25x144xf32, #tpu.memory_space<vmem>>, vector<16xf32>,
    %swap3A_1116 = arith.constant 22 : i32
    %swap3A_1117 = arith.index_cast %swap3A_1116 : i32 to index
    %swap3A_1118 = arith.constant 0 : index
    %swap3A_1119 = tpu.vector_load %arg13[%swap3A_1117, %swap3A_1118] {strides = array<i32>} : memref<25x144xf32, #tpu.memory_space<vmem>>, vector<16xf32>,
    tpu.vector_store %arg13[%swap3A_1117, %swap3A_1118], %broadcast_in_dim3A_4 {strides = array<i32>} : memref<25x144xf32, #tpu.memory_space<vmem>>, vector<16xf32>,
    %swap3A_1120 = arith.constant 22 : i32
    %swap3A_1121 = arith.index_cast %swap3A_1120 : i32 to index
    %swap3A_1122 = arith.constant 16 : index
    %swap3A_1123 = tpu.vector_load %arg13[%swap3A_1121, %swap3A_1122] {strides = array<i32>} : memref<25x144xf32, #tpu.memory_space<vmem>>, vector<16xf32>,
    tpu.vector_store %arg13[%swap3A_1121, %swap3A_1122], %broadcast_in_dim3A_4 {strides = array<i32>} : memref<25x144xf32, #tpu.memory_space<vmem>>, vector<16xf32>,
    %swap3A_1124 = arith.constant 22 : i32
    %swap3A_1125 = arith.index_cast %swap3A_1124 : i32 to index
    %swap3A_1126 = arith.constant 32 : index
    %swap3A_1127 = tpu.vector_load %arg13[%swap3A_1125, %swap3A_1126] {strides = array<i32>} : memref<25x144xf32, #tpu.memory_space<vmem>>, vector<16xf32>,
    tpu.vector_store %arg13[%swap3A_1125, %swap3A_1126], %broadcast_in_dim3A_4 {strides = array<i32>} : memref<25x144xf32, #tpu.memory_space<vmem>>, vector<16xf32>,
    %swap3A_1128 = arith.constant 22 : i32
    %swap3A_1129 = arith.index_cast %swap3A_1128 : i32 to index
    %swap3A_1130 = arith.constant 48 : index
    %swap3A_1131 = tpu.vector_load %arg13[%swap3A_1129, %swap3A_1130] {strides = array<i32>} : memref<25x144xf32, #tpu.memory_space<vmem>>, vector<16xf32>,
    tpu.vector_store %arg13[%swap3A_1129, %swap3A_1130], %broadcast_in_dim3A_4 {strides = array<i32>} : memref<25x144xf32, #tpu.memory_space<vmem>>, vector<16xf32>,
    %swap3A_1132 = arith.constant 22 : i32
    %swap3A_1133 = arith.index_cast %swap3A_1132 : i32 to index
    %swap3A_1134 = arith.constant 64 : index
    %swap3A_1135 = tpu.vector_load %arg13[%swap3A_1133, %swap3A_1134] {strides = array<i32>} : memref<25x144xf32, #tpu.memory_space<vmem>>, vector<16xf32>,
    tpu.vector_store %arg13[%swap3A_1133, %swap3A_1134], %broadcast_in_dim3A_4 {strides = array<i32>} : memref<25x144xf32, #tpu.memory_space<vmem>>, vector<16xf32>,
    %swap3A_1136 = arith.constant 22 : i32
    %swap3A_1137 = arith.index_cast %swap3A_1136 : i32 to index
    %swap3A_1138 = arith.constant 80 : index
    %swap3A_1139 = tpu.vector_load %arg13[%swap3A_1137, %swap3A_1138] {strides = array<i32>} : memref<25x144xf32, #tpu.memory_space<vmem>>, vector<16xf32>,
    tpu.vector_store %arg13[%swap3A_1137, %swap3A_1138], %broadcast_in_dim3A_4 {strides = array<i32>} : memref<25x144xf32, #tpu.memory_space<vmem>>, vector<16xf32>,
    %swap3A_1140 = arith.constant 22 : i32
    %swap3A_1141 = arith.index_cast %swap3A_1140 : i32 to index
    %swap3A_1142 = arith.constant 96 : index
    %swap3A_1143 = tpu.vector_load %arg13[%swap3A_1141, %swap3A_1142] {strides = array<i32>} : memref<25x144xf32, #tpu.memory_space<vmem>>, vector<16xf32>,
    tpu.vector_store %arg13[%swap3A_1141, %swap3A_1142], %broadcast_in_dim3A_4 {strides = array<i32>} : memref<25x144xf32, #tpu.memory_space<vmem>>, vector<16xf32>,
    %swap3A_1144 = arith.constant 22 : i32
    %swap3A_1145 = arith.index_cast %swap3A_1144 : i32 to index
    %swap3A_1146 = arith.constant 112 : index
    %swap3A_1147 = tpu.vector_load %arg13[%swap3A_1145, %swap3A_1146] {strides = array<i32>} : memref<25x144xf32, #tpu.memory_space<vmem>>, vector<16xf32>,
    tpu.vector_store %arg13[%swap3A_1145, %swap3A_1146], %broadcast_in_dim3A_4 {strides = array<i32>} : memref<25x144xf32, #tpu.memory_space<vmem>>, vector<16xf32>,
    %swap3A_1148 = arith.constant 22 : i32
    %swap3A_1149 = arith.index_cast %swap3A_1148 : i32 to index
    %swap3A_1150 = arith.constant 128 : index
    %swap3A_1151 = tpu.vector_load %arg13[%swap3A_1149, %swap3A_1150] {strides = array<i32>} : memref<25x144xf32, #tpu.memory_space<vmem>>, vector<16xf32>,
    tpu.vector_store %arg13[%swap3A_1149, %swap3A_1150], %broadcast_in_dim3A_4 {strides = array<i32>} : memref<25x144xf32, #tpu.memory_space<vmem>>, vector<16xf32>,
    %swap3A_1152 = arith.constant 23 : i32
    %swap3A_1153 = arith.index_cast %swap3A_1152 : i32 to index
    %swap3A_1154 = arith.constant 0 : index
    %swap3A_1155 = tpu.vector_load %arg13[%swap3A_1153, %swap3A_1154] {strides = array<i32>} : memref<25x144xf32, #tpu.memory_space<vmem>>, vector<16xf32>,
    tpu.vector_store %arg13[%swap3A_1153, %swap3A_1154], %broadcast_in_dim3A_4 {strides = array<i32>} : memref<25x144xf32, #tpu.memory_space<vmem>>, vector<16xf32>,
    %swap3A_1156 = arith.constant 23 : i32
    %swap3A_1157 = arith.index_cast %swap3A_1156 : i32 to index
    %swap3A_1158 = arith.constant 16 : index
    %swap3A_1159 = tpu.vector_load %arg13[%swap3A_1157, %swap3A_1158] {strides = array<i32>} : memref<25x144xf32, #tpu.memory_space<vmem>>, vector<16xf32>,
    tpu.vector_store %arg13[%swap3A_1157, %swap3A_1158], %broadcast_in_dim3A_4 {strides = array<i32>} : memref<25x144xf32, #tpu.memory_space<vmem>>, vector<16xf32>,
    %swap3A_1160 = arith.constant 23 : i32
    %swap3A_1161 = arith.index_cast %swap3A_1160 : i32 to index
    %swap3A_1162 = arith.constant 32 : index
    %swap3A_1163 = tpu.vector_load %arg13[%swap3A_1161, %swap3A_1162] {strides = array<i32>} : memref<25x144xf32, #tpu.memory_space<vmem>>, vector<16xf32>,
    tpu.vector_store %arg13[%swap3A_1161, %swap3A_1162], %broadcast_in_dim3A_4 {strides = array<i32>} : memref<25x144xf32, #tpu.memory_space<vmem>>, vector<16xf32>,
    %swap3A_1164 = arith.constant 23 : i32
    %swap3A_1165 = arith.index_cast %swap3A_1164 : i32 to index
    %swap3A_1166 = arith.constant 48 : index
    %swap3A_1167 = tpu.vector_load %arg13[%swap3A_1165, %swap3A_1166] {strides = array<i32>} : memref<25x144xf32, #tpu.memory_space<vmem>>, vector<16xf32>,
    tpu.vector_store %arg13[%swap3A_1165, %swap3A_1166], %broadcast_in_dim3A_4 {strides = array<i32>} : memref<25x144xf32, #tpu.memory_space<vmem>>, vector<16xf32>,
    %swap3A_1168 = arith.constant 23 : i32
    %swap3A_1169 = arith.index_cast %swap3A_1168 : i32 to index
    %swap3A_1170 = arith.constant 64 : index
    %swap3A_1171 = tpu.vector_load %arg13[%swap3A_1169, %swap3A_1170] {strides = array<i32>} : memref<25x144xf32, #tpu.memory_space<vmem>>, vector<16xf32>,
    tpu.vector_store %arg13[%swap3A_1169, %swap3A_1170], %broadcast_in_dim3A_4 {strides = array<i32>} : memref<25x144xf32, #tpu.memory_space<vmem>>, vector<16xf32>,
    %swap3A_1172 = arith.constant 23 : i32
    %swap3A_1173 = arith.index_cast %swap3A_1172 : i32 to index
    %swap3A_1174 = arith.constant 80 : index
    %swap3A_1175 = tpu.vector_load %arg13[%swap3A_1173, %swap3A_1174] {strides = array<i32>} : memref<25x144xf32, #tpu.memory_space<vmem>>, vector<16xf32>,
    tpu.vector_store %arg13[%swap3A_1173, %swap3A_1174], %broadcast_in_dim3A_4 {strides = array<i32>} : memref<25x144xf32, #tpu.memory_space<vmem>>, vector<16xf32>,
    %swap3A_1176 = arith.constant 23 : i32
    %swap3A_1177 = arith.index_cast %swap3A_1176 : i32 to index
    %swap3A_1178 = arith.constant 96 : index
    %swap3A_1179 = tpu.vector_load %arg13[%swap3A_1177, %swap3A_1178] {strides = array<i32>} : memref<25x144xf32, #tpu.memory_space<vmem>>, vector<16xf32>,
    tpu.vector_store %arg13[%swap3A_1177, %swap3A_1178], %broadcast_in_dim3A_4 {strides = array<i32>} : memref<25x144xf32, #tpu.memory_space<vmem>>, vector<16xf32>,
    %swap3A_1180 = arith.constant 23 : i32
    %swap3A_1181 = arith.index_cast %swap3A_1180 : i32 to index
    %swap3A_1182 = arith.constant 112 : index
    %swap3A_1183 = tpu.vector_load %arg13[%swap3A_1181, %swap3A_1182] {strides = array<i32>} : memref<25x144xf32, #tpu.memory_space<vmem>>, vector<16xf32>,
    tpu.vector_store %arg13[%swap3A_1181, %swap3A_1182], %broadcast_in_dim3A_4 {strides = array<i32>} : memref<25x144xf32, #tpu.memory_space<vmem>>, vector<16xf32>,
    %swap3A_1184 = arith.constant 23 : i32
    %swap3A_1185 = arith.index_cast %swap3A_1184 : i32 to index
    %swap3A_1186 = arith.constant 128 : index
    %swap3A_1187 = tpu.vector_load %arg13[%swap3A_1185, %swap3A_1186] {strides = array<i32>} : memref<25x144xf32, #tpu.memory_space<vmem>>, vector<16xf32>,
    tpu.vector_store %arg13[%swap3A_1185, %swap3A_1186], %broadcast_in_dim3A_4 {strides = array<i32>} : memref<25x144xf32, #tpu.memory_space<vmem>>, vector<16xf32>,
    %swap3A_1188 = arith.constant 24 : i32
    %swap3A_1189 = arith.index_cast %swap3A_1188 : i32 to index
    %swap3A_1190 = arith.constant 0 : index
    %swap3A_1191 = tpu.vector_load %arg13[%swap3A_1189, %swap3A_1190] {strides = array<i32>} : memref<25x144xf32, #tpu.memory_space<vmem>>, vector<16xf32>,
    tpu.vector_store %arg13[%swap3A_1189, %swap3A_1190], %broadcast_in_dim3A_4 {strides = array<i32>} : memref<25x144xf32, #tpu.memory_space<vmem>>, vector<16xf32>,
    %swap3A_1192 = arith.constant 24 : i32
    %swap3A_1193 = arith.index_cast %swap3A_1192 : i32 to index
    %swap3A_1194 = arith.constant 16 : index
    %swap3A_1195 = tpu.vector_load %arg13[%swap3A_1193, %swap3A_1194] {strides = array<i32>} : memref<25x144xf32, #tpu.memory_space<vmem>>, vector<16xf32>,
    tpu.vector_store %arg13[%swap3A_1193, %swap3A_1194], %broadcast_in_dim3A_4 {strides = array<i32>} : memref<25x144xf32, #tpu.memory_space<vmem>>, vector<16xf32>,
    %swap3A_1196 = arith.constant 24 : i32
    %swap3A_1197 = arith.index_cast %swap3A_1196 : i32 to index
    %swap3A_1198 = arith.constant 32 : index
    %swap3A_1199 = tpu.vector_load %arg13[%swap3A_1197, %swap3A_1198] {strides = array<i32>} : memref<25x144xf32, #tpu.memory_space<vmem>>, vector<16xf32>,
    tpu.vector_store %arg13[%swap3A_1197, %swap3A_1198], %broadcast_in_dim3A_4 {strides = array<i32>} : memref<25x144xf32, #tpu.memory_space<vmem>>, vector<16xf32>,
    %swap3A_1200 = arith.constant 24 : i32
    %swap3A_1201 = arith.index_cast %swap3A_1200 : i32 to index
    %swap3A_1202 = arith.constant 48 : index
    %swap3A_1203 = tpu.vector_load %arg13[%swap3A_1201, %swap3A_1202] {strides = array<i32>} : memref<25x144xf32, #tpu.memory_space<vmem>>, vector<16xf32>,
    tpu.vector_store %arg13[%swap3A_1201, %swap3A_1202], %broadcast_in_dim3A_4 {strides = array<i32>} : memref<25x144xf32, #tpu.memory_space<vmem>>, vector<16xf32>,
    %swap3A_1204 = arith.constant 24 : i32
    %swap3A_1205 = arith.index_cast %swap3A_1204 : i32 to index
    %swap3A_1206 = arith.constant 64 : index
    %swap3A_1207 = tpu.vector_load %arg13[%swap3A_1205, %swap3A_1206] {strides = array<i32>} : memref<25x144xf32, #tpu.memory_space<vmem>>, vector<16xf32>,
    tpu.vector_store %arg13[%swap3A_1205, %swap3A_1206], %broadcast_in_dim3A_4 {strides = array<i32>} : memref<25x144xf32, #tpu.memory_space<vmem>>, vector<16xf32>,
    %swap3A_1208 = arith.constant 24 : i32
    %swap3A_1209 = arith.index_cast %swap3A_1208 : i32 to index
    %swap3A_1210 = arith.constant 80 : index
    %swap3A_1211 = tpu.vector_load %arg13[%swap3A_1209, %swap3A_1210] {strides = array<i32>} : memref<25x144xf32, #tpu.memory_space<vmem>>, vector<16xf32>,
    tpu.vector_store %arg13[%swap3A_1209, %swap3A_1210], %broadcast_in_dim3A_4 {strides = array<i32>} : memref<25x144xf32, #tpu.memory_space<vmem>>, vector<16xf32>,
    %swap3A_1212 = arith.constant 24 : i32
    %swap3A_1213 = arith.index_cast %swap3A_1212 : i32 to index
    %swap3A_1214 = arith.constant 96 : index
    %swap3A_1215 = tpu.vector_load %arg13[%swap3A_1213, %swap3A_1214] {strides = array<i32>} : memref<25x144xf32, #tpu.memory_space<vmem>>, vector<16xf32>,
    tpu.vector_store %arg13[%swap3A_1213, %swap3A_1214], %broadcast_in_dim3A_4 {strides = array<i32>} : memref<25x144xf32, #tpu.memory_space<vmem>>, vector<16xf32>,
    %swap3A_1216 = arith.constant 24 : i32
    %swap3A_1217 = arith.index_cast %swap3A_1216 : i32 to index
    %swap3A_1218 = arith.constant 112 : index
    %swap3A_1219 = tpu.vector_load %arg13[%swap3A_1217, %swap3A_1218] {strides = array<i32>} : memref<25x144xf32, #tpu.memory_space<vmem>>, vector<16xf32>,
    tpu.vector_store %arg13[%swap3A_1217, %swap3A_1218], %broadcast_in_dim3A_4 {strides = array<i32>} : memref<25x144xf32, #tpu.memory_space<vmem>>, vector<16xf32>,
    %swap3A_1220 = arith.constant 24 : i32
    %swap3A_1221 = arith.index_cast %swap3A_1220 : i32 to index
    %swap3A_1222 = arith.constant 128 : index
    %swap3A_1223 = tpu.vector_load %arg13[%swap3A_1221, %swap3A_1222] {strides = array<i32>} : memref<25x144xf32, #tpu.memory_space<vmem>>, vector<16xf32>,
    tpu.vector_store %arg13[%swap3A_1221, %swap3A_1222], %broadcast_in_dim3A_4 {strides = array<i32>} : memref<25x144xf32, #tpu.memory_space<vmem>>, vector<16xf32>,
    %scan3A = arith.constant 0 : i32
    %scan3A_1224 = arith.constant 25 : i32
    %scan3A_1225 = arith.addi %scan3A, %scan3A_1224 : i32
    %scan3A_1226 = arith.constant 1 : i32
    scf.for %scan3A_1236 = %scan3A to %scan3A_1225 step %scan3A_1226  : i32 {
      %mul3A_1237 = arith.constant 1 : i32
      %mul3A_1238 = arith.muli %scan3A_1236, %mul3A_1237 : i32
      %add3A_1239 = arith.constant 0 : i32
      %add3A_1240 = arith.addi %add3A_1239, %mul3A_1238 : i32
      %mul3A_1241 = arith.constant 625 : i32
      %mul3A_1242 = arith.muli %arg1, %mul3A_1241 : i32
      %mul3A_1243 = arith.constant 25 : i32
      %mul3A_1244 = arith.muli %add3A_1240, %mul3A_1243 : i32
      %add3A_1245 = arith.addi %mul3A_1242, %mul3A_1244 : i32
      "tpu.region"() ({
        %run_scoped3A = tpu.sem_alloc : memref<!tpu.dma_semaphore, #tpu.memory_space<semaphore_mem>>
        %dma_start3A = arith.constant 0 : i32
        %dma_start3A_1246 = tpu.memref_slice %arg14[%add3A_1245, %dma_start3A] : memref<10000x144xf32, #tpu.memory_space<vmem_shared>> -> memref<25x144xf32, #tpu.memory_space<vmem_shared>>
        %dma_start3A_1247 = arith.constant 0 : i32
        %dma_start3A_1248 = tpu.memref_slice %arg14[%add3A_1245, %dma_start3A_1247] : memref<10000x144xf32, #tpu.memory_space<vmem_shared>> -> memref<25x144xf32, #tpu.memory_space<vmem_shared>>
        tpu.enqueue_dma source(%arg13 : memref<25x144xf32, #tpu.memory_space<vmem>>) target(%dma_start3A_1248 : memref<25x144xf32, #tpu.memory_space<vmem_shared>>) target_semaphore(%run_scoped3A : memref<!tpu.dma_semaphore, #tpu.memory_space<semaphore_mem>>)
        %dma_wait3A = arith.constant 0 : i32
        %dma_wait3A_1249 = tpu.memref_slice %arg14[%add3A_1245, %dma_wait3A] : memref<10000x144xf32, #tpu.memory_space<vmem_shared>> -> memref<25x144xf32, #tpu.memory_space<vmem_shared>>
        %dma_wait3A_1250 = arith.constant 0 : i32
        %dma_wait3A_1251 = tpu.memref_slice %arg14[%add3A_1245, %dma_wait3A_1250] : memref<10000x144xf32, #tpu.memory_space<vmem_shared>> -> memref<25x144xf32, #tpu.memory_space<vmem_shared>>
        tpu.wait_dma2 semaphore(%run_scoped3A : memref<!tpu.dma_semaphore, #tpu.memory_space<semaphore_mem>>) src(%arg13 : memref<25x144xf32, #tpu.memory_space<vmem>>) dst(%dma_wait3A_1251 : memref<25x144xf32, #tpu.memory_space<vmem_shared>>)
        tpu.yield
      }) : () -> ()
    }
    %scan3A_1227 = arith.constant 25 : i32
    %barrier3A = arith.constant 0 : index
    tpu.barrier barrier_id(%barrier3A)
    %scan3A_1228 = arith.constant 0 : i32
    %scan3A_1229 = arith.constant 125 : i32
    %scan3A_1230 = arith.addi %scan3A_1228, %scan3A_1229 : i32
    %scan3A_1231 = arith.constant 1 : i32
    scf.for %scan3A_1236 = %scan3A_1228 to %scan3A_1230 step %scan3A_1231  : i32 {
      %mul3A_1237 = arith.constant 1 : i32
      %mul3A_1238 = arith.muli %scan3A_1236, %mul3A_1237 : i32
      %add3A_1239 = arith.constant 0 : i32
      %add3A_1240 = arith.addi %add3A_1239, %mul3A_1238 : i32
      %mul3A_1241 = arith.constant 10000 : i32
      %mul3A_1242 = arith.muli %add3A, %mul3A_1241 : i32
      %mul3A_1243 = arith.constant 80 : i32
      %mul3A_1244 = arith.muli %add3A_1240, %mul3A_1243 : i32
      %add3A_1245 = arith.addi %mul3A_1242, %mul3A_1244 : i32
      %dma_start3A = tpu.memref_slice %arg2[%add3A_1245] : memref<320000xi32, #tpu.memory_space<hbm>> -> memref<80xi32, #tpu.memory_space<hbm>>
      %dma_start3A_1246 = tpu.memref_slice %arg2[%add3A_1245] : memref<320000xi32, #tpu.memory_space<hbm>> -> memref<80xi32, #tpu.memory_space<hbm>>
      tpu.enqueue_dma source(%dma_start3A_1246 : memref<80xi32, #tpu.memory_space<hbm>>) target(%arg8 : memref<80xi32, #tpu.memory_space<vmem>>) target_semaphore(%arg15 : memref<!tpu.dma_semaphore, #tpu.memory_space<semaphore_mem>>)
      %dma_start3A_1247 = tpu.memref_slice %arg3[%add3A_1245] : memref<320000xi32, #tpu.memory_space<hbm>> -> memref<80xi32, #tpu.memory_space<hbm>>
      %dma_start3A_1248 = tpu.memref_slice %arg3[%add3A_1245] : memref<320000xi32, #tpu.memory_space<hbm>> -> memref<80xi32, #tpu.memory_space<hbm>>
      tpu.enqueue_dma source(%dma_start3A_1248 : memref<80xi32, #tpu.memory_space<hbm>>) target(%arg9 : memref<80xi32, #tpu.memory_space<vmem>>) target_semaphore(%arg16 : memref<!tpu.dma_semaphore, #tpu.memory_space<semaphore_mem>>)
      %dma_start3A_1249 = arith.constant 0 : i32
      %dma_start3A_1250 = tpu.memref_slice %arg4[%add3A_1245, %dma_start3A_1249] : memref<320000x128xf32, #tpu.memory_space<hbm>> -> memref<80x128xf32, #tpu.memory_space<hbm>>
      %dma_start3A_1251 = arith.constant 0 : i32
      %dma_start3A_1252 = tpu.memref_slice %arg4[%add3A_1245, %dma_start3A_1251] : memref<320000x128xf32, #tpu.memory_space<hbm>> -> memref<80x128xf32, #tpu.memory_space<hbm>>
      tpu.enqueue_dma source(%dma_start3A_1252 : memref<80x128xf32, #tpu.memory_space<hbm>>) target(%arg10 : memref<80x128xf32, #tpu.memory_space<vmem>>) target_semaphore(%arg17 : memref<!tpu.dma_semaphore, #tpu.memory_space<semaphore_mem>>)
      %dma_wait3A = tpu.memref_slice %arg2[%add3A_1245] : memref<320000xi32, #tpu.memory_space<hbm>> -> memref<80xi32, #tpu.memory_space<hbm>>
      %dma_wait3A_1253 = tpu.memref_slice %arg2[%add3A_1245] : memref<320000xi32, #tpu.memory_space<hbm>> -> memref<80xi32, #tpu.memory_space<hbm>>
      tpu.wait_dma2 semaphore(%arg15 : memref<!tpu.dma_semaphore, #tpu.memory_space<semaphore_mem>>) src(%dma_wait3A_1253 : memref<80xi32, #tpu.memory_space<hbm>>) dst(%arg8 : memref<80xi32, #tpu.memory_space<vmem>>)
      %dma_start3A_1254 = arith.constant 0 : i32
      %dma_start3A_1255 = arith.constant 0 : i32
      %dma_start3A_1256 = tpu.memref_slice %arg5[%dma_start3A_1254, %dma_start3A_1255] : memref<10000x128xf32, #tpu.memory_space<hbm>> -> memref<10000x128xf32, #tpu.memory_space<hbm>>
      tpu.enqueue_indirect_dma source(%dma_start3A_1256 : memref<10000x128xf32, #tpu.memory_space<hbm>>) target(%arg11 : memref<80x128xf32, #tpu.memory_space<vmem>>) offsets(%arg8 : memref<80xi32, #tpu.memory_space<vmem>>) semaphore(%arg18 : memref<!tpu.dma_semaphore, #tpu.memory_space<semaphore_mem>>)
      %dma_wait3A_1257 = tpu.memref_slice %arg3[%add3A_1245] : memref<320000xi32, #tpu.memory_space<hbm>> -> memref<80xi32, #tpu.memory_space<hbm>>
      %dma_wait3A_1258 = tpu.memref_slice %arg3[%add3A_1245] : memref<320000xi32, #tpu.memory_space<hbm>> -> memref<80xi32, #tpu.memory_space<hbm>>
      tpu.wait_dma2 semaphore(%arg16 : memref<!tpu.dma_semaphore, #tpu.memory_space<semaphore_mem>>) src(%dma_wait3A_1258 : memref<80xi32, #tpu.memory_space<hbm>>) dst(%arg9 : memref<80xi32, #tpu.memory_space<vmem>>)
      %dma_wait3A_1259 = arith.constant 0 : i32
      %dma_wait3A_1260 = tpu.memref_slice %arg4[%add3A_1245, %dma_wait3A_1259] : memref<320000x128xf32, #tpu.memory_space<hbm>> -> memref<80x128xf32, #tpu.memory_space<hbm>>
      %dma_wait3A_1261 = arith.constant 0 : i32
      %dma_wait3A_1262 = tpu.memref_slice %arg4[%add3A_1245, %dma_wait3A_1261] : memref<320000x128xf32, #tpu.memory_space<hbm>> -> memref<80x128xf32, #tpu.memory_space<hbm>>
      tpu.wait_dma2 semaphore(%arg17 : memref<!tpu.dma_semaphore, #tpu.memory_space<semaphore_mem>>) src(%dma_wait3A_1262 : memref<80x128xf32, #tpu.memory_space<hbm>>) dst(%arg10 : memref<80x128xf32, #tpu.memory_space<vmem>>)
      %dma_wait3A_1263 = arith.constant 0 : i32
      %dma_wait3A_1264 = arith.constant 0 : i32
      %dma_wait3A_1265 = tpu.memref_slice %arg5[%dma_wait3A_1263, %dma_wait3A_1264] : memref<10000x128xf32, #tpu.memory_space<hbm>> -> memref<10000x128xf32, #tpu.memory_space<hbm>>
      tpu.wait_indirect_dma semaphore(%arg18 : memref<!tpu.dma_semaphore, #tpu.memory_space<semaphore_mem>>) src(%dma_wait3A_1265 : memref<10000x128xf32, #tpu.memory_space<hbm>>) dst(%arg11 : memref<80x128xf32, #tpu.memory_space<vmem>>)
      %scan3A_1266 = arith.constant 0 : i32
      %scan3A_1267 = arith.constant 80 : i32
      %scan3A_1268 = arith.addi %scan3A_1266, %scan3A_1267 : i32
      %scan3A_1269 = arith.constant 2 : i32
      scf.for %scan3A_1271 = %scan3A_1266 to %scan3A_1268 step %scan3A_1269  : i32 {
        %mul3A_1272 = arith.constant 1 : i32
        %mul3A_1273 = arith.muli %scan3A_1271, %mul3A_1272 : i32
        %add3A_1274 = arith.constant 0 : i32
        %add3A_1275 = arith.addi %add3A_1274, %mul3A_1273 : i32
        %get3A = arith.index_cast %add3A_1275 : i32 to index
        %get3A_1276 = arith.constant 0 : index
        %get3A_1277 = tpu.vector_load %arg10[%get3A, %get3A_1276] {strides = array<i32>} : memref<80x128xf32, #tpu.memory_space<vmem>>, vector<16xf32>,
        %get3A_1278 = arith.index_cast %add3A_1275 : i32 to index
        %get3A_1279 = arith.constant 0 : index
        %get3A_1280 = tpu.vector_load %arg11[%get3A_1278, %get3A_1279] {strides = array<i32>} : memref<80x128xf32, #tpu.memory_space<vmem>>, vector<16xf32>,
        %mul3A_1281 = arith.mulf %get3A_1277, %get3A_1280 : vector<16xf32>
        %swap3A_1282 = arith.index_cast %add3A_1275 : i32 to index
        %swap3A_1283 = arith.constant 0 : index
        %swap3A_1284 = tpu.vector_load %arg12[%swap3A_1282, %swap3A_1283] {strides = array<i32>} : memref<80x144xf32, #tpu.memory_space<vmem>>, vector<16xf32>,
        tpu.vector_store %arg12[%swap3A_1282, %swap3A_1283], %mul3A_1281 {strides = array<i32>} : memref<80x144xf32, #tpu.memory_space<vmem>>, vector<16xf32>,
        %get3A_1285 = arith.index_cast %add3A_1275 : i32 to index
        %get3A_1286 = arith.constant 16 : index
        %get3A_1287 = tpu.vector_load %arg10[%get3A_1285, %get3A_1286] {strides = array<i32>} : memref<80x128xf32, #tpu.memory_space<vmem>>, vector<16xf32>,
        %get3A_1288 = arith.index_cast %add3A_1275 : i32 to index
        %get3A_1289 = arith.constant 16 : index
        %get3A_1290 = tpu.vector_load %arg11[%get3A_1288, %get3A_1289] {strides = array<i32>} : memref<80x128xf32, #tpu.memory_space<vmem>>, vector<16xf32>,
        %mul3A_1291 = arith.mulf %get3A_1287, %get3A_1290 : vector<16xf32>
        %swap3A_1292 = arith.index_cast %add3A_1275 : i32 to index
        %swap3A_1293 = arith.constant 16 : index
        %swap3A_1294 = tpu.vector_load %arg12[%swap3A_1292, %swap3A_1293] {strides = array<i32>} : memref<80x144xf32, #tpu.memory_space<vmem>>, vector<16xf32>,
        tpu.vector_store %arg12[%swap3A_1292, %swap3A_1293], %mul3A_1291 {strides = array<i32>} : memref<80x144xf32, #tpu.memory_space<vmem>>, vector<16xf32>,
        %get3A_1295 = arith.index_cast %add3A_1275 : i32 to index
        %get3A_1296 = arith.constant 32 : index
        %get3A_1297 = tpu.vector_load %arg10[%get3A_1295, %get3A_1296] {strides = array<i32>} : memref<80x128xf32, #tpu.memory_space<vmem>>, vector<16xf32>,
        %get3A_1298 = arith.index_cast %add3A_1275 : i32 to index
        %get3A_1299 = arith.constant 32 : index
        %get3A_1300 = tpu.vector_load %arg11[%get3A_1298, %get3A_1299] {strides = array<i32>} : memref<80x128xf32, #tpu.memory_space<vmem>>, vector<16xf32>,
        %mul3A_1301 = arith.mulf %get3A_1297, %get3A_1300 : vector<16xf32>
        %swap3A_1302 = arith.index_cast %add3A_1275 : i32 to index
        %swap3A_1303 = arith.constant 32 : index
        %swap3A_1304 = tpu.vector_load %arg12[%swap3A_1302, %swap3A_1303] {strides = array<i32>} : memref<80x144xf32, #tpu.memory_space<vmem>>, vector<16xf32>,
        tpu.vector_store %arg12[%swap3A_1302, %swap3A_1303], %mul3A_1301 {strides = array<i32>} : memref<80x144xf32, #tpu.memory_space<vmem>>, vector<16xf32>,
        %get3A_1305 = arith.index_cast %add3A_1275 : i32 to index
        %get3A_1306 = arith.constant 48 : index
        %get3A_1307 = tpu.vector_load %arg10[%get3A_1305, %get3A_1306] {strides = array<i32>} : memref<80x128xf32, #tpu.memory_space<vmem>>, vector<16xf32>,
        %get3A_1308 = arith.index_cast %add3A_1275 : i32 to index
        %get3A_1309 = arith.constant 48 : index
        %get3A_1310 = tpu.vector_load %arg11[%get3A_1308, %get3A_1309] {strides = array<i32>} : memref<80x128xf32, #tpu.memory_space<vmem>>, vector<16xf32>,
        %mul3A_1311 = arith.mulf %get3A_1307, %get3A_1310 : vector<16xf32>
        %swap3A_1312 = arith.index_cast %add3A_1275 : i32 to index
        %swap3A_1313 = arith.constant 48 : index
        %swap3A_1314 = tpu.vector_load %arg12[%swap3A_1312, %swap3A_1313] {strides = array<i32>} : memref<80x144xf32, #tpu.memory_space<vmem>>, vector<16xf32>,
        tpu.vector_store %arg12[%swap3A_1312, %swap3A_1313], %mul3A_1311 {strides = array<i32>} : memref<80x144xf32, #tpu.memory_space<vmem>>, vector<16xf32>,
        %get3A_1315 = arith.index_cast %add3A_1275 : i32 to index
        %get3A_1316 = arith.constant 64 : index
        %get3A_1317 = tpu.vector_load %arg10[%get3A_1315, %get3A_1316] {strides = array<i32>} : memref<80x128xf32, #tpu.memory_space<vmem>>, vector<16xf32>,
        %get3A_1318 = arith.index_cast %add3A_1275 : i32 to index
        %get3A_1319 = arith.constant 64 : index
        %get3A_1320 = tpu.vector_load %arg11[%get3A_1318, %get3A_1319] {strides = array<i32>} : memref<80x128xf32, #tpu.memory_space<vmem>>, vector<16xf32>,
        %mul3A_1321 = arith.mulf %get3A_1317, %get3A_1320 : vector<16xf32>
        %swap3A_1322 = arith.index_cast %add3A_1275 : i32 to index
        %swap3A_1323 = arith.constant 64 : index
        %swap3A_1324 = tpu.vector_load %arg12[%swap3A_1322, %swap3A_1323] {strides = array<i32>} : memref<80x144xf32, #tpu.memory_space<vmem>>, vector<16xf32>,
        tpu.vector_store %arg12[%swap3A_1322, %swap3A_1323], %mul3A_1321 {strides = array<i32>} : memref<80x144xf32, #tpu.memory_space<vmem>>, vector<16xf32>,
        %get3A_1325 = arith.index_cast %add3A_1275 : i32 to index
        %get3A_1326 = arith.constant 80 : index
        %get3A_1327 = tpu.vector_load %arg10[%get3A_1325, %get3A_1326] {strides = array<i32>} : memref<80x128xf32, #tpu.memory_space<vmem>>, vector<16xf32>,
        %get3A_1328 = arith.index_cast %add3A_1275 : i32 to index
        %get3A_1329 = arith.constant 80 : index
        %get3A_1330 = tpu.vector_load %arg11[%get3A_1328, %get3A_1329] {strides = array<i32>} : memref<80x128xf32, #tpu.memory_space<vmem>>, vector<16xf32>,
        %mul3A_1331 = arith.mulf %get3A_1327, %get3A_1330 : vector<16xf32>
        %swap3A_1332 = arith.index_cast %add3A_1275 : i32 to index
        %swap3A_1333 = arith.constant 80 : index
        %swap3A_1334 = tpu.vector_load %arg12[%swap3A_1332, %swap3A_1333] {strides = array<i32>} : memref<80x144xf32, #tpu.memory_space<vmem>>, vector<16xf32>,
        tpu.vector_store %arg12[%swap3A_1332, %swap3A_1333], %mul3A_1331 {strides = array<i32>} : memref<80x144xf32, #tpu.memory_space<vmem>>, vector<16xf32>,
        %get3A_1335 = arith.index_cast %add3A_1275 : i32 to index
        %get3A_1336 = arith.constant 96 : index
        %get3A_1337 = tpu.vector_load %arg10[%get3A_1335, %get3A_1336] {strides = array<i32>} : memref<80x128xf32, #tpu.memory_space<vmem>>, vector<16xf32>,
        %get3A_1338 = arith.index_cast %add3A_1275 : i32 to index
        %get3A_1339 = arith.constant 96 : index
        %get3A_1340 = tpu.vector_load %arg11[%get3A_1338, %get3A_1339] {strides = array<i32>} : memref<80x128xf32, #tpu.memory_space<vmem>>, vector<16xf32>,
        %mul3A_1341 = arith.mulf %get3A_1337, %get3A_1340 : vector<16xf32>
        %swap3A_1342 = arith.index_cast %add3A_1275 : i32 to index
        %swap3A_1343 = arith.constant 96 : index
        %swap3A_1344 = tpu.vector_load %arg12[%swap3A_1342, %swap3A_1343] {strides = array<i32>} : memref<80x144xf32, #tpu.memory_space<vmem>>, vector<16xf32>,
        tpu.vector_store %arg12[%swap3A_1342, %swap3A_1343], %mul3A_1341 {strides = array<i32>} : memref<80x144xf32, #tpu.memory_space<vmem>>, vector<16xf32>,
        %get3A_1345 = arith.index_cast %add3A_1275 : i32 to index
        %get3A_1346 = arith.constant 112 : index
        %get3A_1347 = tpu.vector_load %arg10[%get3A_1345, %get3A_1346] {strides = array<i32>} : memref<80x128xf32, #tpu.memory_space<vmem>>, vector<16xf32>,
        %get3A_1348 = arith.index_cast %add3A_1275 : i32 to index
        %get3A_1349 = arith.constant 112 : index
        %get3A_1350 = tpu.vector_load %arg11[%get3A_1348, %get3A_1349] {strides = array<i32>} : memref<80x128xf32, #tpu.memory_space<vmem>>, vector<16xf32>,
        %mul3A_1351 = arith.mulf %get3A_1347, %get3A_1350 : vector<16xf32>
        %swap3A_1352 = arith.index_cast %add3A_1275 : i32 to index
        %swap3A_1353 = arith.constant 112 : index
        %swap3A_1354 = tpu.vector_load %arg12[%swap3A_1352, %swap3A_1353] {strides = array<i32>} : memref<80x144xf32, #tpu.memory_space<vmem>>, vector<16xf32>,
        tpu.vector_store %arg12[%swap3A_1352, %swap3A_1353], %mul3A_1351 {strides = array<i32>} : memref<80x144xf32, #tpu.memory_space<vmem>>, vector<16xf32>,
        %scan3A_1355 = arith.constant 1 : i32
        %scan3A_1356 = arith.addi %scan3A_1271, %scan3A_1355 : i32
        %mul3A_1357 = arith.constant 1 : i32
        %mul3A_1358 = arith.muli %scan3A_1356, %mul3A_1357 : i32
        %add3A_1359 = arith.constant 0 : i32
        %add3A_1360 = arith.addi %add3A_1359, %mul3A_1358 : i32
        %get3A_1361 = arith.index_cast %add3A_1360 : i32 to index
        %get3A_1362 = arith.constant 0 : index
        %get3A_1363 = tpu.vector_load %arg10[%get3A_1361, %get3A_1362] {strides = array<i32>} : memref<80x128xf32, #tpu.memory_space<vmem>>, vector<16xf32>,
        %get3A_1364 = arith.index_cast %add3A_1360 : i32 to index
        %get3A_1365 = arith.constant 0 : index
        %get3A_1366 = tpu.vector_load %arg11[%get3A_1364, %get3A_1365] {strides = array<i32>} : memref<80x128xf32, #tpu.memory_space<vmem>>, vector<16xf32>,
        %mul3A_1367 = arith.mulf %get3A_1363, %get3A_1366 : vector<16xf32>
        %swap3A_1368 = arith.index_cast %add3A_1360 : i32 to index
        %swap3A_1369 = arith.constant 0 : index
        %swap3A_1370 = tpu.vector_load %arg12[%swap3A_1368, %swap3A_1369] {strides = array<i32>} : memref<80x144xf32, #tpu.memory_space<vmem>>, vector<16xf32>,
        tpu.vector_store %arg12[%swap3A_1368, %swap3A_1369], %mul3A_1367 {strides = array<i32>} : memref<80x144xf32, #tpu.memory_space<vmem>>, vector<16xf32>,
        %get3A_1371 = arith.index_cast %add3A_1360 : i32 to index
        %get3A_1372 = arith.constant 16 : index
        %get3A_1373 = tpu.vector_load %arg10[%get3A_1371, %get3A_1372] {strides = array<i32>} : memref<80x128xf32, #tpu.memory_space<vmem>>, vector<16xf32>,
        %get3A_1374 = arith.index_cast %add3A_1360 : i32 to index
        %get3A_1375 = arith.constant 16 : index
        %get3A_1376 = tpu.vector_load %arg11[%get3A_1374, %get3A_1375] {strides = array<i32>} : memref<80x128xf32, #tpu.memory_space<vmem>>, vector<16xf32>,
        %mul3A_1377 = arith.mulf %get3A_1373, %get3A_1376 : vector<16xf32>
        %swap3A_1378 = arith.index_cast %add3A_1360 : i32 to index
        %swap3A_1379 = arith.constant 16 : index
        %swap3A_1380 = tpu.vector_load %arg12[%swap3A_1378, %swap3A_1379] {strides = array<i32>} : memref<80x144xf32, #tpu.memory_space<vmem>>, vector<16xf32>,
        tpu.vector_store %arg12[%swap3A_1378, %swap3A_1379], %mul3A_1377 {strides = array<i32>} : memref<80x144xf32, #tpu.memory_space<vmem>>, vector<16xf32>,
        %get3A_1381 = arith.index_cast %add3A_1360 : i32 to index
        %get3A_1382 = arith.constant 32 : index
        %get3A_1383 = tpu.vector_load %arg10[%get3A_1381, %get3A_1382] {strides = array<i32>} : memref<80x128xf32, #tpu.memory_space<vmem>>, vector<16xf32>,
        %get3A_1384 = arith.index_cast %add3A_1360 : i32 to index
        %get3A_1385 = arith.constant 32 : index
        %get3A_1386 = tpu.vector_load %arg11[%get3A_1384, %get3A_1385] {strides = array<i32>} : memref<80x128xf32, #tpu.memory_space<vmem>>, vector<16xf32>,
        %mul3A_1387 = arith.mulf %get3A_1383, %get3A_1386 : vector<16xf32>
        %swap3A_1388 = arith.index_cast %add3A_1360 : i32 to index
        %swap3A_1389 = arith.constant 32 : index
        %swap3A_1390 = tpu.vector_load %arg12[%swap3A_1388, %swap3A_1389] {strides = array<i32>} : memref<80x144xf32, #tpu.memory_space<vmem>>, vector<16xf32>,
        tpu.vector_store %arg12[%swap3A_1388, %swap3A_1389], %mul3A_1387 {strides = array<i32>} : memref<80x144xf32, #tpu.memory_space<vmem>>, vector<16xf32>,
        %get3A_1391 = arith.index_cast %add3A_1360 : i32 to index
        %get3A_1392 = arith.constant 48 : index
        %get3A_1393 = tpu.vector_load %arg10[%get3A_1391, %get3A_1392] {strides = array<i32>} : memref<80x128xf32, #tpu.memory_space<vmem>>, vector<16xf32>,
        %get3A_1394 = arith.index_cast %add3A_1360 : i32 to index
        %get3A_1395 = arith.constant 48 : index
        %get3A_1396 = tpu.vector_load %arg11[%get3A_1394, %get3A_1395] {strides = array<i32>} : memref<80x128xf32, #tpu.memory_space<vmem>>, vector<16xf32>,
        %mul3A_1397 = arith.mulf %get3A_1393, %get3A_1396 : vector<16xf32>
        %swap3A_1398 = arith.index_cast %add3A_1360 : i32 to index
        %swap3A_1399 = arith.constant 48 : index
        %swap3A_1400 = tpu.vector_load %arg12[%swap3A_1398, %swap3A_1399] {strides = array<i32>} : memref<80x144xf32, #tpu.memory_space<vmem>>, vector<16xf32>,
        tpu.vector_store %arg12[%swap3A_1398, %swap3A_1399], %mul3A_1397 {strides = array<i32>} : memref<80x144xf32, #tpu.memory_space<vmem>>, vector<16xf32>,
        %get3A_1401 = arith.index_cast %add3A_1360 : i32 to index
        %get3A_1402 = arith.constant 64 : index
        %get3A_1403 = tpu.vector_load %arg10[%get3A_1401, %get3A_1402] {strides = array<i32>} : memref<80x128xf32, #tpu.memory_space<vmem>>, vector<16xf32>,
        %get3A_1404 = arith.index_cast %add3A_1360 : i32 to index
        %get3A_1405 = arith.constant 64 : index
        %get3A_1406 = tpu.vector_load %arg11[%get3A_1404, %get3A_1405] {strides = array<i32>} : memref<80x128xf32, #tpu.memory_space<vmem>>, vector<16xf32>,
        %mul3A_1407 = arith.mulf %get3A_1403, %get3A_1406 : vector<16xf32>
        %swap3A_1408 = arith.index_cast %add3A_1360 : i32 to index
        %swap3A_1409 = arith.constant 64 : index
        %swap3A_1410 = tpu.vector_load %arg12[%swap3A_1408, %swap3A_1409] {strides = array<i32>} : memref<80x144xf32, #tpu.memory_space<vmem>>, vector<16xf32>,
        tpu.vector_store %arg12[%swap3A_1408, %swap3A_1409], %mul3A_1407 {strides = array<i32>} : memref<80x144xf32, #tpu.memory_space<vmem>>, vector<16xf32>,
        %get3A_1411 = arith.index_cast %add3A_1360 : i32 to index
        %get3A_1412 = arith.constant 80 : index
        %get3A_1413 = tpu.vector_load %arg10[%get3A_1411, %get3A_1412] {strides = array<i32>} : memref<80x128xf32, #tpu.memory_space<vmem>>, vector<16xf32>,
        %get3A_1414 = arith.index_cast %add3A_1360 : i32 to index
        %get3A_1415 = arith.constant 80 : index
        %get3A_1416 = tpu.vector_load %arg11[%get3A_1414, %get3A_1415] {strides = array<i32>} : memref<80x128xf32, #tpu.memory_space<vmem>>, vector<16xf32>,
        %mul3A_1417 = arith.mulf %get3A_1413, %get3A_1416 : vector<16xf32>
        %swap3A_1418 = arith.index_cast %add3A_1360 : i32 to index
        %swap3A_1419 = arith.constant 80 : index
        %swap3A_1420 = tpu.vector_load %arg12[%swap3A_1418, %swap3A_1419] {strides = array<i32>} : memref<80x144xf32, #tpu.memory_space<vmem>>, vector<16xf32>,
        tpu.vector_store %arg12[%swap3A_1418, %swap3A_1419], %mul3A_1417 {strides = array<i32>} : memref<80x144xf32, #tpu.memory_space<vmem>>, vector<16xf32>,
        %get3A_1421 = arith.index_cast %add3A_1360 : i32 to index
        %get3A_1422 = arith.constant 96 : index
        %get3A_1423 = tpu.vector_load %arg10[%get3A_1421, %get3A_1422] {strides = array<i32>} : memref<80x128xf32, #tpu.memory_space<vmem>>, vector<16xf32>,
        %get3A_1424 = arith.index_cast %add3A_1360 : i32 to index
        %get3A_1425 = arith.constant 96 : index
        %get3A_1426 = tpu.vector_load %arg11[%get3A_1424, %get3A_1425] {strides = array<i32>} : memref<80x128xf32, #tpu.memory_space<vmem>>, vector<16xf32>,
        %mul3A_1427 = arith.mulf %get3A_1423, %get3A_1426 : vector<16xf32>
        %swap3A_1428 = arith.index_cast %add3A_1360 : i32 to index
        %swap3A_1429 = arith.constant 96 : index
        %swap3A_1430 = tpu.vector_load %arg12[%swap3A_1428, %swap3A_1429] {strides = array<i32>} : memref<80x144xf32, #tpu.memory_space<vmem>>, vector<16xf32>,
        tpu.vector_store %arg12[%swap3A_1428, %swap3A_1429], %mul3A_1427 {strides = array<i32>} : memref<80x144xf32, #tpu.memory_space<vmem>>, vector<16xf32>,
        %get3A_1431 = arith.index_cast %add3A_1360 : i32 to index
        %get3A_1432 = arith.constant 112 : index
        %get3A_1433 = tpu.vector_load %arg10[%get3A_1431, %get3A_1432] {strides = array<i32>} : memref<80x128xf32, #tpu.memory_space<vmem>>, vector<16xf32>,
        %get3A_1434 = arith.index_cast %add3A_1360 : i32 to index
        %get3A_1435 = arith.constant 112 : index
        %get3A_1436 = tpu.vector_load %arg11[%get3A_1434, %get3A_1435] {strides = array<i32>} : memref<80x128xf32, #tpu.memory_space<vmem>>, vector<16xf32>,
        %mul3A_1437 = arith.mulf %get3A_1433, %get3A_1436 : vector<16xf32>
        %swap3A_1438 = arith.index_cast %add3A_1360 : i32 to index
        %swap3A_1439 = arith.constant 112 : index
        %swap3A_1440 = tpu.vector_load %arg12[%swap3A_1438, %swap3A_1439] {strides = array<i32>} : memref<80x144xf32, #tpu.memory_space<vmem>>, vector<16xf32>,
        tpu.vector_store %arg12[%swap3A_1438, %swap3A_1439], %mul3A_1437 {strides = array<i32>} : memref<80x144xf32, #tpu.memory_space<vmem>>, vector<16xf32>,
      }
      %scan3A_1270 = arith.constant 80 : i32
      "tpu.region"() ({
        %run_scoped3A = tpu.sem_alloc : memref<!tpu.dma_semaphore, #tpu.memory_space<semaphore_mem>>
        %dma_start3A_1271 = arith.constant 0 : i32
        %dma_start3A_1272 = arith.constant 0 : i32
        %dma_start3A_1273 = tpu.memref_slice %arg14[%dma_start3A_1271, %dma_start3A_1272] : memref<10000x144xf32, #tpu.memory_space<vmem_shared>> -> memref<10000x144xf32, #tpu.memory_space<vmem_shared>>
        tpu.enqueue_indirect_dma source(%arg12 : memref<80x144xf32, #tpu.memory_space<vmem>>) target(%dma_start3A_1273 : memref<10000x144xf32, #tpu.memory_space<vmem_shared>>) offsets(%arg9 : memref<80xi32, #tpu.memory_space<vmem>>) semaphore(%run_scoped3A : memref<!tpu.dma_semaphore, #tpu.memory_space<semaphore_mem>>) {add = true}
        %dma_wait3A_1274 = arith.constant 0 : i32
        %dma_wait3A_1275 = arith.constant 0 : i32
        %dma_wait3A_1276 = tpu.memref_slice %arg14[%dma_wait3A_1274, %dma_wait3A_1275] : memref<10000x144xf32, #tpu.memory_space<vmem_shared>> -> memref<10000x144xf32, #tpu.memory_space<vmem_shared>>
        tpu.wait_indirect_dma semaphore(%run_scoped3A : memref<!tpu.dma_semaphore, #tpu.memory_space<semaphore_mem>>) src(%arg12 : memref<80x144xf32, #tpu.memory_space<vmem>>) dst(%dma_wait3A_1276 : memref<10000x144xf32, #tpu.memory_space<vmem_shared>>)
        tpu.yield
      }) : () -> ()
    }
    %scan3A_1232 = arith.constant 125 : i32
    %barrier3A_1233 = arith.constant 0 : index
    tpu.barrier barrier_id(%barrier3A_1233)
    %mul3A_1234 = arith.constant 625 : i32
    %mul3A_1235 = arith.muli %arg1, %mul3A_1234 : i32
    "tpu.region"() ({
      %run_scoped3A = tpu.sem_alloc : memref<!tpu.dma_semaphore, #tpu.memory_space<semaphore_mem>>
      %dma_start3A = arith.constant 0 : i32
      %dma_start3A_1236 = tpu.memref_slice %arg6[%arg0, %mul3A_1235, %dma_start3A] : memref<2x10000x128xf32, #tpu.memory_space<hbm>> -> memref<1x625x128xf32, #tpu.memory_space<hbm>>
      %dma_start3A_1237 = tpu.memref_squeeze %dma_start3A_1236 : memref<1x625x128xf32, #tpu.memory_space<hbm>> -> memref<625x128xf32, #tpu.memory_space<hbm>>
      %dma_start3A_1238 = arith.constant 0 : i32
      %dma_start3A_1239 = tpu.memref_slice %arg14[%mul3A_1235, %dma_start3A_1238] : memref<10000x144xf32, #tpu.memory_space<vmem_shared>> -> memref<625x128xf32, #tpu.memory_space<vmem_shared>>
      tpu.enqueue_dma source(%dma_start3A_1239 : memref<625x128xf32, #tpu.memory_space<vmem_shared>>) target(%dma_start3A_1237 : memref<625x128xf32, #tpu.memory_space<hbm>>) target_semaphore(%run_scoped3A : memref<!tpu.dma_semaphore, #tpu.memory_space<semaphore_mem>>)
      %dma_wait3A = arith.constant 0 : i32
      %dma_wait3A_1240 = tpu.memref_slice %arg6[%arg0, %mul3A_1235, %dma_wait3A] : memref<2x10000x128xf32, #tpu.memory_space<hbm>> -> memref<1x625x128xf32, #tpu.memory_space<hbm>>
      %dma_wait3A_1241 = tpu.memref_squeeze %dma_wait3A_1240 : memref<1x625x128xf32, #tpu.memory_space<hbm>> -> memref<625x128xf32, #tpu.memory_space<hbm>>
      %dma_wait3A_1242 = arith.constant 0 : i32
      %dma_wait3A_1243 = tpu.memref_slice %arg14[%mul3A_1235, %dma_wait3A_1242] : memref<10000x144xf32, #tpu.memory_space<vmem_shared>> -> memref<625x128xf32, #tpu.memory_space<vmem_shared>>
      tpu.wait_dma2 semaphore(%run_scoped3A : memref<!tpu.dma_semaphore, #tpu.memory_space<semaphore_mem>>) src(%dma_wait3A_1243 : memref<625x128xf32, #tpu.memory_space<vmem_shared>>) dst(%dma_wait3A_1241 : memref<625x128xf32, #tpu.memory_space<hbm>>)
      tpu.yield
    }) : () -> ()
    "tpu.region"() ({
      %run_scoped3A = tpu.sem_alloc : memref<!tpu.dma_semaphore, #tpu.memory_space<semaphore_mem>>
      %dma_start3A = arith.constant 0 : i32
      %dma_start3A_1236 = tpu.memref_slice %arg7[%arg0, %mul3A_1235, %dma_start3A] : memref<2x10000x16xf32, #tpu.memory_space<hbm>> -> memref<1x625x16xf32, #tpu.memory_space<hbm>>
      %dma_start3A_1237 = tpu.memref_squeeze %dma_start3A_1236 : memref<1x625x16xf32, #tpu.memory_space<hbm>> -> memref<625x16xf32, #tpu.memory_space<hbm>>
      %dma_start3A_1238 = arith.constant 128 : i32
      %dma_start3A_1239 = tpu.memref_slice %arg14[%mul3A_1235, %dma_start3A_1238] : memref<10000x144xf32, #tpu.memory_space<vmem_shared>> -> memref<625x16xf32, #tpu.memory_space<vmem_shared>>
      tpu.enqueue_dma source(%dma_start3A_1239 : memref<625x16xf32, #tpu.memory_space<vmem_shared>>) target(%dma_start3A_1237 : memref<625x16xf32, #tpu.memory_space<hbm>>) target_semaphore(%run_scoped3A : memref<!tpu.dma_semaphore, #tpu.memory_space<semaphore_mem>>)
      %dma_wait3A = arith.constant 0 : i32
      %dma_wait3A_1240 = tpu.memref_slice %arg7[%arg0, %mul3A_1235, %dma_wait3A] : memref<2x10000x16xf32, #tpu.memory_space<hbm>> -> memref<1x625x16xf32, #tpu.memory_space<hbm>>
      %dma_wait3A_1241 = tpu.memref_squeeze %dma_wait3A_1240 : memref<1x625x16xf32, #tpu.memory_space<hbm>> -> memref<625x16xf32, #tpu.memory_space<hbm>>
      %dma_wait3A_1242 = arith.constant 128 : i32
      %dma_wait3A_1243 = tpu.memref_slice %arg14[%mul3A_1235, %dma_wait3A_1242] : memref<10000x144xf32, #tpu.memory_space<vmem_shared>> -> memref<625x16xf32, #tpu.memory_space<vmem_shared>>
      tpu.wait_dma2 semaphore(%run_scoped3A : memref<!tpu.dma_semaphore, #tpu.memory_space<semaphore_mem>>) src(%dma_wait3A_1243 : memref<625x16xf32, #tpu.memory_space<vmem_shared>>) dst(%dma_wait3A_1241 : memref<625x16xf32, #tpu.memory_space<hbm>>)
      tpu.yield
    }) : () -> ()
    return
  }
}

module attributes {stable_mosaic.version = 14 : i64} {
  func.func @_tc_hj_body(%arg0: i32, %arg1: memref<2000x128xf32, #tpu.memory_space<vmem>>, %arg2: memref<128x128xf32, #tpu.memory_space<vmem>>, %arg3: memref<1x128xf32, #tpu.memory_space<vmem>>, %arg4: memref<2000x128xf32, #tpu.memory_space<vmem>>) attributes {dimension_semantics = [#tpu.dimension_semantics<arbitrary>], iteration_bounds = array<i64: 5>, scalar_prefetch = 0 : i64, scratch_operands = 0 : i64, tpu.core_type = #tpu.core_type<tc>, window_params = [{transform_indices = @transform_0, window_bounds = array<i64: 2000, 128>}, {pipeline_mode = #tpu.pipeline_mode<synchronous>, transform_indices = @transform_1, window_bounds = array<i64: 128, 128>}, {pipeline_mode = #tpu.pipeline_mode<synchronous>, transform_indices = @transform_2, window_bounds = array<i64: 1, 128>}, {transform_indices = @transform_3, window_bounds = array<i64: 2000, 128>}]} {
    %get3A = arith.constant 0 : index
    %get3A_0 = arith.constant 0 : index
    %get3A_1 = vector.load %arg1[%get3A, %get3A_0] : memref<2000x128xf32, #tpu.memory_space<vmem>>, vector<2000x128xf32>
    %get3A_2 = arith.constant 0 : index
    %get3A_3 = arith.constant 0 : index
    %get3A_4 = vector.load %arg2[%get3A_2, %get3A_3] : memref<128x128xf32, #tpu.memory_space<vmem>>, vector<128x128xf32>
    %dot_general3A = arith.constant dense<0.000000e+00> : vector<2000x128xf32>
    %dot_general3A_5 = tpu.matmul %get3A_1, %get3A_4, %dot_general3A {dimension_numbers = #tpu.dot_dimension_numbers<[1], [0], [0], [1], [0, 0, 1, 1], [], []>, precision = #tpu.contract_precision<fp32>, transpose_lhs_hint = false} : vector<2000x128xf32>, vector<128x128xf32>, vector<2000x128xf32> -> vector<2000x128xf32>
    %get3A_6 = arith.constant 0 : index
    %get3A_7 = arith.constant 0 : index
    %get3A_8 = vector.load %arg3[%get3A_6, %get3A_7] : memref<1x128xf32, #tpu.memory_space<vmem>>, vector<1x128xf32>
    %add3A = vector.broadcast %get3A_8 : vector<1x128xf32> to vector<2000x128xf32>
    %add3A_9 = arith.addf %dot_general3A_5, %add3A : vector<2000x128xf32>
    %swap3A = arith.constant 0 : index
    %swap3A_10 = arith.constant 0 : index
    %swap3A_11 = vector.load %arg4[%swap3A, %swap3A_10] : memref<2000x128xf32, #tpu.memory_space<vmem>>, vector<2000x128xf32>
    tpu.vector_store %arg4[%swap3A, %swap3A_10], %add3A_9 {strides = array<i32>} : memref<2000x128xf32, #tpu.memory_space<vmem>>, vector<2000x128xf32>,
    return
  }
  func.func @transform_0(%arg0: i32) -> (i32, i32) {
    %c0_i32 = arith.constant 0 : i32
    %c0_i32_0 = arith.constant 0 : i32
    return %arg0, %c0_i32 : i32, i32
  }
  func.func @transform_1(%arg0: i32) -> (i32, i32) {
    %c0_i32 = arith.constant 0 : i32
    %c0_i32_0 = arith.constant 0 : i32
    %c0_i32_1 = arith.constant 0 : i32
    return %c0_i32, %c0_i32_0 : i32, i32
  }
  func.func @transform_2(%arg0: i32) -> (i32, i32) {
    %c0_i32 = arith.constant 0 : i32
    %c0_i32_0 = arith.constant 0 : i32
    %c0_i32_1 = arith.constant 0 : i32
    return %c0_i32, %c0_i32_0 : i32, i32
  }
  func.func @transform_3(%arg0: i32) -> (i32, i32) {
    %c0_i32 = arith.constant 0 : i32
    %c0_i32_0 = arith.constant 0 : i32
    return %arg0, %c0_i32 : i32, i32
  }
}

module attributes {stable_mosaic.version = 14 : i64} {
  func.func @_tc_g_body(%arg0: i32, %arg1: memref<1x20x128xf32, #tpu.memory_space<vmem>>, %arg2: memref<64x128xf32, #tpu.memory_space<vmem>>, %arg3: memref<1x2560x128xf32, #tpu.memory_space<vmem>>) attributes {dimension_semantics = [#tpu.dimension_semantics<arbitrary>], iteration_bounds = array<i64: 125>, scalar_prefetch = 0 : i64, scratch_operands = 0 : i64, tpu.core_type = #tpu.core_type<tc>, window_params = [{transform_indices = @transform_0, window_bounds = array<i64: 1, 20, 128>}, {pipeline_mode = #tpu.pipeline_mode<synchronous>, transform_indices = @transform_1, window_bounds = array<i64: 64, 128>}, {transform_indices = @transform_2, window_bounds = array<i64: 1, 2560, 128>}]} {
    %get3A = arith.constant 0 : index
    %get3A_0 = arith.constant 0 : index
    %get3A_1 = arith.constant 0 : index
    %get3A_2 = vector.load %arg1[%get3A, %get3A_0, %get3A_1] : memref<1x20x128xf32, #tpu.memory_space<vmem>>, vector<1x20x128xf32>
    %get3A_3 = vector.shape_cast %get3A_2 : vector<1x20x128xf32> to vector<20x128xf32>
    %iota3A = tpu.iota {dimensions = array<i32: 0>} : vector<128x128xi32>
    %iota3A_4 = tpu.iota {dimensions = array<i32: 1>} : vector<128x128xi32>
    %eq3A = arith.cmpi eq, %iota3A, %iota3A_4 : vector<128x128xi32>
    %convert_element_type3A = arith.extui %eq3A : vector<128x128xi1> to vector<128x128xi32>
    %convert_element_type3A_5 = arith.sitofp %convert_element_type3A : vector<128x128xi32> to vector<128x128xf32>
    %dot_general3A = arith.constant dense<0.000000e+00> : vector<128x20xf32>
    %dot_general3A_6 = tpu.matmul %convert_element_type3A_5, %get3A_3, %dot_general3A {dimension_numbers = #tpu.dot_dimension_numbers<[1], [1], [0], [0], [0, 0, 1, 0], [], []>, precision = #tpu.contract_precision<fp32>, transpose_lhs_hint = false} : vector<128x128xf32>, vector<20x128xf32>, vector<128x20xf32> -> vector<128x20xf32>
    %get3A_7 = arith.constant 0 : index
    %get3A_8 = arith.constant 0 : index
    %get3A_9 = vector.load %arg2[%get3A_7, %get3A_8] : memref<64x128xf32, #tpu.memory_space<vmem>>, vector<64x128xf32>
    %iota3A_10 = tpu.iota {dimensions = array<i32: 1>} : vector<1x64xi32>
    %convert_element_type3A_11 = arith.sitofp %iota3A_10 : vector<1x64xi32> to vector<1x64xf32>
    %mul3A = arith.constant -0.0158722959 : f32
    %mul3A_12 = vector.broadcast %mul3A : f32 to vector<1x64xf32>
    %mul3A_13 = arith.mulf %convert_element_type3A_11, %mul3A_12 : vector<1x64xf32>
    %add3A = arith.constant 1.000000e+00 : f32
    %add3A_14 = vector.broadcast %add3A : f32 to vector<1x64xf32>
    %add3A_15 = arith.addf %add3A_14, %mul3A_13 : vector<1x64xf32>
    %slice3A = vector.extract_strided_slice %dot_general3A_6 {offsets = [0, 0], sizes = [128, 1], strides = [1, 1]} : vector<128x20xf32> to vector<128x1xf32>
    %add3A_16 = arith.constant 9.99999996E-13 : f32
    %add3A_17 = vector.broadcast %add3A_16 : f32 to vector<128x1xf32>
    %add3A_18 = arith.addf %slice3A, %add3A_17 : vector<128x1xf32>
    %sqrt3A = math.sqrt %add3A_18 : vector<128x1xf32>
    %mul3A_19 = arith.constant 1.000000e-01 : f32
    %mul3A_20 = vector.broadcast %mul3A_19 : f32 to vector<128x1xf32>
    %mul3A_21 = arith.mulf %sqrt3A, %mul3A_20 : vector<128x1xf32>
    %mul3A_22 = arith.mulf %mul3A_21, %mul3A_21 : vector<128x1xf32>
    %mul3A_23 = arith.mulf %mul3A_22, %mul3A_21 : vector<128x1xf32>
    %mul3A_24 = arith.mulf %mul3A_23, %mul3A_21 : vector<128x1xf32>
    %mul3A_25 = arith.mulf %mul3A_24, %mul3A_21 : vector<128x1xf32>
    %lt3A = arith.constant 1.000000e+00 : f32
    %lt3A_26 = vector.broadcast %lt3A : f32 to vector<128x1xf32>
    %lt3A_27 = arith.cmpf olt, %mul3A_21, %lt3A_26 : vector<128x1xf32>
    %mul3A_28 = arith.constant 6.000000e+00 : f32
    %mul3A_29 = vector.broadcast %mul3A_28 : f32 to vector<128x1xf32>
    %mul3A_30 = arith.mulf %mul3A_29, %mul3A_25 : vector<128x1xf32>
    %sub3A = arith.constant 1.000000e+00 : f32
    %sub3A_31 = vector.broadcast %sub3A : f32 to vector<128x1xf32>
    %sub3A_32 = arith.subf %sub3A_31, %mul3A_30 : vector<128x1xf32>
    %mul3A_33 = arith.constant 1.500000e+01 : f32
    %mul3A_34 = vector.broadcast %mul3A_33 : f32 to vector<128x1xf32>
    %mul3A_35 = arith.mulf %mul3A_34, %mul3A_24 : vector<128x1xf32>
    %add3A_36 = arith.addf %sub3A_32, %mul3A_35 : vector<128x1xf32>
    %mul3A_37 = arith.constant 1.000000e+01 : f32
    %mul3A_38 = vector.broadcast %mul3A_37 : f32 to vector<128x1xf32>
    %mul3A_39 = arith.mulf %mul3A_38, %mul3A_23 : vector<128x1xf32>
    %sub3A_40 = arith.subf %add3A_36, %mul3A_39 : vector<128x1xf32>
    %jit3A = arith.constant 0.000000e+00 : f32
    %broadcast_in_dim3A = vector.broadcast %jit3A : f32 to vector<128x1xf32>
    %select_n3A = arith.select %lt3A_27, %sub3A_40, %broadcast_in_dim3A : vector<128x1xi1>, vector<128x1xf32>
    %neg3A = arith.constant 0.000000e+00 : f32
    %neg3A_41 = vector.broadcast %neg3A : f32 to vector<128x1xf32>
    %neg3A_42 = arith.subf %neg3A_41, %sqrt3A : vector<128x1xf32>
    %exp3A = math.exp %neg3A_42 : vector<128x1xf32>
    %sub3A_43 = vector.broadcast %exp3A : vector<128x1xf32> to vector<128x64xf32>
    %sub3A_44 = vector.broadcast %add3A_15 : vector<1x64xf32> to vector<128x64xf32>
    %sub3A_45 = arith.subf %sub3A_43, %sub3A_44 : vector<128x64xf32>
    %mul3A_46 = arith.mulf %sub3A_45, %sub3A_45 : vector<128x64xf32>
    %mul3A_47 = arith.constant -1024.09302 : f32
    %mul3A_48 = vector.broadcast %mul3A_47 : f32 to vector<128x64xf32>
    %mul3A_49 = arith.mulf %mul3A_48, %mul3A_46 : vector<128x64xf32>
    %exp3A_50 = math.exp %mul3A_49 : vector<128x64xf32>
    %mul3A_51 = vector.broadcast %select_n3A : vector<128x1xf32> to vector<128x64xf32>
    %mul3A_52 = arith.mulf %mul3A_51, %exp3A_50 : vector<128x64xf32>
    %dot_general3A_53 = arith.constant dense<0.000000e+00> : vector<128x128xf32>
    %dot_general3A_54 = tpu.matmul %mul3A_52, %get3A_9, %dot_general3A_53 {dimension_numbers = #tpu.dot_dimension_numbers<[1], [0], [0], [1], [0, 0, 1, 1], [], []>, transpose_lhs_hint = false} : vector<128x64xf32>, vector<64x128xf32>, vector<128x128xf32> -> vector<128x128xf32>
    %swap3A = arith.constant 0 : index
    %swap3A_55 = arith.constant 0 : index
    %swap3A_56 = arith.constant 0 : index
    %swap3A_57 = vector.load %arg3[%swap3A, %swap3A_55, %swap3A_56] : memref<1x2560x128xf32, #tpu.memory_space<vmem>>, vector<1x128x128xf32>
    %swap3A_58 = vector.shape_cast %swap3A_57 : vector<1x128x128xf32> to vector<128x128xf32>
    %swap3A_59 = vector.shape_cast %dot_general3A_54 : vector<128x128xf32> to vector<1x128x128xf32>
    tpu.vector_store %arg3[%swap3A, %swap3A_55, %swap3A_56], %swap3A_59 {strides = array<i32>} : memref<1x2560x128xf32, #tpu.memory_space<vmem>>, vector<1x128x128xf32>,
    %slice3A_60 = vector.extract_strided_slice %dot_general3A_6 {offsets = [0, 1], sizes = [128, 1], strides = [1, 1]} : vector<128x20xf32> to vector<128x1xf32>
    %add3A_61 = arith.constant 9.99999996E-13 : f32
    %add3A_62 = vector.broadcast %add3A_61 : f32 to vector<128x1xf32>
    %add3A_63 = arith.addf %slice3A_60, %add3A_62 : vector<128x1xf32>
    %sqrt3A_64 = math.sqrt %add3A_63 : vector<128x1xf32>
    %mul3A_65 = arith.constant 1.000000e-01 : f32
    %mul3A_66 = vector.broadcast %mul3A_65 : f32 to vector<128x1xf32>
    %mul3A_67 = arith.mulf %sqrt3A_64, %mul3A_66 : vector<128x1xf32>
    %mul3A_68 = arith.mulf %mul3A_67, %mul3A_67 : vector<128x1xf32>
    %mul3A_69 = arith.mulf %mul3A_68, %mul3A_67 : vector<128x1xf32>
    %mul3A_70 = arith.mulf %mul3A_69, %mul3A_67 : vector<128x1xf32>
    %mul3A_71 = arith.mulf %mul3A_70, %mul3A_67 : vector<128x1xf32>
    %lt3A_72 = arith.constant 1.000000e+00 : f32
    %lt3A_73 = vector.broadcast %lt3A_72 : f32 to vector<128x1xf32>
    %lt3A_74 = arith.cmpf olt, %mul3A_67, %lt3A_73 : vector<128x1xf32>
    %mul3A_75 = arith.constant 6.000000e+00 : f32
    %mul3A_76 = vector.broadcast %mul3A_75 : f32 to vector<128x1xf32>
    %mul3A_77 = arith.mulf %mul3A_76, %mul3A_71 : vector<128x1xf32>
    %sub3A_78 = arith.constant 1.000000e+00 : f32
    %sub3A_79 = vector.broadcast %sub3A_78 : f32 to vector<128x1xf32>
    %sub3A_80 = arith.subf %sub3A_79, %mul3A_77 : vector<128x1xf32>
    %mul3A_81 = arith.constant 1.500000e+01 : f32
    %mul3A_82 = vector.broadcast %mul3A_81 : f32 to vector<128x1xf32>
    %mul3A_83 = arith.mulf %mul3A_82, %mul3A_70 : vector<128x1xf32>
    %add3A_84 = arith.addf %sub3A_80, %mul3A_83 : vector<128x1xf32>
    %mul3A_85 = arith.constant 1.000000e+01 : f32
    %mul3A_86 = vector.broadcast %mul3A_85 : f32 to vector<128x1xf32>
    %mul3A_87 = arith.mulf %mul3A_86, %mul3A_69 : vector<128x1xf32>
    %sub3A_88 = arith.subf %add3A_84, %mul3A_87 : vector<128x1xf32>
    %jit3A_89 = arith.constant 0.000000e+00 : f32
    %broadcast_in_dim3A_90 = vector.broadcast %jit3A_89 : f32 to vector<128x1xf32>
    %select_n3A_91 = arith.select %lt3A_74, %sub3A_88, %broadcast_in_dim3A_90 : vector<128x1xi1>, vector<128x1xf32>
    %neg3A_92 = arith.constant 0.000000e+00 : f32
    %neg3A_93 = vector.broadcast %neg3A_92 : f32 to vector<128x1xf32>
    %neg3A_94 = arith.subf %neg3A_93, %sqrt3A_64 : vector<128x1xf32>
    %exp3A_95 = math.exp %neg3A_94 : vector<128x1xf32>
    %sub3A_96 = vector.broadcast %exp3A_95 : vector<128x1xf32> to vector<128x64xf32>
    %sub3A_97 = vector.broadcast %add3A_15 : vector<1x64xf32> to vector<128x64xf32>
    %sub3A_98 = arith.subf %sub3A_96, %sub3A_97 : vector<128x64xf32>
    %mul3A_99 = arith.mulf %sub3A_98, %sub3A_98 : vector<128x64xf32>
    %mul3A_100 = arith.constant -1024.09302 : f32
    %mul3A_101 = vector.broadcast %mul3A_100 : f32 to vector<128x64xf32>
    %mul3A_102 = arith.mulf %mul3A_101, %mul3A_99 : vector<128x64xf32>
    %exp3A_103 = math.exp %mul3A_102 : vector<128x64xf32>
    %mul3A_104 = vector.broadcast %select_n3A_91 : vector<128x1xf32> to vector<128x64xf32>
    %mul3A_105 = arith.mulf %mul3A_104, %exp3A_103 : vector<128x64xf32>
    %dot_general3A_106 = arith.constant dense<0.000000e+00> : vector<128x128xf32>
    %dot_general3A_107 = tpu.matmul %mul3A_105, %get3A_9, %dot_general3A_106 {dimension_numbers = #tpu.dot_dimension_numbers<[1], [0], [0], [1], [0, 0, 1, 1], [], []>, transpose_lhs_hint = false} : vector<128x64xf32>, vector<64x128xf32>, vector<128x128xf32> -> vector<128x128xf32>
    %swap3A_108 = arith.constant 0 : index
    %swap3A_109 = arith.constant 128 : index
    %swap3A_110 = arith.constant 0 : index
    %swap3A_111 = vector.load %arg3[%swap3A_108, %swap3A_109, %swap3A_110] : memref<1x2560x128xf32, #tpu.memory_space<vmem>>, vector<1x128x128xf32>
    %swap3A_112 = vector.shape_cast %swap3A_111 : vector<1x128x128xf32> to vector<128x128xf32>
    %swap3A_113 = vector.shape_cast %dot_general3A_107 : vector<128x128xf32> to vector<1x128x128xf32>
    tpu.vector_store %arg3[%swap3A_108, %swap3A_109, %swap3A_110], %swap3A_113 {strides = array<i32>} : memref<1x2560x128xf32, #tpu.memory_space<vmem>>, vector<1x128x128xf32>,
    %slice3A_114 = vector.extract_strided_slice %dot_general3A_6 {offsets = [0, 2], sizes = [128, 1], strides = [1, 1]} : vector<128x20xf32> to vector<128x1xf32>
    %add3A_115 = arith.constant 9.99999996E-13 : f32
    %add3A_116 = vector.broadcast %add3A_115 : f32 to vector<128x1xf32>
    %add3A_117 = arith.addf %slice3A_114, %add3A_116 : vector<128x1xf32>
    %sqrt3A_118 = math.sqrt %add3A_117 : vector<128x1xf32>
    %mul3A_119 = arith.constant 1.000000e-01 : f32
    %mul3A_120 = vector.broadcast %mul3A_119 : f32 to vector<128x1xf32>
    %mul3A_121 = arith.mulf %sqrt3A_118, %mul3A_120 : vector<128x1xf32>
    %mul3A_122 = arith.mulf %mul3A_121, %mul3A_121 : vector<128x1xf32>
    %mul3A_123 = arith.mulf %mul3A_122, %mul3A_121 : vector<128x1xf32>
    %mul3A_124 = arith.mulf %mul3A_123, %mul3A_121 : vector<128x1xf32>
    %mul3A_125 = arith.mulf %mul3A_124, %mul3A_121 : vector<128x1xf32>
    %lt3A_126 = arith.constant 1.000000e+00 : f32
    %lt3A_127 = vector.broadcast %lt3A_126 : f32 to vector<128x1xf32>
    %lt3A_128 = arith.cmpf olt, %mul3A_121, %lt3A_127 : vector<128x1xf32>
    %mul3A_129 = arith.constant 6.000000e+00 : f32
    %mul3A_130 = vector.broadcast %mul3A_129 : f32 to vector<128x1xf32>
    %mul3A_131 = arith.mulf %mul3A_130, %mul3A_125 : vector<128x1xf32>
    %sub3A_132 = arith.constant 1.000000e+00 : f32
    %sub3A_133 = vector.broadcast %sub3A_132 : f32 to vector<128x1xf32>
    %sub3A_134 = arith.subf %sub3A_133, %mul3A_131 : vector<128x1xf32>
    %mul3A_135 = arith.constant 1.500000e+01 : f32
    %mul3A_136 = vector.broadcast %mul3A_135 : f32 to vector<128x1xf32>
    %mul3A_137 = arith.mulf %mul3A_136, %mul3A_124 : vector<128x1xf32>
    %add3A_138 = arith.addf %sub3A_134, %mul3A_137 : vector<128x1xf32>
    %mul3A_139 = arith.constant 1.000000e+01 : f32
    %mul3A_140 = vector.broadcast %mul3A_139 : f32 to vector<128x1xf32>
    %mul3A_141 = arith.mulf %mul3A_140, %mul3A_123 : vector<128x1xf32>
    %sub3A_142 = arith.subf %add3A_138, %mul3A_141 : vector<128x1xf32>
    %jit3A_143 = arith.constant 0.000000e+00 : f32
    %broadcast_in_dim3A_144 = vector.broadcast %jit3A_143 : f32 to vector<128x1xf32>
    %select_n3A_145 = arith.select %lt3A_128, %sub3A_142, %broadcast_in_dim3A_144 : vector<128x1xi1>, vector<128x1xf32>
    %neg3A_146 = arith.constant 0.000000e+00 : f32
    %neg3A_147 = vector.broadcast %neg3A_146 : f32 to vector<128x1xf32>
    %neg3A_148 = arith.subf %neg3A_147, %sqrt3A_118 : vector<128x1xf32>
    %exp3A_149 = math.exp %neg3A_148 : vector<128x1xf32>
    %sub3A_150 = vector.broadcast %exp3A_149 : vector<128x1xf32> to vector<128x64xf32>
    %sub3A_151 = vector.broadcast %add3A_15 : vector<1x64xf32> to vector<128x64xf32>
    %sub3A_152 = arith.subf %sub3A_150, %sub3A_151 : vector<128x64xf32>
    %mul3A_153 = arith.mulf %sub3A_152, %sub3A_152 : vector<128x64xf32>
    %mul3A_154 = arith.constant -1024.09302 : f32
    %mul3A_155 = vector.broadcast %mul3A_154 : f32 to vector<128x64xf32>
    %mul3A_156 = arith.mulf %mul3A_155, %mul3A_153 : vector<128x64xf32>
    %exp3A_157 = math.exp %mul3A_156 : vector<128x64xf32>
    %mul3A_158 = vector.broadcast %select_n3A_145 : vector<128x1xf32> to vector<128x64xf32>
    %mul3A_159 = arith.mulf %mul3A_158, %exp3A_157 : vector<128x64xf32>
    %dot_general3A_160 = arith.constant dense<0.000000e+00> : vector<128x128xf32>
    %dot_general3A_161 = tpu.matmul %mul3A_159, %get3A_9, %dot_general3A_160 {dimension_numbers = #tpu.dot_dimension_numbers<[1], [0], [0], [1], [0, 0, 1, 1], [], []>, transpose_lhs_hint = false} : vector<128x64xf32>, vector<64x128xf32>, vector<128x128xf32> -> vector<128x128xf32>
    %swap3A_162 = arith.constant 0 : index
    %swap3A_163 = arith.constant 256 : index
    %swap3A_164 = arith.constant 0 : index
    %swap3A_165 = vector.load %arg3[%swap3A_162, %swap3A_163, %swap3A_164] : memref<1x2560x128xf32, #tpu.memory_space<vmem>>, vector<1x128x128xf32>
    %swap3A_166 = vector.shape_cast %swap3A_165 : vector<1x128x128xf32> to vector<128x128xf32>
    %swap3A_167 = vector.shape_cast %dot_general3A_161 : vector<128x128xf32> to vector<1x128x128xf32>
    tpu.vector_store %arg3[%swap3A_162, %swap3A_163, %swap3A_164], %swap3A_167 {strides = array<i32>} : memref<1x2560x128xf32, #tpu.memory_space<vmem>>, vector<1x128x128xf32>,
    %slice3A_168 = vector.extract_strided_slice %dot_general3A_6 {offsets = [0, 3], sizes = [128, 1], strides = [1, 1]} : vector<128x20xf32> to vector<128x1xf32>
    %add3A_169 = arith.constant 9.99999996E-13 : f32
    %add3A_170 = vector.broadcast %add3A_169 : f32 to vector<128x1xf32>
    %add3A_171 = arith.addf %slice3A_168, %add3A_170 : vector<128x1xf32>
    %sqrt3A_172 = math.sqrt %add3A_171 : vector<128x1xf32>
    %mul3A_173 = arith.constant 1.000000e-01 : f32
    %mul3A_174 = vector.broadcast %mul3A_173 : f32 to vector<128x1xf32>
    %mul3A_175 = arith.mulf %sqrt3A_172, %mul3A_174 : vector<128x1xf32>
    %mul3A_176 = arith.mulf %mul3A_175, %mul3A_175 : vector<128x1xf32>
    %mul3A_177 = arith.mulf %mul3A_176, %mul3A_175 : vector<128x1xf32>
    %mul3A_178 = arith.mulf %mul3A_177, %mul3A_175 : vector<128x1xf32>
    %mul3A_179 = arith.mulf %mul3A_178, %mul3A_175 : vector<128x1xf32>
    %lt3A_180 = arith.constant 1.000000e+00 : f32
    %lt3A_181 = vector.broadcast %lt3A_180 : f32 to vector<128x1xf32>
    %lt3A_182 = arith.cmpf olt, %mul3A_175, %lt3A_181 : vector<128x1xf32>
    %mul3A_183 = arith.constant 6.000000e+00 : f32
    %mul3A_184 = vector.broadcast %mul3A_183 : f32 to vector<128x1xf32>
    %mul3A_185 = arith.mulf %mul3A_184, %mul3A_179 : vector<128x1xf32>
    %sub3A_186 = arith.constant 1.000000e+00 : f32
    %sub3A_187 = vector.broadcast %sub3A_186 : f32 to vector<128x1xf32>
    %sub3A_188 = arith.subf %sub3A_187, %mul3A_185 : vector<128x1xf32>
    %mul3A_189 = arith.constant 1.500000e+01 : f32
    %mul3A_190 = vector.broadcast %mul3A_189 : f32 to vector<128x1xf32>
    %mul3A_191 = arith.mulf %mul3A_190, %mul3A_178 : vector<128x1xf32>
    %add3A_192 = arith.addf %sub3A_188, %mul3A_191 : vector<128x1xf32>
    %mul3A_193 = arith.constant 1.000000e+01 : f32
    %mul3A_194 = vector.broadcast %mul3A_193 : f32 to vector<128x1xf32>
    %mul3A_195 = arith.mulf %mul3A_194, %mul3A_177 : vector<128x1xf32>
    %sub3A_196 = arith.subf %add3A_192, %mul3A_195 : vector<128x1xf32>
    %jit3A_197 = arith.constant 0.000000e+00 : f32
    %broadcast_in_dim3A_198 = vector.broadcast %jit3A_197 : f32 to vector<128x1xf32>
    %select_n3A_199 = arith.select %lt3A_182, %sub3A_196, %broadcast_in_dim3A_198 : vector<128x1xi1>, vector<128x1xf32>
    %neg3A_200 = arith.constant 0.000000e+00 : f32
    %neg3A_201 = vector.broadcast %neg3A_200 : f32 to vector<128x1xf32>
    %neg3A_202 = arith.subf %neg3A_201, %sqrt3A_172 : vector<128x1xf32>
    %exp3A_203 = math.exp %neg3A_202 : vector<128x1xf32>
    %sub3A_204 = vector.broadcast %exp3A_203 : vector<128x1xf32> to vector<128x64xf32>
    %sub3A_205 = vector.broadcast %add3A_15 : vector<1x64xf32> to vector<128x64xf32>
    %sub3A_206 = arith.subf %sub3A_204, %sub3A_205 : vector<128x64xf32>
    %mul3A_207 = arith.mulf %sub3A_206, %sub3A_206 : vector<128x64xf32>
    %mul3A_208 = arith.constant -1024.09302 : f32
    %mul3A_209 = vector.broadcast %mul3A_208 : f32 to vector<128x64xf32>
    %mul3A_210 = arith.mulf %mul3A_209, %mul3A_207 : vector<128x64xf32>
    %exp3A_211 = math.exp %mul3A_210 : vector<128x64xf32>
    %mul3A_212 = vector.broadcast %select_n3A_199 : vector<128x1xf32> to vector<128x64xf32>
    %mul3A_213 = arith.mulf %mul3A_212, %exp3A_211 : vector<128x64xf32>
    %dot_general3A_214 = arith.constant dense<0.000000e+00> : vector<128x128xf32>
    %dot_general3A_215 = tpu.matmul %mul3A_213, %get3A_9, %dot_general3A_214 {dimension_numbers = #tpu.dot_dimension_numbers<[1], [0], [0], [1], [0, 0, 1, 1], [], []>, transpose_lhs_hint = false} : vector<128x64xf32>, vector<64x128xf32>, vector<128x128xf32> -> vector<128x128xf32>
    %swap3A_216 = arith.constant 0 : index
    %swap3A_217 = arith.constant 384 : index
    %swap3A_218 = arith.constant 0 : index
    %swap3A_219 = vector.load %arg3[%swap3A_216, %swap3A_217, %swap3A_218] : memref<1x2560x128xf32, #tpu.memory_space<vmem>>, vector<1x128x128xf32>
    %swap3A_220 = vector.shape_cast %swap3A_219 : vector<1x128x128xf32> to vector<128x128xf32>
    %swap3A_221 = vector.shape_cast %dot_general3A_215 : vector<128x128xf32> to vector<1x128x128xf32>
    tpu.vector_store %arg3[%swap3A_216, %swap3A_217, %swap3A_218], %swap3A_221 {strides = array<i32>} : memref<1x2560x128xf32, #tpu.memory_space<vmem>>, vector<1x128x128xf32>,
    %slice3A_222 = vector.extract_strided_slice %dot_general3A_6 {offsets = [0, 4], sizes = [128, 1], strides = [1, 1]} : vector<128x20xf32> to vector<128x1xf32>
    %add3A_223 = arith.constant 9.99999996E-13 : f32
    %add3A_224 = vector.broadcast %add3A_223 : f32 to vector<128x1xf32>
    %add3A_225 = arith.addf %slice3A_222, %add3A_224 : vector<128x1xf32>
    %sqrt3A_226 = math.sqrt %add3A_225 : vector<128x1xf32>
    %mul3A_227 = arith.constant 1.000000e-01 : f32
    %mul3A_228 = vector.broadcast %mul3A_227 : f32 to vector<128x1xf32>
    %mul3A_229 = arith.mulf %sqrt3A_226, %mul3A_228 : vector<128x1xf32>
    %mul3A_230 = arith.mulf %mul3A_229, %mul3A_229 : vector<128x1xf32>
    %mul3A_231 = arith.mulf %mul3A_230, %mul3A_229 : vector<128x1xf32>
    %mul3A_232 = arith.mulf %mul3A_231, %mul3A_229 : vector<128x1xf32>
    %mul3A_233 = arith.mulf %mul3A_232, %mul3A_229 : vector<128x1xf32>
    %lt3A_234 = arith.constant 1.000000e+00 : f32
    %lt3A_235 = vector.broadcast %lt3A_234 : f32 to vector<128x1xf32>
    %lt3A_236 = arith.cmpf olt, %mul3A_229, %lt3A_235 : vector<128x1xf32>
    %mul3A_237 = arith.constant 6.000000e+00 : f32
    %mul3A_238 = vector.broadcast %mul3A_237 : f32 to vector<128x1xf32>
    %mul3A_239 = arith.mulf %mul3A_238, %mul3A_233 : vector<128x1xf32>
    %sub3A_240 = arith.constant 1.000000e+00 : f32
    %sub3A_241 = vector.broadcast %sub3A_240 : f32 to vector<128x1xf32>
    %sub3A_242 = arith.subf %sub3A_241, %mul3A_239 : vector<128x1xf32>
    %mul3A_243 = arith.constant 1.500000e+01 : f32
    %mul3A_244 = vector.broadcast %mul3A_243 : f32 to vector<128x1xf32>
    %mul3A_245 = arith.mulf %mul3A_244, %mul3A_232 : vector<128x1xf32>
    %add3A_246 = arith.addf %sub3A_242, %mul3A_245 : vector<128x1xf32>
    %mul3A_247 = arith.constant 1.000000e+01 : f32
    %mul3A_248 = vector.broadcast %mul3A_247 : f32 to vector<128x1xf32>
    %mul3A_249 = arith.mulf %mul3A_248, %mul3A_231 : vector<128x1xf32>
    %sub3A_250 = arith.subf %add3A_246, %mul3A_249 : vector<128x1xf32>
    %jit3A_251 = arith.constant 0.000000e+00 : f32
    %broadcast_in_dim3A_252 = vector.broadcast %jit3A_251 : f32 to vector<128x1xf32>
    %select_n3A_253 = arith.select %lt3A_236, %sub3A_250, %broadcast_in_dim3A_252 : vector<128x1xi1>, vector<128x1xf32>
    %neg3A_254 = arith.constant 0.000000e+00 : f32
    %neg3A_255 = vector.broadcast %neg3A_254 : f32 to vector<128x1xf32>
    %neg3A_256 = arith.subf %neg3A_255, %sqrt3A_226 : vector<128x1xf32>
    %exp3A_257 = math.exp %neg3A_256 : vector<128x1xf32>
    %sub3A_258 = vector.broadcast %exp3A_257 : vector<128x1xf32> to vector<128x64xf32>
    %sub3A_259 = vector.broadcast %add3A_15 : vector<1x64xf32> to vector<128x64xf32>
    %sub3A_260 = arith.subf %sub3A_258, %sub3A_259 : vector<128x64xf32>
    %mul3A_261 = arith.mulf %sub3A_260, %sub3A_260 : vector<128x64xf32>
    %mul3A_262 = arith.constant -1024.09302 : f32
    %mul3A_263 = vector.broadcast %mul3A_262 : f32 to vector<128x64xf32>
    %mul3A_264 = arith.mulf %mul3A_263, %mul3A_261 : vector<128x64xf32>
    %exp3A_265 = math.exp %mul3A_264 : vector<128x64xf32>
    %mul3A_266 = vector.broadcast %select_n3A_253 : vector<128x1xf32> to vector<128x64xf32>
    %mul3A_267 = arith.mulf %mul3A_266, %exp3A_265 : vector<128x64xf32>
    %dot_general3A_268 = arith.constant dense<0.000000e+00> : vector<128x128xf32>
    %dot_general3A_269 = tpu.matmul %mul3A_267, %get3A_9, %dot_general3A_268 {dimension_numbers = #tpu.dot_dimension_numbers<[1], [0], [0], [1], [0, 0, 1, 1], [], []>, transpose_lhs_hint = false} : vector<128x64xf32>, vector<64x128xf32>, vector<128x128xf32> -> vector<128x128xf32>
    %swap3A_270 = arith.constant 0 : index
    %swap3A_271 = arith.constant 512 : index
    %swap3A_272 = arith.constant 0 : index
    %swap3A_273 = vector.load %arg3[%swap3A_270, %swap3A_271, %swap3A_272] : memref<1x2560x128xf32, #tpu.memory_space<vmem>>, vector<1x128x128xf32>
    %swap3A_274 = vector.shape_cast %swap3A_273 : vector<1x128x128xf32> to vector<128x128xf32>
    %swap3A_275 = vector.shape_cast %dot_general3A_269 : vector<128x128xf32> to vector<1x128x128xf32>
    tpu.vector_store %arg3[%swap3A_270, %swap3A_271, %swap3A_272], %swap3A_275 {strides = array<i32>} : memref<1x2560x128xf32, #tpu.memory_space<vmem>>, vector<1x128x128xf32>,
    %slice3A_276 = vector.extract_strided_slice %dot_general3A_6 {offsets = [0, 5], sizes = [128, 1], strides = [1, 1]} : vector<128x20xf32> to vector<128x1xf32>
    %add3A_277 = arith.constant 9.99999996E-13 : f32
    %add3A_278 = vector.broadcast %add3A_277 : f32 to vector<128x1xf32>
    %add3A_279 = arith.addf %slice3A_276, %add3A_278 : vector<128x1xf32>
    %sqrt3A_280 = math.sqrt %add3A_279 : vector<128x1xf32>
    %mul3A_281 = arith.constant 1.000000e-01 : f32
    %mul3A_282 = vector.broadcast %mul3A_281 : f32 to vector<128x1xf32>
    %mul3A_283 = arith.mulf %sqrt3A_280, %mul3A_282 : vector<128x1xf32>
    %mul3A_284 = arith.mulf %mul3A_283, %mul3A_283 : vector<128x1xf32>
    %mul3A_285 = arith.mulf %mul3A_284, %mul3A_283 : vector<128x1xf32>
    %mul3A_286 = arith.mulf %mul3A_285, %mul3A_283 : vector<128x1xf32>
    %mul3A_287 = arith.mulf %mul3A_286, %mul3A_283 : vector<128x1xf32>
    %lt3A_288 = arith.constant 1.000000e+00 : f32
    %lt3A_289 = vector.broadcast %lt3A_288 : f32 to vector<128x1xf32>
    %lt3A_290 = arith.cmpf olt, %mul3A_283, %lt3A_289 : vector<128x1xf32>
    %mul3A_291 = arith.constant 6.000000e+00 : f32
    %mul3A_292 = vector.broadcast %mul3A_291 : f32 to vector<128x1xf32>
    %mul3A_293 = arith.mulf %mul3A_292, %mul3A_287 : vector<128x1xf32>
    %sub3A_294 = arith.constant 1.000000e+00 : f32
    %sub3A_295 = vector.broadcast %sub3A_294 : f32 to vector<128x1xf32>
    %sub3A_296 = arith.subf %sub3A_295, %mul3A_293 : vector<128x1xf32>
    %mul3A_297 = arith.constant 1.500000e+01 : f32
    %mul3A_298 = vector.broadcast %mul3A_297 : f32 to vector<128x1xf32>
    %mul3A_299 = arith.mulf %mul3A_298, %mul3A_286 : vector<128x1xf32>
    %add3A_300 = arith.addf %sub3A_296, %mul3A_299 : vector<128x1xf32>
    %mul3A_301 = arith.constant 1.000000e+01 : f32
    %mul3A_302 = vector.broadcast %mul3A_301 : f32 to vector<128x1xf32>
    %mul3A_303 = arith.mulf %mul3A_302, %mul3A_285 : vector<128x1xf32>
    %sub3A_304 = arith.subf %add3A_300, %mul3A_303 : vector<128x1xf32>
    %jit3A_305 = arith.constant 0.000000e+00 : f32
    %broadcast_in_dim3A_306 = vector.broadcast %jit3A_305 : f32 to vector<128x1xf32>
    %select_n3A_307 = arith.select %lt3A_290, %sub3A_304, %broadcast_in_dim3A_306 : vector<128x1xi1>, vector<128x1xf32>
    %neg3A_308 = arith.constant 0.000000e+00 : f32
    %neg3A_309 = vector.broadcast %neg3A_308 : f32 to vector<128x1xf32>
    %neg3A_310 = arith.subf %neg3A_309, %sqrt3A_280 : vector<128x1xf32>
    %exp3A_311 = math.exp %neg3A_310 : vector<128x1xf32>
    %sub3A_312 = vector.broadcast %exp3A_311 : vector<128x1xf32> to vector<128x64xf32>
    %sub3A_313 = vector.broadcast %add3A_15 : vector<1x64xf32> to vector<128x64xf32>
    %sub3A_314 = arith.subf %sub3A_312, %sub3A_313 : vector<128x64xf32>
    %mul3A_315 = arith.mulf %sub3A_314, %sub3A_314 : vector<128x64xf32>
    %mul3A_316 = arith.constant -1024.09302 : f32
    %mul3A_317 = vector.broadcast %mul3A_316 : f32 to vector<128x64xf32>
    %mul3A_318 = arith.mulf %mul3A_317, %mul3A_315 : vector<128x64xf32>
    %exp3A_319 = math.exp %mul3A_318 : vector<128x64xf32>
    %mul3A_320 = vector.broadcast %select_n3A_307 : vector<128x1xf32> to vector<128x64xf32>
    %mul3A_321 = arith.mulf %mul3A_320, %exp3A_319 : vector<128x64xf32>
    %dot_general3A_322 = arith.constant dense<0.000000e+00> : vector<128x128xf32>
    %dot_general3A_323 = tpu.matmul %mul3A_321, %get3A_9, %dot_general3A_322 {dimension_numbers = #tpu.dot_dimension_numbers<[1], [0], [0], [1], [0, 0, 1, 1], [], []>, transpose_lhs_hint = false} : vector<128x64xf32>, vector<64x128xf32>, vector<128x128xf32> -> vector<128x128xf32>
    %swap3A_324 = arith.constant 0 : index
    %swap3A_325 = arith.constant 640 : index
    %swap3A_326 = arith.constant 0 : index
    %swap3A_327 = vector.load %arg3[%swap3A_324, %swap3A_325, %swap3A_326] : memref<1x2560x128xf32, #tpu.memory_space<vmem>>, vector<1x128x128xf32>
    %swap3A_328 = vector.shape_cast %swap3A_327 : vector<1x128x128xf32> to vector<128x128xf32>
    %swap3A_329 = vector.shape_cast %dot_general3A_323 : vector<128x128xf32> to vector<1x128x128xf32>
    tpu.vector_store %arg3[%swap3A_324, %swap3A_325, %swap3A_326], %swap3A_329 {strides = array<i32>} : memref<1x2560x128xf32, #tpu.memory_space<vmem>>, vector<1x128x128xf32>,
    %slice3A_330 = vector.extract_strided_slice %dot_general3A_6 {offsets = [0, 6], sizes = [128, 1], strides = [1, 1]} : vector<128x20xf32> to vector<128x1xf32>
    %add3A_331 = arith.constant 9.99999996E-13 : f32
    %add3A_332 = vector.broadcast %add3A_331 : f32 to vector<128x1xf32>
    %add3A_333 = arith.addf %slice3A_330, %add3A_332 : vector<128x1xf32>
    %sqrt3A_334 = math.sqrt %add3A_333 : vector<128x1xf32>
    %mul3A_335 = arith.constant 1.000000e-01 : f32
    %mul3A_336 = vector.broadcast %mul3A_335 : f32 to vector<128x1xf32>
    %mul3A_337 = arith.mulf %sqrt3A_334, %mul3A_336 : vector<128x1xf32>
    %mul3A_338 = arith.mulf %mul3A_337, %mul3A_337 : vector<128x1xf32>
    %mul3A_339 = arith.mulf %mul3A_338, %mul3A_337 : vector<128x1xf32>
    %mul3A_340 = arith.mulf %mul3A_339, %mul3A_337 : vector<128x1xf32>
    %mul3A_341 = arith.mulf %mul3A_340, %mul3A_337 : vector<128x1xf32>
    %lt3A_342 = arith.constant 1.000000e+00 : f32
    %lt3A_343 = vector.broadcast %lt3A_342 : f32 to vector<128x1xf32>
    %lt3A_344 = arith.cmpf olt, %mul3A_337, %lt3A_343 : vector<128x1xf32>
    %mul3A_345 = arith.constant 6.000000e+00 : f32
    %mul3A_346 = vector.broadcast %mul3A_345 : f32 to vector<128x1xf32>
    %mul3A_347 = arith.mulf %mul3A_346, %mul3A_341 : vector<128x1xf32>
    %sub3A_348 = arith.constant 1.000000e+00 : f32
    %sub3A_349 = vector.broadcast %sub3A_348 : f32 to vector<128x1xf32>
    %sub3A_350 = arith.subf %sub3A_349, %mul3A_347 : vector<128x1xf32>
    %mul3A_351 = arith.constant 1.500000e+01 : f32
    %mul3A_352 = vector.broadcast %mul3A_351 : f32 to vector<128x1xf32>
    %mul3A_353 = arith.mulf %mul3A_352, %mul3A_340 : vector<128x1xf32>
    %add3A_354 = arith.addf %sub3A_350, %mul3A_353 : vector<128x1xf32>
    %mul3A_355 = arith.constant 1.000000e+01 : f32
    %mul3A_356 = vector.broadcast %mul3A_355 : f32 to vector<128x1xf32>
    %mul3A_357 = arith.mulf %mul3A_356, %mul3A_339 : vector<128x1xf32>
    %sub3A_358 = arith.subf %add3A_354, %mul3A_357 : vector<128x1xf32>
    %jit3A_359 = arith.constant 0.000000e+00 : f32
    %broadcast_in_dim3A_360 = vector.broadcast %jit3A_359 : f32 to vector<128x1xf32>
    %select_n3A_361 = arith.select %lt3A_344, %sub3A_358, %broadcast_in_dim3A_360 : vector<128x1xi1>, vector<128x1xf32>
    %neg3A_362 = arith.constant 0.000000e+00 : f32
    %neg3A_363 = vector.broadcast %neg3A_362 : f32 to vector<128x1xf32>
    %neg3A_364 = arith.subf %neg3A_363, %sqrt3A_334 : vector<128x1xf32>
    %exp3A_365 = math.exp %neg3A_364 : vector<128x1xf32>
    %sub3A_366 = vector.broadcast %exp3A_365 : vector<128x1xf32> to vector<128x64xf32>
    %sub3A_367 = vector.broadcast %add3A_15 : vector<1x64xf32> to vector<128x64xf32>
    %sub3A_368 = arith.subf %sub3A_366, %sub3A_367 : vector<128x64xf32>
    %mul3A_369 = arith.mulf %sub3A_368, %sub3A_368 : vector<128x64xf32>
    %mul3A_370 = arith.constant -1024.09302 : f32
    %mul3A_371 = vector.broadcast %mul3A_370 : f32 to vector<128x64xf32>
    %mul3A_372 = arith.mulf %mul3A_371, %mul3A_369 : vector<128x64xf32>
    %exp3A_373 = math.exp %mul3A_372 : vector<128x64xf32>
    %mul3A_374 = vector.broadcast %select_n3A_361 : vector<128x1xf32> to vector<128x64xf32>
    %mul3A_375 = arith.mulf %mul3A_374, %exp3A_373 : vector<128x64xf32>
    %dot_general3A_376 = arith.constant dense<0.000000e+00> : vector<128x128xf32>
    %dot_general3A_377 = tpu.matmul %mul3A_375, %get3A_9, %dot_general3A_376 {dimension_numbers = #tpu.dot_dimension_numbers<[1], [0], [0], [1], [0, 0, 1, 1], [], []>, transpose_lhs_hint = false} : vector<128x64xf32>, vector<64x128xf32>, vector<128x128xf32> -> vector<128x128xf32>
    %swap3A_378 = arith.constant 0 : index
    %swap3A_379 = arith.constant 768 : index
    %swap3A_380 = arith.constant 0 : index
    %swap3A_381 = vector.load %arg3[%swap3A_378, %swap3A_379, %swap3A_380] : memref<1x2560x128xf32, #tpu.memory_space<vmem>>, vector<1x128x128xf32>
    %swap3A_382 = vector.shape_cast %swap3A_381 : vector<1x128x128xf32> to vector<128x128xf32>
    %swap3A_383 = vector.shape_cast %dot_general3A_377 : vector<128x128xf32> to vector<1x128x128xf32>
    tpu.vector_store %arg3[%swap3A_378, %swap3A_379, %swap3A_380], %swap3A_383 {strides = array<i32>} : memref<1x2560x128xf32, #tpu.memory_space<vmem>>, vector<1x128x128xf32>,
    %slice3A_384 = vector.extract_strided_slice %dot_general3A_6 {offsets = [0, 7], sizes = [128, 1], strides = [1, 1]} : vector<128x20xf32> to vector<128x1xf32>
    %add3A_385 = arith.constant 9.99999996E-13 : f32
    %add3A_386 = vector.broadcast %add3A_385 : f32 to vector<128x1xf32>
    %add3A_387 = arith.addf %slice3A_384, %add3A_386 : vector<128x1xf32>
    %sqrt3A_388 = math.sqrt %add3A_387 : vector<128x1xf32>
    %mul3A_389 = arith.constant 1.000000e-01 : f32
    %mul3A_390 = vector.broadcast %mul3A_389 : f32 to vector<128x1xf32>
    %mul3A_391 = arith.mulf %sqrt3A_388, %mul3A_390 : vector<128x1xf32>
    %mul3A_392 = arith.mulf %mul3A_391, %mul3A_391 : vector<128x1xf32>
    %mul3A_393 = arith.mulf %mul3A_392, %mul3A_391 : vector<128x1xf32>
    %mul3A_394 = arith.mulf %mul3A_393, %mul3A_391 : vector<128x1xf32>
    %mul3A_395 = arith.mulf %mul3A_394, %mul3A_391 : vector<128x1xf32>
    %lt3A_396 = arith.constant 1.000000e+00 : f32
    %lt3A_397 = vector.broadcast %lt3A_396 : f32 to vector<128x1xf32>
    %lt3A_398 = arith.cmpf olt, %mul3A_391, %lt3A_397 : vector<128x1xf32>
    %mul3A_399 = arith.constant 6.000000e+00 : f32
    %mul3A_400 = vector.broadcast %mul3A_399 : f32 to vector<128x1xf32>
    %mul3A_401 = arith.mulf %mul3A_400, %mul3A_395 : vector<128x1xf32>
    %sub3A_402 = arith.constant 1.000000e+00 : f32
    %sub3A_403 = vector.broadcast %sub3A_402 : f32 to vector<128x1xf32>
    %sub3A_404 = arith.subf %sub3A_403, %mul3A_401 : vector<128x1xf32>
    %mul3A_405 = arith.constant 1.500000e+01 : f32
    %mul3A_406 = vector.broadcast %mul3A_405 : f32 to vector<128x1xf32>
    %mul3A_407 = arith.mulf %mul3A_406, %mul3A_394 : vector<128x1xf32>
    %add3A_408 = arith.addf %sub3A_404, %mul3A_407 : vector<128x1xf32>
    %mul3A_409 = arith.constant 1.000000e+01 : f32
    %mul3A_410 = vector.broadcast %mul3A_409 : f32 to vector<128x1xf32>
    %mul3A_411 = arith.mulf %mul3A_410, %mul3A_393 : vector<128x1xf32>
    %sub3A_412 = arith.subf %add3A_408, %mul3A_411 : vector<128x1xf32>
    %jit3A_413 = arith.constant 0.000000e+00 : f32
    %broadcast_in_dim3A_414 = vector.broadcast %jit3A_413 : f32 to vector<128x1xf32>
    %select_n3A_415 = arith.select %lt3A_398, %sub3A_412, %broadcast_in_dim3A_414 : vector<128x1xi1>, vector<128x1xf32>
    %neg3A_416 = arith.constant 0.000000e+00 : f32
    %neg3A_417 = vector.broadcast %neg3A_416 : f32 to vector<128x1xf32>
    %neg3A_418 = arith.subf %neg3A_417, %sqrt3A_388 : vector<128x1xf32>
    %exp3A_419 = math.exp %neg3A_418 : vector<128x1xf32>
    %sub3A_420 = vector.broadcast %exp3A_419 : vector<128x1xf32> to vector<128x64xf32>
    %sub3A_421 = vector.broadcast %add3A_15 : vector<1x64xf32> to vector<128x64xf32>
    %sub3A_422 = arith.subf %sub3A_420, %sub3A_421 : vector<128x64xf32>
    %mul3A_423 = arith.mulf %sub3A_422, %sub3A_422 : vector<128x64xf32>
    %mul3A_424 = arith.constant -1024.09302 : f32
    %mul3A_425 = vector.broadcast %mul3A_424 : f32 to vector<128x64xf32>
    %mul3A_426 = arith.mulf %mul3A_425, %mul3A_423 : vector<128x64xf32>
    %exp3A_427 = math.exp %mul3A_426 : vector<128x64xf32>
    %mul3A_428 = vector.broadcast %select_n3A_415 : vector<128x1xf32> to vector<128x64xf32>
    %mul3A_429 = arith.mulf %mul3A_428, %exp3A_427 : vector<128x64xf32>
    %dot_general3A_430 = arith.constant dense<0.000000e+00> : vector<128x128xf32>
    %dot_general3A_431 = tpu.matmul %mul3A_429, %get3A_9, %dot_general3A_430 {dimension_numbers = #tpu.dot_dimension_numbers<[1], [0], [0], [1], [0, 0, 1, 1], [], []>, transpose_lhs_hint = false} : vector<128x64xf32>, vector<64x128xf32>, vector<128x128xf32> -> vector<128x128xf32>
    %swap3A_432 = arith.constant 0 : index
    %swap3A_433 = arith.constant 896 : index
    %swap3A_434 = arith.constant 0 : index
    %swap3A_435 = vector.load %arg3[%swap3A_432, %swap3A_433, %swap3A_434] : memref<1x2560x128xf32, #tpu.memory_space<vmem>>, vector<1x128x128xf32>
    %swap3A_436 = vector.shape_cast %swap3A_435 : vector<1x128x128xf32> to vector<128x128xf32>
    %swap3A_437 = vector.shape_cast %dot_general3A_431 : vector<128x128xf32> to vector<1x128x128xf32>
    tpu.vector_store %arg3[%swap3A_432, %swap3A_433, %swap3A_434], %swap3A_437 {strides = array<i32>} : memref<1x2560x128xf32, #tpu.memory_space<vmem>>, vector<1x128x128xf32>,
    %slice3A_438 = vector.extract_strided_slice %dot_general3A_6 {offsets = [0, 8], sizes = [128, 1], strides = [1, 1]} : vector<128x20xf32> to vector<128x1xf32>
    %add3A_439 = arith.constant 9.99999996E-13 : f32
    %add3A_440 = vector.broadcast %add3A_439 : f32 to vector<128x1xf32>
    %add3A_441 = arith.addf %slice3A_438, %add3A_440 : vector<128x1xf32>
    %sqrt3A_442 = math.sqrt %add3A_441 : vector<128x1xf32>
    %mul3A_443 = arith.constant 1.000000e-01 : f32
    %mul3A_444 = vector.broadcast %mul3A_443 : f32 to vector<128x1xf32>
    %mul3A_445 = arith.mulf %sqrt3A_442, %mul3A_444 : vector<128x1xf32>
    %mul3A_446 = arith.mulf %mul3A_445, %mul3A_445 : vector<128x1xf32>
    %mul3A_447 = arith.mulf %mul3A_446, %mul3A_445 : vector<128x1xf32>
    %mul3A_448 = arith.mulf %mul3A_447, %mul3A_445 : vector<128x1xf32>
    %mul3A_449 = arith.mulf %mul3A_448, %mul3A_445 : vector<128x1xf32>
    %lt3A_450 = arith.constant 1.000000e+00 : f32
    %lt3A_451 = vector.broadcast %lt3A_450 : f32 to vector<128x1xf32>
    %lt3A_452 = arith.cmpf olt, %mul3A_445, %lt3A_451 : vector<128x1xf32>
    %mul3A_453 = arith.constant 6.000000e+00 : f32
    %mul3A_454 = vector.broadcast %mul3A_453 : f32 to vector<128x1xf32>
    %mul3A_455 = arith.mulf %mul3A_454, %mul3A_449 : vector<128x1xf32>
    %sub3A_456 = arith.constant 1.000000e+00 : f32
    %sub3A_457 = vector.broadcast %sub3A_456 : f32 to vector<128x1xf32>
    %sub3A_458 = arith.subf %sub3A_457, %mul3A_455 : vector<128x1xf32>
    %mul3A_459 = arith.constant 1.500000e+01 : f32
    %mul3A_460 = vector.broadcast %mul3A_459 : f32 to vector<128x1xf32>
    %mul3A_461 = arith.mulf %mul3A_460, %mul3A_448 : vector<128x1xf32>
    %add3A_462 = arith.addf %sub3A_458, %mul3A_461 : vector<128x1xf32>
    %mul3A_463 = arith.constant 1.000000e+01 : f32
    %mul3A_464 = vector.broadcast %mul3A_463 : f32 to vector<128x1xf32>
    %mul3A_465 = arith.mulf %mul3A_464, %mul3A_447 : vector<128x1xf32>
    %sub3A_466 = arith.subf %add3A_462, %mul3A_465 : vector<128x1xf32>
    %jit3A_467 = arith.constant 0.000000e+00 : f32
    %broadcast_in_dim3A_468 = vector.broadcast %jit3A_467 : f32 to vector<128x1xf32>
    %select_n3A_469 = arith.select %lt3A_452, %sub3A_466, %broadcast_in_dim3A_468 : vector<128x1xi1>, vector<128x1xf32>
    %neg3A_470 = arith.constant 0.000000e+00 : f32
    %neg3A_471 = vector.broadcast %neg3A_470 : f32 to vector<128x1xf32>
    %neg3A_472 = arith.subf %neg3A_471, %sqrt3A_442 : vector<128x1xf32>
    %exp3A_473 = math.exp %neg3A_472 : vector<128x1xf32>
    %sub3A_474 = vector.broadcast %exp3A_473 : vector<128x1xf32> to vector<128x64xf32>
    %sub3A_475 = vector.broadcast %add3A_15 : vector<1x64xf32> to vector<128x64xf32>
    %sub3A_476 = arith.subf %sub3A_474, %sub3A_475 : vector<128x64xf32>
    %mul3A_477 = arith.mulf %sub3A_476, %sub3A_476 : vector<128x64xf32>
    %mul3A_478 = arith.constant -1024.09302 : f32
    %mul3A_479 = vector.broadcast %mul3A_478 : f32 to vector<128x64xf32>
    %mul3A_480 = arith.mulf %mul3A_479, %mul3A_477 : vector<128x64xf32>
    %exp3A_481 = math.exp %mul3A_480 : vector<128x64xf32>
    %mul3A_482 = vector.broadcast %select_n3A_469 : vector<128x1xf32> to vector<128x64xf32>
    %mul3A_483 = arith.mulf %mul3A_482, %exp3A_481 : vector<128x64xf32>
    %dot_general3A_484 = arith.constant dense<0.000000e+00> : vector<128x128xf32>
    %dot_general3A_485 = tpu.matmul %mul3A_483, %get3A_9, %dot_general3A_484 {dimension_numbers = #tpu.dot_dimension_numbers<[1], [0], [0], [1], [0, 0, 1, 1], [], []>, transpose_lhs_hint = false} : vector<128x64xf32>, vector<64x128xf32>, vector<128x128xf32> -> vector<128x128xf32>
    %swap3A_486 = arith.constant 0 : index
    %swap3A_487 = arith.constant 1024 : index
    %swap3A_488 = arith.constant 0 : index
    %swap3A_489 = vector.load %arg3[%swap3A_486, %swap3A_487, %swap3A_488] : memref<1x2560x128xf32, #tpu.memory_space<vmem>>, vector<1x128x128xf32>
    %swap3A_490 = vector.shape_cast %swap3A_489 : vector<1x128x128xf32> to vector<128x128xf32>
    %swap3A_491 = vector.shape_cast %dot_general3A_485 : vector<128x128xf32> to vector<1x128x128xf32>
    tpu.vector_store %arg3[%swap3A_486, %swap3A_487, %swap3A_488], %swap3A_491 {strides = array<i32>} : memref<1x2560x128xf32, #tpu.memory_space<vmem>>, vector<1x128x128xf32>,
    %slice3A_492 = vector.extract_strided_slice %dot_general3A_6 {offsets = [0, 9], sizes = [128, 1], strides = [1, 1]} : vector<128x20xf32> to vector<128x1xf32>
    %add3A_493 = arith.constant 9.99999996E-13 : f32
    %add3A_494 = vector.broadcast %add3A_493 : f32 to vector<128x1xf32>
    %add3A_495 = arith.addf %slice3A_492, %add3A_494 : vector<128x1xf32>
    %sqrt3A_496 = math.sqrt %add3A_495 : vector<128x1xf32>
    %mul3A_497 = arith.constant 1.000000e-01 : f32
    %mul3A_498 = vector.broadcast %mul3A_497 : f32 to vector<128x1xf32>
    %mul3A_499 = arith.mulf %sqrt3A_496, %mul3A_498 : vector<128x1xf32>
    %mul3A_500 = arith.mulf %mul3A_499, %mul3A_499 : vector<128x1xf32>
    %mul3A_501 = arith.mulf %mul3A_500, %mul3A_499 : vector<128x1xf32>
    %mul3A_502 = arith.mulf %mul3A_501, %mul3A_499 : vector<128x1xf32>
    %mul3A_503 = arith.mulf %mul3A_502, %mul3A_499 : vector<128x1xf32>
    %lt3A_504 = arith.constant 1.000000e+00 : f32
    %lt3A_505 = vector.broadcast %lt3A_504 : f32 to vector<128x1xf32>
    %lt3A_506 = arith.cmpf olt, %mul3A_499, %lt3A_505 : vector<128x1xf32>
    %mul3A_507 = arith.constant 6.000000e+00 : f32
    %mul3A_508 = vector.broadcast %mul3A_507 : f32 to vector<128x1xf32>
    %mul3A_509 = arith.mulf %mul3A_508, %mul3A_503 : vector<128x1xf32>
    %sub3A_510 = arith.constant 1.000000e+00 : f32
    %sub3A_511 = vector.broadcast %sub3A_510 : f32 to vector<128x1xf32>
    %sub3A_512 = arith.subf %sub3A_511, %mul3A_509 : vector<128x1xf32>
    %mul3A_513 = arith.constant 1.500000e+01 : f32
    %mul3A_514 = vector.broadcast %mul3A_513 : f32 to vector<128x1xf32>
    %mul3A_515 = arith.mulf %mul3A_514, %mul3A_502 : vector<128x1xf32>
    %add3A_516 = arith.addf %sub3A_512, %mul3A_515 : vector<128x1xf32>
    %mul3A_517 = arith.constant 1.000000e+01 : f32
    %mul3A_518 = vector.broadcast %mul3A_517 : f32 to vector<128x1xf32>
    %mul3A_519 = arith.mulf %mul3A_518, %mul3A_501 : vector<128x1xf32>
    %sub3A_520 = arith.subf %add3A_516, %mul3A_519 : vector<128x1xf32>
    %jit3A_521 = arith.constant 0.000000e+00 : f32
    %broadcast_in_dim3A_522 = vector.broadcast %jit3A_521 : f32 to vector<128x1xf32>
    %select_n3A_523 = arith.select %lt3A_506, %sub3A_520, %broadcast_in_dim3A_522 : vector<128x1xi1>, vector<128x1xf32>
    %neg3A_524 = arith.constant 0.000000e+00 : f32
    %neg3A_525 = vector.broadcast %neg3A_524 : f32 to vector<128x1xf32>
    %neg3A_526 = arith.subf %neg3A_525, %sqrt3A_496 : vector<128x1xf32>
    %exp3A_527 = math.exp %neg3A_526 : vector<128x1xf32>
    %sub3A_528 = vector.broadcast %exp3A_527 : vector<128x1xf32> to vector<128x64xf32>
    %sub3A_529 = vector.broadcast %add3A_15 : vector<1x64xf32> to vector<128x64xf32>
    %sub3A_530 = arith.subf %sub3A_528, %sub3A_529 : vector<128x64xf32>
    %mul3A_531 = arith.mulf %sub3A_530, %sub3A_530 : vector<128x64xf32>
    %mul3A_532 = arith.constant -1024.09302 : f32
    %mul3A_533 = vector.broadcast %mul3A_532 : f32 to vector<128x64xf32>
    %mul3A_534 = arith.mulf %mul3A_533, %mul3A_531 : vector<128x64xf32>
    %exp3A_535 = math.exp %mul3A_534 : vector<128x64xf32>
    %mul3A_536 = vector.broadcast %select_n3A_523 : vector<128x1xf32> to vector<128x64xf32>
    %mul3A_537 = arith.mulf %mul3A_536, %exp3A_535 : vector<128x64xf32>
    %dot_general3A_538 = arith.constant dense<0.000000e+00> : vector<128x128xf32>
    %dot_general3A_539 = tpu.matmul %mul3A_537, %get3A_9, %dot_general3A_538 {dimension_numbers = #tpu.dot_dimension_numbers<[1], [0], [0], [1], [0, 0, 1, 1], [], []>, transpose_lhs_hint = false} : vector<128x64xf32>, vector<64x128xf32>, vector<128x128xf32> -> vector<128x128xf32>
    %swap3A_540 = arith.constant 0 : index
    %swap3A_541 = arith.constant 1152 : index
    %swap3A_542 = arith.constant 0 : index
    %swap3A_543 = vector.load %arg3[%swap3A_540, %swap3A_541, %swap3A_542] : memref<1x2560x128xf32, #tpu.memory_space<vmem>>, vector<1x128x128xf32>
    %swap3A_544 = vector.shape_cast %swap3A_543 : vector<1x128x128xf32> to vector<128x128xf32>
    %swap3A_545 = vector.shape_cast %dot_general3A_539 : vector<128x128xf32> to vector<1x128x128xf32>
    tpu.vector_store %arg3[%swap3A_540, %swap3A_541, %swap3A_542], %swap3A_545 {strides = array<i32>} : memref<1x2560x128xf32, #tpu.memory_space<vmem>>, vector<1x128x128xf32>,
    %slice3A_546 = vector.extract_strided_slice %dot_general3A_6 {offsets = [0, 10], sizes = [128, 1], strides = [1, 1]} : vector<128x20xf32> to vector<128x1xf32>
    %add3A_547 = arith.constant 9.99999996E-13 : f32
    %add3A_548 = vector.broadcast %add3A_547 : f32 to vector<128x1xf32>
    %add3A_549 = arith.addf %slice3A_546, %add3A_548 : vector<128x1xf32>
    %sqrt3A_550 = math.sqrt %add3A_549 : vector<128x1xf32>
    %mul3A_551 = arith.constant 1.000000e-01 : f32
    %mul3A_552 = vector.broadcast %mul3A_551 : f32 to vector<128x1xf32>
    %mul3A_553 = arith.mulf %sqrt3A_550, %mul3A_552 : vector<128x1xf32>
    %mul3A_554 = arith.mulf %mul3A_553, %mul3A_553 : vector<128x1xf32>
    %mul3A_555 = arith.mulf %mul3A_554, %mul3A_553 : vector<128x1xf32>
    %mul3A_556 = arith.mulf %mul3A_555, %mul3A_553 : vector<128x1xf32>
    %mul3A_557 = arith.mulf %mul3A_556, %mul3A_553 : vector<128x1xf32>
    %lt3A_558 = arith.constant 1.000000e+00 : f32
    %lt3A_559 = vector.broadcast %lt3A_558 : f32 to vector<128x1xf32>
    %lt3A_560 = arith.cmpf olt, %mul3A_553, %lt3A_559 : vector<128x1xf32>
    %mul3A_561 = arith.constant 6.000000e+00 : f32
    %mul3A_562 = vector.broadcast %mul3A_561 : f32 to vector<128x1xf32>
    %mul3A_563 = arith.mulf %mul3A_562, %mul3A_557 : vector<128x1xf32>
    %sub3A_564 = arith.constant 1.000000e+00 : f32
    %sub3A_565 = vector.broadcast %sub3A_564 : f32 to vector<128x1xf32>
    %sub3A_566 = arith.subf %sub3A_565, %mul3A_563 : vector<128x1xf32>
    %mul3A_567 = arith.constant 1.500000e+01 : f32
    %mul3A_568 = vector.broadcast %mul3A_567 : f32 to vector<128x1xf32>
    %mul3A_569 = arith.mulf %mul3A_568, %mul3A_556 : vector<128x1xf32>
    %add3A_570 = arith.addf %sub3A_566, %mul3A_569 : vector<128x1xf32>
    %mul3A_571 = arith.constant 1.000000e+01 : f32
    %mul3A_572 = vector.broadcast %mul3A_571 : f32 to vector<128x1xf32>
    %mul3A_573 = arith.mulf %mul3A_572, %mul3A_555 : vector<128x1xf32>
    %sub3A_574 = arith.subf %add3A_570, %mul3A_573 : vector<128x1xf32>
    %jit3A_575 = arith.constant 0.000000e+00 : f32
    %broadcast_in_dim3A_576 = vector.broadcast %jit3A_575 : f32 to vector<128x1xf32>
    %select_n3A_577 = arith.select %lt3A_560, %sub3A_574, %broadcast_in_dim3A_576 : vector<128x1xi1>, vector<128x1xf32>
    %neg3A_578 = arith.constant 0.000000e+00 : f32
    %neg3A_579 = vector.broadcast %neg3A_578 : f32 to vector<128x1xf32>
    %neg3A_580 = arith.subf %neg3A_579, %sqrt3A_550 : vector<128x1xf32>
    %exp3A_581 = math.exp %neg3A_580 : vector<128x1xf32>
    %sub3A_582 = vector.broadcast %exp3A_581 : vector<128x1xf32> to vector<128x64xf32>
    %sub3A_583 = vector.broadcast %add3A_15 : vector<1x64xf32> to vector<128x64xf32>
    %sub3A_584 = arith.subf %sub3A_582, %sub3A_583 : vector<128x64xf32>
    %mul3A_585 = arith.mulf %sub3A_584, %sub3A_584 : vector<128x64xf32>
    %mul3A_586 = arith.constant -1024.09302 : f32
    %mul3A_587 = vector.broadcast %mul3A_586 : f32 to vector<128x64xf32>
    %mul3A_588 = arith.mulf %mul3A_587, %mul3A_585 : vector<128x64xf32>
    %exp3A_589 = math.exp %mul3A_588 : vector<128x64xf32>
    %mul3A_590 = vector.broadcast %select_n3A_577 : vector<128x1xf32> to vector<128x64xf32>
    %mul3A_591 = arith.mulf %mul3A_590, %exp3A_589 : vector<128x64xf32>
    %dot_general3A_592 = arith.constant dense<0.000000e+00> : vector<128x128xf32>
    %dot_general3A_593 = tpu.matmul %mul3A_591, %get3A_9, %dot_general3A_592 {dimension_numbers = #tpu.dot_dimension_numbers<[1], [0], [0], [1], [0, 0, 1, 1], [], []>, transpose_lhs_hint = false} : vector<128x64xf32>, vector<64x128xf32>, vector<128x128xf32> -> vector<128x128xf32>
    %swap3A_594 = arith.constant 0 : index
    %swap3A_595 = arith.constant 1280 : index
    %swap3A_596 = arith.constant 0 : index
    %swap3A_597 = vector.load %arg3[%swap3A_594, %swap3A_595, %swap3A_596] : memref<1x2560x128xf32, #tpu.memory_space<vmem>>, vector<1x128x128xf32>
    %swap3A_598 = vector.shape_cast %swap3A_597 : vector<1x128x128xf32> to vector<128x128xf32>
    %swap3A_599 = vector.shape_cast %dot_general3A_593 : vector<128x128xf32> to vector<1x128x128xf32>
    tpu.vector_store %arg3[%swap3A_594, %swap3A_595, %swap3A_596], %swap3A_599 {strides = array<i32>} : memref<1x2560x128xf32, #tpu.memory_space<vmem>>, vector<1x128x128xf32>,
    %slice3A_600 = vector.extract_strided_slice %dot_general3A_6 {offsets = [0, 11], sizes = [128, 1], strides = [1, 1]} : vector<128x20xf32> to vector<128x1xf32>
    %add3A_601 = arith.constant 9.99999996E-13 : f32
    %add3A_602 = vector.broadcast %add3A_601 : f32 to vector<128x1xf32>
    %add3A_603 = arith.addf %slice3A_600, %add3A_602 : vector<128x1xf32>
    %sqrt3A_604 = math.sqrt %add3A_603 : vector<128x1xf32>
    %mul3A_605 = arith.constant 1.000000e-01 : f32
    %mul3A_606 = vector.broadcast %mul3A_605 : f32 to vector<128x1xf32>
    %mul3A_607 = arith.mulf %sqrt3A_604, %mul3A_606 : vector<128x1xf32>
    %mul3A_608 = arith.mulf %mul3A_607, %mul3A_607 : vector<128x1xf32>
    %mul3A_609 = arith.mulf %mul3A_608, %mul3A_607 : vector<128x1xf32>
    %mul3A_610 = arith.mulf %mul3A_609, %mul3A_607 : vector<128x1xf32>
    %mul3A_611 = arith.mulf %mul3A_610, %mul3A_607 : vector<128x1xf32>
    %lt3A_612 = arith.constant 1.000000e+00 : f32
    %lt3A_613 = vector.broadcast %lt3A_612 : f32 to vector<128x1xf32>
    %lt3A_614 = arith.cmpf olt, %mul3A_607, %lt3A_613 : vector<128x1xf32>
    %mul3A_615 = arith.constant 6.000000e+00 : f32
    %mul3A_616 = vector.broadcast %mul3A_615 : f32 to vector<128x1xf32>
    %mul3A_617 = arith.mulf %mul3A_616, %mul3A_611 : vector<128x1xf32>
    %sub3A_618 = arith.constant 1.000000e+00 : f32
    %sub3A_619 = vector.broadcast %sub3A_618 : f32 to vector<128x1xf32>
    %sub3A_620 = arith.subf %sub3A_619, %mul3A_617 : vector<128x1xf32>
    %mul3A_621 = arith.constant 1.500000e+01 : f32
    %mul3A_622 = vector.broadcast %mul3A_621 : f32 to vector<128x1xf32>
    %mul3A_623 = arith.mulf %mul3A_622, %mul3A_610 : vector<128x1xf32>
    %add3A_624 = arith.addf %sub3A_620, %mul3A_623 : vector<128x1xf32>
    %mul3A_625 = arith.constant 1.000000e+01 : f32
    %mul3A_626 = vector.broadcast %mul3A_625 : f32 to vector<128x1xf32>
    %mul3A_627 = arith.mulf %mul3A_626, %mul3A_609 : vector<128x1xf32>
    %sub3A_628 = arith.subf %add3A_624, %mul3A_627 : vector<128x1xf32>
    %jit3A_629 = arith.constant 0.000000e+00 : f32
    %broadcast_in_dim3A_630 = vector.broadcast %jit3A_629 : f32 to vector<128x1xf32>
    %select_n3A_631 = arith.select %lt3A_614, %sub3A_628, %broadcast_in_dim3A_630 : vector<128x1xi1>, vector<128x1xf32>
    %neg3A_632 = arith.constant 0.000000e+00 : f32
    %neg3A_633 = vector.broadcast %neg3A_632 : f32 to vector<128x1xf32>
    %neg3A_634 = arith.subf %neg3A_633, %sqrt3A_604 : vector<128x1xf32>
    %exp3A_635 = math.exp %neg3A_634 : vector<128x1xf32>
    %sub3A_636 = vector.broadcast %exp3A_635 : vector<128x1xf32> to vector<128x64xf32>
    %sub3A_637 = vector.broadcast %add3A_15 : vector<1x64xf32> to vector<128x64xf32>
    %sub3A_638 = arith.subf %sub3A_636, %sub3A_637 : vector<128x64xf32>
    %mul3A_639 = arith.mulf %sub3A_638, %sub3A_638 : vector<128x64xf32>
    %mul3A_640 = arith.constant -1024.09302 : f32
    %mul3A_641 = vector.broadcast %mul3A_640 : f32 to vector<128x64xf32>
    %mul3A_642 = arith.mulf %mul3A_641, %mul3A_639 : vector<128x64xf32>
    %exp3A_643 = math.exp %mul3A_642 : vector<128x64xf32>
    %mul3A_644 = vector.broadcast %select_n3A_631 : vector<128x1xf32> to vector<128x64xf32>
    %mul3A_645 = arith.mulf %mul3A_644, %exp3A_643 : vector<128x64xf32>
    %dot_general3A_646 = arith.constant dense<0.000000e+00> : vector<128x128xf32>
    %dot_general3A_647 = tpu.matmul %mul3A_645, %get3A_9, %dot_general3A_646 {dimension_numbers = #tpu.dot_dimension_numbers<[1], [0], [0], [1], [0, 0, 1, 1], [], []>, transpose_lhs_hint = false} : vector<128x64xf32>, vector<64x128xf32>, vector<128x128xf32> -> vector<128x128xf32>
    %swap3A_648 = arith.constant 0 : index
    %swap3A_649 = arith.constant 1408 : index
    %swap3A_650 = arith.constant 0 : index
    %swap3A_651 = vector.load %arg3[%swap3A_648, %swap3A_649, %swap3A_650] : memref<1x2560x128xf32, #tpu.memory_space<vmem>>, vector<1x128x128xf32>
    %swap3A_652 = vector.shape_cast %swap3A_651 : vector<1x128x128xf32> to vector<128x128xf32>
    %swap3A_653 = vector.shape_cast %dot_general3A_647 : vector<128x128xf32> to vector<1x128x128xf32>
    tpu.vector_store %arg3[%swap3A_648, %swap3A_649, %swap3A_650], %swap3A_653 {strides = array<i32>} : memref<1x2560x128xf32, #tpu.memory_space<vmem>>, vector<1x128x128xf32>,
    %slice3A_654 = vector.extract_strided_slice %dot_general3A_6 {offsets = [0, 12], sizes = [128, 1], strides = [1, 1]} : vector<128x20xf32> to vector<128x1xf32>
    %add3A_655 = arith.constant 9.99999996E-13 : f32
    %add3A_656 = vector.broadcast %add3A_655 : f32 to vector<128x1xf32>
    %add3A_657 = arith.addf %slice3A_654, %add3A_656 : vector<128x1xf32>
    %sqrt3A_658 = math.sqrt %add3A_657 : vector<128x1xf32>
    %mul3A_659 = arith.constant 1.000000e-01 : f32
    %mul3A_660 = vector.broadcast %mul3A_659 : f32 to vector<128x1xf32>
    %mul3A_661 = arith.mulf %sqrt3A_658, %mul3A_660 : vector<128x1xf32>
    %mul3A_662 = arith.mulf %mul3A_661, %mul3A_661 : vector<128x1xf32>
    %mul3A_663 = arith.mulf %mul3A_662, %mul3A_661 : vector<128x1xf32>
    %mul3A_664 = arith.mulf %mul3A_663, %mul3A_661 : vector<128x1xf32>
    %mul3A_665 = arith.mulf %mul3A_664, %mul3A_661 : vector<128x1xf32>
    %lt3A_666 = arith.constant 1.000000e+00 : f32
    %lt3A_667 = vector.broadcast %lt3A_666 : f32 to vector<128x1xf32>
    %lt3A_668 = arith.cmpf olt, %mul3A_661, %lt3A_667 : vector<128x1xf32>
    %mul3A_669 = arith.constant 6.000000e+00 : f32
    %mul3A_670 = vector.broadcast %mul3A_669 : f32 to vector<128x1xf32>
    %mul3A_671 = arith.mulf %mul3A_670, %mul3A_665 : vector<128x1xf32>
    %sub3A_672 = arith.constant 1.000000e+00 : f32
    %sub3A_673 = vector.broadcast %sub3A_672 : f32 to vector<128x1xf32>
    %sub3A_674 = arith.subf %sub3A_673, %mul3A_671 : vector<128x1xf32>
    %mul3A_675 = arith.constant 1.500000e+01 : f32
    %mul3A_676 = vector.broadcast %mul3A_675 : f32 to vector<128x1xf32>
    %mul3A_677 = arith.mulf %mul3A_676, %mul3A_664 : vector<128x1xf32>
    %add3A_678 = arith.addf %sub3A_674, %mul3A_677 : vector<128x1xf32>
    %mul3A_679 = arith.constant 1.000000e+01 : f32
    %mul3A_680 = vector.broadcast %mul3A_679 : f32 to vector<128x1xf32>
    %mul3A_681 = arith.mulf %mul3A_680, %mul3A_663 : vector<128x1xf32>
    %sub3A_682 = arith.subf %add3A_678, %mul3A_681 : vector<128x1xf32>
    %jit3A_683 = arith.constant 0.000000e+00 : f32
    %broadcast_in_dim3A_684 = vector.broadcast %jit3A_683 : f32 to vector<128x1xf32>
    %select_n3A_685 = arith.select %lt3A_668, %sub3A_682, %broadcast_in_dim3A_684 : vector<128x1xi1>, vector<128x1xf32>
    %neg3A_686 = arith.constant 0.000000e+00 : f32
    %neg3A_687 = vector.broadcast %neg3A_686 : f32 to vector<128x1xf32>
    %neg3A_688 = arith.subf %neg3A_687, %sqrt3A_658 : vector<128x1xf32>
    %exp3A_689 = math.exp %neg3A_688 : vector<128x1xf32>
    %sub3A_690 = vector.broadcast %exp3A_689 : vector<128x1xf32> to vector<128x64xf32>
    %sub3A_691 = vector.broadcast %add3A_15 : vector<1x64xf32> to vector<128x64xf32>
    %sub3A_692 = arith.subf %sub3A_690, %sub3A_691 : vector<128x64xf32>
    %mul3A_693 = arith.mulf %sub3A_692, %sub3A_692 : vector<128x64xf32>
    %mul3A_694 = arith.constant -1024.09302 : f32
    %mul3A_695 = vector.broadcast %mul3A_694 : f32 to vector<128x64xf32>
    %mul3A_696 = arith.mulf %mul3A_695, %mul3A_693 : vector<128x64xf32>
    %exp3A_697 = math.exp %mul3A_696 : vector<128x64xf32>
    %mul3A_698 = vector.broadcast %select_n3A_685 : vector<128x1xf32> to vector<128x64xf32>
    %mul3A_699 = arith.mulf %mul3A_698, %exp3A_697 : vector<128x64xf32>
    %dot_general3A_700 = arith.constant dense<0.000000e+00> : vector<128x128xf32>
    %dot_general3A_701 = tpu.matmul %mul3A_699, %get3A_9, %dot_general3A_700 {dimension_numbers = #tpu.dot_dimension_numbers<[1], [0], [0], [1], [0, 0, 1, 1], [], []>, transpose_lhs_hint = false} : vector<128x64xf32>, vector<64x128xf32>, vector<128x128xf32> -> vector<128x128xf32>
    %swap3A_702 = arith.constant 0 : index
    %swap3A_703 = arith.constant 1536 : index
    %swap3A_704 = arith.constant 0 : index
    %swap3A_705 = vector.load %arg3[%swap3A_702, %swap3A_703, %swap3A_704] : memref<1x2560x128xf32, #tpu.memory_space<vmem>>, vector<1x128x128xf32>
    %swap3A_706 = vector.shape_cast %swap3A_705 : vector<1x128x128xf32> to vector<128x128xf32>
    %swap3A_707 = vector.shape_cast %dot_general3A_701 : vector<128x128xf32> to vector<1x128x128xf32>
    tpu.vector_store %arg3[%swap3A_702, %swap3A_703, %swap3A_704], %swap3A_707 {strides = array<i32>} : memref<1x2560x128xf32, #tpu.memory_space<vmem>>, vector<1x128x128xf32>,
    %slice3A_708 = vector.extract_strided_slice %dot_general3A_6 {offsets = [0, 13], sizes = [128, 1], strides = [1, 1]} : vector<128x20xf32> to vector<128x1xf32>
    %add3A_709 = arith.constant 9.99999996E-13 : f32
    %add3A_710 = vector.broadcast %add3A_709 : f32 to vector<128x1xf32>
    %add3A_711 = arith.addf %slice3A_708, %add3A_710 : vector<128x1xf32>
    %sqrt3A_712 = math.sqrt %add3A_711 : vector<128x1xf32>
    %mul3A_713 = arith.constant 1.000000e-01 : f32
    %mul3A_714 = vector.broadcast %mul3A_713 : f32 to vector<128x1xf32>
    %mul3A_715 = arith.mulf %sqrt3A_712, %mul3A_714 : vector<128x1xf32>
    %mul3A_716 = arith.mulf %mul3A_715, %mul3A_715 : vector<128x1xf32>
    %mul3A_717 = arith.mulf %mul3A_716, %mul3A_715 : vector<128x1xf32>
    %mul3A_718 = arith.mulf %mul3A_717, %mul3A_715 : vector<128x1xf32>
    %mul3A_719 = arith.mulf %mul3A_718, %mul3A_715 : vector<128x1xf32>
    %lt3A_720 = arith.constant 1.000000e+00 : f32
    %lt3A_721 = vector.broadcast %lt3A_720 : f32 to vector<128x1xf32>
    %lt3A_722 = arith.cmpf olt, %mul3A_715, %lt3A_721 : vector<128x1xf32>
    %mul3A_723 = arith.constant 6.000000e+00 : f32
    %mul3A_724 = vector.broadcast %mul3A_723 : f32 to vector<128x1xf32>
    %mul3A_725 = arith.mulf %mul3A_724, %mul3A_719 : vector<128x1xf32>
    %sub3A_726 = arith.constant 1.000000e+00 : f32
    %sub3A_727 = vector.broadcast %sub3A_726 : f32 to vector<128x1xf32>
    %sub3A_728 = arith.subf %sub3A_727, %mul3A_725 : vector<128x1xf32>
    %mul3A_729 = arith.constant 1.500000e+01 : f32
    %mul3A_730 = vector.broadcast %mul3A_729 : f32 to vector<128x1xf32>
    %mul3A_731 = arith.mulf %mul3A_730, %mul3A_718 : vector<128x1xf32>
    %add3A_732 = arith.addf %sub3A_728, %mul3A_731 : vector<128x1xf32>
    %mul3A_733 = arith.constant 1.000000e+01 : f32
    %mul3A_734 = vector.broadcast %mul3A_733 : f32 to vector<128x1xf32>
    %mul3A_735 = arith.mulf %mul3A_734, %mul3A_717 : vector<128x1xf32>
    %sub3A_736 = arith.subf %add3A_732, %mul3A_735 : vector<128x1xf32>
    %jit3A_737 = arith.constant 0.000000e+00 : f32
    %broadcast_in_dim3A_738 = vector.broadcast %jit3A_737 : f32 to vector<128x1xf32>
    %select_n3A_739 = arith.select %lt3A_722, %sub3A_736, %broadcast_in_dim3A_738 : vector<128x1xi1>, vector<128x1xf32>
    %neg3A_740 = arith.constant 0.000000e+00 : f32
    %neg3A_741 = vector.broadcast %neg3A_740 : f32 to vector<128x1xf32>
    %neg3A_742 = arith.subf %neg3A_741, %sqrt3A_712 : vector<128x1xf32>
    %exp3A_743 = math.exp %neg3A_742 : vector<128x1xf32>
    %sub3A_744 = vector.broadcast %exp3A_743 : vector<128x1xf32> to vector<128x64xf32>
    %sub3A_745 = vector.broadcast %add3A_15 : vector<1x64xf32> to vector<128x64xf32>
    %sub3A_746 = arith.subf %sub3A_744, %sub3A_745 : vector<128x64xf32>
    %mul3A_747 = arith.mulf %sub3A_746, %sub3A_746 : vector<128x64xf32>
    %mul3A_748 = arith.constant -1024.09302 : f32
    %mul3A_749 = vector.broadcast %mul3A_748 : f32 to vector<128x64xf32>
    %mul3A_750 = arith.mulf %mul3A_749, %mul3A_747 : vector<128x64xf32>
    %exp3A_751 = math.exp %mul3A_750 : vector<128x64xf32>
    %mul3A_752 = vector.broadcast %select_n3A_739 : vector<128x1xf32> to vector<128x64xf32>
    %mul3A_753 = arith.mulf %mul3A_752, %exp3A_751 : vector<128x64xf32>
    %dot_general3A_754 = arith.constant dense<0.000000e+00> : vector<128x128xf32>
    %dot_general3A_755 = tpu.matmul %mul3A_753, %get3A_9, %dot_general3A_754 {dimension_numbers = #tpu.dot_dimension_numbers<[1], [0], [0], [1], [0, 0, 1, 1], [], []>, transpose_lhs_hint = false} : vector<128x64xf32>, vector<64x128xf32>, vector<128x128xf32> -> vector<128x128xf32>
    %swap3A_756 = arith.constant 0 : index
    %swap3A_757 = arith.constant 1664 : index
    %swap3A_758 = arith.constant 0 : index
    %swap3A_759 = vector.load %arg3[%swap3A_756, %swap3A_757, %swap3A_758] : memref<1x2560x128xf32, #tpu.memory_space<vmem>>, vector<1x128x128xf32>
    %swap3A_760 = vector.shape_cast %swap3A_759 : vector<1x128x128xf32> to vector<128x128xf32>
    %swap3A_761 = vector.shape_cast %dot_general3A_755 : vector<128x128xf32> to vector<1x128x128xf32>
    tpu.vector_store %arg3[%swap3A_756, %swap3A_757, %swap3A_758], %swap3A_761 {strides = array<i32>} : memref<1x2560x128xf32, #tpu.memory_space<vmem>>, vector<1x128x128xf32>,
    %slice3A_762 = vector.extract_strided_slice %dot_general3A_6 {offsets = [0, 14], sizes = [128, 1], strides = [1, 1]} : vector<128x20xf32> to vector<128x1xf32>
    %add3A_763 = arith.constant 9.99999996E-13 : f32
    %add3A_764 = vector.broadcast %add3A_763 : f32 to vector<128x1xf32>
    %add3A_765 = arith.addf %slice3A_762, %add3A_764 : vector<128x1xf32>
    %sqrt3A_766 = math.sqrt %add3A_765 : vector<128x1xf32>
    %mul3A_767 = arith.constant 1.000000e-01 : f32
    %mul3A_768 = vector.broadcast %mul3A_767 : f32 to vector<128x1xf32>
    %mul3A_769 = arith.mulf %sqrt3A_766, %mul3A_768 : vector<128x1xf32>
    %mul3A_770 = arith.mulf %mul3A_769, %mul3A_769 : vector<128x1xf32>
    %mul3A_771 = arith.mulf %mul3A_770, %mul3A_769 : vector<128x1xf32>
    %mul3A_772 = arith.mulf %mul3A_771, %mul3A_769 : vector<128x1xf32>
    %mul3A_773 = arith.mulf %mul3A_772, %mul3A_769 : vector<128x1xf32>
    %lt3A_774 = arith.constant 1.000000e+00 : f32
    %lt3A_775 = vector.broadcast %lt3A_774 : f32 to vector<128x1xf32>
    %lt3A_776 = arith.cmpf olt, %mul3A_769, %lt3A_775 : vector<128x1xf32>
    %mul3A_777 = arith.constant 6.000000e+00 : f32
    %mul3A_778 = vector.broadcast %mul3A_777 : f32 to vector<128x1xf32>
    %mul3A_779 = arith.mulf %mul3A_778, %mul3A_773 : vector<128x1xf32>
    %sub3A_780 = arith.constant 1.000000e+00 : f32
    %sub3A_781 = vector.broadcast %sub3A_780 : f32 to vector<128x1xf32>
    %sub3A_782 = arith.subf %sub3A_781, %mul3A_779 : vector<128x1xf32>
    %mul3A_783 = arith.constant 1.500000e+01 : f32
    %mul3A_784 = vector.broadcast %mul3A_783 : f32 to vector<128x1xf32>
    %mul3A_785 = arith.mulf %mul3A_784, %mul3A_772 : vector<128x1xf32>
    %add3A_786 = arith.addf %sub3A_782, %mul3A_785 : vector<128x1xf32>
    %mul3A_787 = arith.constant 1.000000e+01 : f32
    %mul3A_788 = vector.broadcast %mul3A_787 : f32 to vector<128x1xf32>
    %mul3A_789 = arith.mulf %mul3A_788, %mul3A_771 : vector<128x1xf32>
    %sub3A_790 = arith.subf %add3A_786, %mul3A_789 : vector<128x1xf32>
    %jit3A_791 = arith.constant 0.000000e+00 : f32
    %broadcast_in_dim3A_792 = vector.broadcast %jit3A_791 : f32 to vector<128x1xf32>
    %select_n3A_793 = arith.select %lt3A_776, %sub3A_790, %broadcast_in_dim3A_792 : vector<128x1xi1>, vector<128x1xf32>
    %neg3A_794 = arith.constant 0.000000e+00 : f32
    %neg3A_795 = vector.broadcast %neg3A_794 : f32 to vector<128x1xf32>
    %neg3A_796 = arith.subf %neg3A_795, %sqrt3A_766 : vector<128x1xf32>
    %exp3A_797 = math.exp %neg3A_796 : vector<128x1xf32>
    %sub3A_798 = vector.broadcast %exp3A_797 : vector<128x1xf32> to vector<128x64xf32>
    %sub3A_799 = vector.broadcast %add3A_15 : vector<1x64xf32> to vector<128x64xf32>
    %sub3A_800 = arith.subf %sub3A_798, %sub3A_799 : vector<128x64xf32>
    %mul3A_801 = arith.mulf %sub3A_800, %sub3A_800 : vector<128x64xf32>
    %mul3A_802 = arith.constant -1024.09302 : f32
    %mul3A_803 = vector.broadcast %mul3A_802 : f32 to vector<128x64xf32>
    %mul3A_804 = arith.mulf %mul3A_803, %mul3A_801 : vector<128x64xf32>
    %exp3A_805 = math.exp %mul3A_804 : vector<128x64xf32>
    %mul3A_806 = vector.broadcast %select_n3A_793 : vector<128x1xf32> to vector<128x64xf32>
    %mul3A_807 = arith.mulf %mul3A_806, %exp3A_805 : vector<128x64xf32>
    %dot_general3A_808 = arith.constant dense<0.000000e+00> : vector<128x128xf32>
    %dot_general3A_809 = tpu.matmul %mul3A_807, %get3A_9, %dot_general3A_808 {dimension_numbers = #tpu.dot_dimension_numbers<[1], [0], [0], [1], [0, 0, 1, 1], [], []>, transpose_lhs_hint = false} : vector<128x64xf32>, vector<64x128xf32>, vector<128x128xf32> -> vector<128x128xf32>
    %swap3A_810 = arith.constant 0 : index
    %swap3A_811 = arith.constant 1792 : index
    %swap3A_812 = arith.constant 0 : index
    %swap3A_813 = vector.load %arg3[%swap3A_810, %swap3A_811, %swap3A_812] : memref<1x2560x128xf32, #tpu.memory_space<vmem>>, vector<1x128x128xf32>
    %swap3A_814 = vector.shape_cast %swap3A_813 : vector<1x128x128xf32> to vector<128x128xf32>
    %swap3A_815 = vector.shape_cast %dot_general3A_809 : vector<128x128xf32> to vector<1x128x128xf32>
    tpu.vector_store %arg3[%swap3A_810, %swap3A_811, %swap3A_812], %swap3A_815 {strides = array<i32>} : memref<1x2560x128xf32, #tpu.memory_space<vmem>>, vector<1x128x128xf32>,
    %slice3A_816 = vector.extract_strided_slice %dot_general3A_6 {offsets = [0, 15], sizes = [128, 1], strides = [1, 1]} : vector<128x20xf32> to vector<128x1xf32>
    %add3A_817 = arith.constant 9.99999996E-13 : f32
    %add3A_818 = vector.broadcast %add3A_817 : f32 to vector<128x1xf32>
    %add3A_819 = arith.addf %slice3A_816, %add3A_818 : vector<128x1xf32>
    %sqrt3A_820 = math.sqrt %add3A_819 : vector<128x1xf32>
    %mul3A_821 = arith.constant 1.000000e-01 : f32
    %mul3A_822 = vector.broadcast %mul3A_821 : f32 to vector<128x1xf32>
    %mul3A_823 = arith.mulf %sqrt3A_820, %mul3A_822 : vector<128x1xf32>
    %mul3A_824 = arith.mulf %mul3A_823, %mul3A_823 : vector<128x1xf32>
    %mul3A_825 = arith.mulf %mul3A_824, %mul3A_823 : vector<128x1xf32>
    %mul3A_826 = arith.mulf %mul3A_825, %mul3A_823 : vector<128x1xf32>
    %mul3A_827 = arith.mulf %mul3A_826, %mul3A_823 : vector<128x1xf32>
    %lt3A_828 = arith.constant 1.000000e+00 : f32
    %lt3A_829 = vector.broadcast %lt3A_828 : f32 to vector<128x1xf32>
    %lt3A_830 = arith.cmpf olt, %mul3A_823, %lt3A_829 : vector<128x1xf32>
    %mul3A_831 = arith.constant 6.000000e+00 : f32
    %mul3A_832 = vector.broadcast %mul3A_831 : f32 to vector<128x1xf32>
    %mul3A_833 = arith.mulf %mul3A_832, %mul3A_827 : vector<128x1xf32>
    %sub3A_834 = arith.constant 1.000000e+00 : f32
    %sub3A_835 = vector.broadcast %sub3A_834 : f32 to vector<128x1xf32>
    %sub3A_836 = arith.subf %sub3A_835, %mul3A_833 : vector<128x1xf32>
    %mul3A_837 = arith.constant 1.500000e+01 : f32
    %mul3A_838 = vector.broadcast %mul3A_837 : f32 to vector<128x1xf32>
    %mul3A_839 = arith.mulf %mul3A_838, %mul3A_826 : vector<128x1xf32>
    %add3A_840 = arith.addf %sub3A_836, %mul3A_839 : vector<128x1xf32>
    %mul3A_841 = arith.constant 1.000000e+01 : f32
    %mul3A_842 = vector.broadcast %mul3A_841 : f32 to vector<128x1xf32>
    %mul3A_843 = arith.mulf %mul3A_842, %mul3A_825 : vector<128x1xf32>
    %sub3A_844 = arith.subf %add3A_840, %mul3A_843 : vector<128x1xf32>
    %jit3A_845 = arith.constant 0.000000e+00 : f32
    %broadcast_in_dim3A_846 = vector.broadcast %jit3A_845 : f32 to vector<128x1xf32>
    %select_n3A_847 = arith.select %lt3A_830, %sub3A_844, %broadcast_in_dim3A_846 : vector<128x1xi1>, vector<128x1xf32>
    %neg3A_848 = arith.constant 0.000000e+00 : f32
    %neg3A_849 = vector.broadcast %neg3A_848 : f32 to vector<128x1xf32>
    %neg3A_850 = arith.subf %neg3A_849, %sqrt3A_820 : vector<128x1xf32>
    %exp3A_851 = math.exp %neg3A_850 : vector<128x1xf32>
    %sub3A_852 = vector.broadcast %exp3A_851 : vector<128x1xf32> to vector<128x64xf32>
    %sub3A_853 = vector.broadcast %add3A_15 : vector<1x64xf32> to vector<128x64xf32>
    %sub3A_854 = arith.subf %sub3A_852, %sub3A_853 : vector<128x64xf32>
    %mul3A_855 = arith.mulf %sub3A_854, %sub3A_854 : vector<128x64xf32>
    %mul3A_856 = arith.constant -1024.09302 : f32
    %mul3A_857 = vector.broadcast %mul3A_856 : f32 to vector<128x64xf32>
    %mul3A_858 = arith.mulf %mul3A_857, %mul3A_855 : vector<128x64xf32>
    %exp3A_859 = math.exp %mul3A_858 : vector<128x64xf32>
    %mul3A_860 = vector.broadcast %select_n3A_847 : vector<128x1xf32> to vector<128x64xf32>
    %mul3A_861 = arith.mulf %mul3A_860, %exp3A_859 : vector<128x64xf32>
    %dot_general3A_862 = arith.constant dense<0.000000e+00> : vector<128x128xf32>
    %dot_general3A_863 = tpu.matmul %mul3A_861, %get3A_9, %dot_general3A_862 {dimension_numbers = #tpu.dot_dimension_numbers<[1], [0], [0], [1], [0, 0, 1, 1], [], []>, transpose_lhs_hint = false} : vector<128x64xf32>, vector<64x128xf32>, vector<128x128xf32> -> vector<128x128xf32>
    %swap3A_864 = arith.constant 0 : index
    %swap3A_865 = arith.constant 1920 : index
    %swap3A_866 = arith.constant 0 : index
    %swap3A_867 = vector.load %arg3[%swap3A_864, %swap3A_865, %swap3A_866] : memref<1x2560x128xf32, #tpu.memory_space<vmem>>, vector<1x128x128xf32>
    %swap3A_868 = vector.shape_cast %swap3A_867 : vector<1x128x128xf32> to vector<128x128xf32>
    %swap3A_869 = vector.shape_cast %dot_general3A_863 : vector<128x128xf32> to vector<1x128x128xf32>
    tpu.vector_store %arg3[%swap3A_864, %swap3A_865, %swap3A_866], %swap3A_869 {strides = array<i32>} : memref<1x2560x128xf32, #tpu.memory_space<vmem>>, vector<1x128x128xf32>,
    %slice3A_870 = vector.extract_strided_slice %dot_general3A_6 {offsets = [0, 16], sizes = [128, 1], strides = [1, 1]} : vector<128x20xf32> to vector<128x1xf32>
    %add3A_871 = arith.constant 9.99999996E-13 : f32
    %add3A_872 = vector.broadcast %add3A_871 : f32 to vector<128x1xf32>
    %add3A_873 = arith.addf %slice3A_870, %add3A_872 : vector<128x1xf32>
    %sqrt3A_874 = math.sqrt %add3A_873 : vector<128x1xf32>
    %mul3A_875 = arith.constant 1.000000e-01 : f32
    %mul3A_876 = vector.broadcast %mul3A_875 : f32 to vector<128x1xf32>
    %mul3A_877 = arith.mulf %sqrt3A_874, %mul3A_876 : vector<128x1xf32>
    %mul3A_878 = arith.mulf %mul3A_877, %mul3A_877 : vector<128x1xf32>
    %mul3A_879 = arith.mulf %mul3A_878, %mul3A_877 : vector<128x1xf32>
    %mul3A_880 = arith.mulf %mul3A_879, %mul3A_877 : vector<128x1xf32>
    %mul3A_881 = arith.mulf %mul3A_880, %mul3A_877 : vector<128x1xf32>
    %lt3A_882 = arith.constant 1.000000e+00 : f32
    %lt3A_883 = vector.broadcast %lt3A_882 : f32 to vector<128x1xf32>
    %lt3A_884 = arith.cmpf olt, %mul3A_877, %lt3A_883 : vector<128x1xf32>
    %mul3A_885 = arith.constant 6.000000e+00 : f32
    %mul3A_886 = vector.broadcast %mul3A_885 : f32 to vector<128x1xf32>
    %mul3A_887 = arith.mulf %mul3A_886, %mul3A_881 : vector<128x1xf32>
    %sub3A_888 = arith.constant 1.000000e+00 : f32
    %sub3A_889 = vector.broadcast %sub3A_888 : f32 to vector<128x1xf32>
    %sub3A_890 = arith.subf %sub3A_889, %mul3A_887 : vector<128x1xf32>
    %mul3A_891 = arith.constant 1.500000e+01 : f32
    %mul3A_892 = vector.broadcast %mul3A_891 : f32 to vector<128x1xf32>
    %mul3A_893 = arith.mulf %mul3A_892, %mul3A_880 : vector<128x1xf32>
    %add3A_894 = arith.addf %sub3A_890, %mul3A_893 : vector<128x1xf32>
    %mul3A_895 = arith.constant 1.000000e+01 : f32
    %mul3A_896 = vector.broadcast %mul3A_895 : f32 to vector<128x1xf32>
    %mul3A_897 = arith.mulf %mul3A_896, %mul3A_879 : vector<128x1xf32>
    %sub3A_898 = arith.subf %add3A_894, %mul3A_897 : vector<128x1xf32>
    %jit3A_899 = arith.constant 0.000000e+00 : f32
    %broadcast_in_dim3A_900 = vector.broadcast %jit3A_899 : f32 to vector<128x1xf32>
    %select_n3A_901 = arith.select %lt3A_884, %sub3A_898, %broadcast_in_dim3A_900 : vector<128x1xi1>, vector<128x1xf32>
    %neg3A_902 = arith.constant 0.000000e+00 : f32
    %neg3A_903 = vector.broadcast %neg3A_902 : f32 to vector<128x1xf32>
    %neg3A_904 = arith.subf %neg3A_903, %sqrt3A_874 : vector<128x1xf32>
    %exp3A_905 = math.exp %neg3A_904 : vector<128x1xf32>
    %sub3A_906 = vector.broadcast %exp3A_905 : vector<128x1xf32> to vector<128x64xf32>
    %sub3A_907 = vector.broadcast %add3A_15 : vector<1x64xf32> to vector<128x64xf32>
    %sub3A_908 = arith.subf %sub3A_906, %sub3A_907 : vector<128x64xf32>
    %mul3A_909 = arith.mulf %sub3A_908, %sub3A_908 : vector<128x64xf32>
    %mul3A_910 = arith.constant -1024.09302 : f32
    %mul3A_911 = vector.broadcast %mul3A_910 : f32 to vector<128x64xf32>
    %mul3A_912 = arith.mulf %mul3A_911, %mul3A_909 : vector<128x64xf32>
    %exp3A_913 = math.exp %mul3A_912 : vector<128x64xf32>
    %mul3A_914 = vector.broadcast %select_n3A_901 : vector<128x1xf32> to vector<128x64xf32>
    %mul3A_915 = arith.mulf %mul3A_914, %exp3A_913 : vector<128x64xf32>
    %dot_general3A_916 = arith.constant dense<0.000000e+00> : vector<128x128xf32>
    %dot_general3A_917 = tpu.matmul %mul3A_915, %get3A_9, %dot_general3A_916 {dimension_numbers = #tpu.dot_dimension_numbers<[1], [0], [0], [1], [0, 0, 1, 1], [], []>, transpose_lhs_hint = false} : vector<128x64xf32>, vector<64x128xf32>, vector<128x128xf32> -> vector<128x128xf32>
    %swap3A_918 = arith.constant 0 : index
    %swap3A_919 = arith.constant 2048 : index
    %swap3A_920 = arith.constant 0 : index
    %swap3A_921 = vector.load %arg3[%swap3A_918, %swap3A_919, %swap3A_920] : memref<1x2560x128xf32, #tpu.memory_space<vmem>>, vector<1x128x128xf32>
    %swap3A_922 = vector.shape_cast %swap3A_921 : vector<1x128x128xf32> to vector<128x128xf32>
    %swap3A_923 = vector.shape_cast %dot_general3A_917 : vector<128x128xf32> to vector<1x128x128xf32>
    tpu.vector_store %arg3[%swap3A_918, %swap3A_919, %swap3A_920], %swap3A_923 {strides = array<i32>} : memref<1x2560x128xf32, #tpu.memory_space<vmem>>, vector<1x128x128xf32>,
    %slice3A_924 = vector.extract_strided_slice %dot_general3A_6 {offsets = [0, 17], sizes = [128, 1], strides = [1, 1]} : vector<128x20xf32> to vector<128x1xf32>
    %add3A_925 = arith.constant 9.99999996E-13 : f32
    %add3A_926 = vector.broadcast %add3A_925 : f32 to vector<128x1xf32>
    %add3A_927 = arith.addf %slice3A_924, %add3A_926 : vector<128x1xf32>
    %sqrt3A_928 = math.sqrt %add3A_927 : vector<128x1xf32>
    %mul3A_929 = arith.constant 1.000000e-01 : f32
    %mul3A_930 = vector.broadcast %mul3A_929 : f32 to vector<128x1xf32>
    %mul3A_931 = arith.mulf %sqrt3A_928, %mul3A_930 : vector<128x1xf32>
    %mul3A_932 = arith.mulf %mul3A_931, %mul3A_931 : vector<128x1xf32>
    %mul3A_933 = arith.mulf %mul3A_932, %mul3A_931 : vector<128x1xf32>
    %mul3A_934 = arith.mulf %mul3A_933, %mul3A_931 : vector<128x1xf32>
    %mul3A_935 = arith.mulf %mul3A_934, %mul3A_931 : vector<128x1xf32>
    %lt3A_936 = arith.constant 1.000000e+00 : f32
    %lt3A_937 = vector.broadcast %lt3A_936 : f32 to vector<128x1xf32>
    %lt3A_938 = arith.cmpf olt, %mul3A_931, %lt3A_937 : vector<128x1xf32>
    %mul3A_939 = arith.constant 6.000000e+00 : f32
    %mul3A_940 = vector.broadcast %mul3A_939 : f32 to vector<128x1xf32>
    %mul3A_941 = arith.mulf %mul3A_940, %mul3A_935 : vector<128x1xf32>
    %sub3A_942 = arith.constant 1.000000e+00 : f32
    %sub3A_943 = vector.broadcast %sub3A_942 : f32 to vector<128x1xf32>
    %sub3A_944 = arith.subf %sub3A_943, %mul3A_941 : vector<128x1xf32>
    %mul3A_945 = arith.constant 1.500000e+01 : f32
    %mul3A_946 = vector.broadcast %mul3A_945 : f32 to vector<128x1xf32>
    %mul3A_947 = arith.mulf %mul3A_946, %mul3A_934 : vector<128x1xf32>
    %add3A_948 = arith.addf %sub3A_944, %mul3A_947 : vector<128x1xf32>
    %mul3A_949 = arith.constant 1.000000e+01 : f32
    %mul3A_950 = vector.broadcast %mul3A_949 : f32 to vector<128x1xf32>
    %mul3A_951 = arith.mulf %mul3A_950, %mul3A_933 : vector<128x1xf32>
    %sub3A_952 = arith.subf %add3A_948, %mul3A_951 : vector<128x1xf32>
    %jit3A_953 = arith.constant 0.000000e+00 : f32
    %broadcast_in_dim3A_954 = vector.broadcast %jit3A_953 : f32 to vector<128x1xf32>
    %select_n3A_955 = arith.select %lt3A_938, %sub3A_952, %broadcast_in_dim3A_954 : vector<128x1xi1>, vector<128x1xf32>
    %neg3A_956 = arith.constant 0.000000e+00 : f32
    %neg3A_957 = vector.broadcast %neg3A_956 : f32 to vector<128x1xf32>
    %neg3A_958 = arith.subf %neg3A_957, %sqrt3A_928 : vector<128x1xf32>
    %exp3A_959 = math.exp %neg3A_958 : vector<128x1xf32>
    %sub3A_960 = vector.broadcast %exp3A_959 : vector<128x1xf32> to vector<128x64xf32>
    %sub3A_961 = vector.broadcast %add3A_15 : vector<1x64xf32> to vector<128x64xf32>
    %sub3A_962 = arith.subf %sub3A_960, %sub3A_961 : vector<128x64xf32>
    %mul3A_963 = arith.mulf %sub3A_962, %sub3A_962 : vector<128x64xf32>
    %mul3A_964 = arith.constant -1024.09302 : f32
    %mul3A_965 = vector.broadcast %mul3A_964 : f32 to vector<128x64xf32>
    %mul3A_966 = arith.mulf %mul3A_965, %mul3A_963 : vector<128x64xf32>
    %exp3A_967 = math.exp %mul3A_966 : vector<128x64xf32>
    %mul3A_968 = vector.broadcast %select_n3A_955 : vector<128x1xf32> to vector<128x64xf32>
    %mul3A_969 = arith.mulf %mul3A_968, %exp3A_967 : vector<128x64xf32>
    %dot_general3A_970 = arith.constant dense<0.000000e+00> : vector<128x128xf32>
    %dot_general3A_971 = tpu.matmul %mul3A_969, %get3A_9, %dot_general3A_970 {dimension_numbers = #tpu.dot_dimension_numbers<[1], [0], [0], [1], [0, 0, 1, 1], [], []>, transpose_lhs_hint = false} : vector<128x64xf32>, vector<64x128xf32>, vector<128x128xf32> -> vector<128x128xf32>
    %swap3A_972 = arith.constant 0 : index
    %swap3A_973 = arith.constant 2176 : index
    %swap3A_974 = arith.constant 0 : index
    %swap3A_975 = vector.load %arg3[%swap3A_972, %swap3A_973, %swap3A_974] : memref<1x2560x128xf32, #tpu.memory_space<vmem>>, vector<1x128x128xf32>
    %swap3A_976 = vector.shape_cast %swap3A_975 : vector<1x128x128xf32> to vector<128x128xf32>
    %swap3A_977 = vector.shape_cast %dot_general3A_971 : vector<128x128xf32> to vector<1x128x128xf32>
    tpu.vector_store %arg3[%swap3A_972, %swap3A_973, %swap3A_974], %swap3A_977 {strides = array<i32>} : memref<1x2560x128xf32, #tpu.memory_space<vmem>>, vector<1x128x128xf32>,
    %slice3A_978 = vector.extract_strided_slice %dot_general3A_6 {offsets = [0, 18], sizes = [128, 1], strides = [1, 1]} : vector<128x20xf32> to vector<128x1xf32>
    %add3A_979 = arith.constant 9.99999996E-13 : f32
    %add3A_980 = vector.broadcast %add3A_979 : f32 to vector<128x1xf32>
    %add3A_981 = arith.addf %slice3A_978, %add3A_980 : vector<128x1xf32>
    %sqrt3A_982 = math.sqrt %add3A_981 : vector<128x1xf32>
    %mul3A_983 = arith.constant 1.000000e-01 : f32
    %mul3A_984 = vector.broadcast %mul3A_983 : f32 to vector<128x1xf32>
    %mul3A_985 = arith.mulf %sqrt3A_982, %mul3A_984 : vector<128x1xf32>
    %mul3A_986 = arith.mulf %mul3A_985, %mul3A_985 : vector<128x1xf32>
    %mul3A_987 = arith.mulf %mul3A_986, %mul3A_985 : vector<128x1xf32>
    %mul3A_988 = arith.mulf %mul3A_987, %mul3A_985 : vector<128x1xf32>
    %mul3A_989 = arith.mulf %mul3A_988, %mul3A_985 : vector<128x1xf32>
    %lt3A_990 = arith.constant 1.000000e+00 : f32
    %lt3A_991 = vector.broadcast %lt3A_990 : f32 to vector<128x1xf32>
    %lt3A_992 = arith.cmpf olt, %mul3A_985, %lt3A_991 : vector<128x1xf32>
    %mul3A_993 = arith.constant 6.000000e+00 : f32
    %mul3A_994 = vector.broadcast %mul3A_993 : f32 to vector<128x1xf32>
    %mul3A_995 = arith.mulf %mul3A_994, %mul3A_989 : vector<128x1xf32>
    %sub3A_996 = arith.constant 1.000000e+00 : f32
    %sub3A_997 = vector.broadcast %sub3A_996 : f32 to vector<128x1xf32>
    %sub3A_998 = arith.subf %sub3A_997, %mul3A_995 : vector<128x1xf32>
    %mul3A_999 = arith.constant 1.500000e+01 : f32
    %mul3A_1000 = vector.broadcast %mul3A_999 : f32 to vector<128x1xf32>
    %mul3A_1001 = arith.mulf %mul3A_1000, %mul3A_988 : vector<128x1xf32>
    %add3A_1002 = arith.addf %sub3A_998, %mul3A_1001 : vector<128x1xf32>
    %mul3A_1003 = arith.constant 1.000000e+01 : f32
    %mul3A_1004 = vector.broadcast %mul3A_1003 : f32 to vector<128x1xf32>
    %mul3A_1005 = arith.mulf %mul3A_1004, %mul3A_987 : vector<128x1xf32>
    %sub3A_1006 = arith.subf %add3A_1002, %mul3A_1005 : vector<128x1xf32>
    %jit3A_1007 = arith.constant 0.000000e+00 : f32
    %broadcast_in_dim3A_1008 = vector.broadcast %jit3A_1007 : f32 to vector<128x1xf32>
    %select_n3A_1009 = arith.select %lt3A_992, %sub3A_1006, %broadcast_in_dim3A_1008 : vector<128x1xi1>, vector<128x1xf32>
    %neg3A_1010 = arith.constant 0.000000e+00 : f32
    %neg3A_1011 = vector.broadcast %neg3A_1010 : f32 to vector<128x1xf32>
    %neg3A_1012 = arith.subf %neg3A_1011, %sqrt3A_982 : vector<128x1xf32>
    %exp3A_1013 = math.exp %neg3A_1012 : vector<128x1xf32>
    %sub3A_1014 = vector.broadcast %exp3A_1013 : vector<128x1xf32> to vector<128x64xf32>
    %sub3A_1015 = vector.broadcast %add3A_15 : vector<1x64xf32> to vector<128x64xf32>
    %sub3A_1016 = arith.subf %sub3A_1014, %sub3A_1015 : vector<128x64xf32>
    %mul3A_1017 = arith.mulf %sub3A_1016, %sub3A_1016 : vector<128x64xf32>
    %mul3A_1018 = arith.constant -1024.09302 : f32
    %mul3A_1019 = vector.broadcast %mul3A_1018 : f32 to vector<128x64xf32>
    %mul3A_1020 = arith.mulf %mul3A_1019, %mul3A_1017 : vector<128x64xf32>
    %exp3A_1021 = math.exp %mul3A_1020 : vector<128x64xf32>
    %mul3A_1022 = vector.broadcast %select_n3A_1009 : vector<128x1xf32> to vector<128x64xf32>
    %mul3A_1023 = arith.mulf %mul3A_1022, %exp3A_1021 : vector<128x64xf32>
    %dot_general3A_1024 = arith.constant dense<0.000000e+00> : vector<128x128xf32>
    %dot_general3A_1025 = tpu.matmul %mul3A_1023, %get3A_9, %dot_general3A_1024 {dimension_numbers = #tpu.dot_dimension_numbers<[1], [0], [0], [1], [0, 0, 1, 1], [], []>, transpose_lhs_hint = false} : vector<128x64xf32>, vector<64x128xf32>, vector<128x128xf32> -> vector<128x128xf32>
    %swap3A_1026 = arith.constant 0 : index
    %swap3A_1027 = arith.constant 2304 : index
    %swap3A_1028 = arith.constant 0 : index
    %swap3A_1029 = vector.load %arg3[%swap3A_1026, %swap3A_1027, %swap3A_1028] : memref<1x2560x128xf32, #tpu.memory_space<vmem>>, vector<1x128x128xf32>
    %swap3A_1030 = vector.shape_cast %swap3A_1029 : vector<1x128x128xf32> to vector<128x128xf32>
    %swap3A_1031 = vector.shape_cast %dot_general3A_1025 : vector<128x128xf32> to vector<1x128x128xf32>
    tpu.vector_store %arg3[%swap3A_1026, %swap3A_1027, %swap3A_1028], %swap3A_1031 {strides = array<i32>} : memref<1x2560x128xf32, #tpu.memory_space<vmem>>, vector<1x128x128xf32>,
    %slice3A_1032 = vector.extract_strided_slice %dot_general3A_6 {offsets = [0, 19], sizes = [128, 1], strides = [1, 1]} : vector<128x20xf32> to vector<128x1xf32>
    %add3A_1033 = arith.constant 9.99999996E-13 : f32
    %add3A_1034 = vector.broadcast %add3A_1033 : f32 to vector<128x1xf32>
    %add3A_1035 = arith.addf %slice3A_1032, %add3A_1034 : vector<128x1xf32>
    %sqrt3A_1036 = math.sqrt %add3A_1035 : vector<128x1xf32>
    %mul3A_1037 = arith.constant 1.000000e-01 : f32
    %mul3A_1038 = vector.broadcast %mul3A_1037 : f32 to vector<128x1xf32>
    %mul3A_1039 = arith.mulf %sqrt3A_1036, %mul3A_1038 : vector<128x1xf32>
    %mul3A_1040 = arith.mulf %mul3A_1039, %mul3A_1039 : vector<128x1xf32>
    %mul3A_1041 = arith.mulf %mul3A_1040, %mul3A_1039 : vector<128x1xf32>
    %mul3A_1042 = arith.mulf %mul3A_1041, %mul3A_1039 : vector<128x1xf32>
    %mul3A_1043 = arith.mulf %mul3A_1042, %mul3A_1039 : vector<128x1xf32>
    %lt3A_1044 = arith.constant 1.000000e+00 : f32
    %lt3A_1045 = vector.broadcast %lt3A_1044 : f32 to vector<128x1xf32>
    %lt3A_1046 = arith.cmpf olt, %mul3A_1039, %lt3A_1045 : vector<128x1xf32>
    %mul3A_1047 = arith.constant 6.000000e+00 : f32
    %mul3A_1048 = vector.broadcast %mul3A_1047 : f32 to vector<128x1xf32>
    %mul3A_1049 = arith.mulf %mul3A_1048, %mul3A_1043 : vector<128x1xf32>
    %sub3A_1050 = arith.constant 1.000000e+00 : f32
    %sub3A_1051 = vector.broadcast %sub3A_1050 : f32 to vector<128x1xf32>
    %sub3A_1052 = arith.subf %sub3A_1051, %mul3A_1049 : vector<128x1xf32>
    %mul3A_1053 = arith.constant 1.500000e+01 : f32
    %mul3A_1054 = vector.broadcast %mul3A_1053 : f32 to vector<128x1xf32>
    %mul3A_1055 = arith.mulf %mul3A_1054, %mul3A_1042 : vector<128x1xf32>
    %add3A_1056 = arith.addf %sub3A_1052, %mul3A_1055 : vector<128x1xf32>
    %mul3A_1057 = arith.constant 1.000000e+01 : f32
    %mul3A_1058 = vector.broadcast %mul3A_1057 : f32 to vector<128x1xf32>
    %mul3A_1059 = arith.mulf %mul3A_1058, %mul3A_1041 : vector<128x1xf32>
    %sub3A_1060 = arith.subf %add3A_1056, %mul3A_1059 : vector<128x1xf32>
    %jit3A_1061 = arith.constant 0.000000e+00 : f32
    %broadcast_in_dim3A_1062 = vector.broadcast %jit3A_1061 : f32 to vector<128x1xf32>
    %select_n3A_1063 = arith.select %lt3A_1046, %sub3A_1060, %broadcast_in_dim3A_1062 : vector<128x1xi1>, vector<128x1xf32>
    %neg3A_1064 = arith.constant 0.000000e+00 : f32
    %neg3A_1065 = vector.broadcast %neg3A_1064 : f32 to vector<128x1xf32>
    %neg3A_1066 = arith.subf %neg3A_1065, %sqrt3A_1036 : vector<128x1xf32>
    %exp3A_1067 = math.exp %neg3A_1066 : vector<128x1xf32>
    %sub3A_1068 = vector.broadcast %exp3A_1067 : vector<128x1xf32> to vector<128x64xf32>
    %sub3A_1069 = vector.broadcast %add3A_15 : vector<1x64xf32> to vector<128x64xf32>
    %sub3A_1070 = arith.subf %sub3A_1068, %sub3A_1069 : vector<128x64xf32>
    %mul3A_1071 = arith.mulf %sub3A_1070, %sub3A_1070 : vector<128x64xf32>
    %mul3A_1072 = arith.constant -1024.09302 : f32
    %mul3A_1073 = vector.broadcast %mul3A_1072 : f32 to vector<128x64xf32>
    %mul3A_1074 = arith.mulf %mul3A_1073, %mul3A_1071 : vector<128x64xf32>
    %exp3A_1075 = math.exp %mul3A_1074 : vector<128x64xf32>
    %mul3A_1076 = vector.broadcast %select_n3A_1063 : vector<128x1xf32> to vector<128x64xf32>
    %mul3A_1077 = arith.mulf %mul3A_1076, %exp3A_1075 : vector<128x64xf32>
    %dot_general3A_1078 = arith.constant dense<0.000000e+00> : vector<128x128xf32>
    %dot_general3A_1079 = tpu.matmul %mul3A_1077, %get3A_9, %dot_general3A_1078 {dimension_numbers = #tpu.dot_dimension_numbers<[1], [0], [0], [1], [0, 0, 1, 1], [], []>, transpose_lhs_hint = false} : vector<128x64xf32>, vector<64x128xf32>, vector<128x128xf32> -> vector<128x128xf32>
    %swap3A_1080 = arith.constant 0 : index
    %swap3A_1081 = arith.constant 2432 : index
    %swap3A_1082 = arith.constant 0 : index
    %swap3A_1083 = vector.load %arg3[%swap3A_1080, %swap3A_1081, %swap3A_1082] : memref<1x2560x128xf32, #tpu.memory_space<vmem>>, vector<1x128x128xf32>
    %swap3A_1084 = vector.shape_cast %swap3A_1083 : vector<1x128x128xf32> to vector<128x128xf32>
    %swap3A_1085 = vector.shape_cast %dot_general3A_1079 : vector<128x128xf32> to vector<1x128x128xf32>
    tpu.vector_store %arg3[%swap3A_1080, %swap3A_1081, %swap3A_1082], %swap3A_1085 {strides = array<i32>} : memref<1x2560x128xf32, #tpu.memory_space<vmem>>, vector<1x128x128xf32>,
    return
  }
  func.func @transform_0(%arg0: i32) -> (i32, i32, i32) {
    %c0_i32 = arith.constant 0 : i32
    %c0_i32_0 = arith.constant 0 : i32
    %c0_i32_1 = arith.constant 0 : i32
    return %arg0, %c0_i32, %c0_i32_0 : i32, i32, i32
  }
  func.func @transform_1(%arg0: i32) -> (i32, i32) {
    %c0_i32 = arith.constant 0 : i32
    %c0_i32_0 = arith.constant 0 : i32
    %c0_i32_1 = arith.constant 0 : i32
    return %c0_i32, %c0_i32_0 : i32, i32
  }
  func.func @transform_2(%arg0: i32) -> (i32, i32, i32) {
    %c0_i32 = arith.constant 0 : i32
    %c0_i32_0 = arith.constant 0 : i32
    %c0_i32_1 = arith.constant 0 : i32
    return %arg0, %c0_i32, %c0_i32_0 : i32, i32, i32
  }
}

module attributes {stable_mosaic.version = 14 : i64} {
  func.func @_tc_fin_body(%arg0: i32, %arg1: memref<2000x128xf32, #tpu.memory_space<vmem>>, %arg2: memref<2x2000x128xf32, #tpu.memory_space<vmem>>, %arg3: memref<2x2000x16xf32, #tpu.memory_space<vmem>>, %arg4: memref<128x128xf32, #tpu.memory_space<vmem>>, %arg5: memref<1x128xf32, #tpu.memory_space<vmem>>, %arg6: memref<1x128xf32, #tpu.memory_space<vmem>>, %arg7: memref<128x128xf32, #tpu.memory_space<vmem>>, %arg8: memref<128x128xf32, #tpu.memory_space<vmem>>, %arg9: memref<128x128xf32, #tpu.memory_space<vmem>>, %arg10: memref<1x128xf32, #tpu.memory_space<vmem>>, %arg11: memref<2000x128xf32, #tpu.memory_space<vmem>>) attributes {dimension_semantics = [#tpu.dimension_semantics<arbitrary>], iteration_bounds = array<i64: 5>, scalar_prefetch = 0 : i64, scratch_operands = 0 : i64, tpu.core_type = #tpu.core_type<tc>, window_params = [{transform_indices = @transform_0, window_bounds = array<i64: 2000, 128>}, {transform_indices = @transform_1, window_bounds = array<i64: 2, 2000, 128>}, {transform_indices = @transform_2, window_bounds = array<i64: 2, 2000, 16>}, {pipeline_mode = #tpu.pipeline_mode<synchronous>, transform_indices = @transform_3, window_bounds = array<i64: 128, 128>}, {pipeline_mode = #tpu.pipeline_mode<synchronous>, transform_indices = @transform_4, window_bounds = array<i64: 1, 128>}, {pipeline_mode = #tpu.pipeline_mode<synchronous>, transform_indices = @transform_5, window_bounds = array<i64: 1, 128>}, {pipeline_mode = #tpu.pipeline_mode<synchronous>, transform_indices = @transform_6, window_bounds = array<i64: 128, 128>}, {pipeline_mode = #tpu.pipeline_mode<synchronous>, transform_indices = @transform_7, window_bounds = array<i64: 128, 128>}, {pipeline_mode = #tpu.pipeline_mode<synchronous>, transform_indices = @transform_8, window_bounds = array<i64: 128, 128>}, {pipeline_mode = #tpu.pipeline_mode<synchronous>, transform_indices = @transform_9, window_bounds = array<i64: 1, 128>}, {transform_indices = @transform_10, window_bounds = array<i64: 2000, 128>}]} {
    %get3A = arith.constant 0 : index
    %get3A_0 = arith.constant 0 : index
    %get3A_1 = vector.load %arg7[%get3A, %get3A_0] : memref<128x128xf32, #tpu.memory_space<vmem>>, vector<128x128xf32>
    %get3A_2 = arith.constant 0 : index
    %get3A_3 = arith.constant 0 : index
    %get3A_4 = vector.load %arg8[%get3A_2, %get3A_3] : memref<128x128xf32, #tpu.memory_space<vmem>>, vector<128x128xf32>
    %get3A_5 = arith.constant 0 : index
    %get3A_6 = arith.constant 0 : index
    %get3A_7 = vector.load %arg9[%get3A_5, %get3A_6] : memref<128x128xf32, #tpu.memory_space<vmem>>, vector<128x128xf32>
    %iota3A = tpu.iota {dimensions = array<i32: 0>} : vector<128x128xi32>
    %iota3A_8 = tpu.iota {dimensions = array<i32: 1>} : vector<128x128xi32>
    %eq3A = arith.cmpi eq, %iota3A, %iota3A_8 : vector<128x128xi32>
    %convert_element_type3A = arith.extui %eq3A : vector<128x128xi1> to vector<128x128xi32>
    %convert_element_type3A_9 = arith.sitofp %convert_element_type3A : vector<128x128xi32> to vector<128x128xf32>
    %dot_general3A = arith.constant dense<0.000000e+00> : vector<128x128xf32>
    %dot_general3A_10 = tpu.matmul %get3A_1, %get3A_4, %dot_general3A {dimension_numbers = #tpu.dot_dimension_numbers<[1], [0], [0], [1], [0, 0, 1, 1], [], []>, precision = #tpu.contract_precision<fp32>, transpose_lhs_hint = false} : vector<128x128xf32>, vector<128x128xf32>, vector<128x128xf32> -> vector<128x128xf32>
    %add3A = arith.addf %convert_element_type3A_9, %dot_general3A_10 : vector<128x128xf32>
    %dot_general3A_11 = arith.constant dense<0.000000e+00> : vector<128x128xf32>
    %dot_general3A_12 = tpu.matmul %add3A, %get3A_7, %dot_general3A_11 {dimension_numbers = #tpu.dot_dimension_numbers<[1], [0], [0], [1], [0, 0, 1, 1], [], []>, precision = #tpu.contract_precision<fp32>, transpose_lhs_hint = false} : vector<128x128xf32>, vector<128x128xf32>, vector<128x128xf32> -> vector<128x128xf32>
    %dot_general3A_13 = arith.constant dense<0.000000e+00> : vector<128x128xf32>
    %dot_general3A_14 = tpu.matmul %dot_general3A_12, %add3A, %dot_general3A_13 {dimension_numbers = #tpu.dot_dimension_numbers<[1], [0], [0], [1], [0, 0, 1, 1], [], []>, precision = #tpu.contract_precision<fp32>, transpose_lhs_hint = false} : vector<128x128xf32>, vector<128x128xf32>, vector<128x128xf32> -> vector<128x128xf32>
    %get3A_15 = arith.constant 0 : index
    %get3A_16 = arith.constant 0 : index
    %get3A_17 = vector.load %arg1[%get3A_15, %get3A_16] : memref<2000x128xf32, #tpu.memory_space<vmem>>, vector<2000x128xf32>
    %get3A_18 = arith.constant 0 : index
    %get3A_19 = arith.constant 0 : index
    %get3A_20 = vector.load %arg4[%get3A_18, %get3A_19] : memref<128x128xf32, #tpu.memory_space<vmem>>, vector<128x128xf32>
    %dot_general3A_21 = arith.constant dense<0.000000e+00> : vector<2000x128xf32>
    %dot_general3A_22 = tpu.matmul %get3A_17, %get3A_20, %dot_general3A_21 {dimension_numbers = #tpu.dot_dimension_numbers<[1], [0], [0], [1], [0, 0, 1, 1], [], []>, precision = #tpu.contract_precision<fp32>, transpose_lhs_hint = false} : vector<2000x128xf32>, vector<128x128xf32>, vector<2000x128xf32> -> vector<2000x128xf32>
    %get3A_23 = arith.constant 0 : index
    %get3A_24 = arith.constant 0 : index
    %get3A_25 = vector.load %arg5[%get3A_23, %get3A_24] : memref<1x128xf32, #tpu.memory_space<vmem>>, vector<1x128xf32>
    %add3A_26 = vector.broadcast %get3A_25 : vector<1x128xf32> to vector<2000x128xf32>
    %add3A_27 = arith.addf %dot_general3A_22, %add3A_26 : vector<2000x128xf32>
    %get3A_28 = arith.constant 0 : index
    %get3A_29 = arith.constant 0 : index
    %get3A_30 = arith.constant 0 : index
    %get3A_31 = vector.load %arg2[%get3A_28, %get3A_29, %get3A_30] : memref<2x2000x128xf32, #tpu.memory_space<vmem>>, vector<1x2000x128xf32>
    %get3A_32 = vector.shape_cast %get3A_31 : vector<1x2000x128xf32> to vector<2000x128xf32>
    %get3A_33 = arith.constant 1 : index
    %get3A_34 = arith.constant 0 : index
    %get3A_35 = arith.constant 0 : index
    %get3A_36 = vector.load %arg2[%get3A_33, %get3A_34, %get3A_35] : memref<2x2000x128xf32, #tpu.memory_space<vmem>>, vector<1x2000x128xf32>
    %get3A_37 = vector.shape_cast %get3A_36 : vector<1x2000x128xf32> to vector<2000x128xf32>
    %add3A_38 = arith.addf %get3A_32, %get3A_37 : vector<2000x128xf32>
    %get3A_39 = arith.constant 0 : index
    %get3A_40 = arith.constant 0 : index
    %get3A_41 = arith.constant 0 : index
    %get3A_42 = vector.load %arg3[%get3A_39, %get3A_40, %get3A_41] : memref<2x2000x16xf32, #tpu.memory_space<vmem>>, vector<1x2000x16xf32>
    %get3A_43 = vector.shape_cast %get3A_42 : vector<1x2000x16xf32> to vector<2000x16xf32>
    %get3A_44 = arith.constant 1 : index
    %get3A_45 = arith.constant 0 : index
    %get3A_46 = arith.constant 0 : index
    %get3A_47 = vector.load %arg3[%get3A_44, %get3A_45, %get3A_46] : memref<2x2000x16xf32, #tpu.memory_space<vmem>>, vector<1x2000x16xf32>
    %get3A_48 = vector.shape_cast %get3A_47 : vector<1x2000x16xf32> to vector<2000x16xf32>
    %add3A_49 = arith.addf %get3A_43, %get3A_48 : vector<2000x16xf32>
    %reduce_sum3A = arith.constant dense<0.000000e+00> : vector<2000xf32>
    %reduce_sum3A_50 = vector.multi_reduction <add>, %add3A_49, %reduce_sum3A [1] : vector<2000x16xf32> to vector<2000xf32>
    %broadcast_in_dim3A = vector.shape_cast %reduce_sum3A_50 : vector<2000xf32> to vector<2000x1xf32>
    %get3A_51 = arith.constant 0 : index
    %get3A_52 = arith.constant 0 : index
    %get3A_53 = vector.load %arg6[%get3A_51, %get3A_52] : memref<1x128xf32, #tpu.memory_space<vmem>>, vector<1x128xf32>
    %mul3A = vector.broadcast %get3A_53 : vector<1x128xf32> to vector<2000x128xf32>
    %mul3A_54 = arith.mulf %mul3A, %add3A_27 : vector<2000x128xf32>
    %dot_general3A_55 = arith.constant dense<0.000000e+00> : vector<2000x128xf32>
    %dot_general3A_56 = tpu.matmul %mul3A_54, %add3A, %dot_general3A_55 {dimension_numbers = #tpu.dot_dimension_numbers<[1], [0], [0], [1], [0, 0, 1, 1], [], []>, precision = #tpu.contract_precision<fp32>, transpose_lhs_hint = false} : vector<2000x128xf32>, vector<128x128xf32>, vector<2000x128xf32> -> vector<2000x128xf32>
    %dot_general3A_57 = arith.constant dense<0.000000e+00> : vector<2000x128xf32>
    %dot_general3A_58 = tpu.matmul %add3A_27, %dot_general3A_14, %dot_general3A_57 {dimension_numbers = #tpu.dot_dimension_numbers<[1], [0], [0], [1], [0, 0, 1, 1], [], []>, precision = #tpu.contract_precision<fp32>, transpose_lhs_hint = false} : vector<2000x128xf32>, vector<128x128xf32>, vector<2000x128xf32> -> vector<2000x128xf32>
    %add3A_59 = arith.addf %dot_general3A_56, %dot_general3A_58 : vector<2000x128xf32>
    %get3A_60 = arith.constant 0 : index
    %get3A_61 = arith.constant 0 : index
    %get3A_62 = vector.load %arg10[%get3A_60, %get3A_61] : memref<1x128xf32, #tpu.memory_space<vmem>>, vector<1x128xf32>
    %add3A_63 = vector.broadcast %get3A_62 : vector<1x128xf32> to vector<2000x128xf32>
    %add3A_64 = arith.addf %add3A_59, %add3A_63 : vector<2000x128xf32>
    %mul3A_65 = vector.broadcast %broadcast_in_dim3A : vector<2000x1xf32> to vector<2000x128xf32>
    %mul3A_66 = arith.mulf %mul3A_65, %add3A_64 : vector<2000x128xf32>
    %dot_general3A_67 = arith.constant dense<0.000000e+00> : vector<2000x128xf32>
    %dot_general3A_68 = tpu.matmul %add3A_38, %dot_general3A_14, %dot_general3A_67 {dimension_numbers = #tpu.dot_dimension_numbers<[1], [0], [0], [1], [0, 0, 1, 1], [], []>, precision = #tpu.contract_precision<fp32>, transpose_lhs_hint = false} : vector<2000x128xf32>, vector<128x128xf32>, vector<2000x128xf32> -> vector<2000x128xf32>
    %add3A_69 = arith.addf %mul3A_66, %dot_general3A_68 : vector<2000x128xf32>
    %swap3A = arith.constant 0 : index
    %swap3A_70 = arith.constant 0 : index
    %swap3A_71 = vector.load %arg11[%swap3A, %swap3A_70] : memref<2000x128xf32, #tpu.memory_space<vmem>>, vector<2000x128xf32>
    tpu.vector_store %arg11[%swap3A, %swap3A_70], %add3A_69 {strides = array<i32>} : memref<2000x128xf32, #tpu.memory_space<vmem>>, vector<2000x128xf32>,
    return
  }
  func.func @transform_0(%arg0: i32) -> (i32, i32) {
    %c0_i32 = arith.constant 0 : i32
    %c0_i32_0 = arith.constant 0 : i32
    return %arg0, %c0_i32 : i32, i32
  }
  func.func @transform_1(%arg0: i32) -> (i32, i32, i32) {
    %c0_i32 = arith.constant 0 : i32
    %c0_i32_0 = arith.constant 0 : i32
    %c0_i32_1 = arith.constant 0 : i32
    return %c0_i32, %arg0, %c0_i32_0 : i32, i32, i32
  }
  func.func @transform_2(%arg0: i32) -> (i32, i32, i32) {
    %c0_i32 = arith.constant 0 : i32
    %c0_i32_0 = arith.constant 0 : i32
    %c0_i32_1 = arith.constant 0 : i32
    return %c0_i32, %arg0, %c0_i32_0 : i32, i32, i32
  }
  func.func @transform_3(%arg0: i32) -> (i32, i32) {
    %c0_i32 = arith.constant 0 : i32
    %c0_i32_0 = arith.constant 0 : i32
    %c0_i32_1 = arith.constant 0 : i32
    return %c0_i32, %c0_i32_0 : i32, i32
  }
  func.func @transform_4(%arg0: i32) -> (i32, i32) {
    %c0_i32 = arith.constant 0 : i32
    %c0_i32_0 = arith.constant 0 : i32
    %c0_i32_1 = arith.constant 0 : i32
    return %c0_i32, %c0_i32_0 : i32, i32
  }
  func.func @transform_5(%arg0: i32) -> (i32, i32) {
    %c0_i32 = arith.constant 0 : i32
    %c0_i32_0 = arith.constant 0 : i32
    %c0_i32_1 = arith.constant 0 : i32
    return %c0_i32, %c0_i32_0 : i32, i32
  }
  func.func @transform_6(%arg0: i32) -> (i32, i32) {
    %c0_i32 = arith.constant 0 : i32
    %c0_i32_0 = arith.constant 0 : i32
    %c0_i32_1 = arith.constant 0 : i32
    return %c0_i32, %c0_i32_0 : i32, i32
  }
  func.func @transform_7(%arg0: i32) -> (i32, i32) {
    %c0_i32 = arith.constant 0 : i32
    %c0_i32_0 = arith.constant 0 : i32
    %c0_i32_1 = arith.constant 0 : i32
    return %c0_i32, %c0_i32_0 : i32, i32
  }
  func.func @transform_8(%arg0: i32) -> (i32, i32) {
    %c0_i32 = arith.constant 0 : i32
    %c0_i32_0 = arith.constant 0 : i32
    %c0_i32_1 = arith.constant 0 : i32
    return %c0_i32, %c0_i32_0 : i32, i32
  }
  func.func @transform_9(%arg0: i32) -> (i32, i32) {
    %c0_i32 = arith.constant 0 : i32
    %c0_i32_0 = arith.constant 0 : i32
    %c0_i32_1 = arith.constant 0 : i32
    return %c0_i32, %c0_i32_0 : i32, i32
  }
  func.func @transform_10(%arg0: i32) -> (i32, i32) {
    %c0_i32 = arith.constant 0 : i32
    %c0_i32_0 = arith.constant 0 : i32
    return %arg0, %c0_i32 : i32, i32
  }
}

</mosaic_0001>

<sc_bundles>
// kernel: kernel.10.cloned.1.call-start
scs
__scs_entry_jumppad:
0x0: {  	(pc) =	sbr.rel $0x88, $3  }
0x1: {  	(tag) =	ssettag $0x0;
	lr =	simm.s32 $0x1  }
0x2: {  	[smem:$0x3F92] =	sst lr;
	_ =	strace $0xD0000000  }
0x3: {  	_ = 	snop  }
0x4: {  	_ = 	snop  }
0x5: {  	_ = 	snop  }
0x6: {  	_ = 	snop  }
0x7: {  	_ = 	snop  }
__scs_overlays_trampoline_lowered:
0x8: {  	[smem:$0x3FA1] =	sst s0  }
0x9: {  	[smem:$0x3FA2] =	sst s1  }
0xa: {  	[smem:$0x3FA3] =	sst s2  }
0xb: {  	[smem:$0x3FA4] =	sst s3  }
0xc: {  	[smem:$0x3FA5] =	sst s4  }
0xd: {  	[smem:$0x3FA6] =	sst s5  }
0xe: {  	[smem:$0x3FA7] =	sst s6  }
0xf: {  	[smem:$0x3FA8] =	sst s7  }
0x10: {  	[smem:$0x3FA9] =	sst s8  }
0x11: {  	[smem:$0x3FAA] =	sst s9;
	s0 =	simm.s32 @!p0 $0x0  }
0x12: {  	s1 =	sld [smem:$0x3F90];
	s0 =	simm.s32 @p0 $0x1  }
0x13: {  	[smem:$0x3FAB] =	sst s0;
	s0 =	simm.s32 @!p1 $0x0  }
0x14: {  	s2 =	sld [smem:$0x3F8F];
	s0 =	simm.s32 @p1 $0x1  }
0x15: {  	[smem:$0x3FAC] =	sst s0;
	s0 =	simm.s32 @!p2 $0x0  }
0x16: {  	s3 =	sld [smem:$0x3FDB];
	s0 =	simm.s32 @p2 $0x1  }
0x17: {  	s4 =	simm.s32 $0x1BF5;
	[smem:$0x3FAE] =	sst s0  }
0x18: {  	s0 =	sld [smem:$0x3F91];
	_ =	swait.ge [sflag:s4], $0x0  }
0x19: {  	s7 =	sld [smem:$0x3F92]  }
0x1a: {  	s8 =	sadd.s32 $0xFFFFE003, lr  }
0x1b: {  	s9 =	sadd.s32 $0xFFFFFEF7, lr;
	s5 =	simm.s32 $0xFFFFFFFF;
	p2 =	slt.u32 s8, $0xFFFFF086  }
0x1c: {  	p1 =	slt.u32 s9, $0xF7A;
	s5 =	simm.s32 @!p2 $0x0  }
0x1d: {  	s5 =	simm.s32 @p1 $0x1;
	p0 =	seq.s32 s7, s2  }
0x1e: {  	s7 =	smul.u32 @!p0 $0xF7A, s2;
	p2 =	seq.s32 @!p0 s5, $0x0  }
0x1f: {  	s9 =	smul.u32 $0xF7A, s1;
	s8 =	simm.s32 @!p0 $0x1BF5;
	p2 =	por !p2, p0  }
0x20: {  	[sflag:s8] =	ssyncset.s32 @!p0 $0xFFFFF086;
	s6 =	sadd.s32 @!p0 s3, s7;
	s7 =	simm.s32 @!p0 $0x108  }
0x21: {  	s3 =	sadd.s32 s3, s9;
	s6 =	sadd.s32 @!p0 $0x88, s6;
	s7 =	simm.s32 @p2 $0x1082  }
0x22: {  	[simem:s7], [sflag:s8] =	dma.local @!p0 [hbm:s6], $0xF7A  }
0x23: {  	s9 =	sor.u32 $0xD0000000, s2;
	s6 =	simm.s32 $0x108;
	_ =	swait.ge @!p0 [sflag:s8], $0x0  }
0x24: {  	s3 =	sadd.s32 $0x88, s3;
	s6 =	simm.s32 @!p1 $0x1082;
	[sflag:s4] =	ssyncset.s32 $0xFFFFF086  }
0x25: {  	[simem:s6], [sflag:s4] =	dma.local [hbm:s3], $0xF7A  }
0x26: {  	[smem:$0x3F92] =	sst s1;
	(tag) =	ssettag s2;
	_ =	strace s9  }
0x27: {  	s1 =	sld [smem:$0x3FA2]  }
0x28: {  	s2 =	sld [smem:$0x3FA3]  }
0x29: {  	s4 =	sld [smem:$0x3FA5]  }
0x2a: {  	p0 =	seq.s32 s5, $0x0;
	s5 =	sld [smem:$0x3FA6]  }
0x2b: {  	s6 =	sld [smem:$0x3FA7]  }
0x2c: {  	s7 =	sld [smem:$0x3FA8]  }
0x2d: {  	s3 =	simm.s32 $0x108;
	s8 =	sld [smem:$0x3FA9]  }
0x2e: {  	s3 =	simm.s32 @!p0 $0x1082;
	s9 =	sld [smem:$0x3FAA]  }
0x2f: {  	lr =	sadd.s32 s0, s3;
	s0 =	sld [smem:$0x3FA1]  }
0x30: {  	s3 =	sld [smem:$0x3FA4]  }
0x31: {  	[smem:$0x3FAD] =	sst s10  }
0x32: {  	s10 =	sld [smem:$0x3FAB];
	_ =	sdelay $0x3  }
0x33: {  	p0 =	seq.s32 s10, $0x1;
	s10 =	sld [smem:$0x3FAD];
	_ =	sdelay $0x3  }
0x34: {  	[smem:$0x3FAD] =	sst s10  }
0x35: {  	s10 =	sld [smem:$0x3FAC];
	_ =	sdelay $0x3  }
0x36: {  	p1 =	seq.s32 s10, $0x1;
	s10 =	sld [smem:$0x3FAD];
	_ =	sdelay $0x3  }
0x37: {  	[smem:$0x3FAD] =	sst s10  }
0x38: {  	s10 =	sld [smem:$0x3FAE]  }
0x39: {  	_ = 	snop;
	(pc) =	sbr.ind lr, $3  }
0x3a: {  	_ = 	snop  }
0x3b: {  	_ = 	snop  }
0x3c: {  	p2 =	seq.s32 s10, $0x1;
	s10 =	sld [smem:$0x3FAD]  }
0x3d: {  	_ =	shalt  }
0x3e: {  	_ =	shalt  }
0x3f: {  	_ =	shalt  }
0x40: {  	_ =	shalt  }
0x41: {  	_ =	shalt  }
0x42: {  	_ =	shalt  }
0x43: {  	_ =	shalt  }
0x44: {  	_ =	shalt  }
0x45: {  	_ =	shalt  }
0x46: {  	_ =	shalt  }
0x47: {  	_ =	shalt  }
0x48: {  	_ =	shalt  }
0x49: {  	_ =	shalt  }
0x4a: {  	_ =	shalt  }
0x4b: {  	_ =	shalt  }
0x4c: {  	_ =	shalt  }
0x4d: {  	_ =	shalt  }
0x4e: {  	_ =	shalt  }
0x4f: {  	_ =	shalt  }
0x50: {  	_ =	shalt  }
0x51: {  	_ =	shalt  }
0x52: {  	_ =	shalt  }
0x53: {  	_ =	shalt  }
0x54: {  	_ =	shalt  }
0x55: {  	_ =	shalt  }
0x56: {  	_ =	shalt  }
0x57: {  	_ =	shalt  }
0x58: {  	_ =	shalt  }
0x59: {  	_ =	shalt  }
0x5a: {  	_ =	shalt  }
0x5b: {  	_ =	shalt  }
0x5c: {  	_ =	shalt  }
0x5d: {  	_ =	shalt  }
0x5e: {  	_ =	shalt  }
0x5f: {  	_ =	shalt  }
0x60: {  	_ =	shalt  }
0x61: {  	_ =	shalt  }
0x62: {  	_ =	shalt  }
0x63: {  	_ =	shalt  }
0x64: {  	_ =	shalt  }
0x65: {  	_ =	shalt  }
0x66: {  	_ =	shalt  }
0x67: {  	_ =	shalt  }
0x68: {  	_ =	shalt  }
0x69: {  	_ =	shalt  }
0x6a: {  	_ =	shalt  }
0x6b: {  	_ =	shalt  }
0x6c: {  	_ =	shalt  }
0x6d: {  	_ =	shalt  }
0x6e: {  	_ =	shalt  }
0x6f: {  	_ =	shalt  }
0x70: {  	_ =	shalt  }
0x71: {  	_ =	shalt  }
0x72: {  	_ =	shalt  }
0x73: {  	_ =	shalt  }
0x74: {  	_ =	shalt  }
0x75: {  	_ =	shalt  }
0x76: {  	_ =	shalt  }
0x77: {  	_ =	shalt  }
0x78: {  	_ =	shalt  }
0x79: {  	_ =	shalt  }
0x7a: {  	_ =	shalt  }
0x7b: {  	_ =	shalt  }
0x7c: {  	_ =	shalt  }
0x7d: {  	_ =	shalt  }
0x7e: {  	_ =	shalt  }
0x7f: {  	_ =	shalt  }
0x80: {  	_ =	shalt  }
0x81: {  	_ =	shalt  }
0x82: {  	_ =	shalt  }
0x83: {  	_ =	shalt  }
0x84: {  	_ =	shalt  }
0x85: {  	_ =	shalt  }
0x86: {  	_ =	shalt  }
0x87: {  	_ =	shalt  }
.Lfunc_end0:
.L_simem_size_0:
called_computation.1_lowered:
.L_overlay_start_0:
0x88: {  	s2 =	sld [smem:$0x3FD9]  }
0x89: {  	s3 =	sld [smem:$0x3FFE];
	_ =	sdelay $0x1  }
0x8a: {  	s1 =	srdreg.scid  }
0x8b: {  	s0 =	sand.u32 $0x1, s1  }
0x8c: {  	s17 =	sshll.u32 s0, $0xA;
	s2 =	sadd.s32 s3, s2  }
0x8d: {  	s2 =	sadd.s32 s2, s17  }
0x8e: {  	[smem:$0x3FB9] =	sst s2  }
0x8f: {  	_ = 	snop  }
0x90: {  	s2 =	sld [smem:$0x3FD0];
	(tm) =	ssettm $0x1  }
0x91: {  	s18 =	sld [smem:$0x3FFB];
	_ =	sdelay $0x3  }
0x92: {  	_ =	strace s18  }
0x93: {  	s3 =	sld [smem:$0x3FFC];
	_ =	sdelay $0x3  }
0x94: {  	_ =	strace s3  }
0x95: {  	s3 =	sld [smem:$0x3FFD];
	_ =	sdelay $0x3  }
0x96: {  	_ =	strace s3  }
0x97: {  	_ =	strace $0x8FFFFFFF  }
0x98: {  	s19 =	sld [smem:$0x3FDB];
	_ =	sdelay $0x1  }
0x99: {  	s4 =	simm.s32 $_scs_section_size  }
0x9a: {  	s5 =	simm.s32 $_size__tile_overlayer_lowered;
	s6 =	simm.s32 $_tile_overlayer_lowered  }
0x9b: {  	s22 =	simm.s32 $0x1BFF;
	s21 =	sshll.u32 s6, $0x1;
	s3 =	sadd.s32 s4, s19  }
0x9c: {  	s7 =	simm.s32 $0x0;
	s20 =	sshll.u32 s5, $0x1;
	s5 =	sadd.s32 s21, s3  }
0x9d: {  	[timem:s7], [sflag:s22] =	dma.local [hbm:s5], s20  }
0x9e: {  	_ =	swait.ge [sflag:s22], s20  }
0x9f: {  	s4 =	ssub.s32 $0x0, s20;
	[sflag:s22] =	ssyncset.done $0x0  }
0xa0: {  	[sflag:s22] =	ssyncadd.s32 s4;
	_ =	sdelay $0x1  }
0xa1: {  	s23 =	simm.s32 $0x1B8B  }
0xa2: {  	_ =	swait.ge [sflag:s23], $0x1  }
0xa3: {  	[sflag:s23] =	ssyncset.done $0x0  }
0xa4: {  	s25 =	simm.s32 $0x1B8E;
	s24 =	sld [smem:$0x3FFE];
	[sflag:s23] =	ssyncadd.s32 $0xFFFFFFFF  }
0xa5: {  	s26 =	simm.s32 $execute0_lowered;
	[smem:$0x3FD2] =	sst s25  }
0xa6: {  	s5 =	sshll.u32 s26, $0x1;
	_ =	strace $0x80000049;
	[dreg:$0x1] =	wrdreg $0xFFFFFFFF  }
0xa7: {  	s28 =	simm.s32 $_size_execute0_lowered;
	s3 =	sadd.s32 s3, s5;
	[dreg:$0x0] =	wrdreg $0x0  }
0xa8: {  	s5 =	sshll.u32 s28, $0x1;
	[dreg:$0x2] =	wrdreg s3  }
0xa9: {  	[dreg:$0x3] =	wrdreg s5  }
0xaa: {  	[dreg:$0x4] =	wrdreg $0xC0  }
0xab: {  	_ =	task [dreg:s7], $0x5FFFF  }
0xac: {  	[dreg:$0x1] =	wrdreg $0xFFFFFFFF  }
0xad: {  	[dreg:$0x0] =	wrdreg $0x60  }
0xae: {  	[dreg:$0x2] =	wrdreg s24  }
0xaf: {  	[dreg:$0x3] =	wrdreg s2  }
0xb0: {  	[dreg:$0x4] =	wrdreg $0x8BB00  }
0xb1: {  	[dreg:$0x5] =	wrdreg $0x9  }
0xb2: {  	_ =	task.clear_ibuf [dreg:s7], $0x6FFFF;
	_ =	strace $0x90000049  }
0xb3: {  	s29 =	simm.s32 $0x9;
	_ =	strace $0x8000004B  }
0xb4: {  	_ =	swait.ge [sflag:s29], $0x1  }
0xb5: {  	[sflag:s29] =	ssyncadd.s32 $0xFFFFFFFF  }
0xb6: {  	_ =	strace $0x9000004B  }
0xb7: {  	_ =	sfence  }
0xb8: {  	s30 =	sld [smem:$0x0];
	_ =	sdelay $0x2  }
0xb9: {  	s31 =	sshll.u32 s1, $0xD;
	s1 =	sshrl.u32 s1, $0x2  }
0xba: {  	s3 =	sand.u32 $0x4000, s31;
	s1 =	sadd.s32 s1, s30  }
0xbb: {  	s0 =	sor.u32 s3, s0;
	s1 =	sshll.u32 s1, $0x11  }
0xbc: {  	s0 =	sor.u32 s1, s0  }
0xbd: {  	s0 =	sadd.s32 $0x8F2B, s0  }
0xbe: {  	[sflag:s0] =	ssyncadd.remote.s32 $0x1  }
0xbf: {  	_ =	sfence.sel $0xFFFF  }
0xc0: {  	[dreg:$0x0] =	wrdreg $0xFFFFFFFF;
	(pc) =	sbr.abs _section_cstart, $3  }
0xc1: {  	[dreg:$0x1] =	wrdreg $0xFFFFFFFF  }
0xc2: {  	_ =	task.clear_ibuf [dreg:s7], $0x2FFFF;
	_ =	strace $0x9FFFFFFF  }
0xc3: {  	(tm) =	ssettm $0x7FFFFFFF  }
tec
execute0_lowered:
.L_overlay_start_1:
0x0: {  	(tag) =	ssettag $0x1  }
0x1: {  	s0 =	rddreg [dreg:$0x0]  }
0x2: {  	s2 =	rddreg [dreg:$0x1]  }
0x3: {  	s1 =	srdreg.scid;
	s3 =	rddreg [dreg:$0x2]  }
0x4: {  	s11 =	stileid.u32;
	s4 =	simm.s32 $0x0;
	s13 =	simm.s32 $0x7DA0  }
0x5: {  	s14 =	simm.s32 $0x5;
	s15 =	simm.s32 $0x50;
	s16 =	simm.s32 $0xA0  }
0x6: {  	s17 =	simm.s32 $0x1;
	s18 =	simm.s32 $0x28A0;
	s19 =	simm.s32 $0x2  }
0x7: {  	s20 =	simm.s32 $0x3;
	s21 =	simm.s32 $0x4;
	s8 =	smul.u32 $0x13880, s11  }
0x8: {  	s22 =	simm.s32 $0x50A0;
	s24 =	simm.s32 $0x12;
	s10 =	smul.u32 $0x2710, s11  }
0x9: {  	s1 =	sand.u32 $0x1, s1;
	[smem:$0x7FF] =	sst s4;
	s28 =	smul.u32 $0x57E40, s11  }
0xa: {  	s5 =	sadd.s32 $0xC000, s0;
	s6 =	sadd.s32 $0x2200, s0;
	s7 =	smul.u32 $0x138800, s1  }
0xb: {  	s11 =	sshll.u32 s11, $0x1;
	s9 =	smul.u32 $0x27100, s1;
	s29 =	ssub.s32 $0x2, s1  }
0xc: {  	_ =	strace $0x8000004A;
	s1 =	sor.u32 s1, s11;
	s12 =	sshrl.u32 s29, $0x1  }
0xd: {  	s8 =	sadd.s32 s8, s7;
	s7 =	sadd.s32 $0x15E00, s0;
	s9 =	sadd.s32 s10, s9  }
0xe: {  	s12 =	ssub.s32 s29, s12;
	s8 =	sshrl.u32 s8, $0x3;
	s26 =	sshrl.u32 s9, $0x3  }
0xf: {  	s9 =	sshrl.u32 s28, $0x2;
	s12 =	smax.u32 s12, $0x1;
	s25 =	sadd.s32 s8, s0  }
0x10: {  	s0 =	sadd.s32 s26, s0;
	s8 =	smul.u32 $0x2710, s1;
	s9 =	sadd.s32 s9, s3  }
0x11: {  	vm0 =	vcmask $0x300;
	v0 =	vimm.f32 $0.0e+00;
	s26 =	simm.s32 $0x0;
	s30 =	sadd.s32 $0x501C00, s25;
	s31 =	sadd.s32 $0x80, s9  }
0x12: {  	v1 =	vsel vm0, $0x3F800000, v0;
	s11 =	sadd.s32 $0x4F7E00, s0;
	[dreg:$0x4] =	wrdreg s30;
	s25 =	sshrl.u32 s31, $0x3  }
.LBB2_1:
0x13: {  	[tilespmem:$0x5120] =	vst v1  }
0x14: {  	[tilespmem:$0x51B0] =	vst v1  }
0x15: {  	[tilespmem:$0x5240] =	vst v1  }
0x16: {  	[tilespmem:$0x52D0] =	vst v1  }
0x17: {  	[tilespmem:$0x5360] =	vst v1  }
0x18: {  	[tilespmem:$0x53F0] =	vst v1  }
0x19: {  	[tilespmem:$0x5480] =	vst v1  }
0x1a: {  	[tilespmem:$0x5510] =	vst v1  }
0x1b: {  	[tilespmem:$0x55A0] =	vst v1  }
0x1c: {  	[tilespmem:$0x5630] =	vst v1  }
0x1d: {  	[tilespmem:$0x56C0] =	vst v1  }
0x1e: {  	[tilespmem:$0x5750] =	vst v1  }
0x1f: {  	[tilespmem:$0x57E0] =	vst v1  }
0x20: {  	[tilespmem:$0x5870] =	vst v1  }
0x21: {  	[tilespmem:$0x5900] =	vst v1  }
0x22: {  	[tilespmem:$0x5990] =	vst v1  }
0x23: {  	[tilespmem:$0x5A20] =	vst v1  }
0x24: {  	[tilespmem:$0x5AB0] =	vst v1  }
0x25: {  	[tilespmem:$0x5B40] =	vst v1  }
0x26: {  	[tilespmem:$0x5BD0] =	vst v1  }
0x27: {  	[tilespmem:$0x5C60] =	vst v1  }
0x28: {  	[tilespmem:$0x5CF0] =	vst v1  }
0x29: {  	[tilespmem:$0x5D80] =	vst v1  }
0x2a: {  	[tilespmem:$0x5E10] =	vst v1  }
0x2b: {  	[tilespmem:$0x5EA0] =	vst v1  }
0x2c: {  	[tilespmem:$0x5F30] =	vst v1  }
0x2d: {  	[tilespmem:$0x5FC0] =	vst v1  }
0x2e: {  	[tilespmem:$0x6050] =	vst v1  }
0x2f: {  	[tilespmem:$0x60E0] =	vst v1  }
0x30: {  	[tilespmem:$0x6170] =	vst v1  }
0x31: {  	[tilespmem:$0x6200] =	vst v1  }
0x32: {  	[tilespmem:$0x6290] =	vst v1  }
0x33: {  	[tilespmem:$0x6320] =	vst v1  }
0x34: {  	[tilespmem:$0x63B0] =	vst v1  }
0x35: {  	[tilespmem:$0x6440] =	vst v1  }
0x36: {  	[tilespmem:$0x64D0] =	vst v1  }
0x37: {  	[tilespmem:$0x6560] =	vst v1  }
0x38: {  	[tilespmem:$0x65F0] =	vst v1  }
0x39: {  	[tilespmem:$0x6680] =	vst v1  }
0x3a: {  	[tilespmem:$0x6710] =	vst v1  }
0x3b: {  	[tilespmem:$0x67A0] =	vst v1  }
0x3c: {  	[tilespmem:$0x6830] =	vst v1  }
0x3d: {  	[tilespmem:$0x68C0] =	vst v1  }
0x3e: {  	[tilespmem:$0x6950] =	vst v1  }
0x3f: {  	[tilespmem:$0x69E0] =	vst v1  }
0x40: {  	[tilespmem:$0x6A70] =	vst v1  }
0x41: {  	[tilespmem:$0x6B00] =	vst v1  }
0x42: {  	[tilespmem:$0x6B90] =	vst v1  }
0x43: {  	[tilespmem:$0x6C20] =	vst v1  }
0x44: {  	[tilespmem:$0x6CB0] =	vst v1  }
0x45: {  	[tilespmem:$0x6D40] =	vst v1  }
0x46: {  	[tilespmem:$0x6DD0] =	vst v1  }
0x47: {  	[tilespmem:$0x6E60] =	vst v1  }
0x48: {  	[tilespmem:$0x6EF0] =	vst v1  }
0x49: {  	[tilespmem:$0x6F80] =	vst v1  }
0x4a: {  	[tilespmem:$0x7010] =	vst v1  }
0x4b: {  	[tilespmem:$0x70A0] =	vst v1  }
0x4c: {  	[tilespmem:$0x7130] =	vst v1  }
0x4d: {  	[tilespmem:$0x71C0] =	vst v1  }
0x4e: {  	[tilespmem:$0x7250] =	vst v1  }
0x4f: {  	[tilespmem:$0x72E0] =	vst v1  }
0x50: {  	[tilespmem:$0x7370] =	vst v1  }
0x51: {  	[tilespmem:$0x7400] =	vst v1  }
0x52: {  	[tilespmem:$0x7490] =	vst v1  }
0x53: {  	[tilespmem:$0x7520] =	vst v1  }
0x54: {  	[tilespmem:$0x75B0] =	vst v1  }
0x55: {  	[tilespmem:$0x7640] =	vst v1  }
0x56: {  	[tilespmem:$0x76D0] =	vst v1  }
0x57: {  	[tilespmem:$0x7760] =	vst v1  }
0x58: {  	[tilespmem:$0x77F0] =	vst v1  }
0x59: {  	[tilespmem:$0x7880] =	vst v1  }
0x5a: {  	[tilespmem:$0x7910] =	vst v1  }
0x5b: {  	[tilespmem:$0x79A0] =	vst v1  }
0x5c: {  	[tilespmem:$0x7A30] =	vst v1  }
0x5d: {  	[tilespmem:$0x7AC0] =	vst v1  }
0x5e: {  	[tilespmem:$0x7B50] =	vst v1  }
0x5f: {  	[tilespmem:$0x7BE0] =	vst v1  }
0x60: {  	[tilespmem:$0x7C70] =	vst v1  }
0x61: {  	[tilespmem:$0x7D00] =	vst v1  }
0x62: {  	[tilespmem:$0x7D90] =	vst v1  }
0x63: {  	[tilespmem:$0x7DA0] =	vst v0  }
0x64: {  	[tilespmem:$0x7DB0] =	vst v0  }
0x65: {  	[tilespmem:$0x7DC0] =	vst v0  }
0x66: {  	[tilespmem:$0x7DD0] =	vst v0  }
0x67: {  	[tilespmem:$0x7DE0] =	vst v0  }
0x68: {  	[tilespmem:$0x7DF0] =	vst v0  }
0x69: {  	[tilespmem:$0x7E00] =	vst v0  }
0x6a: {  	[tilespmem:$0x7E10] =	vst v0  }
0x6b: {  	[tilespmem:$0x7E20] =	vst v0  }
0x6c: {  	[tilespmem:$0x7E30] =	vst v0  }
0x6d: {  	[tilespmem:$0x7E40] =	vst v0  }
0x6e: {  	[tilespmem:$0x7E50] =	vst v0  }
0x6f: {  	[tilespmem:$0x7E60] =	vst v0  }
0x70: {  	[tilespmem:$0x7E70] =	vst v0  }
0x71: {  	[tilespmem:$0x7E80] =	vst v0  }
0x72: {  	[tilespmem:$0x7E90] =	vst v0  }
0x73: {  	[tilespmem:$0x7EA0] =	vst v0  }
0x74: {  	[tilespmem:$0x7EB0] =	vst v0  }
0x75: {  	[tilespmem:$0x7EC0] =	vst v0  }
0x76: {  	[tilespmem:$0x7ED0] =	vst v0  }
0x77: {  	[tilespmem:$0x7EE0] =	vst v0  }
0x78: {  	[tilespmem:$0x7EF0] =	vst v0  }
0x79: {  	[tilespmem:$0x7F00] =	vst v0  }
0x7a: {  	[tilespmem:$0x7F10] =	vst v0  }
0x7b: {  	[tilespmem:$0x7F20] =	vst v0  }
0x7c: {  	[tilespmem:$0x7F30] =	vst v0  }
0x7d: {  	[tilespmem:$0x7F40] =	vst v0  }
0x7e: {  	[tilespmem:$0x7F50] =	vst v0  }
0x7f: {  	[tilespmem:$0x7F60] =	vst v0  }
0x80: {  	[tilespmem:$0x7F70] =	vst v0  }
0x81: {  	[tilespmem:$0x7F80] =	vst v0  }
0x82: {  	[tilespmem:$0x7F90] =	vst v0  }
0x83: {  	[tilespmem:$0x7FA0] =	vst v0  }
0x84: {  	[tilespmem:$0x7FB0] =	vst v0  }
0x85: {  	[tilespmem:$0x7FC0] =	vst v0  }
0x86: {  	[tilespmem:$0x7FD0] =	vst v0  }
0x87: {  	[tilespmem:$0x7FE0] =	vst v0  }
0x88: {  	[tilespmem:$0x7FF0] =	vst v0  }
0x89: {  	[tilespmem:$0x8000] =	vst v0  }
0x8a: {  	[tilespmem:$0x8010] =	vst v0  }
0x8b: {  	[tilespmem:$0x8020] =	vst v0  }
0x8c: {  	[tilespmem:$0x8030] =	vst v0  }
0x8d: {  	[tilespmem:$0x8040] =	vst v0  }
0x8e: {  	[tilespmem:$0x8050] =	vst v0  }
0x8f: {  	[tilespmem:$0x8060] =	vst v0  }
0x90: {  	[tilespmem:$0x8070] =	vst v0  }
0x91: {  	[tilespmem:$0x8080] =	vst v0  }
0x92: {  	[tilespmem:$0x8090] =	vst v0  }
0x93: {  	[tilespmem:$0x80A0] =	vst v0  }
0x94: {  	[tilespmem:$0x80B0] =	vst v0  }
0x95: {  	[tilespmem:$0x80C0] =	vst v0  }
0x96: {  	[tilespmem:$0x80D0] =	vst v0  }
0x97: {  	[tilespmem:$0x80E0] =	vst v0  }
0x98: {  	[tilespmem:$0x80F0] =	vst v0  }
0x99: {  	[tilespmem:$0x8100] =	vst v0  }
0x9a: {  	[tilespmem:$0x8110] =	vst v0  }
0x9b: {  	[tilespmem:$0x8120] =	vst v0  }
0x9c: {  	[tilespmem:$0x8130] =	vst v0  }
0x9d: {  	[tilespmem:$0x8140] =	vst v0  }
0x9e: {  	[tilespmem:$0x8150] =	vst v0  }
0x9f: {  	[tilespmem:$0x8160] =	vst v0  }
0xa0: {  	[tilespmem:$0x8170] =	vst v0  }
0xa1: {  	[tilespmem:$0x8180] =	vst v0  }
0xa2: {  	[tilespmem:$0x8190] =	vst v0  }
0xa3: {  	[tilespmem:$0x81A0] =	vst v0  }
0xa4: {  	[tilespmem:$0x81B0] =	vst v0  }
0xa5: {  	[tilespmem:$0x81C0] =	vst v0  }
0xa6: {  	[tilespmem:$0x81D0] =	vst v0  }
0xa7: {  	[tilespmem:$0x81E0] =	vst v0  }
0xa8: {  	[tilespmem:$0x81F0] =	vst v0  }
0xa9: {  	[tilespmem:$0x8200] =	vst v0  }
0xaa: {  	[tilespmem:$0x8210] =	vst v0  }
0xab: {  	[tilespmem:$0x8220] =	vst v0  }
0xac: {  	[tilespmem:$0x8230] =	vst v0  }
0xad: {  	[tilespmem:$0x8240] =	vst v0  }
0xae: {  	[tilespmem:$0x8250] =	vst v0  }
0xaf: {  	[tilespmem:$0x8260] =	vst v0  }
0xb0: {  	[tilespmem:$0x8270] =	vst v0  }
0xb1: {  	[tilespmem:$0x8280] =	vst v0  }
0xb2: {  	[tilespmem:$0x8290] =	vst v0  }
0xb3: {  	[tilespmem:$0x82A0] =	vst v0  }
0xb4: {  	[tilespmem:$0x82B0] =	vst v0  }
0xb5: {  	[tilespmem:$0x82C0] =	vst v0  }
0xb6: {  	[tilespmem:$0x82D0] =	vst v0  }
0xb7: {  	[tilespmem:$0x82E0] =	vst v0  }
0xb8: {  	[tilespmem:$0x82F0] =	vst v0  }
0xb9: {  	[tilespmem:$0x8300] =	vst v0  }
0xba: {  	[tilespmem:$0x8310] =	vst v0  }
0xbb: {  	[tilespmem:$0x8320] =	vst v0  }
0xbc: {  	[tilespmem:$0x8330] =	vst v0  }
0xbd: {  	[tilespmem:$0x8340] =	vst v0  }
0xbe: {  	[tilespmem:$0x8350] =	vst v0  }
0xbf: {  	[tilespmem:$0x8360] =	vst v0  }
0xc0: {  	[tilespmem:$0x8370] =	vst v0  }
0xc1: {  	[tilespmem:$0x8380] =	vst v0  }
0xc2: {  	[tilespmem:$0x8390] =	vst v0  }
0xc3: {  	[tilespmem:$0x83A0] =	vst v0  }
0xc4: {  	[tilespmem:$0x83B0] =	vst v0  }
0xc5: {  	[tilespmem:$0x83C0] =	vst v0  }
0xc6: {  	[tilespmem:$0x83D0] =	vst v0  }
0xc7: {  	[tilespmem:$0x83E0] =	vst v0  }
0xc8: {  	[tilespmem:$0x83F0] =	vst v0  }
0xc9: {  	[tilespmem:$0x8400] =	vst v0  }
0xca: {  	[tilespmem:$0x8410] =	vst v0  }
0xcb: {  	[tilespmem:$0x8420] =	vst v0  }
0xcc: {  	[tilespmem:$0x8430] =	vst v0  }
0xcd: {  	[tilespmem:$0x8440] =	vst v0  }
0xce: {  	[tilespmem:$0x8450] =	vst v0  }
0xcf: {  	[tilespmem:$0x8460] =	vst v0  }
0xd0: {  	[tilespmem:$0x8470] =	vst v0  }
0xd1: {  	[tilespmem:$0x8480] =	vst v0  }
0xd2: {  	[tilespmem:$0x8490] =	vst v0  }
0xd3: {  	[tilespmem:$0x84A0] =	vst v0  }
0xd4: {  	[tilespmem:$0x84B0] =	vst v0  }
0xd5: {  	[tilespmem:$0x84C0] =	vst v0  }
0xd6: {  	[tilespmem:$0x84D0] =	vst v0  }
0xd7: {  	[tilespmem:$0x84E0] =	vst v0  }
0xd8: {  	[tilespmem:$0x84F0] =	vst v0  }
0xd9: {  	[tilespmem:$0x8500] =	vst v0  }
0xda: {  	[tilespmem:$0x8510] =	vst v0  }
0xdb: {  	[tilespmem:$0x8520] =	vst v0  }
0xdc: {  	[tilespmem:$0x8530] =	vst v0  }
0xdd: {  	[tilespmem:$0x8540] =	vst v0  }
0xde: {  	[tilespmem:$0x8550] =	vst v0  }
0xdf: {  	[tilespmem:$0x8560] =	vst v0  }
0xe0: {  	[tilespmem:$0x8570] =	vst v0  }
0xe1: {  	[tilespmem:$0x8580] =	vst v0  }
0xe2: {  	[tilespmem:$0x8590] =	vst v0  }
0xe3: {  	[tilespmem:$0x85A0] =	vst v0  }
0xe4: {  	[tilespmem:$0x85B0] =	vst v0  }
0xe5: {  	[tilespmem:$0x85C0] =	vst v0  }
0xe6: {  	[tilespmem:$0x85D0] =	vst v0  }
0xe7: {  	[tilespmem:$0x85E0] =	vst v0  }
0xe8: {  	[tilespmem:$0x85F0] =	vst v0  }
0xe9: {  	[tilespmem:$0x8600] =	vst v0  }
0xea: {  	[tilespmem:$0x8610] =	vst v0  }
0xeb: {  	[tilespmem:$0x8620] =	vst v0  }
0xec: {  	[tilespmem:$0x8630] =	vst v0  }
0xed: {  	[tilespmem:$0x8640] =	vst v0  }
0xee: {  	[tilespmem:$0x8650] =	vst v0  }
0xef: {  	[tilespmem:$0x8660] =	vst v0  }
0xf0: {  	[tilespmem:$0x8670] =	vst v0  }
0xf1: {  	[tilespmem:$0x8680] =	vst v0  }
0xf2: {  	[tilespmem:$0x8690] =	vst v0  }
0xf3: {  	[tilespmem:$0x86A0] =	vst v0  }
0xf4: {  	[tilespmem:$0x86B0] =	vst v0  }
0xf5: {  	[tilespmem:$0x86C0] =	vst v0  }
0xf6: {  	[tilespmem:$0x86D0] =	vst v0  }
0xf7: {  	[tilespmem:$0x86E0] =	vst v0  }
0xf8: {  	[tilespmem:$0x86F0] =	vst v0  }
0xf9: {  	[tilespmem:$0x8700] =	vst v0  }
0xfa: {  	[tilespmem:$0x8710] =	vst v0  }
0xfb: {  	[tilespmem:$0x8720] =	vst v0  }
0xfc: {  	[tilespmem:$0x8730] =	vst v0  }
0xfd: {  	[tilespmem:$0x8740] =	vst v0  }
0xfe: {  	[tilespmem:$0x8750] =	vst v0  }
0xff: {  	[tilespmem:$0x8760] =	vst v0  }
0x100: {  	[tilespmem:$0x8770] =	vst v0  }
0x101: {  	[tilespmem:$0x8780] =	vst v0  }
0x102: {  	[tilespmem:$0x8790] =	vst v0  }
0x103: {  	[tilespmem:$0x87A0] =	vst v0  }
0x104: {  	[tilespmem:$0x87B0] =	vst v0  }
0x105: {  	[tilespmem:$0x87C0] =	vst v0  }
0x106: {  	[tilespmem:$0x87D0] =	vst v0  }
0x107: {  	[tilespmem:$0x87E0] =	vst v0  }
0x108: {  	[tilespmem:$0x87F0] =	vst v0  }
0x109: {  	[tilespmem:$0x8800] =	vst v0  }
0x10a: {  	[tilespmem:$0x8810] =	vst v0  }
0x10b: {  	[tilespmem:$0x8820] =	vst v0  }
0x10c: {  	[tilespmem:$0x8830] =	vst v0  }
0x10d: {  	[tilespmem:$0x8840] =	vst v0  }
0x10e: {  	[tilespmem:$0x8850] =	vst v0  }
0x10f: {  	[tilespmem:$0x8860] =	vst v0  }
0x110: {  	[tilespmem:$0x8870] =	vst v0  }
0x111: {  	[tilespmem:$0x8880] =	vst v0  }
0x112: {  	[tilespmem:$0x8890] =	vst v0  }
0x113: {  	[tilespmem:$0x88A0] =	vst v0  }
0x114: {  	[tilespmem:$0x88B0] =	vst v0  }
0x115: {  	[tilespmem:$0x88C0] =	vst v0  }
0x116: {  	[tilespmem:$0x88D0] =	vst v0  }
0x117: {  	[tilespmem:$0x88E0] =	vst v0  }
0x118: {  	[tilespmem:$0x88F0] =	vst v0  }
0x119: {  	[tilespmem:$0x8900] =	vst v0  }
0x11a: {  	[tilespmem:$0x8910] =	vst v0  }
0x11b: {  	[tilespmem:$0x8920] =	vst v0  }
0x11c: {  	[tilespmem:$0x8930] =	vst v0  }
0x11d: {  	[tilespmem:$0x8940] =	vst v0  }
0x11e: {  	[tilespmem:$0x8950] =	vst v0  }
0x11f: {  	[tilespmem:$0x8960] =	vst v0  }
0x120: {  	[tilespmem:$0x8970] =	vst v0  }
0x121: {  	[tilespmem:$0x8980] =	vst v0  }
0x122: {  	[tilespmem:$0x8990] =	vst v0  }
0x123: {  	[tilespmem:$0x89A0] =	vst v0  }
0x124: {  	[tilespmem:$0x89B0] =	vst v0  }
0x125: {  	[tilespmem:$0x89C0] =	vst v0  }
0x126: {  	[tilespmem:$0x89D0] =	vst v0  }
0x127: {  	[tilespmem:$0x89E0] =	vst v0  }
0x128: {  	[tilespmem:$0x89F0] =	vst v0  }
0x129: {  	[tilespmem:$0x8A00] =	vst v0  }
0x12a: {  	[tilespmem:$0x8A10] =	vst v0  }
0x12b: {  	[tilespmem:$0x8A20] =	vst v0  }
0x12c: {  	[tilespmem:$0x8A30] =	vst v0  }
0x12d: {  	[tilespmem:$0x8A40] =	vst v0  }
0x12e: {  	[tilespmem:$0x8A50] =	vst v0  }
0x12f: {  	[tilespmem:$0x8A60] =	vst v0  }
0x130: {  	[tilespmem:$0x8A70] =	vst v0  }
0x131: {  	[tilespmem:$0x8A80] =	vst v0  }
0x132: {  	[tilespmem:$0x8A90] =	vst v0  }
0x133: {  	[tilespmem:$0x8AA0] =	vst v0  }
0x134: {  	[tilespmem:$0x8AB0] =	vst v0  }
0x135: {  	[tilespmem:$0x8AC0] =	vst v0  }
0x136: {  	[tilespmem:$0x8AD0] =	vst v0  }
0x137: {  	[tilespmem:$0x8AE0] =	vst v0  }
0x138: {  	[tilespmem:$0x8AF0] =	vst v0  }
0x139: {  	[tilespmem:$0x8B00] =	vst v0  }
0x13a: {  	[tilespmem:$0x8B10] =	vst v0  }
0x13b: {  	[tilespmem:$0x8B20] =	vst v0  }
0x13c: {  	[tilespmem:$0x8B30] =	vst v0  }
0x13d: {  	[tilespmem:$0x8B40] =	vst v0  }
0x13e: {  	[tilespmem:$0x8B50] =	vst v0  }
0x13f: {  	[tilespmem:$0x8B60] =	vst v0  }
0x140: {  	[tilespmem:$0x8B70] =	vst v0  }
0x141: {  	[tilespmem:$0x8B80] =	vst v0  }
0x142: {  	[tilespmem:$0x8B90] =	vst v0  }
0x143: {  	[tilespmem:$0x8BA0] =	vst v0;
	s0 =	sadd.s32 $0x0, s9  }
0x144: {  	[spmem:s0] =	stream.linear.scatter [tilespmem:s13], [sflag:$0x5], $0xE10, $0x38;
	[tilespmem:$0x1EB40] =	vst v63  }
0x145: {  	s0 =	simm.s32 $0x3840;
	_ =	swait.ge [sflag:s14], $0xE10  }
.LBB2_2:
0x146: {  	s1 =	sshra.s32 s0, $0x2;
	[sflag:s14] =	ssyncset.done $0x0;
	p0 =	sne.s32 s0, $0x54600  }
.Ltmp0:
0x147: {  	s1 =	sadd.s32 s1, s9;
	[sflag:s14] =	ssyncadd.s32 $0xFFFFF1F0;
	(pc) =	sbr.rel @p0 .LBB2_2-.Ltmp0, $3  }
0x148: {  	[spmem:s1] =	stream.linear.scatter [tilespmem:s13], [sflag:$0x5], $0xE10, $0x38;
	[tilespmem:$0x1EB40] =	vst v63  }
0x149: {  	s0 =	sadd.s32 $0x3840, s0;
	_ =	sdelay $0x1  }
0x14a: {  	_ =	swait.ge [sflag:s14], $0xE10  }
0x14b: {  	[sflag:s14] =	ssyncset.done $0x0  }
0x14c: {  	[sflag:s14] =	ssyncadd.s32 $0xFFFFF1F0  }
0x14d: {  	s28 =	simm.s32 $0x0;
	[bflag:$0x0] =	sbarrier.arrive $0xFFFF  }
.LBB2_4:
0x14e: {  	s0 =	smul.u32 $0x50, s28;
	_ =	sdelay $0x1  }
0x14f: {  	s0 =	sadd.s32 s8, s0  }
0x150: {  	s1 =	sshrl.u32 s0, $0x3  }
0x151: {  	s10 =	sadd.s32 s5, s1  }
0x152: {  	[tilespmem:s4], [sflag:$0x1] =	stream.linear.gather [hbm4b:s10+s4], $0x50, $0x38;
	[tilespmem:$0x1EB40] =	vst v63  }
0x153: {  	s0 =	sshll.u32 s0, $0x4;
	s1 =	sadd.s32 s6, s1  }
0x154: {  	[tilespmem:s15], [sflag:$0x2] =	stream.linear.gather [hbm4b:s1+s4], $0x50, $0x38;
	[tilespmem:$0x1EB40] =	vst v63  }
0x155: {  	s0 =	sadd.s32 s7, s0  }
0x156: {  	[tilespmem:s16], [sflag:$0x3] =	stream.linear.gather [hbm4b:s0+s4], $0x2800, $0x38;
	[tilespmem:$0x1EB40] =	vst v63  }
0x157: {  	_ =	swait.ge [sflag:s17], $0x50  }
0x158: {  	[sflag:s17] =	ssyncset.done $0x0  }
0x159: {  	[sflag:s17] =	ssyncadd.s32 $0xFFFFFFB0  }
0x15a: {  	[tilespmem:s18], [sflag:$0x4] =	stream.indirect.gather [hbm4b:s2+s15], $0x80, s4, s15, $0xb8;
	[tilespmem:$0x1EB40] =	vst v63  }
0x15b: {  	_ =	swait.ge [sflag:s19], $0x50  }
0x15c: {  	[sflag:s19] =	ssyncset.done $0x0  }
0x15d: {  	[sflag:s19] =	ssyncadd.s32 $0xFFFFFFB0  }
0x15e: {  	_ =	swait.ge [sflag:s20], $0x2800  }
0x15f: {  	[sflag:s20] =	ssyncset.done $0x0  }
0x160: {  	[sflag:s20] =	ssyncadd.s32 $0xFFFFD800  }
0x161: {  	_ =	swait.ge [sflag:s21], $0x2800  }
0x162: {  	[sflag:s21] =	ssyncset.done $0x0  }
0x163: {  	s30 =	simm.s32 $0x120;
	[sflag:s21] =	ssyncadd.s32 $0xFFFFD800  }
0x164: {  	s31 =	simm.s32 $0x2920;
	v2 =	vld [tilespmem:s30+$0xFFFFFF80]  }
0x165: {  	v3 =	vld [tilespmem:s31+$0xFFFFFF80];
	_ =	sdelay $0x4  }
0x166: {  	v2 =	vmul.f32 v3, v2  }
0x167: {  	s29 =	simm.s32 $0x5130  }
0x168: {  	[tilespmem:s29+$0xFFFFFF70] =	vst v2  }
0x169: {  	v2 =	vld [tilespmem:s31+$0xFFFFFF90]  }
0x16a: {  	v3 =	vld [tilespmem:s30+$0xFFFFFF90];
	_ =	sdelay $0x4  }
0x16b: {  	v2 =	vmul.f32 v2, v3;
	_ =	sdelay $0x1  }
0x16c: {  	[tilespmem:s29+$0xFFFFFF80] =	vst v2  }
0x16d: {  	v2 =	vld [tilespmem:s30+$0xFFFFFFA0]  }
0x16e: {  	v3 =	vld [tilespmem:s31+$0xFFFFFFA0];
	_ =	sdelay $0x4  }
0x16f: {  	v2 =	vmul.f32 v3, v2;
	_ =	sdelay $0x1  }
0x170: {  	[tilespmem:s29+$0xFFFFFF90] =	vst v2  }
0x171: {  	v2 =	vld [tilespmem:s30+$0xFFFFFFB0]  }
0x172: {  	v3 =	vld [tilespmem:s31+$0xFFFFFFB0];
	_ =	sdelay $0x4  }
0x173: {  	v2 =	vmul.f32 v3, v2;
	_ =	sdelay $0x1  }
0x174: {  	[tilespmem:s29+$0xFFFFFFA0] =	vst v2  }
0x175: {  	v2 =	vld [tilespmem:s30+$0xFFFFFFC0]  }
0x176: {  	v3 =	vld [tilespmem:s31+$0xFFFFFFC0];
	_ =	sdelay $0x4  }
0x177: {  	v2 =	vmul.f32 v3, v2;
	_ =	sdelay $0x1  }
0x178: {  	[tilespmem:s29+$0xFFFFFFB0] =	vst v2  }
0x179: {  	v2 =	vld [tilespmem:s30+$0xFFFFFFD0]  }
0x17a: {  	v3 =	vld [tilespmem:s31+$0xFFFFFFD0];
	_ =	sdelay $0x4  }
0x17b: {  	v2 =	vmul.f32 v3, v2;
	_ =	sdelay $0x1  }
0x17c: {  	[tilespmem:s29+$0xFFFFFFC0] =	vst v2  }
0x17d: {  	v2 =	vld [tilespmem:s30+$0xFFFFFFE0]  }
0x17e: {  	v3 =	vld [tilespmem:s31+$0xFFFFFFE0];
	_ =	sdelay $0x4  }
0x17f: {  	v2 =	vmul.f32 v3, v2;
	_ =	sdelay $0x1  }
0x180: {  	[tilespmem:s29+$0xFFFFFFD0] =	vst v2  }
0x181: {  	v2 =	vld [tilespmem:s30+$0xFFFFFFF0]  }
0x182: {  	v3 =	vld [tilespmem:s31+$0xFFFFFFF0];
	_ =	sdelay $0x4  }
0x183: {  	v2 =	vmul.f32 v3, v2;
	_ =	sdelay $0x1  }
0x184: {  	[tilespmem:s29+$0xFFFFFFE0] =	vst v2  }
0x185: {  	v2 =	vld [tilespmem:s30+$0x0]  }
0x186: {  	v3 =	vld [tilespmem:s31+$0x0];
	_ =	sdelay $0x4  }
0x187: {  	v2 =	vmul.f32 v3, v2;
	_ =	sdelay $0x1  }
0x188: {  	[tilespmem:s29+$0x0] =	vst v2  }
0x189: {  	v2 =	vld [tilespmem:s30+$0x10]  }
0x18a: {  	v3 =	vld [tilespmem:s31+$0x10];
	_ =	sdelay $0x4  }
0x18b: {  	v2 =	vmul.f32 v3, v2;
	_ =	sdelay $0x1  }
0x18c: {  	[tilespmem:s29+$0x10] =	vst v2  }
0x18d: {  	v2 =	vld [tilespmem:s30+$0x20]  }
0x18e: {  	v3 =	vld [tilespmem:s31+$0x20];
	_ =	sdelay $0x4  }
0x18f: {  	v2 =	vmul.f32 v3, v2;
	_ =	sdelay $0x1  }
0x190: {  	[tilespmem:s29+$0x20] =	vst v2  }
0x191: {  	v2 =	vld [tilespmem:s30+$0x30]  }
0x192: {  	v3 =	vld [tilespmem:s31+$0x30];
	_ =	sdelay $0x4  }
0x193: {  	v2 =	vmul.f32 v3, v2;
	_ =	sdelay $0x1  }
0x194: {  	[tilespmem:s29+$0x30] =	vst v2  }
0x195: {  	v2 =	vld [tilespmem:s30+$0x40]  }
0x196: {  	v3 =	vld [tilespmem:s31+$0x40];
	_ =	sdelay $0x4  }
0x197: {  	v2 =	vmul.f32 v3, v2;
	_ =	sdelay $0x1  }
0x198: {  	[tilespmem:s29+$0x40] =	vst v2  }
0x199: {  	v2 =	vld [tilespmem:s30+$0x50]  }
0x19a: {  	v3 =	vld [tilespmem:s31+$0x50];
	_ =	sdelay $0x4  }
0x19b: {  	v2 =	vmul.f32 v3, v2;
	_ =	sdelay $0x1  }
0x19c: {  	[tilespmem:s29+$0x50] =	vst v2  }
0x19d: {  	s23 =	simm.s32 $0x120;
	v2 =	vld [tilespmem:s30+$0x60]  }
0x19e: {  	s10 =	simm.s32 $0x5250;
	s1 =	simm.s32 $0x2920;
	s0 =	simm.s32 $0x0;
	v3 =	vld [tilespmem:s31+$0x60]  }
.LBB2_5:
0x19f: {  	s0 =	sadd.s32 $0x2, s0;
	s31 =	sadd.s32 $0x100, s31;
	s30 =	sadd.s32 $0x100, s30  }
0x1a0: {  	p0 =	slt.u32 s0, $0x4E;
	_ =	sdelay $0x2  }
0x1a1: {  	v2 =	vmul.f32 v3, v2;
	_ =	sdelay $0x1  }
0x1a2: {  	[tilespmem:s29+$0x60] =	vst v2  }
0x1a3: {  	v2 =	vld [tilespmem:s23+$0x70];
	s23 =	smov.u32 s30  }
0x1a4: {  	v3 =	vld [tilespmem:s1+$0x70];
	s1 =	smov.u32 s31;
	_ =	sdelay $0x4  }
0x1a5: {  	v2 =	vmul.f32 v3, v2;
	_ =	sdelay $0x1  }
0x1a6: {  	[tilespmem:s29+$0x70] =	vst v2;
	s29 =	smov.u32 s10  }
0x1a7: {  	v2 =	vld [tilespmem:s30+$0xFFFFFF80]  }
0x1a8: {  	v3 =	vld [tilespmem:s31+$0xFFFFFF80];
	_ =	sdelay $0x4  }
0x1a9: {  	v2 =	vmul.f32 v3, v2;
	_ =	sdelay $0x1  }
0x1aa: {  	[tilespmem:s10+$0xFFFFFF70] =	vst v2  }
0x1ab: {  	v2 =	vld [tilespmem:s31+$0xFFFFFF90]  }
0x1ac: {  	v3 =	vld [tilespmem:s30+$0xFFFFFF90];
	_ =	sdelay $0x4  }
0x1ad: {  	v2 =	vmul.f32 v2, v3;
	_ =	sdelay $0x1  }
0x1ae: {  	[tilespmem:s10+$0xFFFFFF80] =	vst v2  }
0x1af: {  	v2 =	vld [tilespmem:s30+$0xFFFFFFA0]  }
0x1b0: {  	v3 =	vld [tilespmem:s31+$0xFFFFFFA0];
	_ =	sdelay $0x4  }
0x1b1: {  	v2 =	vmul.f32 v3, v2;
	_ =	sdelay $0x1  }
0x1b2: {  	[tilespmem:s10+$0xFFFFFF90] =	vst v2  }
0x1b3: {  	v2 =	vld [tilespmem:s30+$0xFFFFFFB0]  }
0x1b4: {  	v3 =	vld [tilespmem:s31+$0xFFFFFFB0];
	_ =	sdelay $0x4  }
0x1b5: {  	v2 =	vmul.f32 v3, v2;
	_ =	sdelay $0x1  }
0x1b6: {  	[tilespmem:s10+$0xFFFFFFA0] =	vst v2  }
0x1b7: {  	v2 =	vld [tilespmem:s30+$0xFFFFFFC0]  }
0x1b8: {  	v3 =	vld [tilespmem:s31+$0xFFFFFFC0];
	_ =	sdelay $0x4  }
0x1b9: {  	v2 =	vmul.f32 v3, v2;
	_ =	sdelay $0x1  }
0x1ba: {  	[tilespmem:s10+$0xFFFFFFB0] =	vst v2  }
0x1bb: {  	v2 =	vld [tilespmem:s30+$0xFFFFFFD0]  }
0x1bc: {  	v3 =	vld [tilespmem:s31+$0xFFFFFFD0];
	_ =	sdelay $0x4  }
0x1bd: {  	v2 =	vmul.f32 v3, v2;
	_ =	sdelay $0x1  }
0x1be: {  	[tilespmem:s10+$0xFFFFFFC0] =	vst v2  }
0x1bf: {  	v2 =	vld [tilespmem:s30+$0xFFFFFFE0]  }
0x1c0: {  	v3 =	vld [tilespmem:s31+$0xFFFFFFE0];
	_ =	sdelay $0x4  }
0x1c1: {  	v2 =	vmul.f32 v3, v2;
	_ =	sdelay $0x1  }
0x1c2: {  	[tilespmem:s10+$0xFFFFFFD0] =	vst v2  }
0x1c3: {  	v2 =	vld [tilespmem:s30+$0xFFFFFFF0]  }
0x1c4: {  	v3 =	vld [tilespmem:s31+$0xFFFFFFF0];
	_ =	sdelay $0x4  }
0x1c5: {  	v2 =	vmul.f32 v3, v2;
	_ =	sdelay $0x1  }
0x1c6: {  	[tilespmem:s10+$0xFFFFFFE0] =	vst v2  }
0x1c7: {  	v2 =	vld [tilespmem:s30+$0x0]  }
0x1c8: {  	v3 =	vld [tilespmem:s31+$0x0];
	_ =	sdelay $0x4  }
0x1c9: {  	v2 =	vmul.f32 v3, v2;
	_ =	sdelay $0x1  }
0x1ca: {  	[tilespmem:s10+$0x0] =	vst v2  }
0x1cb: {  	v2 =	vld [tilespmem:s30+$0x10]  }
0x1cc: {  	v3 =	vld [tilespmem:s31+$0x10];
	_ =	sdelay $0x4  }
0x1cd: {  	v2 =	vmul.f32 v3, v2;
	_ =	sdelay $0x1  }
0x1ce: {  	[tilespmem:s10+$0x10] =	vst v2  }
0x1cf: {  	v2 =	vld [tilespmem:s30+$0x20]  }
0x1d0: {  	v3 =	vld [tilespmem:s31+$0x20];
	_ =	sdelay $0x4  }
0x1d1: {  	v2 =	vmul.f32 v3, v2;
	_ =	sdelay $0x1  }
0x1d2: {  	[tilespmem:s10+$0x20] =	vst v2  }
0x1d3: {  	v2 =	vld [tilespmem:s30+$0x30]  }
0x1d4: {  	v3 =	vld [tilespmem:s31+$0x30];
	_ =	sdelay $0x4  }
0x1d5: {  	v2 =	vmul.f32 v3, v2;
	_ =	sdelay $0x1  }
0x1d6: {  	[tilespmem:s10+$0x30] =	vst v2  }
0x1d7: {  	v2 =	vld [tilespmem:s30+$0x40]  }
0x1d8: {  	v3 =	vld [tilespmem:s31+$0x40];
	_ =	sdelay $0x4  }
0x1d9: {  	v2 =	vmul.f32 v3, v2;
	_ =	sdelay $0x1  }
0x1da: {  	[tilespmem:s10+$0x40] =	vst v2  }
0x1db: {  	v2 =	vld [tilespmem:s30+$0x50]  }
0x1dc: {  	v3 =	vld [tilespmem:s31+$0x50];
	_ =	sdelay $0x4  }
.Ltmp1:
0x1dd: {  	v2 =	vmul.f32 v3, v2;
	(pc) =	sbr.rel @p0 .LBB2_5-.Ltmp1, $4  }
0x1de: {  	_ = 	snop  }
0x1df: {  	[tilespmem:s10+$0x50] =	vst v2  }
0x1e0: {  	v2 =	vld [tilespmem:s30+$0x60]  }
0x1e1: {  	s10 =	sadd.s32 $0x120, s10;
	v3 =	vld [tilespmem:s31+$0x60]  }
0x1e2: {  	_ =	sdelay $0x3  }
0x1e3: {  	v2 =	vmul.f32 v3, v2;
	_ =	sdelay $0x1  }
0x1e4: {  	[tilespmem:s29+$0x60] =	vst v2  }
0x1e5: {  	v2 =	vld [tilespmem:s23+$0x70]  }
0x1e6: {  	v3 =	vld [tilespmem:s1+$0x70];
	_ =	sdelay $0x4  }
0x1e7: {  	s28 =	sadd.s32 $0x1, s28;
	v2 =	vmul.f32 v3, v2  }
0x1e8: {  	p0 =	sne.s32 s28, $0x7D  }
.Ltmp2:
0x1e9: {  	[tilespmem:s29+$0x70] =	vst v2;
	(pc) =	sbr.rel @p0 .LBB2_4-.Ltmp2, $4  }
0x1ea: {  	[spmem:s3] =	stream.indirect.scatter.add.f32 [tilespmem:s22], [sflag:$0x5], $0x90, s15, s15, $0xb8;
	[tilespmem:$0x1EB40] =	vst v63  }
0x1eb: {  	_ =	swait.ge [sflag:s14], $0x2D00  }
0x1ec: {  	[sflag:s14] =	ssyncset.done $0x0  }
0x1ed: {  	[sflag:s14] =	ssyncadd.s32 $0xFFFFD300  }
0x1ee: {  	s0 =	stileid.u32  }
0x1ef: {  	[bflag:$0x0] =	sbarrier.arrive $0xFFFF;
	s1 =	sshrl.u32 s9, $0x3;
	s0 =	sshll.u32 s0, $0x6  }
0x1f0: {  	s23 =	simm.s32 $0x10;
	s10 =	rddreg [dreg:$0x4];
	s0 =	sor.u32 $0x1C05, s0  }
0x1f1: {  	[hbm:s10@s23], [sflag:s0] =	dma.strided [spmem:s1@s24], $0x2710, s17, $0x10   }
0x1f2: {  	s26 =	sadd.s32 $0x1, s26;
	_ =	swait.ge [sflag:s14], $0x2710  }
0x1f3: {  	p0 =	sne.s32 s26, s12;
	[sflag:s14] =	ssyncset.done $0x0  }
.Ltmp3:
0x1f4: {  	[sflag:s14] =	ssyncadd.s32 $0xFFFFD8F0;
	(pc) =	sbr.rel @p0 .LBB2_1-.Ltmp3, $4  }
0x1f5: {  	[hbm:s11@s19], [sflag:s0] =	dma.strided [spmem:s25@s24], $0x4E2, s17, $0x2   }
0x1f6: {  	_ =	swait.ge [sflag:s14], $0x4E2  }
0x1f7: {  	[sflag:s14] =	ssyncset.done $0x0  }
0x1f8: {  	[sflag:s14] =	ssyncadd.s32 $0xFFFFFB1E  }
0x1f9: {  	_ =	sfence.sel $0x180000  }
0x1fa: {  	[bflag:$0x0] =	sbarrier.arrive $0xFFFF  }
0x1fb: {  	_ =	strace $0x9000004A  }
0x1fc: {  	s0 =	stileid.u32;
	[bflag:$0x2] =	sbarrier.arrive $0xFFFF  }
0x1fd: {  	p0 =	sne.s32 s0, $0x0;
	s0 =	rddreg [dreg:$0x3]  }
0x1fe: {  	s0 =	sadd.s32 @!p0 $0x100000, s0  }
0x1ff: {  	[sflag:s0] =	ssyncadd.tile.s32 @!p0 $0x1;
	_ =	shalt  }
.Lfunc_end2:
_tile_overlayer_lowered:
.L_overlay_start_2:
0x200: {  	(tag) =	ssettag $0x2  }
0x201: {  	s0 =	rddreg [dreg:$0x0];
	s2 =	stileid.u32  }
0x202: {  	s1 =	rddreg [dreg:$0x1];
	p0 =	sne.s32 s2, $0x0  }
0x203: {  	s3 =	rddreg [dreg:$0x2];
	[bflag:$0x3] =	sbarrier.arrive $0xFFFF;
	s2 =	simm.s32 @!p0 $0x1C05  }
0x204: {  	[timem:s3], [sflag:s2] =	dma.local @!p0 [hbm:s0], s1  }
0x205: {  	s0 =	simm.s32 @!p0 $0x5  }
0x206: {  	_ =	swait.ge @!p0 [sflag:s0], s1  }
0x207: {  	s1 =	ssub.s32 @!p0 $0x0, s1;
	[sflag:s0] =	ssyncset.done @!p0 $0x0  }
0x208: {  	[sflag:s0] =	ssyncadd.s32 @!p0 s1  }
0x209: {  	[bflag:$0x3] =	sbarrier.arrive $0xFFFF  }
0x20a: {  	_ =	shalt  }

// kernel: kernel.7.cloned.1.call-start
scs
__scs_entry_jumppad:
0x0: {  	(pc) =	sbr.rel $0x88, $3  }
0x1: {  	(tag) =	ssettag $0x0;
	lr =	simm.s32 $0x1  }
0x2: {  	[smem:$0x3F92] =	sst lr;
	_ =	strace $0xD0000000  }
0x3: {  	_ = 	snop  }
0x4: {  	_ = 	snop  }
0x5: {  	_ = 	snop  }
0x6: {  	_ = 	snop  }
0x7: {  	_ = 	snop  }
__scs_overlays_trampoline_lowered:
0x8: {  	[smem:$0x3FA1] =	sst s0  }
0x9: {  	[smem:$0x3FA2] =	sst s1  }
0xa: {  	[smem:$0x3FA3] =	sst s2  }
0xb: {  	[smem:$0x3FA4] =	sst s3  }
0xc: {  	[smem:$0x3FA5] =	sst s4  }
0xd: {  	[smem:$0x3FA6] =	sst s5  }
0xe: {  	[smem:$0x3FA7] =	sst s6  }
0xf: {  	[smem:$0x3FA8] =	sst s7  }
0x10: {  	[smem:$0x3FA9] =	sst s8  }
0x11: {  	[smem:$0x3FAA] =	sst s9;
	s0 =	simm.s32 @!p0 $0x0  }
0x12: {  	s1 =	sld [smem:$0x3F90];
	s0 =	simm.s32 @p0 $0x1  }
0x13: {  	[smem:$0x3FAB] =	sst s0;
	s0 =	simm.s32 @!p1 $0x0  }
0x14: {  	s2 =	sld [smem:$0x3F8F];
	s0 =	simm.s32 @p1 $0x1  }
0x15: {  	[smem:$0x3FAC] =	sst s0;
	s0 =	simm.s32 @!p2 $0x0  }
0x16: {  	s3 =	sld [smem:$0x3FDB];
	s0 =	simm.s32 @p2 $0x1  }
0x17: {  	s4 =	simm.s32 $0x1BF5;
	[smem:$0x3FAE] =	sst s0  }
0x18: {  	s0 =	sld [smem:$0x3F91];
	_ =	swait.ge [sflag:s4], $0x0  }
0x19: {  	s7 =	sld [smem:$0x3F92]  }
0x1a: {  	s8 =	sadd.s32 $0xFFFFE003, lr  }
0x1b: {  	s9 =	sadd.s32 $0xFFFFFEF7, lr;
	s5 =	simm.s32 $0xFFFFFFFF;
	p2 =	slt.u32 s8, $0xFFFFF086  }
0x1c: {  	p1 =	slt.u32 s9, $0xF7A;
	s5 =	simm.s32 @!p2 $0x0  }
0x1d: {  	s5 =	simm.s32 @p1 $0x1;
	p0 =	seq.s32 s7, s2  }
0x1e: {  	s7 =	smul.u32 @!p0 $0xF7A, s2;
	p2 =	seq.s32 @!p0 s5, $0x0  }
0x1f: {  	s9 =	smul.u32 $0xF7A, s1;
	s8 =	simm.s32 @!p0 $0x1BF5;
	p2 =	por !p2, p0  }
0x20: {  	[sflag:s8] =	ssyncset.s32 @!p0 $0xFFFFF086;
	s6 =	sadd.s32 @!p0 s3, s7;
	s7 =	simm.s32 @!p0 $0x108  }
0x21: {  	s3 =	sadd.s32 s3, s9;
	s6 =	sadd.s32 @!p0 $0x88, s6;
	s7 =	simm.s32 @p2 $0x1082  }
0x22: {  	[simem:s7], [sflag:s8] =	dma.local @!p0 [hbm:s6], $0xF7A  }
0x23: {  	s9 =	sor.u32 $0xD0000000, s2;
	s6 =	simm.s32 $0x108;
	_ =	swait.ge @!p0 [sflag:s8], $0x0  }
0x24: {  	s3 =	sadd.s32 $0x88, s3;
	s6 =	simm.s32 @!p1 $0x1082;
	[sflag:s4] =	ssyncset.s32 $0xFFFFF086  }
0x25: {  	[simem:s6], [sflag:s4] =	dma.local [hbm:s3], $0xF7A  }
0x26: {  	[smem:$0x3F92] =	sst s1;
	(tag) =	ssettag s2;
	_ =	strace s9  }
0x27: {  	s1 =	sld [smem:$0x3FA2]  }
0x28: {  	s2 =	sld [smem:$0x3FA3]  }
0x29: {  	s4 =	sld [smem:$0x3FA5]  }
0x2a: {  	p0 =	seq.s32 s5, $0x0;
	s5 =	sld [smem:$0x3FA6]  }
0x2b: {  	s6 =	sld [smem:$0x3FA7]  }
0x2c: {  	s7 =	sld [smem:$0x3FA8]  }
0x2d: {  	s3 =	simm.s32 $0x108;
	s8 =	sld [smem:$0x3FA9]  }
0x2e: {  	s3 =	simm.s32 @!p0 $0x1082;
	s9 =	sld [smem:$0x3FAA]  }
0x2f: {  	lr =	sadd.s32 s0, s3;
	s0 =	sld [smem:$0x3FA1]  }
0x30: {  	s3 =	sld [smem:$0x3FA4]  }
0x31: {  	[smem:$0x3FAD] =	sst s10  }
0x32: {  	s10 =	sld [smem:$0x3FAB];
	_ =	sdelay $0x3  }
0x33: {  	p0 =	seq.s32 s10, $0x1;
	s10 =	sld [smem:$0x3FAD];
	_ =	sdelay $0x3  }
0x34: {  	[smem:$0x3FAD] =	sst s10  }
0x35: {  	s10 =	sld [smem:$0x3FAC];
	_ =	sdelay $0x3  }
0x36: {  	p1 =	seq.s32 s10, $0x1;
	s10 =	sld [smem:$0x3FAD];
	_ =	sdelay $0x3  }
0x37: {  	[smem:$0x3FAD] =	sst s10  }
0x38: {  	s10 =	sld [smem:$0x3FAE]  }
0x39: {  	_ = 	snop;
	(pc) =	sbr.ind lr, $3  }
0x3a: {  	_ = 	snop  }
0x3b: {  	_ = 	snop  }
0x3c: {  	p2 =	seq.s32 s10, $0x1;
	s10 =	sld [smem:$0x3FAD]  }
0x3d: {  	_ =	shalt  }
0x3e: {  	_ =	shalt  }
0x3f: {  	_ =	shalt  }
0x40: {  	_ =	shalt  }
0x41: {  	_ =	shalt  }
0x42: {  	_ =	shalt  }
0x43: {  	_ =	shalt  }
0x44: {  	_ =	shalt  }
0x45: {  	_ =	shalt  }
0x46: {  	_ =	shalt  }
0x47: {  	_ =	shalt  }
0x48: {  	_ =	shalt  }
0x49: {  	_ =	shalt  }
0x4a: {  	_ =	shalt  }
0x4b: {  	_ =	shalt  }
0x4c: {  	_ =	shalt  }
0x4d: {  	_ =	shalt  }
0x4e: {  	_ =	shalt  }
0x4f: {  	_ =	shalt  }
0x50: {  	_ =	shalt  }
0x51: {  	_ =	shalt  }
0x52: {  	_ =	shalt  }
0x53: {  	_ =	shalt  }
0x54: {  	_ =	shalt  }
0x55: {  	_ =	shalt  }
0x56: {  	_ =	shalt  }
0x57: {  	_ =	shalt  }
0x58: {  	_ =	shalt  }
0x59: {  	_ =	shalt  }
0x5a: {  	_ =	shalt  }
0x5b: {  	_ =	shalt  }
0x5c: {  	_ =	shalt  }
0x5d: {  	_ =	shalt  }
0x5e: {  	_ =	shalt  }
0x5f: {  	_ =	shalt  }
0x60: {  	_ =	shalt  }
0x61: {  	_ =	shalt  }
0x62: {  	_ =	shalt  }
0x63: {  	_ =	shalt  }
0x64: {  	_ =	shalt  }
0x65: {  	_ =	shalt  }
0x66: {  	_ =	shalt  }
0x67: {  	_ =	shalt  }
0x68: {  	_ =	shalt  }
0x69: {  	_ =	shalt  }
0x6a: {  	_ =	shalt  }
0x6b: {  	_ =	shalt  }
0x6c: {  	_ =	shalt  }
0x6d: {  	_ =	shalt  }
0x6e: {  	_ =	shalt  }
0x6f: {  	_ =	shalt  }
0x70: {  	_ =	shalt  }
0x71: {  	_ =	shalt  }
0x72: {  	_ =	shalt  }
0x73: {  	_ =	shalt  }
0x74: {  	_ =	shalt  }
0x75: {  	_ =	shalt  }
0x76: {  	_ =	shalt  }
0x77: {  	_ =	shalt  }
0x78: {  	_ =	shalt  }
0x79: {  	_ =	shalt  }
0x7a: {  	_ =	shalt  }
0x7b: {  	_ =	shalt  }
0x7c: {  	_ =	shalt  }
0x7d: {  	_ =	shalt  }
0x7e: {  	_ =	shalt  }
0x7f: {  	_ =	shalt  }
0x80: {  	_ =	shalt  }
0x81: {  	_ =	shalt  }
0x82: {  	_ =	shalt  }
0x83: {  	_ =	shalt  }
0x84: {  	_ =	shalt  }
0x85: {  	_ =	shalt  }
0x86: {  	_ =	shalt  }
0x87: {  	_ =	shalt  }
.Lfunc_end0:
.L_simem_size_0:
called_computation_lowered:
.L_overlay_start_0:
0x88: {  	s2 =	sld [smem:$0x3FD9]  }
0x89: {  	s3 =	sld [smem:$0x3FFE];
	_ =	sdelay $0x1  }
0x8a: {  	s1 =	srdreg.scid  }
0x8b: {  	s0 =	sand.u32 $0x1, s1  }
0x8c: {  	s16 =	sshll.u32 s0, $0xA;
	s2 =	sadd.s32 s3, s2  }
0x8d: {  	s2 =	sadd.s32 s2, s16  }
0x8e: {  	[smem:$0x3FB9] =	sst s2  }
0x8f: {  	_ = 	snop  }
0x90: {  	(tm) =	ssettm $0x1  }
0x91: {  	s17 =	sld [smem:$0x3FFB];
	_ =	sdelay $0x3  }
0x92: {  	_ =	strace s17  }
0x93: {  	s2 =	sld [smem:$0x3FFC];
	_ =	sdelay $0x3  }
0x94: {  	_ =	strace s2  }
0x95: {  	s2 =	sld [smem:$0x3FFD];
	_ =	sdelay $0x3  }
0x96: {  	_ =	strace s2  }
0x97: {  	_ =	strace $0x8FFFFFFF  }
0x98: {  	s18 =	sld [smem:$0x3FDB];
	_ =	sdelay $0x1  }
0x99: {  	s19 =	simm.s32 $_scs_section_size  }
0x9a: {  	s4 =	simm.s32 $_size__tile_overlayer_lowered;
	s5 =	simm.s32 $_tile_overlayer_lowered  }
0x9b: {  	s22 =	simm.s32 $0x1BFF;
	s21 =	sshll.u32 s5, $0x1;
	s2 =	sadd.s32 s19, s18  }
0x9c: {  	s6 =	simm.s32 $0x0;
	s20 =	sshll.u32 s4, $0x1;
	s4 =	sadd.s32 s21, s2  }
0x9d: {  	[timem:s6], [sflag:s22] =	dma.local [hbm:s4], s20  }
0x9e: {  	_ =	swait.ge [sflag:s22], s20  }
0x9f: {  	s3 =	ssub.s32 $0x0, s20;
	[sflag:s22] =	ssyncset.done $0x0  }
0xa0: {  	[sflag:s22] =	ssyncadd.s32 s3;
	_ =	sdelay $0x1  }
0xa1: {  	s23 =	simm.s32 $0x1B8B  }
0xa2: {  	_ =	swait.ge [sflag:s23], $0x1  }
0xa3: {  	[sflag:s23] =	ssyncset.done $0x0  }
0xa4: {  	s25 =	simm.s32 $0x1B8E;
	s24 =	sld [smem:$0x3FFE];
	[sflag:s23] =	ssyncadd.s32 $0xFFFFFFFF  }
0xa5: {  	s26 =	simm.s32 $execute0_lowered;
	[smem:$0x3FD2] =	sst s25  }
0xa6: {  	s4 =	sshll.u32 s26, $0x1;
	_ =	strace $0x80000046;
	[dreg:$0x1] =	wrdreg $0xFFFFFFFF  }
0xa7: {  	s28 =	simm.s32 $_size_execute0_lowered;
	s2 =	sadd.s32 s2, s4;
	[dreg:$0x0] =	wrdreg $0x0  }
0xa8: {  	s4 =	sshll.u32 s28, $0x1;
	[dreg:$0x2] =	wrdreg s2  }
0xa9: {  	[dreg:$0x3] =	wrdreg s4  }
0xaa: {  	[dreg:$0x4] =	wrdreg $0xC0  }
0xab: {  	_ =	task [dreg:s6], $0x5FFFF  }
0xac: {  	[dreg:$0x1] =	wrdreg $0xFFFFFFFF  }
0xad: {  	[dreg:$0x0] =	wrdreg $0x60  }
0xae: {  	[dreg:$0x2] =	wrdreg s24  }
0xaf: {  	[dreg:$0x3] =	wrdreg $0x9  }
0xb0: {  	_ =	task.clear_ibuf [dreg:s6], $0x4FFFF;
	_ =	strace $0x90000046  }
0xb1: {  	s29 =	simm.s32 $0x9;
	_ =	strace $0x80000048  }
0xb2: {  	_ =	swait.ge [sflag:s29], $0x1  }
0xb3: {  	[sflag:s29] =	ssyncadd.s32 $0xFFFFFFFF  }
0xb4: {  	_ =	strace $0x90000048  }
0xb5: {  	_ =	sfence  }
0xb6: {  	s30 =	sld [smem:$0x0];
	_ =	sdelay $0x2  }
0xb7: {  	s31 =	sshll.u32 s1, $0xD;
	s1 =	sshrl.u32 s1, $0x2  }
0xb8: {  	s3 =	sand.u32 $0x4000, s31;
	s1 =	sadd.s32 s1, s30  }
0xb9: {  	s0 =	sor.u32 s3, s0;
	s1 =	sshll.u32 s1, $0x11  }
0xba: {  	s0 =	sor.u32 s1, s0  }
0xbb: {  	s0 =	sadd.s32 $0x8F2B, s0  }
0xbc: {  	[sflag:s0] =	ssyncadd.remote.s32 $0x1  }
0xbd: {  	_ =	sfence.sel $0xFFFF  }
0xbe: {  	[dreg:$0x0] =	wrdreg $0xFFFFFFFF;
	(pc) =	sbr.abs _section_cstart, $3  }
0xbf: {  	[dreg:$0x1] =	wrdreg $0xFFFFFFFF  }
0xc0: {  	_ =	task.clear_ibuf [dreg:s6], $0x2FFFF;
	_ =	strace $0x9FFFFFFF  }
0xc1: {  	(tm) =	ssettm $0x7FFFFFFF  }
tec
execute0_lowered:
.L_overlay_start_1:
0x0: {  	(tag) =	ssettag $0x1  }
0x1: {  	s6 =	rddreg [dreg:$0x0]  }
0x2: {  	s0 =	rddreg [dreg:$0x1]  }
0x3: {  	s3 =	srdreg.scid;
	s1 =	stileid.u32;
	s2 =	simm.s32 $0x0  }
0x4: {  	s11 =	simm.s32 $0x2780;
	s12 =	simm.s32 $0x4F00;
	s13 =	simm.s32 $0x7680  }
0x5: {  	s14 =	simm.s32 $0x9E00;
	s5 =	sand.u32 $0x1, s3;
	s30 =	sshll.u32 s1, $0x1  }
0x6: {  	s15 =	simm.s32 $0xC580;
	s16 =	simm.s32 $0x0;
	s3 =	sor.u32 s5, s30  }
0x7: {  	[smem:$0x7FF] =	sst s2;
	s4 =	sadd.s32 $0x16400, s6;
	s7 =	smul.u32 $0x4E2, s3  }
0x8: {  	_ =	strace $0x80000047;
	s8 =	ssub.s32 $0x2, s5;
	s5 =	sadd.s32 $0x15E00, s6  }
0x9: {  	s3 =	sadd.s32 $0x16A00, s6;
	s31 =	sshrl.u32 s8, $0x1;
	s9 =	sadd.s32 s7, s6  }
0xa: {  	s10 =	ssub.s32 s8, s31;
	s6 =	sadd.s32 $0xC000, s9;
	s7 =	sadd.s32 $0x2200, s9  }
0xb: {  	s8 =	sadd.s32 $0x17000, s9;
	s9 =	smax.u32 s10, $0x1;
	s10 =	simm.s32 $0x1  }
.LBB2_1:
0xc: {  	[tilespmem:s2], [sflag:$0x1] =	stream.linear.gather [hbm4b:s3+s2], $0x2780, $0x38;
	[tilespmem:$0xED00] =	vst v63  }
0xd: {  	_ =	swait.ge [sflag:s10], $0x2780  }
0xe: {  	[sflag:s10] =	ssyncset.done $0x0  }
0xf: {  	[sflag:s10] =	ssyncadd.s32 $0xFFFFD880  }
0x10: {  	[tilespmem:s11], [sflag:$0x1] =	stream.linear.gather [hbm4b:s4+s2], $0x2780, $0x38;
	[tilespmem:$0xED00] =	vst v63  }
0x11: {  	_ =	swait.ge [sflag:s10], $0x2780  }
0x12: {  	[sflag:s10] =	ssyncset.done $0x0  }
0x13: {  	[sflag:s10] =	ssyncadd.s32 $0xFFFFD880  }
0x14: {  	[tilespmem:s12], [sflag:$0x1] =	stream.linear.gather [hbm4b:s5+s2], $0x2780, $0x38;
	[tilespmem:$0xED00] =	vst v63  }
0x15: {  	_ =	swait.ge [sflag:s10], $0x2780  }
0x16: {  	[sflag:s10] =	ssyncset.done $0x0  }
0x17: {  	[sflag:s10] =	ssyncadd.s32 $0xFFFFD880  }
0x18: {  	[tilespmem:s13], [sflag:$0x1] =	stream.linear.gather [hbm4b:s6+s2], $0x2710, $0x38;
	[tilespmem:$0xED00] =	vst v63  }
0x19: {  	_ =	swait.ge [sflag:s10], $0x2710  }
0x1a: {  	[sflag:s10] =	ssyncset.done $0x0  }
0x1b: {  	[sflag:s10] =	ssyncadd.s32 $0xFFFFD8F0  }
0x1c: {  	[tilespmem:s14], [sflag:$0x1] =	stream.linear.gather [hbm4b:s7+s2], $0x2710, $0x38;
	[tilespmem:$0xED00] =	vst v63  }
0x1d: {  	_ =	swait.ge [sflag:s10], $0x2710  }
0x1e: {  	[sflag:s10] =	ssyncset.done $0x0  }
0x1f: {  	s17 =	simm.s32 $0x0;
	[sflag:s10] =	ssyncadd.s32 $0xFFFFD8F0  }
0x20: {  	v0 =	vld [tilespmem:s17+$0x9E00]  }
0x21: {  	v1 =	vld [tilespmem:s17+$0x7680];
	_ =	sdelay $0x6  }
0x22: {  	v2 =	vld.idx.msk [tilespmem:v0+s2+$0x0], $0xffff  }
0x23: {  	v3 =	vld.idx.msk [tilespmem:v1+s2+$0x0], $0xffff  }
0x24: {  	v4 =	vld.idx.msk [tilespmem:v1+s11+$0x0], $0xffff  }
0x25: {  	v5 =	vld.idx.msk [tilespmem:v0+s11+$0x0], $0xffff  }
0x26: {  	v6 =	vld.idx.msk [tilespmem:v1+s12+$0x0], $0xffff  }
0x27: {  	v7 =	vld.idx.msk [tilespmem:v0+s12+$0x0], $0xffff;
	_ =	sdelay $0x2  }
0x28: {  	s18 =	simm.s32 $0x10;
	v3 =	vsub.f32 v3, v2;
	v4 =	vsub.f32 v4, v5  }
0x29: {  	v0 =	vld [tilespmem:s18+$0x9E00]  }
0x2a: {  	v1 =	vld [tilespmem:s18+$0x7680];
	v2 =	vsub.f32 v6, v7;
	v3 =	vmul.f32 v3, v3;
	v4 =	vmul.f32 v4, v4  }
0x2b: {  	s19 =	simm.s32 $0x80  }
.LBB2_2:
0x2c: {  	p0 =	sne.s32 s19, $0x9C00;
	v3 =	vadd.f32 v4, v3;
	v2 =	vmul.f32 v2, v2;
	_ =	sdelay $0x1  }
0x2d: {  	v2 =	vadd.f32 v2, v3;
	_ =	sdelay $0x1  }
0x2e: {  	[tilespmem:s17+$0xC580] =	vst v2;
	s17 =	smov.u32 s18  }
0x2f: {  	v2 =	vld.idx.msk [tilespmem:v0+s2+$0x0], $0xffff  }
0x30: {  	v3 =	vld.idx.msk [tilespmem:v1+s2+$0x0], $0xffff  }
0x31: {  	v4 =	vld.idx.msk [tilespmem:v1+s11+$0x0], $0xffff  }
0x32: {  	v5 =	vld.idx.msk [tilespmem:v0+s11+$0x0], $0xffff  }
0x33: {  	v6 =	vld.idx.msk [tilespmem:v1+s12+$0x0], $0xffff  }
0x34: {  	v7 =	vld.idx.msk [tilespmem:v0+s12+$0x0], $0xffff;
	_ =	sdelay $0x2  }
.Ltmp0:
0x35: {  	(pc) =	sbr.rel @p0 .LBB2_2-.Ltmp0, $4  }
0x36: {  	s18 =	sshra.s32 s19, $0x2;
	v3 =	vsub.f32 v3, v2;
	v4 =	vsub.f32 v4, v5  }
0x37: {  	v0 =	vld [tilespmem:s18+$0x9E00]  }
0x38: {  	v3 =	vmul.f32 v3, v3;
	v2 =	vsub.f32 v6, v7;
	v4 =	vmul.f32 v4, v4;
	v1 =	vld [tilespmem:s18+$0x7680]  }
0x39: {  	s19 =	sadd.s32 $0x40, s19  }
0x3a: {  	_ = 	snop  }
0x3b: {  	v3 =	vadd.f32 v4, v3;
	v2 =	vmul.f32 v2, v2;
	_ =	sdelay $0x1  }
0x3c: {  	v2 =	vadd.f32 v2, v3;
	_ =	sdelay $0x1  }
0x3d: {  	[tilespmem:s17+$0xC580] =	vst v2  }
0x3e: {  	v2 =	vld.idx.msk [tilespmem:v0+s2+$0x0], $0xffff  }
0x3f: {  	v57 =	vld.idx.msk [tilespmem:v1+s2+$0x0], $0xffff  }
0x40: {  	v58 =	vld.idx.msk [tilespmem:v1+s11+$0x0], $0xffff  }
0x41: {  	v5 =	vld.idx.msk [tilespmem:v0+s11+$0x0], $0xffff  }
0x42: {  	v59 =	vld.idx.msk [tilespmem:v1+s12+$0x0], $0xffff  }
0x43: {  	v60 =	vld.idx.msk [tilespmem:v0+s12+$0x0], $0xffff;
	_ =	sdelay $0x2  }
0x44: {  	v2 =	vsub.f32 v57, v2;
	v61 =	vsub.f32 v58, v5;
	_ =	sdelay $0x1  }
0x45: {  	v0 =	vsub.f32 v59, v60;
	v62 =	vmul.f32 v2, v2;
	v63 =	vmul.f32 v61, v61;
	_ =	sdelay $0x1  }
0x46: {  	v0 =	vmul.f32 v0, v0;
	v1 =	vadd.f32 v63, v62;
	_ =	sdelay $0x1  }
0x47: {  	s16 =	sadd.s32 $0x1, s16;
	v0 =	vadd.f32 v0, v1  }
0x48: {  	p0 =	sne.s32 s16, s9  }
.Ltmp1:
0x49: {  	[tilespmem:s18+$0xC580] =	vst v0;
	(pc) =	sbr.rel @p0 .LBB2_1-.Ltmp1, $4  }
0x4a: {  	[hbm4b:s8+s2] =	stream.linear.scatter [tilespmem:s15], [sflag:$0x1], $0x2710, $0x38;
	[tilespmem:$0xED00] =	vst v63  }
0x4b: {  	_ =	swait.ge [sflag:s10], $0x2710  }
0x4c: {  	[sflag:s10] =	ssyncset.done $0x0  }
0x4d: {  	[sflag:s10] =	ssyncadd.s32 $0xFFFFD8F0  }
0x4e: {  	_ =	sfence.sel $0x180000  }
0x4f: {  	[bflag:$0x0] =	sbarrier.arrive $0xFFFF  }
0x50: {  	p0 =	sne.s32 s1, $0x0;
	_ =	strace $0x90000047  }
0x51: {  	s0 =	sadd.s32 @!p0 $0x100000, s0;
	[bflag:$0x2] =	sbarrier.arrive $0xFFFF  }
0x52: {  	[sflag:s0] =	ssyncadd.tile.s32 @!p0 $0x1;
	_ =	shalt  }
.Lfunc_end2:
_tile_overlayer_lowered:
.L_overlay_start_2:
0x53: {  	(tag) =	ssettag $0x2  }
0x54: {  	s0 =	rddreg [dreg:$0x0];
	s2 =	stileid.u32  }
0x55: {  	s1 =	rddreg [dreg:$0x1];
	p0 =	sne.s32 s2, $0x0  }
0x56: {  	s3 =	rddreg [dreg:$0x2];
	[bflag:$0x3] =	sbarrier.arrive $0xFFFF;
	s2 =	simm.s32 @!p0 $0x1C01  }
0x57: {  	[timem:s3], [sflag:s2] =	dma.local @!p0 [hbm:s0], s1  }
0x58: {  	s0 =	simm.s32 @!p0 $0x1  }
0x59: {  	_ =	swait.ge @!p0 [sflag:s0], s1  }
0x5a: {  	s1 =	ssub.s32 @!p0 $0x0, s1;
	[sflag:s0] =	ssyncset.done @!p0 $0x0  }
0x5b: {  	[sflag:s0] =	ssyncadd.s32 @!p0 s1  }
0x5c: {  	[bflag:$0x3] =	sbarrier.arrive $0xFFFF  }
0x5d: {  	_ =	shalt  }

</sc_bundles>
